<compile_context>
chip_gen: v7x
topology: tpu7x:2x2x1
jax: 0.10.2.dev20260603
libtpu: 0.0.44.dev20260713+nightly
codegen_flags: <defaults>
</compile_context>

<pallas_src>
import functools

import jax
import jax.numpy as jnp
from jax import lax
from jax.experimental import pallas as pl
from jax.experimental.pallas import tpu as pltpu
from jax.experimental.pallas import tpu_sc as plsc

N_NODES = 10000
N_EDGES = 320000
D = 128
DD = 128

NC = 2
NS = 16
NW = NC * NS
EPW = N_EDGES // NW
K = 80
NCHUNK = EPW // K
RPT = 624
CH = 16

_mesh = plsc.VectorSubcoreMesh(core_axis_name="c", subcore_axis_name="s")


def _fill_rows(ref, nrows, width, value):
    v = jnp.full((16,), value, jnp.float32)
    groups = width // 16

    def body(i, _):
        r = i // groups
        g = i % groups
        ref[r, pl.ds(g * 16, 16)] = v
        return 0

    lax.fori_loop(0, nrows * groups, body, 0)


def _zero_rows(ref, nrows, width):
    _fill_rows(ref, nrows, width, 0.0)


def _tile_rows(s):
    base = s * RPT
    ntrips = jnp.where(s == NS - 1, (N_NODES - (NS - 1) * RPT) // CH,
                       RPT // CH)
    return base, ntrips


def _zero_acc(s, zb, acc):
    base, ntrips = _tile_rows(s)

    def z(i, _):
        pltpu.sync_copy(zb, acc.at[pl.ds(base + i * CH, CH)])
        return 0

    lax.fori_loop(0, ntrips, z, 0)


def _writeout_acc(c, s, zb, acc, out_hbm):
    base, ntrips = _tile_rows(s)

    def z(i, _):
        off = base + i * CH
        pltpu.sync_copy(acc.at[pl.ds(off, CH)], zb)
        pltpu.sync_copy(zb, out_hbm.at[c, pl.ds(off, CH)])
        return 0

    lax.fori_loop(0, ntrips, z, 0)


def _sc_degree_body(dst_hbm, out_hbm, idx_d0, idx_d1, ones_v, zb, accd,
                    sem0, sem1):
    c = lax.axis_index("c")
    s = lax.axis_index("s")
    wid = s * NC + c

    _fill_rows(ones_v, K, DD, 1.0)
    _zero_rows(zb, CH, DD)

    _zero_acc(s, zb, accd)
    plsc.subcore_barrier()

    base = wid * EPW

    def start(j, idx_d, sem):
        pltpu.async_copy(dst_hbm.at[pl.ds(base + j * K, K)], idx_d, sem)

    def finish(j, idx_d, sem):
        pltpu.make_async_copy(dst_hbm.at[pl.ds(base + j * K, K)],
                              idx_d, sem).wait()
        pltpu.sync_copy(ones_v, accd.at[idx_d], add=True)

    start(0, idx_d0, sem0)

    def pair(i, _):
        start(2 * i + 1, idx_d1, sem1)
        finish(2 * i, idx_d0, sem0)
        start(2 * i + 2, idx_d0, sem0)
        finish(2 * i + 1, idx_d1, sem1)
        return 0

    lax.fori_loop(0, (NCHUNK - 1) // 2, pair, 0)
    finish(NCHUNK - 1, idx_d0, sem0)
    plsc.subcore_barrier()

    _writeout_acc(c, s, zb, accd, out_hbm)


_sc_degree = pl.kernel(
    _sc_degree_body,
    out_type=jax.ShapeDtypeStruct((NC, N_NODES, DD), jnp.float32),
    mesh=_mesh,
    scratch_types=[
        pltpu.VMEM((K,), jnp.int32),
        pltpu.VMEM((K,), jnp.int32),
        pltpu.VMEM((K, DD), jnp.float32),
        pltpu.VMEM((CH, DD), jnp.float32),
        pltpu.VMEM_SHARED((N_NODES, DD), jnp.float32),
        pltpu.SemaphoreType.DMA,
        pltpu.SemaphoreType.DMA,
    ],
)


NIB = 4


def _sc_aggregate_body(t_hbm, src_hbm, dst_hbm, out_hbm,
                       idx_s, idx_d, rows0, rows1, zb, acc,
                       isem0, isem1, isem2, isem3,
                       gsem0, gsem1, ssem0, ssem1):
    c = lax.axis_index("c")
    s = lax.axis_index("s")
    wid = s * NC + c

    _zero_rows(zb, CH, D)
    _zero_acc(s, zb, acc)
    plsc.subcore_barrier()

    base = wid * EPW
    rows = (rows0, rows1)
    gsem = (gsem0, gsem1)
    ssem = (ssem0, ssem1)
    isem = (isem0, isem1, isem2, isem3)

    def sidx(j, p):
        e = base + j * K
        pltpu.async_copy(src_hbm.at[pl.ds(e, K)], idx_s.at[p], isem[p])
        pltpu.async_copy(dst_hbm.at[pl.ds(e, K)], idx_d.at[p], isem[p])

    def sgather(p, r):
        pltpu.make_async_copy(src_hbm.at[pl.ds(base, K)],
                              idx_s.at[p], isem[p]).wait()
        pltpu.make_async_copy(dst_hbm.at[pl.ds(base, K)],
                              idx_d.at[p], isem[p]).wait()
        pltpu.async_copy(t_hbm.at[idx_s.at[p]], rows[r], gsem[r])

    def sscatter(p, r):
        pltpu.make_async_copy(t_hbm.at[idx_s.at[p]], rows[r], gsem[r]).wait()
        pltpu.async_copy(rows[r], acc.at[idx_d.at[p]], ssem[r], add=True)

    def wscatter(p, r):
        pltpu.make_async_copy(rows[r], acc.at[idx_d.at[p]], ssem[r]).wait()

    for p in range(NIB):
        sidx(p, p)
    sgather(0, 0)
    sgather(1, 1)
    sscatter(0, 0)

    def quad(i, _):
        for dj in range(1, 5):
            j = NIB * i + dj
            wscatter((dj - 1) % 4, (dj - 1) % 2)
            sgather((dj + 1) % 4, (dj + 1) % 2)
            sscatter(dj % 4, dj % 2)
            sidx(j + 3, (dj + 3) % 4)
        return 0

    lax.fori_loop(0, 30, quad, 0)
    wscatter(0, 0); sgather(2, 0); sscatter(1, 1); sidx(NCHUNK - 1, 0)
    wscatter(1, 1); sgather(3, 1); sscatter(2, 0)
    wscatter(2, 0); sgather(0, 0); sscatter(3, 1)
    wscatter(3, 1); sscatter(0, 0)
    wscatter(0, 0)
    plsc.subcore_barrier()

    _writeout_acc(c, s, zb, acc, out_hbm)


_sc_aggregate = pl.kernel(
    _sc_aggregate_body,
    out_type=jax.ShapeDtypeStruct((NC, N_NODES, D), jnp.float32),
    mesh=_mesh,
    scratch_types=[
        pltpu.VMEM((NIB, K), jnp.int32),
        pltpu.VMEM((NIB, K), jnp.int32),
        pltpu.VMEM((K, D), jnp.float32),
        pltpu.VMEM((K, D), jnp.float32),
        pltpu.VMEM((CH, D), jnp.float32),
        pltpu.VMEM_SHARED((N_NODES, D), jnp.float32),
        pltpu.SemaphoreType.DMA,
        pltpu.SemaphoreType.DMA,
        pltpu.SemaphoreType.DMA,
        pltpu.SemaphoreType.DMA,
        pltpu.SemaphoreType.DMA,
        pltpu.SemaphoreType.DMA,
        pltpu.SemaphoreType.DMA,
        pltpu.SemaphoreType.DMA,
    ],
)



BR = 1000
GRID = N_NODES // BR


def _dis_block(degp_ref):
    d = 1.0 + degp_ref[0, :, 0:1] + degp_ref[1, :, 0:1]
    return lax.rsqrt(d)


def _t1_body(x_ref, w_ref, degp_ref, o_ref):
    dis = _dis_block(degp_ref)
    o_ref[...] = dis * jnp.dot(x_ref[...], w_ref[...],
                               preferred_element_type=jnp.float32)


def _t2_body(p_ref, t_ref, degp_ref, b_ref, w_ref, o_ref):
    dis = _dis_block(degp_ref)
    h = p_ref[0] + p_ref[1] + t_ref[...]
    h = jnp.maximum(dis * h + b_ref[...], 0.0)
    o_ref[...] = dis * jnp.dot(h, w_ref[...],
                               preferred_element_type=jnp.float32)


def _t3_body(p_ref, t_ref, degp_ref, b_ref, w_ref, bp_ref, o_ref):
    dis = _dis_block(degp_ref)
    h = p_ref[0] + p_ref[1] + t_ref[...]
    h = jnp.maximum(dis * h + b_ref[...], 0.0)
    o_ref[...] = jnp.dot(h, w_ref[...],
                         preferred_element_type=jnp.float32) + bp_ref[...]


def _spec_rows(width):
    return pl.BlockSpec((BR, width), lambda i: (i, 0))


def _spec_pair(width):
    return pl.BlockSpec((NC, BR, width), lambda i: (0, i, 0))


def _spec_full(shape):
    return pl.BlockSpec(shape, lambda i: tuple(0 for _ in shape))


_t1 = pl.pallas_call(
    _t1_body,
    grid=(GRID,),
    in_specs=[_spec_rows(D), _spec_full((D, D)), _spec_pair(DD)],
    out_specs=_spec_rows(D),
    out_shape=jax.ShapeDtypeStruct((N_NODES, D), jnp.float32),
)

_t2 = pl.pallas_call(
    _t2_body,
    grid=(GRID,),
    in_specs=[_spec_pair(D), _spec_rows(D), _spec_pair(DD),
              _spec_full((1, D)), _spec_full((D, D))],
    out_specs=_spec_rows(D),
    out_shape=jax.ShapeDtypeStruct((N_NODES, D), jnp.float32),
)

_t3 = pl.pallas_call(
    _t3_body,
    grid=(GRID,),
    in_specs=[_spec_pair(D), _spec_rows(D), _spec_pair(DD),
              _spec_full((1, D)), _spec_full((D, 1)), _spec_full((1, 1))],
    out_specs=_spec_rows(1),
    out_shape=jax.ShapeDtypeStruct((N_NODES, 1), jnp.float32),
)


@jax.jit
def kernel(x, edge_index, W1, b1, W2, b2, Wp, bp):
    src = edge_index[0].astype(jnp.int32)
    dst = edge_index[1].astype(jnp.int32)
    b1r = b1.reshape(1, D)
    b2r = b2.reshape(1, D)
    bpr = bp.reshape(1, 1)

    degp = _sc_degree(dst)
    t1 = _t1(x, W1, degp)
    p1 = _sc_aggregate(t1, src, dst)
    t2 = _t2(p1, t1, degp, b1r, W2)
    p2 = _sc_aggregate(t2, src, dst)
    out = _t3(p2, t2, degp, b2r, Wp, bpr)
    return out

# --- scband reference (transcript-rebuilt; emitter-appended) ---
"""Pipeline reference for scband-bus-stop-gnn-5222680232375 (READ-ONLY COPY).

The authoritative reference and input builder live on the scoring server;
editing this copy changes nothing except your own understanding.
"""

import jax, jax.numpy as jnp
import numpy as np

N_NODES = 10000
N_EDGES = 320000
D_IN = 128
D_HID = 128
D_OUT = 1


def _gcn_layer(x, src, dst, norm, W, b, num_nodes):
    # GCNConv: out = D^{-1/2} (A + I) D^{-1/2} (X W) + b
    h = x @ W
    msg = h[src] * norm[:, None]
    agg = jax.ops.segment_sum(msg, dst, num_segments=num_nodes)
    return agg + b


def setup_inputs(seed: int = 0) -> dict:
    key = jax.random.key(seed)
    k_x, k_ei, k_w1, k_b1, k_w2, k_b2, k_wp, k_bp = jax.random.split(key, 8)
    x = jax.random.normal(k_x, (N_NODES, D_IN), dtype=jnp.float32)
    edge_index = jax.random.randint(k_ei, (2, N_EDGES), 0, N_NODES, dtype=jnp.int64)
    # Glorot-style init for linear weights
    W1 = jax.random.normal(k_w1, (D_IN, D_HID), dtype=jnp.float32) * (1.0 / np.sqrt(D_IN))
    b1 = jnp.zeros((D_HID,), dtype=jnp.float32)
    W2 = jax.random.normal(k_w2, (D_HID, D_HID), dtype=jnp.float32) * (1.0 / np.sqrt(D_HID))
    b2 = jnp.zeros((D_HID,), dtype=jnp.float32)
    Wp = jax.random.normal(k_wp, (D_HID, D_OUT), dtype=jnp.float32) * (1.0 / np.sqrt(D_HID))
    bp = jnp.zeros((D_OUT,), dtype=jnp.float32)
    return {"x": x, "edge_index": edge_index, "W1": W1, "b1": b1, "W2": W2, "b2": b2, "Wp": Wp, "bp": bp}


def reference(x, edge_index, W1, b1, W2, b2, Wp, bp):
    num_nodes = x.shape[0]
    # add self-loops (GCNConv default)
    loop = jnp.arange(num_nodes, dtype=edge_index.dtype)
    src = jnp.concatenate([edge_index[0], loop])
    dst = jnp.concatenate([edge_index[1], loop])
    # symmetric normalization
    deg = jax.ops.segment_sum(jnp.ones_like(dst, dtype=jnp.float32), dst, num_segments=num_nodes)
    deg_inv_sqrt = jnp.where(deg > 0, jax.lax.rsqrt(deg), 0.0)
    norm = deg_inv_sqrt[src] * deg_inv_sqrt[dst]
    h = jax.nn.relu(_gcn_layer(x, src, dst, norm, W1, b1, num_nodes))
    # dropout p=0.3 is a no-op in eval mode
    h = jax.nn.relu(_gcn_layer(h, src, dst, norm, W2, b2, num_nodes))
    out = h @ Wp + bp
    return out

if __name__ == "__main__":
    import jax
    _d = setup_inputs()
    print(jax.jit(kernel)(*tuple(_d.values())))

</pallas_src>

<mosaic_0001>
#map = affine_map<(d0, d1) -> (0, 0)>
#map1 = affine_map<(d0, d1) -> (0)>
#map2 = affine_map<(d0, d1) -> (0, 0, 0)>
module attributes {stable_mosaic.version = 14 : i64} {
  func.func @_sc_aggregate_body(%arg0: i32, %arg1: i32, %arg2: memref<10000x128xf32, #tpu.memory_space<hbm>>, %arg3: memref<320000xi32, #tpu.memory_space<hbm>>, %arg4: memref<320000xi32, #tpu.memory_space<hbm>>, %arg5: memref<2x10000x128xf32, #tpu.memory_space<hbm>>, %arg6: memref<4x80xi32, #tpu.memory_space<vmem>>, %arg7: memref<4x80xi32, #tpu.memory_space<vmem>>, %arg8: memref<80x128xf32, #tpu.memory_space<vmem>>, %arg9: memref<80x128xf32, #tpu.memory_space<vmem>>, %arg10: memref<16x128xf32, #tpu.memory_space<vmem>>, %arg11: memref<10000x128xf32, #tpu.memory_space<vmem_shared>>, %arg12: memref<!tpu.dma_semaphore, #tpu.memory_space<semaphore_mem>>, %arg13: memref<!tpu.dma_semaphore, #tpu.memory_space<semaphore_mem>>, %arg14: memref<!tpu.dma_semaphore, #tpu.memory_space<semaphore_mem>>, %arg15: memref<!tpu.dma_semaphore, #tpu.memory_space<semaphore_mem>>, %arg16: memref<!tpu.dma_semaphore, #tpu.memory_space<semaphore_mem>>, %arg17: memref<!tpu.dma_semaphore, #tpu.memory_space<semaphore_mem>>, %arg18: memref<!tpu.dma_semaphore, #tpu.memory_space<semaphore_mem>>, %arg19: memref<!tpu.dma_semaphore, #tpu.memory_space<semaphore_mem>>) attributes {dimension_semantics = [#tpu.dimension_semantics<core_parallel>, #tpu.dimension_semantics<subcore_parallel>], iteration_bounds = array<i64: 2, 16>, scalar_prefetch = 0 : i64, scratch_operands = 14 : i64, tpu.core_type = #tpu.core_type<sc_vector_subcore>, window_params = [{transform_indices = #map}, {transform_indices = #map1}, {transform_indices = #map1}, {transform_indices = #map2}]} {
    %mul3A = arith.constant 2 : i32
    %mul3A_0 = arith.muli %arg1, %mul3A : i32
    %add3A = arith.addi %mul3A_0, %arg0 : i32
    %broadcast_in_dim3A = arith.constant 0.000000e+00 : f32
    %broadcast_in_dim3A_1 = vector.broadcast %broadcast_in_dim3A : f32 to vector<16xf32>
    %scan3A = arith.constant 0 : i32
    %scan3A_2 = arith.constant 0 : i32
    %scan3A_3 = arith.constant 128 : i32
    %scan3A_4 = arith.addi %scan3A_2, %scan3A_3 : i32
    %scan3A_5 = arith.constant 1 : i32
    %scan3A_6 = scf.for %scan3A_380 = %scan3A_2 to %scan3A_4 step %scan3A_5 iter_args(%scan3A_381 = %scan3A) -> (i32)  : i32 {
      %jit3A_382 = arith.constant 8 : i32
      %div3A = arith.divsi %scan3A_380, %jit3A_382 : i32
      %sign3A = arith.constant 0 : i32
      %sign3A_383 = arith.cmpi sgt, %scan3A_380, %sign3A : i32
      %sign3A_384 = arith.extui %sign3A_383 : i1 to i32
      %sign3A_385 = arith.constant 0 : i32
      %sign3A_386 = arith.cmpi slt, %scan3A_380, %sign3A_385 : i32
      %sign3A_387 = arith.extui %sign3A_386 : i1 to i32
      %sign3A_388 = arith.subi %sign3A_384, %sign3A_387 : i32
      %sign3A_389 = arith.constant 0 : i32
      %sign3A_390 = arith.cmpi sgt, %jit3A_382, %sign3A_389 : i32
      %sign3A_391 = arith.extui %sign3A_390 : i1 to i32
      %sign3A_392 = arith.constant 0 : i32
      %sign3A_393 = arith.cmpi slt, %jit3A_382, %sign3A_392 : i32
      %sign3A_394 = arith.extui %sign3A_393 : i1 to i32
      %sign3A_395 = arith.subi %sign3A_391, %sign3A_394 : i32
      %ne3A = arith.cmpi ne, %sign3A_388, %sign3A_395 : i32
      %rem3A = arith.remsi %scan3A_380, %jit3A_382 : i32
      %ne3A_396 = arith.constant 0 : i32
      %ne3A_397 = arith.cmpi ne, %rem3A, %ne3A_396 : i32
      %and3A = arith.andi %ne3A, %ne3A_397 : i1
      %sub3A = arith.constant 1 : i32
      %sub3A_398 = arith.subi %div3A, %sub3A : i32
      %select_n3A_399 = arith.select %and3A, %sub3A_398, %div3A : i32
      %jit3A_400 = arith.constant 8 : i32
      %eq3A_401 = arith.constant 0 : i32
      %eq3A_402 = arith.cmpi eq, %jit3A_400, %eq3A_401 : i32
      %jit3A_403 = arith.constant 1 : i32
      %select_n3A_404 = arith.select %eq3A_402, %jit3A_403, %jit3A_400 : i32
      %rem3A_405 = arith.remsi %scan3A_380, %select_n3A_404 : i32
      %ne3A_406 = arith.constant 0 : i32
      %ne3A_407 = arith.cmpi ne, %rem3A_405, %ne3A_406 : i32
      %lt3A = arith.constant 0 : i32
      %lt3A_408 = arith.cmpi slt, %rem3A_405, %lt3A : i32
      %lt3A_409 = arith.constant 0 : i32
      %lt3A_410 = arith.cmpi slt, %select_n3A_404, %lt3A_409 : i32
      %ne3A_411 = arith.xori %lt3A_408, %lt3A_410 : i1
      %and3A_412 = arith.andi %ne3A_411, %ne3A_407 : i1
      %add3A_413 = arith.addi %rem3A_405, %select_n3A_404 : i32
      %select_n3A_414 = arith.select %and3A_412, %add3A_413, %rem3A_405 : i32
      %mul3A_415 = arith.constant 16 : i32
      %mul3A_416 = arith.muli %select_n3A_414, %mul3A_415 : i32
      %swap3A = arith.index_cast %select_n3A_399 : i32 to index
      %swap3A_417 = arith.index_cast %mul3A_416 : i32 to index
      %swap3A_418 = tpu.vector_load %arg10[%swap3A, %swap3A_417] {strides = array<i32>} : memref<16x128xf32, #tpu.memory_space<vmem>>, vector<1x16xf32>,
      %swap3A_419 = vector.shape_cast %swap3A_418 : vector<1x16xf32> to vector<16xf32>
      %swap3A_420 = vector.shape_cast %broadcast_in_dim3A_1 : vector<16xf32> to vector<1x16xf32>
      tpu.vector_store %arg10[%swap3A, %swap3A_417], %swap3A_420 {strides = array<i32>} : memref<16x128xf32, #tpu.memory_space<vmem>>, vector<1x16xf32>,
      %scan3A_421 = arith.constant 0 : i32
      scf.yield %scan3A_421 : i32
    }
    %scan3A_7 = arith.constant 128 : i32
    %mul3A_8 = arith.constant 624 : i32
    %mul3A_9 = arith.muli %arg1, %mul3A_8 : i32
    %eq3A = arith.constant 15 : i32
    %eq3A_10 = arith.cmpi eq, %arg1, %eq3A : i32
    %jit3A = arith.constant 40 : i32
    %jit3A_11 = arith.constant 39 : i32
    %select_n3A = arith.select %eq3A_10, %jit3A, %jit3A_11 : i32
    %while3A = arith.constant 0 : i32
    %while3A_12 = arith.constant 0 : i32
    %while3A_13 = arith.subi %select_n3A, %while3A : i32
    %while3A_14 = arith.addi %while3A, %while3A_13 : i32
    %while3A_15 = arith.constant 1 : i32
    %while3A_16 = arith.divsi %while3A_13, %while3A_15 : i32
    %while3A_17 = arith.muli %while3A_16, %while3A_15 : i32
    %while3A_18 = arith.addi %while3A, %while3A_17 : i32
    %while3A_19 = arith.constant 1 : i32
    %while3A_20 = scf.for %while3A_380 = %while3A to %while3A_18 step %while3A_19 iter_args(%while3A_381 = %while3A_12) -> (i32)  : i32 {
      %mul3A_382 = arith.constant 16 : i32
      %mul3A_383 = arith.muli %while3A_380, %mul3A_382 : i32
      %add3A_384 = arith.addi %mul3A_9, %mul3A_383 : i32
      "tpu.region"() ({
        %run_scoped3A = tpu.sem_alloc : memref<!tpu.dma_semaphore, #tpu.memory_space<semaphore_mem>>
        %dma_start3A_386 = arith.constant 0 : i32
        %dma_start3A_387 = tpu.memref_slice %arg11[%add3A_384, %dma_start3A_386] : memref<10000x128xf32, #tpu.memory_space<vmem_shared>> -> memref<16x128xf32, #tpu.memory_space<vmem_shared>>
        %dma_start3A_388 = arith.constant 0 : i32
        %dma_start3A_389 = tpu.memref_slice %arg11[%add3A_384, %dma_start3A_388] : memref<10000x128xf32, #tpu.memory_space<vmem_shared>> -> memref<16x128xf32, #tpu.memory_space<vmem_shared>>
        tpu.enqueue_dma source(%arg10 : memref<16x128xf32, #tpu.memory_space<vmem>>) target(%dma_start3A_389 : memref<16x128xf32, #tpu.memory_space<vmem_shared>>) target_semaphore(%run_scoped3A : memref<!tpu.dma_semaphore, #tpu.memory_space<semaphore_mem>>)
        %dma_wait3A_390 = arith.constant 0 : i32
        %dma_wait3A_391 = tpu.memref_slice %arg11[%add3A_384, %dma_wait3A_390] : memref<10000x128xf32, #tpu.memory_space<vmem_shared>> -> memref<16x128xf32, #tpu.memory_space<vmem_shared>>
        %dma_wait3A_392 = arith.constant 0 : i32
        %dma_wait3A_393 = tpu.memref_slice %arg11[%add3A_384, %dma_wait3A_392] : memref<10000x128xf32, #tpu.memory_space<vmem_shared>> -> memref<16x128xf32, #tpu.memory_space<vmem_shared>>
        tpu.wait_dma2 semaphore(%run_scoped3A : memref<!tpu.dma_semaphore, #tpu.memory_space<semaphore_mem>>) src(%arg10 : memref<16x128xf32, #tpu.memory_space<vmem>>) dst(%dma_wait3A_393 : memref<16x128xf32, #tpu.memory_space<vmem_shared>>)
        tpu.yield
      }) : () -> ()
      %while3A_385 = arith.constant 0 : i32
      scf.yield %while3A_385 : i32
    }
    %while3A_21 = arith.constant 1 : i32
    %while3A_22 = scf.for %while3A_380 = %while3A_18 to %while3A_14 step %while3A_21 iter_args(%while3A_381 = %while3A_20) -> (i32)  : i32 {
      %mul3A_382 = arith.constant 16 : i32
      %mul3A_383 = arith.muli %while3A_380, %mul3A_382 : i32
      %add3A_384 = arith.addi %mul3A_9, %mul3A_383 : i32
      "tpu.region"() ({
        %run_scoped3A = tpu.sem_alloc : memref<!tpu.dma_semaphore, #tpu.memory_space<semaphore_mem>>
        %dma_start3A_386 = arith.constant 0 : i32
        %dma_start3A_387 = tpu.memref_slice %arg11[%add3A_384, %dma_start3A_386] : memref<10000x128xf32, #tpu.memory_space<vmem_shared>> -> memref<16x128xf32, #tpu.memory_space<vmem_shared>>
        %dma_start3A_388 = arith.constant 0 : i32
        %dma_start3A_389 = tpu.memref_slice %arg11[%add3A_384, %dma_start3A_388] : memref<10000x128xf32, #tpu.memory_space<vmem_shared>> -> memref<16x128xf32, #tpu.memory_space<vmem_shared>>
        tpu.enqueue_dma source(%arg10 : memref<16x128xf32, #tpu.memory_space<vmem>>) target(%dma_start3A_389 : memref<16x128xf32, #tpu.memory_space<vmem_shared>>) target_semaphore(%run_scoped3A : memref<!tpu.dma_semaphore, #tpu.memory_space<semaphore_mem>>)
        %dma_wait3A_390 = arith.constant 0 : i32
        %dma_wait3A_391 = tpu.memref_slice %arg11[%add3A_384, %dma_wait3A_390] : memref<10000x128xf32, #tpu.memory_space<vmem_shared>> -> memref<16x128xf32, #tpu.memory_space<vmem_shared>>
        %dma_wait3A_392 = arith.constant 0 : i32
        %dma_wait3A_393 = tpu.memref_slice %arg11[%add3A_384, %dma_wait3A_392] : memref<10000x128xf32, #tpu.memory_space<vmem_shared>> -> memref<16x128xf32, #tpu.memory_space<vmem_shared>>
        tpu.wait_dma2 semaphore(%run_scoped3A : memref<!tpu.dma_semaphore, #tpu.memory_space<semaphore_mem>>) src(%arg10 : memref<16x128xf32, #tpu.memory_space<vmem>>) dst(%dma_wait3A_393 : memref<16x128xf32, #tpu.memory_space<vmem_shared>>)
        tpu.yield
      }) : () -> ()
      %while3A_385 = arith.constant 0 : i32
      scf.yield %while3A_385 : i32
    }
    %barrier3A = arith.constant 0 : index
    tpu.barrier barrier_id(%barrier3A)
    %mul3A_23 = arith.constant 10000 : i32
    %mul3A_24 = arith.muli %add3A, %mul3A_23 : i32
    %add3A_25 = arith.constant 0 : i32
    %add3A_26 = arith.addi %mul3A_24, %add3A_25 : i32
    %dma_start3A = arith.constant 0 : i32
    %dma_start3A_27 = arith.constant 0 : i32
    %dma_start3A_28 = tpu.memref_slice %arg6[%dma_start3A, %dma_start3A_27] : memref<4x80xi32, #tpu.memory_space<vmem>> -> memref<1x80xi32, #tpu.memory_space<vmem>>
    %dma_start3A_29 = tpu.memref_squeeze %dma_start3A_28 : memref<1x80xi32, #tpu.memory_space<vmem>> -> memref<80xi32, #tpu.memory_space<vmem>>
    %dma_start3A_30 = tpu.memref_slice %arg3[%add3A_26] : memref<320000xi32, #tpu.memory_space<hbm>> -> memref<80xi32, #tpu.memory_space<hbm>>
    %dma_start3A_31 = arith.constant 0 : i32
    %dma_start3A_32 = tpu.memref_slice %arg6[%dma_start3A, %dma_start3A_31] : memref<4x80xi32, #tpu.memory_space<vmem>> -> memref<1x80xi32, #tpu.memory_space<vmem>>
    %dma_start3A_33 = tpu.memref_squeeze %dma_start3A_32 : memref<1x80xi32, #tpu.memory_space<vmem>> -> memref<80xi32, #tpu.memory_space<vmem>>
    %dma_start3A_34 = tpu.memref_slice %arg3[%add3A_26] : memref<320000xi32, #tpu.memory_space<hbm>> -> memref<80xi32, #tpu.memory_space<hbm>>
    tpu.enqueue_dma source(%dma_start3A_34 : memref<80xi32, #tpu.memory_space<hbm>>) target(%dma_start3A_33 : memref<80xi32, #tpu.memory_space<vmem>>) target_semaphore(%arg12 : memref<!tpu.dma_semaphore, #tpu.memory_space<semaphore_mem>>)
    %dma_start3A_35 = arith.constant 0 : i32
    %dma_start3A_36 = arith.constant 0 : i32
    %dma_start3A_37 = tpu.memref_slice %arg7[%dma_start3A_35, %dma_start3A_36] : memref<4x80xi32, #tpu.memory_space<vmem>> -> memref<1x80xi32, #tpu.memory_space<vmem>>
    %dma_start3A_38 = tpu.memref_squeeze %dma_start3A_37 : memref<1x80xi32, #tpu.memory_space<vmem>> -> memref<80xi32, #tpu.memory_space<vmem>>
    %dma_start3A_39 = tpu.memref_slice %arg4[%add3A_26] : memref<320000xi32, #tpu.memory_space<hbm>> -> memref<80xi32, #tpu.memory_space<hbm>>
    %dma_start3A_40 = arith.constant 0 : i32
    %dma_start3A_41 = tpu.memref_slice %arg7[%dma_start3A_35, %dma_start3A_40] : memref<4x80xi32, #tpu.memory_space<vmem>> -> memref<1x80xi32, #tpu.memory_space<vmem>>
    %dma_start3A_42 = tpu.memref_squeeze %dma_start3A_41 : memref<1x80xi32, #tpu.memory_space<vmem>> -> memref<80xi32, #tpu.memory_space<vmem>>
    %dma_start3A_43 = tpu.memref_slice %arg4[%add3A_26] : memref<320000xi32, #tpu.memory_space<hbm>> -> memref<80xi32, #tpu.memory_space<hbm>>
    tpu.enqueue_dma source(%dma_start3A_43 : memref<80xi32, #tpu.memory_space<hbm>>) target(%dma_start3A_42 : memref<80xi32, #tpu.memory_space<vmem>>) target_semaphore(%arg12 : memref<!tpu.dma_semaphore, #tpu.memory_space<semaphore_mem>>)
    %add3A_44 = arith.constant 80 : i32
    %add3A_45 = arith.addi %mul3A_24, %add3A_44 : i32
    %dma_start3A_46 = arith.constant 1 : i32
    %dma_start3A_47 = arith.constant 0 : i32
    %dma_start3A_48 = tpu.memref_slice %arg6[%dma_start3A_46, %dma_start3A_47] : memref<4x80xi32, #tpu.memory_space<vmem>> -> memref<1x80xi32, #tpu.memory_space<vmem>>
    %dma_start3A_49 = tpu.memref_squeeze %dma_start3A_48 : memref<1x80xi32, #tpu.memory_space<vmem>> -> memref<80xi32, #tpu.memory_space<vmem>>
    %dma_start3A_50 = tpu.memref_slice %arg3[%add3A_45] : memref<320000xi32, #tpu.memory_space<hbm>> -> memref<80xi32, #tpu.memory_space<hbm>>
    %dma_start3A_51 = arith.constant 0 : i32
    %dma_start3A_52 = tpu.memref_slice %arg6[%dma_start3A_46, %dma_start3A_51] : memref<4x80xi32, #tpu.memory_space<vmem>> -> memref<1x80xi32, #tpu.memory_space<vmem>>
    %dma_start3A_53 = tpu.memref_squeeze %dma_start3A_52 : memref<1x80xi32, #tpu.memory_space<vmem>> -> memref<80xi32, #tpu.memory_space<vmem>>
    %dma_start3A_54 = tpu.memref_slice %arg3[%add3A_45] : memref<320000xi32, #tpu.memory_space<hbm>> -> memref<80xi32, #tpu.memory_space<hbm>>
    tpu.enqueue_dma source(%dma_start3A_54 : memref<80xi32, #tpu.memory_space<hbm>>) target(%dma_start3A_53 : memref<80xi32, #tpu.memory_space<vmem>>) target_semaphore(%arg13 : memref<!tpu.dma_semaphore, #tpu.memory_space<semaphore_mem>>)
    %dma_start3A_55 = arith.constant 1 : i32
    %dma_start3A_56 = arith.constant 0 : i32
    %dma_start3A_57 = tpu.memref_slice %arg7[%dma_start3A_55, %dma_start3A_56] : memref<4x80xi32, #tpu.memory_space<vmem>> -> memref<1x80xi32, #tpu.memory_space<vmem>>
    %dma_start3A_58 = tpu.memref_squeeze %dma_start3A_57 : memref<1x80xi32, #tpu.memory_space<vmem>> -> memref<80xi32, #tpu.memory_space<vmem>>
    %dma_start3A_59 = tpu.memref_slice %arg4[%add3A_45] : memref<320000xi32, #tpu.memory_space<hbm>> -> memref<80xi32, #tpu.memory_space<hbm>>
    %dma_start3A_60 = arith.constant 0 : i32
    %dma_start3A_61 = tpu.memref_slice %arg7[%dma_start3A_55, %dma_start3A_60] : memref<4x80xi32, #tpu.memory_space<vmem>> -> memref<1x80xi32, #tpu.memory_space<vmem>>
    %dma_start3A_62 = tpu.memref_squeeze %dma_start3A_61 : memref<1x80xi32, #tpu.memory_space<vmem>> -> memref<80xi32, #tpu.memory_space<vmem>>
    %dma_start3A_63 = tpu.memref_slice %arg4[%add3A_45] : memref<320000xi32, #tpu.memory_space<hbm>> -> memref<80xi32, #tpu.memory_space<hbm>>
    tpu.enqueue_dma source(%dma_start3A_63 : memref<80xi32, #tpu.memory_space<hbm>>) target(%dma_start3A_62 : memref<80xi32, #tpu.memory_space<vmem>>) target_semaphore(%arg13 : memref<!tpu.dma_semaphore, #tpu.memory_space<semaphore_mem>>)
    %add3A_64 = arith.constant 160 : i32
    %add3A_65 = arith.addi %mul3A_24, %add3A_64 : i32
    %dma_start3A_66 = arith.constant 2 : i32
    %dma_start3A_67 = arith.constant 0 : i32
    %dma_start3A_68 = tpu.memref_slice %arg6[%dma_start3A_66, %dma_start3A_67] : memref<4x80xi32, #tpu.memory_space<vmem>> -> memref<1x80xi32, #tpu.memory_space<vmem>>
    %dma_start3A_69 = tpu.memref_squeeze %dma_start3A_68 : memref<1x80xi32, #tpu.memory_space<vmem>> -> memref<80xi32, #tpu.memory_space<vmem>>
    %dma_start3A_70 = tpu.memref_slice %arg3[%add3A_65] : memref<320000xi32, #tpu.memory_space<hbm>> -> memref<80xi32, #tpu.memory_space<hbm>>
    %dma_start3A_71 = arith.constant 0 : i32
    %dma_start3A_72 = tpu.memref_slice %arg6[%dma_start3A_66, %dma_start3A_71] : memref<4x80xi32, #tpu.memory_space<vmem>> -> memref<1x80xi32, #tpu.memory_space<vmem>>
    %dma_start3A_73 = tpu.memref_squeeze %dma_start3A_72 : memref<1x80xi32, #tpu.memory_space<vmem>> -> memref<80xi32, #tpu.memory_space<vmem>>
    %dma_start3A_74 = tpu.memref_slice %arg3[%add3A_65] : memref<320000xi32, #tpu.memory_space<hbm>> -> memref<80xi32, #tpu.memory_space<hbm>>
    tpu.enqueue_dma source(%dma_start3A_74 : memref<80xi32, #tpu.memory_space<hbm>>) target(%dma_start3A_73 : memref<80xi32, #tpu.memory_space<vmem>>) target_semaphore(%arg14 : memref<!tpu.dma_semaphore, #tpu.memory_space<semaphore_mem>>)
    %dma_start3A_75 = arith.constant 2 : i32
    %dma_start3A_76 = arith.constant 0 : i32
    %dma_start3A_77 = tpu.memref_slice %arg7[%dma_start3A_75, %dma_start3A_76] : memref<4x80xi32, #tpu.memory_space<vmem>> -> memref<1x80xi32, #tpu.memory_space<vmem>>
    %dma_start3A_78 = tpu.memref_squeeze %dma_start3A_77 : memref<1x80xi32, #tpu.memory_space<vmem>> -> memref<80xi32, #tpu.memory_space<vmem>>
    %dma_start3A_79 = tpu.memref_slice %arg4[%add3A_65] : memref<320000xi32, #tpu.memory_space<hbm>> -> memref<80xi32, #tpu.memory_space<hbm>>
    %dma_start3A_80 = arith.constant 0 : i32
    %dma_start3A_81 = tpu.memref_slice %arg7[%dma_start3A_75, %dma_start3A_80] : memref<4x80xi32, #tpu.memory_space<vmem>> -> memref<1x80xi32, #tpu.memory_space<vmem>>
    %dma_start3A_82 = tpu.memref_squeeze %dma_start3A_81 : memref<1x80xi32, #tpu.memory_space<vmem>> -> memref<80xi32, #tpu.memory_space<vmem>>
    %dma_start3A_83 = tpu.memref_slice %arg4[%add3A_65] : memref<320000xi32, #tpu.memory_space<hbm>> -> memref<80xi32, #tpu.memory_space<hbm>>
    tpu.enqueue_dma source(%dma_start3A_83 : memref<80xi32, #tpu.memory_space<hbm>>) target(%dma_start3A_82 : memref<80xi32, #tpu.memory_space<vmem>>) target_semaphore(%arg14 : memref<!tpu.dma_semaphore, #tpu.memory_space<semaphore_mem>>)
    %add3A_84 = arith.constant 240 : i32
    %add3A_85 = arith.addi %mul3A_24, %add3A_84 : i32
    %dma_start3A_86 = arith.constant 3 : i32
    %dma_start3A_87 = arith.constant 0 : i32
    %dma_start3A_88 = tpu.memref_slice %arg6[%dma_start3A_86, %dma_start3A_87] : memref<4x80xi32, #tpu.memory_space<vmem>> -> memref<1x80xi32, #tpu.memory_space<vmem>>
    %dma_start3A_89 = tpu.memref_squeeze %dma_start3A_88 : memref<1x80xi32, #tpu.memory_space<vmem>> -> memref<80xi32, #tpu.memory_space<vmem>>
    %dma_start3A_90 = tpu.memref_slice %arg3[%add3A_85] : memref<320000xi32, #tpu.memory_space<hbm>> -> memref<80xi32, #tpu.memory_space<hbm>>
    %dma_start3A_91 = arith.constant 0 : i32
    %dma_start3A_92 = tpu.memref_slice %arg6[%dma_start3A_86, %dma_start3A_91] : memref<4x80xi32, #tpu.memory_space<vmem>> -> memref<1x80xi32, #tpu.memory_space<vmem>>
    %dma_start3A_93 = tpu.memref_squeeze %dma_start3A_92 : memref<1x80xi32, #tpu.memory_space<vmem>> -> memref<80xi32, #tpu.memory_space<vmem>>
    %dma_start3A_94 = tpu.memref_slice %arg3[%add3A_85] : memref<320000xi32, #tpu.memory_space<hbm>> -> memref<80xi32, #tpu.memory_space<hbm>>
    tpu.enqueue_dma source(%dma_start3A_94 : memref<80xi32, #tpu.memory_space<hbm>>) target(%dma_start3A_93 : memref<80xi32, #tpu.memory_space<vmem>>) target_semaphore(%arg15 : memref<!tpu.dma_semaphore, #tpu.memory_space<semaphore_mem>>)
    %dma_start3A_95 = arith.constant 3 : i32
    %dma_start3A_96 = arith.constant 0 : i32
    %dma_start3A_97 = tpu.memref_slice %arg7[%dma_start3A_95, %dma_start3A_96] : memref<4x80xi32, #tpu.memory_space<vmem>> -> memref<1x80xi32, #tpu.memory_space<vmem>>
    %dma_start3A_98 = tpu.memref_squeeze %dma_start3A_97 : memref<1x80xi32, #tpu.memory_space<vmem>> -> memref<80xi32, #tpu.memory_space<vmem>>
    %dma_start3A_99 = tpu.memref_slice %arg4[%add3A_85] : memref<320000xi32, #tpu.memory_space<hbm>> -> memref<80xi32, #tpu.memory_space<hbm>>
    %dma_start3A_100 = arith.constant 0 : i32
    %dma_start3A_101 = tpu.memref_slice %arg7[%dma_start3A_95, %dma_start3A_100] : memref<4x80xi32, #tpu.memory_space<vmem>> -> memref<1x80xi32, #tpu.memory_space<vmem>>
    %dma_start3A_102 = tpu.memref_squeeze %dma_start3A_101 : memref<1x80xi32, #tpu.memory_space<vmem>> -> memref<80xi32, #tpu.memory_space<vmem>>
    %dma_start3A_103 = tpu.memref_slice %arg4[%add3A_85] : memref<320000xi32, #tpu.memory_space<hbm>> -> memref<80xi32, #tpu.memory_space<hbm>>
    tpu.enqueue_dma source(%dma_start3A_103 : memref<80xi32, #tpu.memory_space<hbm>>) target(%dma_start3A_102 : memref<80xi32, #tpu.memory_space<vmem>>) target_semaphore(%arg15 : memref<!tpu.dma_semaphore, #tpu.memory_space<semaphore_mem>>)
    %dma_wait3A = arith.constant 0 : i32
    %dma_wait3A_104 = arith.constant 0 : i32
    %dma_wait3A_105 = tpu.memref_slice %arg6[%dma_wait3A, %dma_wait3A_104] : memref<4x80xi32, #tpu.memory_space<vmem>> -> memref<1x80xi32, #tpu.memory_space<vmem>>
    %dma_wait3A_106 = tpu.memref_squeeze %dma_wait3A_105 : memref<1x80xi32, #tpu.memory_space<vmem>> -> memref<80xi32, #tpu.memory_space<vmem>>
    %dma_wait3A_107 = tpu.memref_slice %arg3[%mul3A_24] : memref<320000xi32, #tpu.memory_space<hbm>> -> memref<80xi32, #tpu.memory_space<hbm>>
    %dma_wait3A_108 = arith.constant 0 : i32
    %dma_wait3A_109 = tpu.memref_slice %arg6[%dma_wait3A, %dma_wait3A_108] : memref<4x80xi32, #tpu.memory_space<vmem>> -> memref<1x80xi32, #tpu.memory_space<vmem>>
    %dma_wait3A_110 = tpu.memref_squeeze %dma_wait3A_109 : memref<1x80xi32, #tpu.memory_space<vmem>> -> memref<80xi32, #tpu.memory_space<vmem>>
    %dma_wait3A_111 = tpu.memref_slice %arg3[%mul3A_24] : memref<320000xi32, #tpu.memory_space<hbm>> -> memref<80xi32, #tpu.memory_space<hbm>>
    tpu.wait_dma2 semaphore(%arg12 : memref<!tpu.dma_semaphore, #tpu.memory_space<semaphore_mem>>) src(%dma_wait3A_111 : memref<80xi32, #tpu.memory_space<hbm>>) dst(%dma_wait3A_110 : memref<80xi32, #tpu.memory_space<vmem>>)
    %dma_wait3A_112 = arith.constant 0 : i32
    %dma_wait3A_113 = arith.constant 0 : i32
    %dma_wait3A_114 = tpu.memref_slice %arg7[%dma_wait3A_112, %dma_wait3A_113] : memref<4x80xi32, #tpu.memory_space<vmem>> -> memref<1x80xi32, #tpu.memory_space<vmem>>
    %dma_wait3A_115 = tpu.memref_squeeze %dma_wait3A_114 : memref<1x80xi32, #tpu.memory_space<vmem>> -> memref<80xi32, #tpu.memory_space<vmem>>
    %dma_wait3A_116 = tpu.memref_slice %arg4[%mul3A_24] : memref<320000xi32, #tpu.memory_space<hbm>> -> memref<80xi32, #tpu.memory_space<hbm>>
    %dma_wait3A_117 = arith.constant 0 : i32
    %dma_wait3A_118 = tpu.memref_slice %arg7[%dma_wait3A_112, %dma_wait3A_117] : memref<4x80xi32, #tpu.memory_space<vmem>> -> memref<1x80xi32, #tpu.memory_space<vmem>>
    %dma_wait3A_119 = tpu.memref_squeeze %dma_wait3A_118 : memref<1x80xi32, #tpu.memory_space<vmem>> -> memref<80xi32, #tpu.memory_space<vmem>>
    %dma_wait3A_120 = tpu.memref_slice %arg4[%mul3A_24] : memref<320000xi32, #tpu.memory_space<hbm>> -> memref<80xi32, #tpu.memory_space<hbm>>
    tpu.wait_dma2 semaphore(%arg12 : memref<!tpu.dma_semaphore, #tpu.memory_space<semaphore_mem>>) src(%dma_wait3A_120 : memref<80xi32, #tpu.memory_space<hbm>>) dst(%dma_wait3A_119 : memref<80xi32, #tpu.memory_space<vmem>>)
    %dma_start3A_121 = arith.constant 0 : i32
    %dma_start3A_122 = arith.constant 0 : i32
    %dma_start3A_123 = tpu.memref_slice %arg6[%dma_start3A_121, %dma_start3A_122] : memref<4x80xi32, #tpu.memory_space<vmem>> -> memref<1x80xi32, #tpu.memory_space<vmem>>
    %dma_start3A_124 = tpu.memref_squeeze %dma_start3A_123 : memref<1x80xi32, #tpu.memory_space<vmem>> -> memref<80xi32, #tpu.memory_space<vmem>>
    %dma_start3A_125 = arith.constant 0 : i32
    %dma_start3A_126 = arith.constant 0 : i32
    %dma_start3A_127 = tpu.memref_slice %arg2[%dma_start3A_125, %dma_start3A_126] : memref<10000x128xf32, #tpu.memory_space<hbm>> -> memref<10000x128xf32, #tpu.memory_space<hbm>>
    tpu.enqueue_indirect_dma source(%dma_start3A_127 : memref<10000x128xf32, #tpu.memory_space<hbm>>) target(%arg8 : memref<80x128xf32, #tpu.memory_space<vmem>>) offsets(%dma_start3A_124 : memref<80xi32, #tpu.memory_space<vmem>>) semaphore(%arg16 : memref<!tpu.dma_semaphore, #tpu.memory_space<semaphore_mem>>)
    %dma_wait3A_128 = arith.constant 1 : i32
    %dma_wait3A_129 = arith.constant 0 : i32
    %dma_wait3A_130 = tpu.memref_slice %arg6[%dma_wait3A_128, %dma_wait3A_129] : memref<4x80xi32, #tpu.memory_space<vmem>> -> memref<1x80xi32, #tpu.memory_space<vmem>>
    %dma_wait3A_131 = tpu.memref_squeeze %dma_wait3A_130 : memref<1x80xi32, #tpu.memory_space<vmem>> -> memref<80xi32, #tpu.memory_space<vmem>>
    %dma_wait3A_132 = tpu.memref_slice %arg3[%mul3A_24] : memref<320000xi32, #tpu.memory_space<hbm>> -> memref<80xi32, #tpu.memory_space<hbm>>
    %dma_wait3A_133 = arith.constant 0 : i32
    %dma_wait3A_134 = tpu.memref_slice %arg6[%dma_wait3A_128, %dma_wait3A_133] : memref<4x80xi32, #tpu.memory_space<vmem>> -> memref<1x80xi32, #tpu.memory_space<vmem>>
    %dma_wait3A_135 = tpu.memref_squeeze %dma_wait3A_134 : memref<1x80xi32, #tpu.memory_space<vmem>> -> memref<80xi32, #tpu.memory_space<vmem>>
    %dma_wait3A_136 = tpu.memref_slice %arg3[%mul3A_24] : memref<320000xi32, #tpu.memory_space<hbm>> -> memref<80xi32, #tpu.memory_space<hbm>>
    tpu.wait_dma2 semaphore(%arg13 : memref<!tpu.dma_semaphore, #tpu.memory_space<semaphore_mem>>) src(%dma_wait3A_136 : memref<80xi32, #tpu.memory_space<hbm>>) dst(%dma_wait3A_135 : memref<80xi32, #tpu.memory_space<vmem>>)
    %dma_wait3A_137 = arith.constant 1 : i32
    %dma_wait3A_138 = arith.constant 0 : i32
    %dma_wait3A_139 = tpu.memref_slice %arg7[%dma_wait3A_137, %dma_wait3A_138] : memref<4x80xi32, #tpu.memory_space<vmem>> -> memref<1x80xi32, #tpu.memory_space<vmem>>
    %dma_wait3A_140 = tpu.memref_squeeze %dma_wait3A_139 : memref<1x80xi32, #tpu.memory_space<vmem>> -> memref<80xi32, #tpu.memory_space<vmem>>
    %dma_wait3A_141 = tpu.memref_slice %arg4[%mul3A_24] : memref<320000xi32, #tpu.memory_space<hbm>> -> memref<80xi32, #tpu.memory_space<hbm>>
    %dma_wait3A_142 = arith.constant 0 : i32
    %dma_wait3A_143 = tpu.memref_slice %arg7[%dma_wait3A_137, %dma_wait3A_142] : memref<4x80xi32, #tpu.memory_space<vmem>> -> memref<1x80xi32, #tpu.memory_space<vmem>>
    %dma_wait3A_144 = tpu.memref_squeeze %dma_wait3A_143 : memref<1x80xi32, #tpu.memory_space<vmem>> -> memref<80xi32, #tpu.memory_space<vmem>>
    %dma_wait3A_145 = tpu.memref_slice %arg4[%mul3A_24] : memref<320000xi32, #tpu.memory_space<hbm>> -> memref<80xi32, #tpu.memory_space<hbm>>
    tpu.wait_dma2 semaphore(%arg13 : memref<!tpu.dma_semaphore, #tpu.memory_space<semaphore_mem>>) src(%dma_wait3A_145 : memref<80xi32, #tpu.memory_space<hbm>>) dst(%dma_wait3A_144 : memref<80xi32, #tpu.memory_space<vmem>>)
    %dma_start3A_146 = arith.constant 1 : i32
    %dma_start3A_147 = arith.constant 0 : i32
    %dma_start3A_148 = tpu.memref_slice %arg6[%dma_start3A_146, %dma_start3A_147] : memref<4x80xi32, #tpu.memory_space<vmem>> -> memref<1x80xi32, #tpu.memory_space<vmem>>
    %dma_start3A_149 = tpu.memref_squeeze %dma_start3A_148 : memref<1x80xi32, #tpu.memory_space<vmem>> -> memref<80xi32, #tpu.memory_space<vmem>>
    %dma_start3A_150 = arith.constant 0 : i32
    %dma_start3A_151 = arith.constant 0 : i32
    %dma_start3A_152 = tpu.memref_slice %arg2[%dma_start3A_150, %dma_start3A_151] : memref<10000x128xf32, #tpu.memory_space<hbm>> -> memref<10000x128xf32, #tpu.memory_space<hbm>>
    tpu.enqueue_indirect_dma source(%dma_start3A_152 : memref<10000x128xf32, #tpu.memory_space<hbm>>) target(%arg9 : memref<80x128xf32, #tpu.memory_space<vmem>>) offsets(%dma_start3A_149 : memref<80xi32, #tpu.memory_space<vmem>>) semaphore(%arg17 : memref<!tpu.dma_semaphore, #tpu.memory_space<semaphore_mem>>)
    %dma_wait3A_153 = arith.constant 0 : i32
    %dma_wait3A_154 = arith.constant 0 : i32
    %dma_wait3A_155 = tpu.memref_slice %arg6[%dma_wait3A_153, %dma_wait3A_154] : memref<4x80xi32, #tpu.memory_space<vmem>> -> memref<1x80xi32, #tpu.memory_space<vmem>>
    %dma_wait3A_156 = tpu.memref_squeeze %dma_wait3A_155 : memref<1x80xi32, #tpu.memory_space<vmem>> -> memref<80xi32, #tpu.memory_space<vmem>>
    %dma_wait3A_157 = arith.constant 0 : i32
    %dma_wait3A_158 = arith.constant 0 : i32
    %dma_wait3A_159 = tpu.memref_slice %arg2[%dma_wait3A_157, %dma_wait3A_158] : memref<10000x128xf32, #tpu.memory_space<hbm>> -> memref<10000x128xf32, #tpu.memory_space<hbm>>
    tpu.wait_indirect_dma semaphore(%arg16 : memref<!tpu.dma_semaphore, #tpu.memory_space<semaphore_mem>>) src(%dma_wait3A_159 : memref<10000x128xf32, #tpu.memory_space<hbm>>) dst(%arg8 : memref<80x128xf32, #tpu.memory_space<vmem>>)
    %dma_start3A_160 = arith.constant 0 : i32
    %dma_start3A_161 = arith.constant 0 : i32
    %dma_start3A_162 = tpu.memref_slice %arg7[%dma_start3A_160, %dma_start3A_161] : memref<4x80xi32, #tpu.memory_space<vmem>> -> memref<1x80xi32, #tpu.memory_space<vmem>>
    %dma_start3A_163 = tpu.memref_squeeze %dma_start3A_162 : memref<1x80xi32, #tpu.memory_space<vmem>> -> memref<80xi32, #tpu.memory_space<vmem>>
    %dma_start3A_164 = arith.constant 0 : i32
    %dma_start3A_165 = arith.constant 0 : i32
    %dma_start3A_166 = tpu.memref_slice %arg11[%dma_start3A_164, %dma_start3A_165] : memref<10000x128xf32, #tpu.memory_space<vmem_shared>> -> memref<10000x128xf32, #tpu.memory_space<vmem_shared>>
    tpu.enqueue_indirect_dma source(%arg8 : memref<80x128xf32, #tpu.memory_space<vmem>>) target(%dma_start3A_166 : memref<10000x128xf32, #tpu.memory_space<vmem_shared>>) offsets(%dma_start3A_163 : memref<80xi32, #tpu.memory_space<vmem>>) semaphore(%arg18 : memref<!tpu.dma_semaphore, #tpu.memory_space<semaphore_mem>>) {add = true}
    %scan3A_167 = arith.constant 0 : i32
    %scan3A_168 = arith.constant 0 : i32
    %scan3A_169 = arith.constant 30 : i32
    %scan3A_170 = arith.addi %scan3A_168, %scan3A_169 : i32
    %scan3A_171 = arith.constant 1 : i32
    %scan3A_172 = scf.for %scan3A_380 = %scan3A_168 to %scan3A_170 step %scan3A_171 iter_args(%scan3A_381 = %scan3A_167) -> (i32)  : i32 {
      %mul3A_382 = arith.constant 4 : i32
      %mul3A_383 = arith.muli %mul3A_382, %scan3A_380 : i32
      %add3A_384 = arith.constant 1 : i32
      %add3A_385 = arith.addi %mul3A_383, %add3A_384 : i32
      %dma_wait3A_386 = arith.constant 0 : i32
      %dma_wait3A_387 = arith.constant 0 : i32
      %dma_wait3A_388 = tpu.memref_slice %arg7[%dma_wait3A_386, %dma_wait3A_387] : memref<4x80xi32, #tpu.memory_space<vmem>> -> memref<1x80xi32, #tpu.memory_space<vmem>>
      %dma_wait3A_389 = tpu.memref_squeeze %dma_wait3A_388 : memref<1x80xi32, #tpu.memory_space<vmem>> -> memref<80xi32, #tpu.memory_space<vmem>>
      %dma_wait3A_390 = arith.constant 0 : i32
      %dma_wait3A_391 = arith.constant 0 : i32
      %dma_wait3A_392 = tpu.memref_slice %arg11[%dma_wait3A_390, %dma_wait3A_391] : memref<10000x128xf32, #tpu.memory_space<vmem_shared>> -> memref<10000x128xf32, #tpu.memory_space<vmem_shared>>
      tpu.wait_indirect_dma semaphore(%arg18 : memref<!tpu.dma_semaphore, #tpu.memory_space<semaphore_mem>>) src(%arg8 : memref<80x128xf32, #tpu.memory_space<vmem>>) dst(%dma_wait3A_392 : memref<10000x128xf32, #tpu.memory_space<vmem_shared>>)
      %dma_wait3A_393 = arith.constant 2 : i32
      %dma_wait3A_394 = arith.constant 0 : i32
      %dma_wait3A_395 = tpu.memref_slice %arg6[%dma_wait3A_393, %dma_wait3A_394] : memref<4x80xi32, #tpu.memory_space<vmem>> -> memref<1x80xi32, #tpu.memory_space<vmem>>
      %dma_wait3A_396 = tpu.memref_squeeze %dma_wait3A_395 : memref<1x80xi32, #tpu.memory_space<vmem>> -> memref<80xi32, #tpu.memory_space<vmem>>
      %dma_wait3A_397 = tpu.memref_slice %arg3[%mul3A_24] : memref<320000xi32, #tpu.memory_space<hbm>> -> memref<80xi32, #tpu.memory_space<hbm>>
      %dma_wait3A_398 = arith.constant 0 : i32
      %dma_wait3A_399 = tpu.memref_slice %arg6[%dma_wait3A_393, %dma_wait3A_398] : memref<4x80xi32, #tpu.memory_space<vmem>> -> memref<1x80xi32, #tpu.memory_space<vmem>>
      %dma_wait3A_400 = tpu.memref_squeeze %dma_wait3A_399 : memref<1x80xi32, #tpu.memory_space<vmem>> -> memref<80xi32, #tpu.memory_space<vmem>>
      %dma_wait3A_401 = tpu.memref_slice %arg3[%mul3A_24] : memref<320000xi32, #tpu.memory_space<hbm>> -> memref<80xi32, #tpu.memory_space<hbm>>
      tpu.wait_dma2 semaphore(%arg14 : memref<!tpu.dma_semaphore, #tpu.memory_space<semaphore_mem>>) src(%dma_wait3A_401 : memref<80xi32, #tpu.memory_space<hbm>>) dst(%dma_wait3A_400 : memref<80xi32, #tpu.memory_space<vmem>>)
      %dma_wait3A_402 = arith.constant 2 : i32
      %dma_wait3A_403 = arith.constant 0 : i32
      %dma_wait3A_404 = tpu.memref_slice %arg7[%dma_wait3A_402, %dma_wait3A_403] : memref<4x80xi32, #tpu.memory_space<vmem>> -> memref<1x80xi32, #tpu.memory_space<vmem>>
      %dma_wait3A_405 = tpu.memref_squeeze %dma_wait3A_404 : memref<1x80xi32, #tpu.memory_space<vmem>> -> memref<80xi32, #tpu.memory_space<vmem>>
      %dma_wait3A_406 = tpu.memref_slice %arg4[%mul3A_24] : memref<320000xi32, #tpu.memory_space<hbm>> -> memref<80xi32, #tpu.memory_space<hbm>>
      %dma_wait3A_407 = arith.constant 0 : i32
      %dma_wait3A_408 = tpu.memref_slice %arg7[%dma_wait3A_402, %dma_wait3A_407] : memref<4x80xi32, #tpu.memory_space<vmem>> -> memref<1x80xi32, #tpu.memory_space<vmem>>
      %dma_wait3A_409 = tpu.memref_squeeze %dma_wait3A_408 : memref<1x80xi32, #tpu.memory_space<vmem>> -> memref<80xi32, #tpu.memory_space<vmem>>
      %dma_wait3A_410 = tpu.memref_slice %arg4[%mul3A_24] : memref<320000xi32, #tpu.memory_space<hbm>> -> memref<80xi32, #tpu.memory_space<hbm>>
      tpu.wait_dma2 semaphore(%arg14 : memref<!tpu.dma_semaphore, #tpu.memory_space<semaphore_mem>>) src(%dma_wait3A_410 : memref<80xi32, #tpu.memory_space<hbm>>) dst(%dma_wait3A_409 : memref<80xi32, #tpu.memory_space<vmem>>)
      %dma_start3A_411 = arith.constant 2 : i32
      %dma_start3A_412 = arith.constant 0 : i32
      %dma_start3A_413 = tpu.memref_slice %arg6[%dma_start3A_411, %dma_start3A_412] : memref<4x80xi32, #tpu.memory_space<vmem>> -> memref<1x80xi32, #tpu.memory_space<vmem>>
      %dma_start3A_414 = tpu.memref_squeeze %dma_start3A_413 : memref<1x80xi32, #tpu.memory_space<vmem>> -> memref<80xi32, #tpu.memory_space<vmem>>
      %dma_start3A_415 = arith.constant 0 : i32
      %dma_start3A_416 = arith.constant 0 : i32
      %dma_start3A_417 = tpu.memref_slice %arg2[%dma_start3A_415, %dma_start3A_416] : memref<10000x128xf32, #tpu.memory_space<hbm>> -> memref<10000x128xf32, #tpu.memory_space<hbm>>
      tpu.enqueue_indirect_dma source(%dma_start3A_417 : memref<10000x128xf32, #tpu.memory_space<hbm>>) target(%arg8 : memref<80x128xf32, #tpu.memory_space<vmem>>) offsets(%dma_start3A_414 : memref<80xi32, #tpu.memory_space<vmem>>) semaphore(%arg16 : memref<!tpu.dma_semaphore, #tpu.memory_space<semaphore_mem>>)
      %dma_wait3A_418 = arith.constant 1 : i32
      %dma_wait3A_419 = arith.constant 0 : i32
      %dma_wait3A_420 = tpu.memref_slice %arg6[%dma_wait3A_418, %dma_wait3A_419] : memref<4x80xi32, #tpu.memory_space<vmem>> -> memref<1x80xi32, #tpu.memory_space<vmem>>
      %dma_wait3A_421 = tpu.memref_squeeze %dma_wait3A_420 : memref<1x80xi32, #tpu.memory_space<vmem>> -> memref<80xi32, #tpu.memory_space<vmem>>
      %dma_wait3A_422 = arith.constant 0 : i32
      %dma_wait3A_423 = arith.constant 0 : i32
      %dma_wait3A_424 = tpu.memref_slice %arg2[%dma_wait3A_422, %dma_wait3A_423] : memref<10000x128xf32, #tpu.memory_space<hbm>> -> memref<10000x128xf32, #tpu.memory_space<hbm>>
      tpu.wait_indirect_dma semaphore(%arg17 : memref<!tpu.dma_semaphore, #tpu.memory_space<semaphore_mem>>) src(%dma_wait3A_424 : memref<10000x128xf32, #tpu.memory_space<hbm>>) dst(%arg9 : memref<80x128xf32, #tpu.memory_space<vmem>>)
      %dma_start3A_425 = arith.constant 1 : i32
      %dma_start3A_426 = arith.constant 0 : i32
      %dma_start3A_427 = tpu.memref_slice %arg7[%dma_start3A_425, %dma_start3A_426] : memref<4x80xi32, #tpu.memory_space<vmem>> -> memref<1x80xi32, #tpu.memory_space<vmem>>
      %dma_start3A_428 = tpu.memref_squeeze %dma_start3A_427 : memref<1x80xi32, #tpu.memory_space<vmem>> -> memref<80xi32, #tpu.memory_space<vmem>>
      %dma_start3A_429 = arith.constant 0 : i32
      %dma_start3A_430 = arith.constant 0 : i32
      %dma_start3A_431 = tpu.memref_slice %arg11[%dma_start3A_429, %dma_start3A_430] : memref<10000x128xf32, #tpu.memory_space<vmem_shared>> -> memref<10000x128xf32, #tpu.memory_space<vmem_shared>>
      tpu.enqueue_indirect_dma source(%arg9 : memref<80x128xf32, #tpu.memory_space<vmem>>) target(%dma_start3A_431 : memref<10000x128xf32, #tpu.memory_space<vmem_shared>>) offsets(%dma_start3A_428 : memref<80xi32, #tpu.memory_space<vmem>>) semaphore(%arg19 : memref<!tpu.dma_semaphore, #tpu.memory_space<semaphore_mem>>) {add = true}
      %add3A_432 = arith.constant 3 : i32
      %add3A_433 = arith.addi %add3A_385, %add3A_432 : i32
      %mul3A_434 = arith.constant 80 : i32
      %mul3A_435 = arith.muli %add3A_433, %mul3A_434 : i32
      %add3A_436 = arith.addi %mul3A_24, %mul3A_435 : i32
      %dma_start3A_437 = arith.constant 0 : i32
      %dma_start3A_438 = arith.constant 0 : i32
      %dma_start3A_439 = tpu.memref_slice %arg6[%dma_start3A_437, %dma_start3A_438] : memref<4x80xi32, #tpu.memory_space<vmem>> -> memref<1x80xi32, #tpu.memory_space<vmem>>
      %dma_start3A_440 = tpu.memref_squeeze %dma_start3A_439 : memref<1x80xi32, #tpu.memory_space<vmem>> -> memref<80xi32, #tpu.memory_space<vmem>>
      %dma_start3A_441 = tpu.memref_slice %arg3[%add3A_436] : memref<320000xi32, #tpu.memory_space<hbm>> -> memref<80xi32, #tpu.memory_space<hbm>>
      %dma_start3A_442 = arith.constant 0 : i32
      %dma_start3A_443 = tpu.memref_slice %arg6[%dma_start3A_437, %dma_start3A_442] : memref<4x80xi32, #tpu.memory_space<vmem>> -> memref<1x80xi32, #tpu.memory_space<vmem>>
      %dma_start3A_444 = tpu.memref_squeeze %dma_start3A_443 : memref<1x80xi32, #tpu.memory_space<vmem>> -> memref<80xi32, #tpu.memory_space<vmem>>
      %dma_start3A_445 = tpu.memref_slice %arg3[%add3A_436] : memref<320000xi32, #tpu.memory_space<hbm>> -> memref<80xi32, #tpu.memory_space<hbm>>
      tpu.enqueue_dma source(%dma_start3A_445 : memref<80xi32, #tpu.memory_space<hbm>>) target(%dma_start3A_444 : memref<80xi32, #tpu.memory_space<vmem>>) target_semaphore(%arg12 : memref<!tpu.dma_semaphore, #tpu.memory_space<semaphore_mem>>)
      %dma_start3A_446 = arith.constant 0 : i32
      %dma_start3A_447 = arith.constant 0 : i32
      %dma_start3A_448 = tpu.memref_slice %arg7[%dma_start3A_446, %dma_start3A_447] : memref<4x80xi32, #tpu.memory_space<vmem>> -> memref<1x80xi32, #tpu.memory_space<vmem>>
      %dma_start3A_449 = tpu.memref_squeeze %dma_start3A_448 : memref<1x80xi32, #tpu.memory_space<vmem>> -> memref<80xi32, #tpu.memory_space<vmem>>
      %dma_start3A_450 = tpu.memref_slice %arg4[%add3A_436] : memref<320000xi32, #tpu.memory_space<hbm>> -> memref<80xi32, #tpu.memory_space<hbm>>
      %dma_start3A_451 = arith.constant 0 : i32
      %dma_start3A_452 = tpu.memref_slice %arg7[%dma_start3A_446, %dma_start3A_451] : memref<4x80xi32, #tpu.memory_space<vmem>> -> memref<1x80xi32, #tpu.memory_space<vmem>>
      %dma_start3A_453 = tpu.memref_squeeze %dma_start3A_452 : memref<1x80xi32, #tpu.memory_space<vmem>> -> memref<80xi32, #tpu.memory_space<vmem>>
      %dma_start3A_454 = tpu.memref_slice %arg4[%add3A_436] : memref<320000xi32, #tpu.memory_space<hbm>> -> memref<80xi32, #tpu.memory_space<hbm>>
      tpu.enqueue_dma source(%dma_start3A_454 : memref<80xi32, #tpu.memory_space<hbm>>) target(%dma_start3A_453 : memref<80xi32, #tpu.memory_space<vmem>>) target_semaphore(%arg12 : memref<!tpu.dma_semaphore, #tpu.memory_space<semaphore_mem>>)
      %mul3A_455 = arith.constant 4 : i32
      %mul3A_456 = arith.muli %mul3A_455, %scan3A_380 : i32
      %add3A_457 = arith.constant 2 : i32
      %add3A_458 = arith.addi %mul3A_456, %add3A_457 : i32
      %dma_wait3A_459 = arith.constant 1 : i32
      %dma_wait3A_460 = arith.constant 0 : i32
      %dma_wait3A_461 = tpu.memref_slice %arg7[%dma_wait3A_459, %dma_wait3A_460] : memref<4x80xi32, #tpu.memory_space<vmem>> -> memref<1x80xi32, #tpu.memory_space<vmem>>
      %dma_wait3A_462 = tpu.memref_squeeze %dma_wait3A_461 : memref<1x80xi32, #tpu.memory_space<vmem>> -> memref<80xi32, #tpu.memory_space<vmem>>
      %dma_wait3A_463 = arith.constant 0 : i32
      %dma_wait3A_464 = arith.constant 0 : i32
      %dma_wait3A_465 = tpu.memref_slice %arg11[%dma_wait3A_463, %dma_wait3A_464] : memref<10000x128xf32, #tpu.memory_space<vmem_shared>> -> memref<10000x128xf32, #tpu.memory_space<vmem_shared>>
      tpu.wait_indirect_dma semaphore(%arg19 : memref<!tpu.dma_semaphore, #tpu.memory_space<semaphore_mem>>) src(%arg9 : memref<80x128xf32, #tpu.memory_space<vmem>>) dst(%dma_wait3A_465 : memref<10000x128xf32, #tpu.memory_space<vmem_shared>>)
      %dma_wait3A_466 = arith.constant 3 : i32
      %dma_wait3A_467 = arith.constant 0 : i32
      %dma_wait3A_468 = tpu.memref_slice %arg6[%dma_wait3A_466, %dma_wait3A_467] : memref<4x80xi32, #tpu.memory_space<vmem>> -> memref<1x80xi32, #tpu.memory_space<vmem>>
      %dma_wait3A_469 = tpu.memref_squeeze %dma_wait3A_468 : memref<1x80xi32, #tpu.memory_space<vmem>> -> memref<80xi32, #tpu.memory_space<vmem>>
      %dma_wait3A_470 = tpu.memref_slice %arg3[%mul3A_24] : memref<320000xi32, #tpu.memory_space<hbm>> -> memref<80xi32, #tpu.memory_space<hbm>>
      %dma_wait3A_471 = arith.constant 0 : i32
      %dma_wait3A_472 = tpu.memref_slice %arg6[%dma_wait3A_466, %dma_wait3A_471] : memref<4x80xi32, #tpu.memory_space<vmem>> -> memref<1x80xi32, #tpu.memory_space<vmem>>
      %dma_wait3A_473 = tpu.memref_squeeze %dma_wait3A_472 : memref<1x80xi32, #tpu.memory_space<vmem>> -> memref<80xi32, #tpu.memory_space<vmem>>
      %dma_wait3A_474 = tpu.memref_slice %arg3[%mul3A_24] : memref<320000xi32, #tpu.memory_space<hbm>> -> memref<80xi32, #tpu.memory_space<hbm>>
      tpu.wait_dma2 semaphore(%arg15 : memref<!tpu.dma_semaphore, #tpu.memory_space<semaphore_mem>>) src(%dma_wait3A_474 : memref<80xi32, #tpu.memory_space<hbm>>) dst(%dma_wait3A_473 : memref<80xi32, #tpu.memory_space<vmem>>)
      %dma_wait3A_475 = arith.constant 3 : i32
      %dma_wait3A_476 = arith.constant 0 : i32
      %dma_wait3A_477 = tpu.memref_slice %arg7[%dma_wait3A_475, %dma_wait3A_476] : memref<4x80xi32, #tpu.memory_space<vmem>> -> memref<1x80xi32, #tpu.memory_space<vmem>>
      %dma_wait3A_478 = tpu.memref_squeeze %dma_wait3A_477 : memref<1x80xi32, #tpu.memory_space<vmem>> -> memref<80xi32, #tpu.memory_space<vmem>>
      %dma_wait3A_479 = tpu.memref_slice %arg4[%mul3A_24] : memref<320000xi32, #tpu.memory_space<hbm>> -> memref<80xi32, #tpu.memory_space<hbm>>
      %dma_wait3A_480 = arith.constant 0 : i32
      %dma_wait3A_481 = tpu.memref_slice %arg7[%dma_wait3A_475, %dma_wait3A_480] : memref<4x80xi32, #tpu.memory_space<vmem>> -> memref<1x80xi32, #tpu.memory_space<vmem>>
      %dma_wait3A_482 = tpu.memref_squeeze %dma_wait3A_481 : memref<1x80xi32, #tpu.memory_space<vmem>> -> memref<80xi32, #tpu.memory_space<vmem>>
      %dma_wait3A_483 = tpu.memref_slice %arg4[%mul3A_24] : memref<320000xi32, #tpu.memory_space<hbm>> -> memref<80xi32, #tpu.memory_space<hbm>>
      tpu.wait_dma2 semaphore(%arg15 : memref<!tpu.dma_semaphore, #tpu.memory_space<semaphore_mem>>) src(%dma_wait3A_483 : memref<80xi32, #tpu.memory_space<hbm>>) dst(%dma_wait3A_482 : memref<80xi32, #tpu.memory_space<vmem>>)
      %dma_start3A_484 = arith.constant 3 : i32
      %dma_start3A_485 = arith.constant 0 : i32
      %dma_start3A_486 = tpu.memref_slice %arg6[%dma_start3A_484, %dma_start3A_485] : memref<4x80xi32, #tpu.memory_space<vmem>> -> memref<1x80xi32, #tpu.memory_space<vmem>>
      %dma_start3A_487 = tpu.memref_squeeze %dma_start3A_486 : memref<1x80xi32, #tpu.memory_space<vmem>> -> memref<80xi32, #tpu.memory_space<vmem>>
      %dma_start3A_488 = arith.constant 0 : i32
      %dma_start3A_489 = arith.constant 0 : i32
      %dma_start3A_490 = tpu.memref_slice %arg2[%dma_start3A_488, %dma_start3A_489] : memref<10000x128xf32, #tpu.memory_space<hbm>> -> memref<10000x128xf32, #tpu.memory_space<hbm>>
      tpu.enqueue_indirect_dma source(%dma_start3A_490 : memref<10000x128xf32, #tpu.memory_space<hbm>>) target(%arg9 : memref<80x128xf32, #tpu.memory_space<vmem>>) offsets(%dma_start3A_487 : memref<80xi32, #tpu.memory_space<vmem>>) semaphore(%arg17 : memref<!tpu.dma_semaphore, #tpu.memory_space<semaphore_mem>>)
      %dma_wait3A_491 = arith.constant 2 : i32
      %dma_wait3A_492 = arith.constant 0 : i32
      %dma_wait3A_493 = tpu.memref_slice %arg6[%dma_wait3A_491, %dma_wait3A_492] : memref<4x80xi32, #tpu.memory_space<vmem>> -> memref<1x80xi32, #tpu.memory_space<vmem>>
      %dma_wait3A_494 = tpu.memref_squeeze %dma_wait3A_493 : memref<1x80xi32, #tpu.memory_space<vmem>> -> memref<80xi32, #tpu.memory_space<vmem>>
      %dma_wait3A_495 = arith.constant 0 : i32
      %dma_wait3A_496 = arith.constant 0 : i32
      %dma_wait3A_497 = tpu.memref_slice %arg2[%dma_wait3A_495, %dma_wait3A_496] : memref<10000x128xf32, #tpu.memory_space<hbm>> -> memref<10000x128xf32, #tpu.memory_space<hbm>>
      tpu.wait_indirect_dma semaphore(%arg16 : memref<!tpu.dma_semaphore, #tpu.memory_space<semaphore_mem>>) src(%dma_wait3A_497 : memref<10000x128xf32, #tpu.memory_space<hbm>>) dst(%arg8 : memref<80x128xf32, #tpu.memory_space<vmem>>)
      %dma_start3A_498 = arith.constant 2 : i32
      %dma_start3A_499 = arith.constant 0 : i32
      %dma_start3A_500 = tpu.memref_slice %arg7[%dma_start3A_498, %dma_start3A_499] : memref<4x80xi32, #tpu.memory_space<vmem>> -> memref<1x80xi32, #tpu.memory_space<vmem>>
      %dma_start3A_501 = tpu.memref_squeeze %dma_start3A_500 : memref<1x80xi32, #tpu.memory_space<vmem>> -> memref<80xi32, #tpu.memory_space<vmem>>
      %dma_start3A_502 = arith.constant 0 : i32
      %dma_start3A_503 = arith.constant 0 : i32
      %dma_start3A_504 = tpu.memref_slice %arg11[%dma_start3A_502, %dma_start3A_503] : memref<10000x128xf32, #tpu.memory_space<vmem_shared>> -> memref<10000x128xf32, #tpu.memory_space<vmem_shared>>
      tpu.enqueue_indirect_dma source(%arg8 : memref<80x128xf32, #tpu.memory_space<vmem>>) target(%dma_start3A_504 : memref<10000x128xf32, #tpu.memory_space<vmem_shared>>) offsets(%dma_start3A_501 : memref<80xi32, #tpu.memory_space<vmem>>) semaphore(%arg18 : memref<!tpu.dma_semaphore, #tpu.memory_space<semaphore_mem>>) {add = true}
      %add3A_505 = arith.constant 3 : i32
      %add3A_506 = arith.addi %add3A_458, %add3A_505 : i32
      %mul3A_507 = arith.constant 80 : i32
      %mul3A_508 = arith.muli %add3A_506, %mul3A_507 : i32
      %add3A_509 = arith.addi %mul3A_24, %mul3A_508 : i32
      %dma_start3A_510 = arith.constant 1 : i32
      %dma_start3A_511 = arith.constant 0 : i32
      %dma_start3A_512 = tpu.memref_slice %arg6[%dma_start3A_510, %dma_start3A_511] : memref<4x80xi32, #tpu.memory_space<vmem>> -> memref<1x80xi32, #tpu.memory_space<vmem>>
      %dma_start3A_513 = tpu.memref_squeeze %dma_start3A_512 : memref<1x80xi32, #tpu.memory_space<vmem>> -> memref<80xi32, #tpu.memory_space<vmem>>
      %dma_start3A_514 = tpu.memref_slice %arg3[%add3A_509] : memref<320000xi32, #tpu.memory_space<hbm>> -> memref<80xi32, #tpu.memory_space<hbm>>
      %dma_start3A_515 = arith.constant 0 : i32
      %dma_start3A_516 = tpu.memref_slice %arg6[%dma_start3A_510, %dma_start3A_515] : memref<4x80xi32, #tpu.memory_space<vmem>> -> memref<1x80xi32, #tpu.memory_space<vmem>>
      %dma_start3A_517 = tpu.memref_squeeze %dma_start3A_516 : memref<1x80xi32, #tpu.memory_space<vmem>> -> memref<80xi32, #tpu.memory_space<vmem>>
      %dma_start3A_518 = tpu.memref_slice %arg3[%add3A_509] : memref<320000xi32, #tpu.memory_space<hbm>> -> memref<80xi32, #tpu.memory_space<hbm>>
      tpu.enqueue_dma source(%dma_start3A_518 : memref<80xi32, #tpu.memory_space<hbm>>) target(%dma_start3A_517 : memref<80xi32, #tpu.memory_space<vmem>>) target_semaphore(%arg13 : memref<!tpu.dma_semaphore, #tpu.memory_space<semaphore_mem>>)
      %dma_start3A_519 = arith.constant 1 : i32
      %dma_start3A_520 = arith.constant 0 : i32
      %dma_start3A_521 = tpu.memref_slice %arg7[%dma_start3A_519, %dma_start3A_520] : memref<4x80xi32, #tpu.memory_space<vmem>> -> memref<1x80xi32, #tpu.memory_space<vmem>>
      %dma_start3A_522 = tpu.memref_squeeze %dma_start3A_521 : memref<1x80xi32, #tpu.memory_space<vmem>> -> memref<80xi32, #tpu.memory_space<vmem>>
      %dma_start3A_523 = tpu.memref_slice %arg4[%add3A_509] : memref<320000xi32, #tpu.memory_space<hbm>> -> memref<80xi32, #tpu.memory_space<hbm>>
      %dma_start3A_524 = arith.constant 0 : i32
      %dma_start3A_525 = tpu.memref_slice %arg7[%dma_start3A_519, %dma_start3A_524] : memref<4x80xi32, #tpu.memory_space<vmem>> -> memref<1x80xi32, #tpu.memory_space<vmem>>
      %dma_start3A_526 = tpu.memref_squeeze %dma_start3A_525 : memref<1x80xi32, #tpu.memory_space<vmem>> -> memref<80xi32, #tpu.memory_space<vmem>>
      %dma_start3A_527 = tpu.memref_slice %arg4[%add3A_509] : memref<320000xi32, #tpu.memory_space<hbm>> -> memref<80xi32, #tpu.memory_space<hbm>>
      tpu.enqueue_dma source(%dma_start3A_527 : memref<80xi32, #tpu.memory_space<hbm>>) target(%dma_start3A_526 : memref<80xi32, #tpu.memory_space<vmem>>) target_semaphore(%arg13 : memref<!tpu.dma_semaphore, #tpu.memory_space<semaphore_mem>>)
      %mul3A_528 = arith.constant 4 : i32
      %mul3A_529 = arith.muli %mul3A_528, %scan3A_380 : i32
      %add3A_530 = arith.constant 3 : i32
      %add3A_531 = arith.addi %mul3A_529, %add3A_530 : i32
      %dma_wait3A_532 = arith.constant 2 : i32
      %dma_wait3A_533 = arith.constant 0 : i32
      %dma_wait3A_534 = tpu.memref_slice %arg7[%dma_wait3A_532, %dma_wait3A_533] : memref<4x80xi32, #tpu.memory_space<vmem>> -> memref<1x80xi32, #tpu.memory_space<vmem>>
      %dma_wait3A_535 = tpu.memref_squeeze %dma_wait3A_534 : memref<1x80xi32, #tpu.memory_space<vmem>> -> memref<80xi32, #tpu.memory_space<vmem>>
      %dma_wait3A_536 = arith.constant 0 : i32
      %dma_wait3A_537 = arith.constant 0 : i32
      %dma_wait3A_538 = tpu.memref_slice %arg11[%dma_wait3A_536, %dma_wait3A_537] : memref<10000x128xf32, #tpu.memory_space<vmem_shared>> -> memref<10000x128xf32, #tpu.memory_space<vmem_shared>>
      tpu.wait_indirect_dma semaphore(%arg18 : memref<!tpu.dma_semaphore, #tpu.memory_space<semaphore_mem>>) src(%arg8 : memref<80x128xf32, #tpu.memory_space<vmem>>) dst(%dma_wait3A_538 : memref<10000x128xf32, #tpu.memory_space<vmem_shared>>)
      %dma_wait3A_539 = arith.constant 0 : i32
      %dma_wait3A_540 = arith.constant 0 : i32
      %dma_wait3A_541 = tpu.memref_slice %arg6[%dma_wait3A_539, %dma_wait3A_540] : memref<4x80xi32, #tpu.memory_space<vmem>> -> memref<1x80xi32, #tpu.memory_space<vmem>>
      %dma_wait3A_542 = tpu.memref_squeeze %dma_wait3A_541 : memref<1x80xi32, #tpu.memory_space<vmem>> -> memref<80xi32, #tpu.memory_space<vmem>>
      %dma_wait3A_543 = tpu.memref_slice %arg3[%mul3A_24] : memref<320000xi32, #tpu.memory_space<hbm>> -> memref<80xi32, #tpu.memory_space<hbm>>
      %dma_wait3A_544 = arith.constant 0 : i32
      %dma_wait3A_545 = tpu.memref_slice %arg6[%dma_wait3A_539, %dma_wait3A_544] : memref<4x80xi32, #tpu.memory_space<vmem>> -> memref<1x80xi32, #tpu.memory_space<vmem>>
      %dma_wait3A_546 = tpu.memref_squeeze %dma_wait3A_545 : memref<1x80xi32, #tpu.memory_space<vmem>> -> memref<80xi32, #tpu.memory_space<vmem>>
      %dma_wait3A_547 = tpu.memref_slice %arg3[%mul3A_24] : memref<320000xi32, #tpu.memory_space<hbm>> -> memref<80xi32, #tpu.memory_space<hbm>>
      tpu.wait_dma2 semaphore(%arg12 : memref<!tpu.dma_semaphore, #tpu.memory_space<semaphore_mem>>) src(%dma_wait3A_547 : memref<80xi32, #tpu.memory_space<hbm>>) dst(%dma_wait3A_546 : memref<80xi32, #tpu.memory_space<vmem>>)
      %dma_wait3A_548 = arith.constant 0 : i32
      %dma_wait3A_549 = arith.constant 0 : i32
      %dma_wait3A_550 = tpu.memref_slice %arg7[%dma_wait3A_548, %dma_wait3A_549] : memref<4x80xi32, #tpu.memory_space<vmem>> -> memref<1x80xi32, #tpu.memory_space<vmem>>
      %dma_wait3A_551 = tpu.memref_squeeze %dma_wait3A_550 : memref<1x80xi32, #tpu.memory_space<vmem>> -> memref<80xi32, #tpu.memory_space<vmem>>
      %dma_wait3A_552 = tpu.memref_slice %arg4[%mul3A_24] : memref<320000xi32, #tpu.memory_space<hbm>> -> memref<80xi32, #tpu.memory_space<hbm>>
      %dma_wait3A_553 = arith.constant 0 : i32
      %dma_wait3A_554 = tpu.memref_slice %arg7[%dma_wait3A_548, %dma_wait3A_553] : memref<4x80xi32, #tpu.memory_space<vmem>> -> memref<1x80xi32, #tpu.memory_space<vmem>>
      %dma_wait3A_555 = tpu.memref_squeeze %dma_wait3A_554 : memref<1x80xi32, #tpu.memory_space<vmem>> -> memref<80xi32, #tpu.memory_space<vmem>>
      %dma_wait3A_556 = tpu.memref_slice %arg4[%mul3A_24] : memref<320000xi32, #tpu.memory_space<hbm>> -> memref<80xi32, #tpu.memory_space<hbm>>
      tpu.wait_dma2 semaphore(%arg12 : memref<!tpu.dma_semaphore, #tpu.memory_space<semaphore_mem>>) src(%dma_wait3A_556 : memref<80xi32, #tpu.memory_space<hbm>>) dst(%dma_wait3A_555 : memref<80xi32, #tpu.memory_space<vmem>>)
      %dma_start3A_557 = arith.constant 0 : i32
      %dma_start3A_558 = arith.constant 0 : i32
      %dma_start3A_559 = tpu.memref_slice %arg6[%dma_start3A_557, %dma_start3A_558] : memref<4x80xi32, #tpu.memory_space<vmem>> -> memref<1x80xi32, #tpu.memory_space<vmem>>
      %dma_start3A_560 = tpu.memref_squeeze %dma_start3A_559 : memref<1x80xi32, #tpu.memory_space<vmem>> -> memref<80xi32, #tpu.memory_space<vmem>>
      %dma_start3A_561 = arith.constant 0 : i32
      %dma_start3A_562 = arith.constant 0 : i32
      %dma_start3A_563 = tpu.memref_slice %arg2[%dma_start3A_561, %dma_start3A_562] : memref<10000x128xf32, #tpu.memory_space<hbm>> -> memref<10000x128xf32, #tpu.memory_space<hbm>>
      tpu.enqueue_indirect_dma source(%dma_start3A_563 : memref<10000x128xf32, #tpu.memory_space<hbm>>) target(%arg8 : memref<80x128xf32, #tpu.memory_space<vmem>>) offsets(%dma_start3A_560 : memref<80xi32, #tpu.memory_space<vmem>>) semaphore(%arg16 : memref<!tpu.dma_semaphore, #tpu.memory_space<semaphore_mem>>)
      %dma_wait3A_564 = arith.constant 3 : i32
      %dma_wait3A_565 = arith.constant 0 : i32
      %dma_wait3A_566 = tpu.memref_slice %arg6[%dma_wait3A_564, %dma_wait3A_565] : memref<4x80xi32, #tpu.memory_space<vmem>> -> memref<1x80xi32, #tpu.memory_space<vmem>>
      %dma_wait3A_567 = tpu.memref_squeeze %dma_wait3A_566 : memref<1x80xi32, #tpu.memory_space<vmem>> -> memref<80xi32, #tpu.memory_space<vmem>>
      %dma_wait3A_568 = arith.constant 0 : i32
      %dma_wait3A_569 = arith.constant 0 : i32
      %dma_wait3A_570 = tpu.memref_slice %arg2[%dma_wait3A_568, %dma_wait3A_569] : memref<10000x128xf32, #tpu.memory_space<hbm>> -> memref<10000x128xf32, #tpu.memory_space<hbm>>
      tpu.wait_indirect_dma semaphore(%arg17 : memref<!tpu.dma_semaphore, #tpu.memory_space<semaphore_mem>>) src(%dma_wait3A_570 : memref<10000x128xf32, #tpu.memory_space<hbm>>) dst(%arg9 : memref<80x128xf32, #tpu.memory_space<vmem>>)
      %dma_start3A_571 = arith.constant 3 : i32
      %dma_start3A_572 = arith.constant 0 : i32
      %dma_start3A_573 = tpu.memref_slice %arg7[%dma_start3A_571, %dma_start3A_572] : memref<4x80xi32, #tpu.memory_space<vmem>> -> memref<1x80xi32, #tpu.memory_space<vmem>>
      %dma_start3A_574 = tpu.memref_squeeze %dma_start3A_573 : memref<1x80xi32, #tpu.memory_space<vmem>> -> memref<80xi32, #tpu.memory_space<vmem>>
      %dma_start3A_575 = arith.constant 0 : i32
      %dma_start3A_576 = arith.constant 0 : i32
      %dma_start3A_577 = tpu.memref_slice %arg11[%dma_start3A_575, %dma_start3A_576] : memref<10000x128xf32, #tpu.memory_space<vmem_shared>> -> memref<10000x128xf32, #tpu.memory_space<vmem_shared>>
      tpu.enqueue_indirect_dma source(%arg9 : memref<80x128xf32, #tpu.memory_space<vmem>>) target(%dma_start3A_577 : memref<10000x128xf32, #tpu.memory_space<vmem_shared>>) offsets(%dma_start3A_574 : memref<80xi32, #tpu.memory_space<vmem>>) semaphore(%arg19 : memref<!tpu.dma_semaphore, #tpu.memory_space<semaphore_mem>>) {add = true}
      %add3A_578 = arith.constant 3 : i32
      %add3A_579 = arith.addi %add3A_531, %add3A_578 : i32
      %mul3A_580 = arith.constant 80 : i32
      %mul3A_581 = arith.muli %add3A_579, %mul3A_580 : i32
      %add3A_582 = arith.addi %mul3A_24, %mul3A_581 : i32
      %dma_start3A_583 = arith.constant 2 : i32
      %dma_start3A_584 = arith.constant 0 : i32
      %dma_start3A_585 = tpu.memref_slice %arg6[%dma_start3A_583, %dma_start3A_584] : memref<4x80xi32, #tpu.memory_space<vmem>> -> memref<1x80xi32, #tpu.memory_space<vmem>>
      %dma_start3A_586 = tpu.memref_squeeze %dma_start3A_585 : memref<1x80xi32, #tpu.memory_space<vmem>> -> memref<80xi32, #tpu.memory_space<vmem>>
      %dma_start3A_587 = tpu.memref_slice %arg3[%add3A_582] : memref<320000xi32, #tpu.memory_space<hbm>> -> memref<80xi32, #tpu.memory_space<hbm>>
      %dma_start3A_588 = arith.constant 0 : i32
      %dma_start3A_589 = tpu.memref_slice %arg6[%dma_start3A_583, %dma_start3A_588] : memref<4x80xi32, #tpu.memory_space<vmem>> -> memref<1x80xi32, #tpu.memory_space<vmem>>
      %dma_start3A_590 = tpu.memref_squeeze %dma_start3A_589 : memref<1x80xi32, #tpu.memory_space<vmem>> -> memref<80xi32, #tpu.memory_space<vmem>>
      %dma_start3A_591 = tpu.memref_slice %arg3[%add3A_582] : memref<320000xi32, #tpu.memory_space<hbm>> -> memref<80xi32, #tpu.memory_space<hbm>>
      tpu.enqueue_dma source(%dma_start3A_591 : memref<80xi32, #tpu.memory_space<hbm>>) target(%dma_start3A_590 : memref<80xi32, #tpu.memory_space<vmem>>) target_semaphore(%arg14 : memref<!tpu.dma_semaphore, #tpu.memory_space<semaphore_mem>>)
      %dma_start3A_592 = arith.constant 2 : i32
      %dma_start3A_593 = arith.constant 0 : i32
      %dma_start3A_594 = tpu.memref_slice %arg7[%dma_start3A_592, %dma_start3A_593] : memref<4x80xi32, #tpu.memory_space<vmem>> -> memref<1x80xi32, #tpu.memory_space<vmem>>
      %dma_start3A_595 = tpu.memref_squeeze %dma_start3A_594 : memref<1x80xi32, #tpu.memory_space<vmem>> -> memref<80xi32, #tpu.memory_space<vmem>>
      %dma_start3A_596 = tpu.memref_slice %arg4[%add3A_582] : memref<320000xi32, #tpu.memory_space<hbm>> -> memref<80xi32, #tpu.memory_space<hbm>>
      %dma_start3A_597 = arith.constant 0 : i32
      %dma_start3A_598 = tpu.memref_slice %arg7[%dma_start3A_592, %dma_start3A_597] : memref<4x80xi32, #tpu.memory_space<vmem>> -> memref<1x80xi32, #tpu.memory_space<vmem>>
      %dma_start3A_599 = tpu.memref_squeeze %dma_start3A_598 : memref<1x80xi32, #tpu.memory_space<vmem>> -> memref<80xi32, #tpu.memory_space<vmem>>
      %dma_start3A_600 = tpu.memref_slice %arg4[%add3A_582] : memref<320000xi32, #tpu.memory_space<hbm>> -> memref<80xi32, #tpu.memory_space<hbm>>
      tpu.enqueue_dma source(%dma_start3A_600 : memref<80xi32, #tpu.memory_space<hbm>>) target(%dma_start3A_599 : memref<80xi32, #tpu.memory_space<vmem>>) target_semaphore(%arg14 : memref<!tpu.dma_semaphore, #tpu.memory_space<semaphore_mem>>)
      %mul3A_601 = arith.constant 4 : i32
      %mul3A_602 = arith.muli %mul3A_601, %scan3A_380 : i32
      %add3A_603 = arith.constant 4 : i32
      %add3A_604 = arith.addi %mul3A_602, %add3A_603 : i32
      %dma_wait3A_605 = arith.constant 3 : i32
      %dma_wait3A_606 = arith.constant 0 : i32
      %dma_wait3A_607 = tpu.memref_slice %arg7[%dma_wait3A_605, %dma_wait3A_606] : memref<4x80xi32, #tpu.memory_space<vmem>> -> memref<1x80xi32, #tpu.memory_space<vmem>>
      %dma_wait3A_608 = tpu.memref_squeeze %dma_wait3A_607 : memref<1x80xi32, #tpu.memory_space<vmem>> -> memref<80xi32, #tpu.memory_space<vmem>>
      %dma_wait3A_609 = arith.constant 0 : i32
      %dma_wait3A_610 = arith.constant 0 : i32
      %dma_wait3A_611 = tpu.memref_slice %arg11[%dma_wait3A_609, %dma_wait3A_610] : memref<10000x128xf32, #tpu.memory_space<vmem_shared>> -> memref<10000x128xf32, #tpu.memory_space<vmem_shared>>
      tpu.wait_indirect_dma semaphore(%arg19 : memref<!tpu.dma_semaphore, #tpu.memory_space<semaphore_mem>>) src(%arg9 : memref<80x128xf32, #tpu.memory_space<vmem>>) dst(%dma_wait3A_611 : memref<10000x128xf32, #tpu.memory_space<vmem_shared>>)
      %dma_wait3A_612 = arith.constant 1 : i32
      %dma_wait3A_613 = arith.constant 0 : i32
      %dma_wait3A_614 = tpu.memref_slice %arg6[%dma_wait3A_612, %dma_wait3A_613] : memref<4x80xi32, #tpu.memory_space<vmem>> -> memref<1x80xi32, #tpu.memory_space<vmem>>
      %dma_wait3A_615 = tpu.memref_squeeze %dma_wait3A_614 : memref<1x80xi32, #tpu.memory_space<vmem>> -> memref<80xi32, #tpu.memory_space<vmem>>
      %dma_wait3A_616 = tpu.memref_slice %arg3[%mul3A_24] : memref<320000xi32, #tpu.memory_space<hbm>> -> memref<80xi32, #tpu.memory_space<hbm>>
      %dma_wait3A_617 = arith.constant 0 : i32
      %dma_wait3A_618 = tpu.memref_slice %arg6[%dma_wait3A_612, %dma_wait3A_617] : memref<4x80xi32, #tpu.memory_space<vmem>> -> memref<1x80xi32, #tpu.memory_space<vmem>>
      %dma_wait3A_619 = tpu.memref_squeeze %dma_wait3A_618 : memref<1x80xi32, #tpu.memory_space<vmem>> -> memref<80xi32, #tpu.memory_space<vmem>>
      %dma_wait3A_620 = tpu.memref_slice %arg3[%mul3A_24] : memref<320000xi32, #tpu.memory_space<hbm>> -> memref<80xi32, #tpu.memory_space<hbm>>
      tpu.wait_dma2 semaphore(%arg13 : memref<!tpu.dma_semaphore, #tpu.memory_space<semaphore_mem>>) src(%dma_wait3A_620 : memref<80xi32, #tpu.memory_space<hbm>>) dst(%dma_wait3A_619 : memref<80xi32, #tpu.memory_space<vmem>>)
      %dma_wait3A_621 = arith.constant 1 : i32
      %dma_wait3A_622 = arith.constant 0 : i32
      %dma_wait3A_623 = tpu.memref_slice %arg7[%dma_wait3A_621, %dma_wait3A_622] : memref<4x80xi32, #tpu.memory_space<vmem>> -> memref<1x80xi32, #tpu.memory_space<vmem>>
      %dma_wait3A_624 = tpu.memref_squeeze %dma_wait3A_623 : memref<1x80xi32, #tpu.memory_space<vmem>> -> memref<80xi32, #tpu.memory_space<vmem>>
      %dma_wait3A_625 = tpu.memref_slice %arg4[%mul3A_24] : memref<320000xi32, #tpu.memory_space<hbm>> -> memref<80xi32, #tpu.memory_space<hbm>>
      %dma_wait3A_626 = arith.constant 0 : i32
      %dma_wait3A_627 = tpu.memref_slice %arg7[%dma_wait3A_621, %dma_wait3A_626] : memref<4x80xi32, #tpu.memory_space<vmem>> -> memref<1x80xi32, #tpu.memory_space<vmem>>
      %dma_wait3A_628 = tpu.memref_squeeze %dma_wait3A_627 : memref<1x80xi32, #tpu.memory_space<vmem>> -> memref<80xi32, #tpu.memory_space<vmem>>
      %dma_wait3A_629 = tpu.memref_slice %arg4[%mul3A_24] : memref<320000xi32, #tpu.memory_space<hbm>> -> memref<80xi32, #tpu.memory_space<hbm>>
      tpu.wait_dma2 semaphore(%arg13 : memref<!tpu.dma_semaphore, #tpu.memory_space<semaphore_mem>>) src(%dma_wait3A_629 : memref<80xi32, #tpu.memory_space<hbm>>) dst(%dma_wait3A_628 : memref<80xi32, #tpu.memory_space<vmem>>)
      %dma_start3A_630 = arith.constant 1 : i32
      %dma_start3A_631 = arith.constant 0 : i32
      %dma_start3A_632 = tpu.memref_slice %arg6[%dma_start3A_630, %dma_start3A_631] : memref<4x80xi32, #tpu.memory_space<vmem>> -> memref<1x80xi32, #tpu.memory_space<vmem>>
      %dma_start3A_633 = tpu.memref_squeeze %dma_start3A_632 : memref<1x80xi32, #tpu.memory_space<vmem>> -> memref<80xi32, #tpu.memory_space<vmem>>
      %dma_start3A_634 = arith.constant 0 : i32
      %dma_start3A_635 = arith.constant 0 : i32
      %dma_start3A_636 = tpu.memref_slice %arg2[%dma_start3A_634, %dma_start3A_635] : memref<10000x128xf32, #tpu.memory_space<hbm>> -> memref<10000x128xf32, #tpu.memory_space<hbm>>
      tpu.enqueue_indirect_dma source(%dma_start3A_636 : memref<10000x128xf32, #tpu.memory_space<hbm>>) target(%arg9 : memref<80x128xf32, #tpu.memory_space<vmem>>) offsets(%dma_start3A_633 : memref<80xi32, #tpu.memory_space<vmem>>) semaphore(%arg17 : memref<!tpu.dma_semaphore, #tpu.memory_space<semaphore_mem>>)
      %dma_wait3A_637 = arith.constant 0 : i32
      %dma_wait3A_638 = arith.constant 0 : i32
      %dma_wait3A_639 = tpu.memref_slice %arg6[%dma_wait3A_637, %dma_wait3A_638] : memref<4x80xi32, #tpu.memory_space<vmem>> -> memref<1x80xi32, #tpu.memory_space<vmem>>
      %dma_wait3A_640 = tpu.memref_squeeze %dma_wait3A_639 : memref<1x80xi32, #tpu.memory_space<vmem>> -> memref<80xi32, #tpu.memory_space<vmem>>
      %dma_wait3A_641 = arith.constant 0 : i32
      %dma_wait3A_642 = arith.constant 0 : i32
      %dma_wait3A_643 = tpu.memref_slice %arg2[%dma_wait3A_641, %dma_wait3A_642] : memref<10000x128xf32, #tpu.memory_space<hbm>> -> memref<10000x128xf32, #tpu.memory_space<hbm>>
      tpu.wait_indirect_dma semaphore(%arg16 : memref<!tpu.dma_semaphore, #tpu.memory_space<semaphore_mem>>) src(%dma_wait3A_643 : memref<10000x128xf32, #tpu.memory_space<hbm>>) dst(%arg8 : memref<80x128xf32, #tpu.memory_space<vmem>>)
      %dma_start3A_644 = arith.constant 0 : i32
      %dma_start3A_645 = arith.constant 0 : i32
      %dma_start3A_646 = tpu.memref_slice %arg7[%dma_start3A_644, %dma_start3A_645] : memref<4x80xi32, #tpu.memory_space<vmem>> -> memref<1x80xi32, #tpu.memory_space<vmem>>
      %dma_start3A_647 = tpu.memref_squeeze %dma_start3A_646 : memref<1x80xi32, #tpu.memory_space<vmem>> -> memref<80xi32, #tpu.memory_space<vmem>>
      %dma_start3A_648 = arith.constant 0 : i32
      %dma_start3A_649 = arith.constant 0 : i32
      %dma_start3A_650 = tpu.memref_slice %arg11[%dma_start3A_648, %dma_start3A_649] : memref<10000x128xf32, #tpu.memory_space<vmem_shared>> -> memref<10000x128xf32, #tpu.memory_space<vmem_shared>>
      tpu.enqueue_indirect_dma source(%arg8 : memref<80x128xf32, #tpu.memory_space<vmem>>) target(%dma_start3A_650 : memref<10000x128xf32, #tpu.memory_space<vmem_shared>>) offsets(%dma_start3A_647 : memref<80xi32, #tpu.memory_space<vmem>>) semaphore(%arg18 : memref<!tpu.dma_semaphore, #tpu.memory_space<semaphore_mem>>) {add = true}
      %add3A_651 = arith.constant 3 : i32
      %add3A_652 = arith.addi %add3A_604, %add3A_651 : i32
      %mul3A_653 = arith.constant 80 : i32
      %mul3A_654 = arith.muli %add3A_652, %mul3A_653 : i32
      %add3A_655 = arith.addi %mul3A_24, %mul3A_654 : i32
      %dma_start3A_656 = arith.constant 3 : i32
      %dma_start3A_657 = arith.constant 0 : i32
      %dma_start3A_658 = tpu.memref_slice %arg6[%dma_start3A_656, %dma_start3A_657] : memref<4x80xi32, #tpu.memory_space<vmem>> -> memref<1x80xi32, #tpu.memory_space<vmem>>
      %dma_start3A_659 = tpu.memref_squeeze %dma_start3A_658 : memref<1x80xi32, #tpu.memory_space<vmem>> -> memref<80xi32, #tpu.memory_space<vmem>>
      %dma_start3A_660 = tpu.memref_slice %arg3[%add3A_655] : memref<320000xi32, #tpu.memory_space<hbm>> -> memref<80xi32, #tpu.memory_space<hbm>>
      %dma_start3A_661 = arith.constant 0 : i32
      %dma_start3A_662 = tpu.memref_slice %arg6[%dma_start3A_656, %dma_start3A_661] : memref<4x80xi32, #tpu.memory_space<vmem>> -> memref<1x80xi32, #tpu.memory_space<vmem>>
      %dma_start3A_663 = tpu.memref_squeeze %dma_start3A_662 : memref<1x80xi32, #tpu.memory_space<vmem>> -> memref<80xi32, #tpu.memory_space<vmem>>
      %dma_start3A_664 = tpu.memref_slice %arg3[%add3A_655] : memref<320000xi32, #tpu.memory_space<hbm>> -> memref<80xi32, #tpu.memory_space<hbm>>
      tpu.enqueue_dma source(%dma_start3A_664 : memref<80xi32, #tpu.memory_space<hbm>>) target(%dma_start3A_663 : memref<80xi32, #tpu.memory_space<vmem>>) target_semaphore(%arg15 : memref<!tpu.dma_semaphore, #tpu.memory_space<semaphore_mem>>)
      %dma_start3A_665 = arith.constant 3 : i32
      %dma_start3A_666 = arith.constant 0 : i32
      %dma_start3A_667 = tpu.memref_slice %arg7[%dma_start3A_665, %dma_start3A_666] : memref<4x80xi32, #tpu.memory_space<vmem>> -> memref<1x80xi32, #tpu.memory_space<vmem>>
      %dma_start3A_668 = tpu.memref_squeeze %dma_start3A_667 : memref<1x80xi32, #tpu.memory_space<vmem>> -> memref<80xi32, #tpu.memory_space<vmem>>
      %dma_start3A_669 = tpu.memref_slice %arg4[%add3A_655] : memref<320000xi32, #tpu.memory_space<hbm>> -> memref<80xi32, #tpu.memory_space<hbm>>
      %dma_start3A_670 = arith.constant 0 : i32
      %dma_start3A_671 = tpu.memref_slice %arg7[%dma_start3A_665, %dma_start3A_670] : memref<4x80xi32, #tpu.memory_space<vmem>> -> memref<1x80xi32, #tpu.memory_space<vmem>>
      %dma_start3A_672 = tpu.memref_squeeze %dma_start3A_671 : memref<1x80xi32, #tpu.memory_space<vmem>> -> memref<80xi32, #tpu.memory_space<vmem>>
      %dma_start3A_673 = tpu.memref_slice %arg4[%add3A_655] : memref<320000xi32, #tpu.memory_space<hbm>> -> memref<80xi32, #tpu.memory_space<hbm>>
      tpu.enqueue_dma source(%dma_start3A_673 : memref<80xi32, #tpu.memory_space<hbm>>) target(%dma_start3A_672 : memref<80xi32, #tpu.memory_space<vmem>>) target_semaphore(%arg15 : memref<!tpu.dma_semaphore, #tpu.memory_space<semaphore_mem>>)
      %scan3A_674 = arith.constant 0 : i32
      scf.yield %scan3A_674 : i32
    }
    %scan3A_173 = arith.constant 30 : i32
    %dma_wait3A_174 = arith.constant 0 : i32
    %dma_wait3A_175 = arith.constant 0 : i32
    %dma_wait3A_176 = tpu.memref_slice %arg7[%dma_wait3A_174, %dma_wait3A_175] : memref<4x80xi32, #tpu.memory_space<vmem>> -> memref<1x80xi32, #tpu.memory_space<vmem>>
    %dma_wait3A_177 = tpu.memref_squeeze %dma_wait3A_176 : memref<1x80xi32, #tpu.memory_space<vmem>> -> memref<80xi32, #tpu.memory_space<vmem>>
    %dma_wait3A_178 = arith.constant 0 : i32
    %dma_wait3A_179 = arith.constant 0 : i32
    %dma_wait3A_180 = tpu.memref_slice %arg11[%dma_wait3A_178, %dma_wait3A_179] : memref<10000x128xf32, #tpu.memory_space<vmem_shared>> -> memref<10000x128xf32, #tpu.memory_space<vmem_shared>>
    tpu.wait_indirect_dma semaphore(%arg18 : memref<!tpu.dma_semaphore, #tpu.memory_space<semaphore_mem>>) src(%arg8 : memref<80x128xf32, #tpu.memory_space<vmem>>) dst(%dma_wait3A_180 : memref<10000x128xf32, #tpu.memory_space<vmem_shared>>)
    %dma_wait3A_181 = arith.constant 2 : i32
    %dma_wait3A_182 = arith.constant 0 : i32
    %dma_wait3A_183 = tpu.memref_slice %arg6[%dma_wait3A_181, %dma_wait3A_182] : memref<4x80xi32, #tpu.memory_space<vmem>> -> memref<1x80xi32, #tpu.memory_space<vmem>>
    %dma_wait3A_184 = tpu.memref_squeeze %dma_wait3A_183 : memref<1x80xi32, #tpu.memory_space<vmem>> -> memref<80xi32, #tpu.memory_space<vmem>>
    %dma_wait3A_185 = tpu.memref_slice %arg3[%mul3A_24] : memref<320000xi32, #tpu.memory_space<hbm>> -> memref<80xi32, #tpu.memory_space<hbm>>
    %dma_wait3A_186 = arith.constant 0 : i32
    %dma_wait3A_187 = tpu.memref_slice %arg6[%dma_wait3A_181, %dma_wait3A_186] : memref<4x80xi32, #tpu.memory_space<vmem>> -> memref<1x80xi32, #tpu.memory_space<vmem>>
    %dma_wait3A_188 = tpu.memref_squeeze %dma_wait3A_187 : memref<1x80xi32, #tpu.memory_space<vmem>> -> memref<80xi32, #tpu.memory_space<vmem>>
    %dma_wait3A_189 = tpu.memref_slice %arg3[%mul3A_24] : memref<320000xi32, #tpu.memory_space<hbm>> -> memref<80xi32, #tpu.memory_space<hbm>>
    tpu.wait_dma2 semaphore(%arg14 : memref<!tpu.dma_semaphore, #tpu.memory_space<semaphore_mem>>) src(%dma_wait3A_189 : memref<80xi32, #tpu.memory_space<hbm>>) dst(%dma_wait3A_188 : memref<80xi32, #tpu.memory_space<vmem>>)
    %dma_wait3A_190 = arith.constant 2 : i32
    %dma_wait3A_191 = arith.constant 0 : i32
    %dma_wait3A_192 = tpu.memref_slice %arg7[%dma_wait3A_190, %dma_wait3A_191] : memref<4x80xi32, #tpu.memory_space<vmem>> -> memref<1x80xi32, #tpu.memory_space<vmem>>
    %dma_wait3A_193 = tpu.memref_squeeze %dma_wait3A_192 : memref<1x80xi32, #tpu.memory_space<vmem>> -> memref<80xi32, #tpu.memory_space<vmem>>
    %dma_wait3A_194 = tpu.memref_slice %arg4[%mul3A_24] : memref<320000xi32, #tpu.memory_space<hbm>> -> memref<80xi32, #tpu.memory_space<hbm>>
    %dma_wait3A_195 = arith.constant 0 : i32
    %dma_wait3A_196 = tpu.memref_slice %arg7[%dma_wait3A_190, %dma_wait3A_195] : memref<4x80xi32, #tpu.memory_space<vmem>> -> memref<1x80xi32, #tpu.memory_space<vmem>>
    %dma_wait3A_197 = tpu.memref_squeeze %dma_wait3A_196 : memref<1x80xi32, #tpu.memory_space<vmem>> -> memref<80xi32, #tpu.memory_space<vmem>>
    %dma_wait3A_198 = tpu.memref_slice %arg4[%mul3A_24] : memref<320000xi32, #tpu.memory_space<hbm>> -> memref<80xi32, #tpu.memory_space<hbm>>
    tpu.wait_dma2 semaphore(%arg14 : memref<!tpu.dma_semaphore, #tpu.memory_space<semaphore_mem>>) src(%dma_wait3A_198 : memref<80xi32, #tpu.memory_space<hbm>>) dst(%dma_wait3A_197 : memref<80xi32, #tpu.memory_space<vmem>>)
    %dma_start3A_199 = arith.constant 2 : i32
    %dma_start3A_200 = arith.constant 0 : i32
    %dma_start3A_201 = tpu.memref_slice %arg6[%dma_start3A_199, %dma_start3A_200] : memref<4x80xi32, #tpu.memory_space<vmem>> -> memref<1x80xi32, #tpu.memory_space<vmem>>
    %dma_start3A_202 = tpu.memref_squeeze %dma_start3A_201 : memref<1x80xi32, #tpu.memory_space<vmem>> -> memref<80xi32, #tpu.memory_space<vmem>>
    %dma_start3A_203 = arith.constant 0 : i32
    %dma_start3A_204 = arith.constant 0 : i32
    %dma_start3A_205 = tpu.memref_slice %arg2[%dma_start3A_203, %dma_start3A_204] : memref<10000x128xf32, #tpu.memory_space<hbm>> -> memref<10000x128xf32, #tpu.memory_space<hbm>>
    tpu.enqueue_indirect_dma source(%dma_start3A_205 : memref<10000x128xf32, #tpu.memory_space<hbm>>) target(%arg8 : memref<80x128xf32, #tpu.memory_space<vmem>>) offsets(%dma_start3A_202 : memref<80xi32, #tpu.memory_space<vmem>>) semaphore(%arg16 : memref<!tpu.dma_semaphore, #tpu.memory_space<semaphore_mem>>)
    %dma_wait3A_206 = arith.constant 1 : i32
    %dma_wait3A_207 = arith.constant 0 : i32
    %dma_wait3A_208 = tpu.memref_slice %arg6[%dma_wait3A_206, %dma_wait3A_207] : memref<4x80xi32, #tpu.memory_space<vmem>> -> memref<1x80xi32, #tpu.memory_space<vmem>>
    %dma_wait3A_209 = tpu.memref_squeeze %dma_wait3A_208 : memref<1x80xi32, #tpu.memory_space<vmem>> -> memref<80xi32, #tpu.memory_space<vmem>>
    %dma_wait3A_210 = arith.constant 0 : i32
    %dma_wait3A_211 = arith.constant 0 : i32
    %dma_wait3A_212 = tpu.memref_slice %arg2[%dma_wait3A_210, %dma_wait3A_211] : memref<10000x128xf32, #tpu.memory_space<hbm>> -> memref<10000x128xf32, #tpu.memory_space<hbm>>
    tpu.wait_indirect_dma semaphore(%arg17 : memref<!tpu.dma_semaphore, #tpu.memory_space<semaphore_mem>>) src(%dma_wait3A_212 : memref<10000x128xf32, #tpu.memory_space<hbm>>) dst(%arg9 : memref<80x128xf32, #tpu.memory_space<vmem>>)
    %dma_start3A_213 = arith.constant 1 : i32
    %dma_start3A_214 = arith.constant 0 : i32
    %dma_start3A_215 = tpu.memref_slice %arg7[%dma_start3A_213, %dma_start3A_214] : memref<4x80xi32, #tpu.memory_space<vmem>> -> memref<1x80xi32, #tpu.memory_space<vmem>>
    %dma_start3A_216 = tpu.memref_squeeze %dma_start3A_215 : memref<1x80xi32, #tpu.memory_space<vmem>> -> memref<80xi32, #tpu.memory_space<vmem>>
    %dma_start3A_217 = arith.constant 0 : i32
    %dma_start3A_218 = arith.constant 0 : i32
    %dma_start3A_219 = tpu.memref_slice %arg11[%dma_start3A_217, %dma_start3A_218] : memref<10000x128xf32, #tpu.memory_space<vmem_shared>> -> memref<10000x128xf32, #tpu.memory_space<vmem_shared>>
    tpu.enqueue_indirect_dma source(%arg9 : memref<80x128xf32, #tpu.memory_space<vmem>>) target(%dma_start3A_219 : memref<10000x128xf32, #tpu.memory_space<vmem_shared>>) offsets(%dma_start3A_216 : memref<80xi32, #tpu.memory_space<vmem>>) semaphore(%arg19 : memref<!tpu.dma_semaphore, #tpu.memory_space<semaphore_mem>>) {add = true}
    %add3A_220 = arith.constant 9920 : i32
    %add3A_221 = arith.addi %mul3A_24, %add3A_220 : i32
    %dma_start3A_222 = arith.constant 0 : i32
    %dma_start3A_223 = arith.constant 0 : i32
    %dma_start3A_224 = tpu.memref_slice %arg6[%dma_start3A_222, %dma_start3A_223] : memref<4x80xi32, #tpu.memory_space<vmem>> -> memref<1x80xi32, #tpu.memory_space<vmem>>
    %dma_start3A_225 = tpu.memref_squeeze %dma_start3A_224 : memref<1x80xi32, #tpu.memory_space<vmem>> -> memref<80xi32, #tpu.memory_space<vmem>>
    %dma_start3A_226 = tpu.memref_slice %arg3[%add3A_221] : memref<320000xi32, #tpu.memory_space<hbm>> -> memref<80xi32, #tpu.memory_space<hbm>>
    %dma_start3A_227 = arith.constant 0 : i32
    %dma_start3A_228 = tpu.memref_slice %arg6[%dma_start3A_222, %dma_start3A_227] : memref<4x80xi32, #tpu.memory_space<vmem>> -> memref<1x80xi32, #tpu.memory_space<vmem>>
    %dma_start3A_229 = tpu.memref_squeeze %dma_start3A_228 : memref<1x80xi32, #tpu.memory_space<vmem>> -> memref<80xi32, #tpu.memory_space<vmem>>
    %dma_start3A_230 = tpu.memref_slice %arg3[%add3A_221] : memref<320000xi32, #tpu.memory_space<hbm>> -> memref<80xi32, #tpu.memory_space<hbm>>
    tpu.enqueue_dma source(%dma_start3A_230 : memref<80xi32, #tpu.memory_space<hbm>>) target(%dma_start3A_229 : memref<80xi32, #tpu.memory_space<vmem>>) target_semaphore(%arg12 : memref<!tpu.dma_semaphore, #tpu.memory_space<semaphore_mem>>)
    %dma_start3A_231 = arith.constant 0 : i32
    %dma_start3A_232 = arith.constant 0 : i32
    %dma_start3A_233 = tpu.memref_slice %arg7[%dma_start3A_231, %dma_start3A_232] : memref<4x80xi32, #tpu.memory_space<vmem>> -> memref<1x80xi32, #tpu.memory_space<vmem>>
    %dma_start3A_234 = tpu.memref_squeeze %dma_start3A_233 : memref<1x80xi32, #tpu.memory_space<vmem>> -> memref<80xi32, #tpu.memory_space<vmem>>
    %dma_start3A_235 = tpu.memref_slice %arg4[%add3A_221] : memref<320000xi32, #tpu.memory_space<hbm>> -> memref<80xi32, #tpu.memory_space<hbm>>
    %dma_start3A_236 = arith.constant 0 : i32
    %dma_start3A_237 = tpu.memref_slice %arg7[%dma_start3A_231, %dma_start3A_236] : memref<4x80xi32, #tpu.memory_space<vmem>> -> memref<1x80xi32, #tpu.memory_space<vmem>>
    %dma_start3A_238 = tpu.memref_squeeze %dma_start3A_237 : memref<1x80xi32, #tpu.memory_space<vmem>> -> memref<80xi32, #tpu.memory_space<vmem>>
    %dma_start3A_239 = tpu.memref_slice %arg4[%add3A_221] : memref<320000xi32, #tpu.memory_space<hbm>> -> memref<80xi32, #tpu.memory_space<hbm>>
    tpu.enqueue_dma source(%dma_start3A_239 : memref<80xi32, #tpu.memory_space<hbm>>) target(%dma_start3A_238 : memref<80xi32, #tpu.memory_space<vmem>>) target_semaphore(%arg12 : memref<!tpu.dma_semaphore, #tpu.memory_space<semaphore_mem>>)
    %dma_wait3A_240 = arith.constant 1 : i32
    %dma_wait3A_241 = arith.constant 0 : i32
    %dma_wait3A_242 = tpu.memref_slice %arg7[%dma_wait3A_240, %dma_wait3A_241] : memref<4x80xi32, #tpu.memory_space<vmem>> -> memref<1x80xi32, #tpu.memory_space<vmem>>
    %dma_wait3A_243 = tpu.memref_squeeze %dma_wait3A_242 : memref<1x80xi32, #tpu.memory_space<vmem>> -> memref<80xi32, #tpu.memory_space<vmem>>
    %dma_wait3A_244 = arith.constant 0 : i32
    %dma_wait3A_245 = arith.constant 0 : i32
    %dma_wait3A_246 = tpu.memref_slice %arg11[%dma_wait3A_244, %dma_wait3A_245] : memref<10000x128xf32, #tpu.memory_space<vmem_shared>> -> memref<10000x128xf32, #tpu.memory_space<vmem_shared>>
    tpu.wait_indirect_dma semaphore(%arg19 : memref<!tpu.dma_semaphore, #tpu.memory_space<semaphore_mem>>) src(%arg9 : memref<80x128xf32, #tpu.memory_space<vmem>>) dst(%dma_wait3A_246 : memref<10000x128xf32, #tpu.memory_space<vmem_shared>>)
    %dma_wait3A_247 = arith.constant 3 : i32
    %dma_wait3A_248 = arith.constant 0 : i32
    %dma_wait3A_249 = tpu.memref_slice %arg6[%dma_wait3A_247, %dma_wait3A_248] : memref<4x80xi32, #tpu.memory_space<vmem>> -> memref<1x80xi32, #tpu.memory_space<vmem>>
    %dma_wait3A_250 = tpu.memref_squeeze %dma_wait3A_249 : memref<1x80xi32, #tpu.memory_space<vmem>> -> memref<80xi32, #tpu.memory_space<vmem>>
    %dma_wait3A_251 = tpu.memref_slice %arg3[%mul3A_24] : memref<320000xi32, #tpu.memory_space<hbm>> -> memref<80xi32, #tpu.memory_space<hbm>>
    %dma_wait3A_252 = arith.constant 0 : i32
    %dma_wait3A_253 = tpu.memref_slice %arg6[%dma_wait3A_247, %dma_wait3A_252] : memref<4x80xi32, #tpu.memory_space<vmem>> -> memref<1x80xi32, #tpu.memory_space<vmem>>
    %dma_wait3A_254 = tpu.memref_squeeze %dma_wait3A_253 : memref<1x80xi32, #tpu.memory_space<vmem>> -> memref<80xi32, #tpu.memory_space<vmem>>
    %dma_wait3A_255 = tpu.memref_slice %arg3[%mul3A_24] : memref<320000xi32, #tpu.memory_space<hbm>> -> memref<80xi32, #tpu.memory_space<hbm>>
    tpu.wait_dma2 semaphore(%arg15 : memref<!tpu.dma_semaphore, #tpu.memory_space<semaphore_mem>>) src(%dma_wait3A_255 : memref<80xi32, #tpu.memory_space<hbm>>) dst(%dma_wait3A_254 : memref<80xi32, #tpu.memory_space<vmem>>)
    %dma_wait3A_256 = arith.constant 3 : i32
    %dma_wait3A_257 = arith.constant 0 : i32
    %dma_wait3A_258 = tpu.memref_slice %arg7[%dma_wait3A_256, %dma_wait3A_257] : memref<4x80xi32, #tpu.memory_space<vmem>> -> memref<1x80xi32, #tpu.memory_space<vmem>>
    %dma_wait3A_259 = tpu.memref_squeeze %dma_wait3A_258 : memref<1x80xi32, #tpu.memory_space<vmem>> -> memref<80xi32, #tpu.memory_space<vmem>>
    %dma_wait3A_260 = tpu.memref_slice %arg4[%mul3A_24] : memref<320000xi32, #tpu.memory_space<hbm>> -> memref<80xi32, #tpu.memory_space<hbm>>
    %dma_wait3A_261 = arith.constant 0 : i32
    %dma_wait3A_262 = tpu.memref_slice %arg7[%dma_wait3A_256, %dma_wait3A_261] : memref<4x80xi32, #tpu.memory_space<vmem>> -> memref<1x80xi32, #tpu.memory_space<vmem>>
    %dma_wait3A_263 = tpu.memref_squeeze %dma_wait3A_262 : memref<1x80xi32, #tpu.memory_space<vmem>> -> memref<80xi32, #tpu.memory_space<vmem>>
    %dma_wait3A_264 = tpu.memref_slice %arg4[%mul3A_24] : memref<320000xi32, #tpu.memory_space<hbm>> -> memref<80xi32, #tpu.memory_space<hbm>>
    tpu.wait_dma2 semaphore(%arg15 : memref<!tpu.dma_semaphore, #tpu.memory_space<semaphore_mem>>) src(%dma_wait3A_264 : memref<80xi32, #tpu.memory_space<hbm>>) dst(%dma_wait3A_263 : memref<80xi32, #tpu.memory_space<vmem>>)
    %dma_start3A_265 = arith.constant 3 : i32
    %dma_start3A_266 = arith.constant 0 : i32
    %dma_start3A_267 = tpu.memref_slice %arg6[%dma_start3A_265, %dma_start3A_266] : memref<4x80xi32, #tpu.memory_space<vmem>> -> memref<1x80xi32, #tpu.memory_space<vmem>>
    %dma_start3A_268 = tpu.memref_squeeze %dma_start3A_267 : memref<1x80xi32, #tpu.memory_space<vmem>> -> memref<80xi32, #tpu.memory_space<vmem>>
    %dma_start3A_269 = arith.constant 0 : i32
    %dma_start3A_270 = arith.constant 0 : i32
    %dma_start3A_271 = tpu.memref_slice %arg2[%dma_start3A_269, %dma_start3A_270] : memref<10000x128xf32, #tpu.memory_space<hbm>> -> memref<10000x128xf32, #tpu.memory_space<hbm>>
    tpu.enqueue_indirect_dma source(%dma_start3A_271 : memref<10000x128xf32, #tpu.memory_space<hbm>>) target(%arg9 : memref<80x128xf32, #tpu.memory_space<vmem>>) offsets(%dma_start3A_268 : memref<80xi32, #tpu.memory_space<vmem>>) semaphore(%arg17 : memref<!tpu.dma_semaphore, #tpu.memory_space<semaphore_mem>>)
    %dma_wait3A_272 = arith.constant 2 : i32
    %dma_wait3A_273 = arith.constant 0 : i32
    %dma_wait3A_274 = tpu.memref_slice %arg6[%dma_wait3A_272, %dma_wait3A_273] : memref<4x80xi32, #tpu.memory_space<vmem>> -> memref<1x80xi32, #tpu.memory_space<vmem>>
    %dma_wait3A_275 = tpu.memref_squeeze %dma_wait3A_274 : memref<1x80xi32, #tpu.memory_space<vmem>> -> memref<80xi32, #tpu.memory_space<vmem>>
    %dma_wait3A_276 = arith.constant 0 : i32
    %dma_wait3A_277 = arith.constant 0 : i32
    %dma_wait3A_278 = tpu.memref_slice %arg2[%dma_wait3A_276, %dma_wait3A_277] : memref<10000x128xf32, #tpu.memory_space<hbm>> -> memref<10000x128xf32, #tpu.memory_space<hbm>>
    tpu.wait_indirect_dma semaphore(%arg16 : memref<!tpu.dma_semaphore, #tpu.memory_space<semaphore_mem>>) src(%dma_wait3A_278 : memref<10000x128xf32, #tpu.memory_space<hbm>>) dst(%arg8 : memref<80x128xf32, #tpu.memory_space<vmem>>)
    %dma_start3A_279 = arith.constant 2 : i32
    %dma_start3A_280 = arith.constant 0 : i32
    %dma_start3A_281 = tpu.memref_slice %arg7[%dma_start3A_279, %dma_start3A_280] : memref<4x80xi32, #tpu.memory_space<vmem>> -> memref<1x80xi32, #tpu.memory_space<vmem>>
    %dma_start3A_282 = tpu.memref_squeeze %dma_start3A_281 : memref<1x80xi32, #tpu.memory_space<vmem>> -> memref<80xi32, #tpu.memory_space<vmem>>
    %dma_start3A_283 = arith.constant 0 : i32
    %dma_start3A_284 = arith.constant 0 : i32
    %dma_start3A_285 = tpu.memref_slice %arg11[%dma_start3A_283, %dma_start3A_284] : memref<10000x128xf32, #tpu.memory_space<vmem_shared>> -> memref<10000x128xf32, #tpu.memory_space<vmem_shared>>
    tpu.enqueue_indirect_dma source(%arg8 : memref<80x128xf32, #tpu.memory_space<vmem>>) target(%dma_start3A_285 : memref<10000x128xf32, #tpu.memory_space<vmem_shared>>) offsets(%dma_start3A_282 : memref<80xi32, #tpu.memory_space<vmem>>) semaphore(%arg18 : memref<!tpu.dma_semaphore, #tpu.memory_space<semaphore_mem>>) {add = true}
    %dma_wait3A_286 = arith.constant 2 : i32
    %dma_wait3A_287 = arith.constant 0 : i32
    %dma_wait3A_288 = tpu.memref_slice %arg7[%dma_wait3A_286, %dma_wait3A_287] : memref<4x80xi32, #tpu.memory_space<vmem>> -> memref<1x80xi32, #tpu.memory_space<vmem>>
    %dma_wait3A_289 = tpu.memref_squeeze %dma_wait3A_288 : memref<1x80xi32, #tpu.memory_space<vmem>> -> memref<80xi32, #tpu.memory_space<vmem>>
    %dma_wait3A_290 = arith.constant 0 : i32
    %dma_wait3A_291 = arith.constant 0 : i32
    %dma_wait3A_292 = tpu.memref_slice %arg11[%dma_wait3A_290, %dma_wait3A_291] : memref<10000x128xf32, #tpu.memory_space<vmem_shared>> -> memref<10000x128xf32, #tpu.memory_space<vmem_shared>>
    tpu.wait_indirect_dma semaphore(%arg18 : memref<!tpu.dma_semaphore, #tpu.memory_space<semaphore_mem>>) src(%arg8 : memref<80x128xf32, #tpu.memory_space<vmem>>) dst(%dma_wait3A_292 : memref<10000x128xf32, #tpu.memory_space<vmem_shared>>)
    %dma_wait3A_293 = arith.constant 0 : i32
    %dma_wait3A_294 = arith.constant 0 : i32
    %dma_wait3A_295 = tpu.memref_slice %arg6[%dma_wait3A_293, %dma_wait3A_294] : memref<4x80xi32, #tpu.memory_space<vmem>> -> memref<1x80xi32, #tpu.memory_space<vmem>>
    %dma_wait3A_296 = tpu.memref_squeeze %dma_wait3A_295 : memref<1x80xi32, #tpu.memory_space<vmem>> -> memref<80xi32, #tpu.memory_space<vmem>>
    %dma_wait3A_297 = tpu.memref_slice %arg3[%mul3A_24] : memref<320000xi32, #tpu.memory_space<hbm>> -> memref<80xi32, #tpu.memory_space<hbm>>
    %dma_wait3A_298 = arith.constant 0 : i32
    %dma_wait3A_299 = tpu.memref_slice %arg6[%dma_wait3A_293, %dma_wait3A_298] : memref<4x80xi32, #tpu.memory_space<vmem>> -> memref<1x80xi32, #tpu.memory_space<vmem>>
    %dma_wait3A_300 = tpu.memref_squeeze %dma_wait3A_299 : memref<1x80xi32, #tpu.memory_space<vmem>> -> memref<80xi32, #tpu.memory_space<vmem>>
    %dma_wait3A_301 = tpu.memref_slice %arg3[%mul3A_24] : memref<320000xi32, #tpu.memory_space<hbm>> -> memref<80xi32, #tpu.memory_space<hbm>>
    tpu.wait_dma2 semaphore(%arg12 : memref<!tpu.dma_semaphore, #tpu.memory_space<semaphore_mem>>) src(%dma_wait3A_301 : memref<80xi32, #tpu.memory_space<hbm>>) dst(%dma_wait3A_300 : memref<80xi32, #tpu.memory_space<vmem>>)
    %dma_wait3A_302 = arith.constant 0 : i32
    %dma_wait3A_303 = arith.constant 0 : i32
    %dma_wait3A_304 = tpu.memref_slice %arg7[%dma_wait3A_302, %dma_wait3A_303] : memref<4x80xi32, #tpu.memory_space<vmem>> -> memref<1x80xi32, #tpu.memory_space<vmem>>
    %dma_wait3A_305 = tpu.memref_squeeze %dma_wait3A_304 : memref<1x80xi32, #tpu.memory_space<vmem>> -> memref<80xi32, #tpu.memory_space<vmem>>
    %dma_wait3A_306 = tpu.memref_slice %arg4[%mul3A_24] : memref<320000xi32, #tpu.memory_space<hbm>> -> memref<80xi32, #tpu.memory_space<hbm>>
    %dma_wait3A_307 = arith.constant 0 : i32
    %dma_wait3A_308 = tpu.memref_slice %arg7[%dma_wait3A_302, %dma_wait3A_307] : memref<4x80xi32, #tpu.memory_space<vmem>> -> memref<1x80xi32, #tpu.memory_space<vmem>>
    %dma_wait3A_309 = tpu.memref_squeeze %dma_wait3A_308 : memref<1x80xi32, #tpu.memory_space<vmem>> -> memref<80xi32, #tpu.memory_space<vmem>>
    %dma_wait3A_310 = tpu.memref_slice %arg4[%mul3A_24] : memref<320000xi32, #tpu.memory_space<hbm>> -> memref<80xi32, #tpu.memory_space<hbm>>
    tpu.wait_dma2 semaphore(%arg12 : memref<!tpu.dma_semaphore, #tpu.memory_space<semaphore_mem>>) src(%dma_wait3A_310 : memref<80xi32, #tpu.memory_space<hbm>>) dst(%dma_wait3A_309 : memref<80xi32, #tpu.memory_space<vmem>>)
    %dma_start3A_311 = arith.constant 0 : i32
    %dma_start3A_312 = arith.constant 0 : i32
    %dma_start3A_313 = tpu.memref_slice %arg6[%dma_start3A_311, %dma_start3A_312] : memref<4x80xi32, #tpu.memory_space<vmem>> -> memref<1x80xi32, #tpu.memory_space<vmem>>
    %dma_start3A_314 = tpu.memref_squeeze %dma_start3A_313 : memref<1x80xi32, #tpu.memory_space<vmem>> -> memref<80xi32, #tpu.memory_space<vmem>>
    %dma_start3A_315 = arith.constant 0 : i32
    %dma_start3A_316 = arith.constant 0 : i32
    %dma_start3A_317 = tpu.memref_slice %arg2[%dma_start3A_315, %dma_start3A_316] : memref<10000x128xf32, #tpu.memory_space<hbm>> -> memref<10000x128xf32, #tpu.memory_space<hbm>>
    tpu.enqueue_indirect_dma source(%dma_start3A_317 : memref<10000x128xf32, #tpu.memory_space<hbm>>) target(%arg8 : memref<80x128xf32, #tpu.memory_space<vmem>>) offsets(%dma_start3A_314 : memref<80xi32, #tpu.memory_space<vmem>>) semaphore(%arg16 : memref<!tpu.dma_semaphore, #tpu.memory_space<semaphore_mem>>)
    %dma_wait3A_318 = arith.constant 3 : i32
    %dma_wait3A_319 = arith.constant 0 : i32
    %dma_wait3A_320 = tpu.memref_slice %arg6[%dma_wait3A_318, %dma_wait3A_319] : memref<4x80xi32, #tpu.memory_space<vmem>> -> memref<1x80xi32, #tpu.memory_space<vmem>>
    %dma_wait3A_321 = tpu.memref_squeeze %dma_wait3A_320 : memref<1x80xi32, #tpu.memory_space<vmem>> -> memref<80xi32, #tpu.memory_space<vmem>>
    %dma_wait3A_322 = arith.constant 0 : i32
    %dma_wait3A_323 = arith.constant 0 : i32
    %dma_wait3A_324 = tpu.memref_slice %arg2[%dma_wait3A_322, %dma_wait3A_323] : memref<10000x128xf32, #tpu.memory_space<hbm>> -> memref<10000x128xf32, #tpu.memory_space<hbm>>
    tpu.wait_indirect_dma semaphore(%arg17 : memref<!tpu.dma_semaphore, #tpu.memory_space<semaphore_mem>>) src(%dma_wait3A_324 : memref<10000x128xf32, #tpu.memory_space<hbm>>) dst(%arg9 : memref<80x128xf32, #tpu.memory_space<vmem>>)
    %dma_start3A_325 = arith.constant 3 : i32
    %dma_start3A_326 = arith.constant 0 : i32
    %dma_start3A_327 = tpu.memref_slice %arg7[%dma_start3A_325, %dma_start3A_326] : memref<4x80xi32, #tpu.memory_space<vmem>> -> memref<1x80xi32, #tpu.memory_space<vmem>>
    %dma_start3A_328 = tpu.memref_squeeze %dma_start3A_327 : memref<1x80xi32, #tpu.memory_space<vmem>> -> memref<80xi32, #tpu.memory_space<vmem>>
    %dma_start3A_329 = arith.constant 0 : i32
    %dma_start3A_330 = arith.constant 0 : i32
    %dma_start3A_331 = tpu.memref_slice %arg11[%dma_start3A_329, %dma_start3A_330] : memref<10000x128xf32, #tpu.memory_space<vmem_shared>> -> memref<10000x128xf32, #tpu.memory_space<vmem_shared>>
    tpu.enqueue_indirect_dma source(%arg9 : memref<80x128xf32, #tpu.memory_space<vmem>>) target(%dma_start3A_331 : memref<10000x128xf32, #tpu.memory_space<vmem_shared>>) offsets(%dma_start3A_328 : memref<80xi32, #tpu.memory_space<vmem>>) semaphore(%arg19 : memref<!tpu.dma_semaphore, #tpu.memory_space<semaphore_mem>>) {add = true}
    %dma_wait3A_332 = arith.constant 3 : i32
    %dma_wait3A_333 = arith.constant 0 : i32
    %dma_wait3A_334 = tpu.memref_slice %arg7[%dma_wait3A_332, %dma_wait3A_333] : memref<4x80xi32, #tpu.memory_space<vmem>> -> memref<1x80xi32, #tpu.memory_space<vmem>>
    %dma_wait3A_335 = tpu.memref_squeeze %dma_wait3A_334 : memref<1x80xi32, #tpu.memory_space<vmem>> -> memref<80xi32, #tpu.memory_space<vmem>>
    %dma_wait3A_336 = arith.constant 0 : i32
    %dma_wait3A_337 = arith.constant 0 : i32
    %dma_wait3A_338 = tpu.memref_slice %arg11[%dma_wait3A_336, %dma_wait3A_337] : memref<10000x128xf32, #tpu.memory_space<vmem_shared>> -> memref<10000x128xf32, #tpu.memory_space<vmem_shared>>
    tpu.wait_indirect_dma semaphore(%arg19 : memref<!tpu.dma_semaphore, #tpu.memory_space<semaphore_mem>>) src(%arg9 : memref<80x128xf32, #tpu.memory_space<vmem>>) dst(%dma_wait3A_338 : memref<10000x128xf32, #tpu.memory_space<vmem_shared>>)
    %dma_wait3A_339 = arith.constant 0 : i32
    %dma_wait3A_340 = arith.constant 0 : i32
    %dma_wait3A_341 = tpu.memref_slice %arg6[%dma_wait3A_339, %dma_wait3A_340] : memref<4x80xi32, #tpu.memory_space<vmem>> -> memref<1x80xi32, #tpu.memory_space<vmem>>
    %dma_wait3A_342 = tpu.memref_squeeze %dma_wait3A_341 : memref<1x80xi32, #tpu.memory_space<vmem>> -> memref<80xi32, #tpu.memory_space<vmem>>
    %dma_wait3A_343 = arith.constant 0 : i32
    %dma_wait3A_344 = arith.constant 0 : i32
    %dma_wait3A_345 = tpu.memref_slice %arg2[%dma_wait3A_343, %dma_wait3A_344] : memref<10000x128xf32, #tpu.memory_space<hbm>> -> memref<10000x128xf32, #tpu.memory_space<hbm>>
    tpu.wait_indirect_dma semaphore(%arg16 : memref<!tpu.dma_semaphore, #tpu.memory_space<semaphore_mem>>) src(%dma_wait3A_345 : memref<10000x128xf32, #tpu.memory_space<hbm>>) dst(%arg8 : memref<80x128xf32, #tpu.memory_space<vmem>>)
    %dma_start3A_346 = arith.constant 0 : i32
    %dma_start3A_347 = arith.constant 0 : i32
    %dma_start3A_348 = tpu.memref_slice %arg7[%dma_start3A_346, %dma_start3A_347] : memref<4x80xi32, #tpu.memory_space<vmem>> -> memref<1x80xi32, #tpu.memory_space<vmem>>
    %dma_start3A_349 = tpu.memref_squeeze %dma_start3A_348 : memref<1x80xi32, #tpu.memory_space<vmem>> -> memref<80xi32, #tpu.memory_space<vmem>>
    %dma_start3A_350 = arith.constant 0 : i32
    %dma_start3A_351 = arith.constant 0 : i32
    %dma_start3A_352 = tpu.memref_slice %arg11[%dma_start3A_350, %dma_start3A_351] : memref<10000x128xf32, #tpu.memory_space<vmem_shared>> -> memref<10000x128xf32, #tpu.memory_space<vmem_shared>>
    tpu.enqueue_indirect_dma source(%arg8 : memref<80x128xf32, #tpu.memory_space<vmem>>) target(%dma_start3A_352 : memref<10000x128xf32, #tpu.memory_space<vmem_shared>>) offsets(%dma_start3A_349 : memref<80xi32, #tpu.memory_space<vmem>>) semaphore(%arg18 : memref<!tpu.dma_semaphore, #tpu.memory_space<semaphore_mem>>) {add = true}
    %dma_wait3A_353 = arith.constant 0 : i32
    %dma_wait3A_354 = arith.constant 0 : i32
    %dma_wait3A_355 = tpu.memref_slice %arg7[%dma_wait3A_353, %dma_wait3A_354] : memref<4x80xi32, #tpu.memory_space<vmem>> -> memref<1x80xi32, #tpu.memory_space<vmem>>
    %dma_wait3A_356 = tpu.memref_squeeze %dma_wait3A_355 : memref<1x80xi32, #tpu.memory_space<vmem>> -> memref<80xi32, #tpu.memory_space<vmem>>
    %dma_wait3A_357 = arith.constant 0 : i32
    %dma_wait3A_358 = arith.constant 0 : i32
    %dma_wait3A_359 = tpu.memref_slice %arg11[%dma_wait3A_357, %dma_wait3A_358] : memref<10000x128xf32, #tpu.memory_space<vmem_shared>> -> memref<10000x128xf32, #tpu.memory_space<vmem_shared>>
    tpu.wait_indirect_dma semaphore(%arg18 : memref<!tpu.dma_semaphore, #tpu.memory_space<semaphore_mem>>) src(%arg8 : memref<80x128xf32, #tpu.memory_space<vmem>>) dst(%dma_wait3A_359 : memref<10000x128xf32, #tpu.memory_space<vmem_shared>>)
    %barrier3A_360 = arith.constant 0 : index
    tpu.barrier barrier_id(%barrier3A_360)
    %mul3A_361 = arith.constant 624 : i32
    %mul3A_362 = arith.muli %arg1, %mul3A_361 : i32
    %eq3A_363 = arith.constant 15 : i32
    %eq3A_364 = arith.cmpi eq, %arg1, %eq3A_363 : i32
    %jit3A_365 = arith.constant 40 : i32
    %jit3A_366 = arith.constant 39 : i32
    %select_n3A_367 = arith.select %eq3A_364, %jit3A_365, %jit3A_366 : i32
    %while3A_368 = arith.constant 0 : i32
    %while3A_369 = arith.constant 0 : i32
    %while3A_370 = arith.subi %select_n3A_367, %while3A_368 : i32
    %while3A_371 = arith.addi %while3A_368, %while3A_370 : i32
    %while3A_372 = arith.constant 1 : i32
    %while3A_373 = arith.divsi %while3A_370, %while3A_372 : i32
    %while3A_374 = arith.muli %while3A_373, %while3A_372 : i32
    %while3A_375 = arith.addi %while3A_368, %while3A_374 : i32
    %while3A_376 = arith.constant 1 : i32
    %while3A_377 = scf.for %while3A_380 = %while3A_368 to %while3A_375 step %while3A_376 iter_args(%while3A_381 = %while3A_369) -> (i32)  : i32 {
      %mul3A_382 = arith.constant 16 : i32
      %mul3A_383 = arith.muli %while3A_380, %mul3A_382 : i32
      %add3A_384 = arith.addi %mul3A_362, %mul3A_383 : i32
      "tpu.region"() ({
        %run_scoped3A = tpu.sem_alloc : memref<!tpu.dma_semaphore, #tpu.memory_space<semaphore_mem>>
        %dma_start3A_386 = arith.constant 0 : i32
        %dma_start3A_387 = tpu.memref_slice %arg11[%add3A_384, %dma_start3A_386] : memref<10000x128xf32, #tpu.memory_space<vmem_shared>> -> memref<16x128xf32, #tpu.memory_space<vmem_shared>>
        %dma_start3A_388 = arith.constant 0 : i32
        %dma_start3A_389 = tpu.memref_slice %arg11[%add3A_384, %dma_start3A_388] : memref<10000x128xf32, #tpu.memory_space<vmem_shared>> -> memref<16x128xf32, #tpu.memory_space<vmem_shared>>
        tpu.enqueue_dma source(%dma_start3A_389 : memref<16x128xf32, #tpu.memory_space<vmem_shared>>) target(%arg10 : memref<16x128xf32, #tpu.memory_space<vmem>>) target_semaphore(%run_scoped3A : memref<!tpu.dma_semaphore, #tpu.memory_space<semaphore_mem>>)
        %dma_wait3A_390 = arith.constant 0 : i32
        %dma_wait3A_391 = tpu.memref_slice %arg11[%add3A_384, %dma_wait3A_390] : memref<10000x128xf32, #tpu.memory_space<vmem_shared>> -> memref<16x128xf32, #tpu.memory_space<vmem_shared>>
        %dma_wait3A_392 = arith.constant 0 : i32
        %dma_wait3A_393 = tpu.memref_slice %arg11[%add3A_384, %dma_wait3A_392] : memref<10000x128xf32, #tpu.memory_space<vmem_shared>> -> memref<16x128xf32, #tpu.memory_space<vmem_shared>>
        tpu.wait_dma2 semaphore(%run_scoped3A : memref<!tpu.dma_semaphore, #tpu.memory_space<semaphore_mem>>) src(%dma_wait3A_393 : memref<16x128xf32, #tpu.memory_space<vmem_shared>>) dst(%arg10 : memref<16x128xf32, #tpu.memory_space<vmem>>)
        tpu.yield
      }) : () -> ()
      "tpu.region"() ({
        %run_scoped3A = tpu.sem_alloc : memref<!tpu.dma_semaphore, #tpu.memory_space<semaphore_mem>>
        %dma_start3A_386 = arith.constant 0 : i32
        %dma_start3A_387 = tpu.memref_slice %arg5[%arg0, %add3A_384, %dma_start3A_386] : memref<2x10000x128xf32, #tpu.memory_space<hbm>> -> memref<1x16x128xf32, #tpu.memory_space<hbm>>
        %dma_start3A_388 = tpu.memref_squeeze %dma_start3A_387 : memref<1x16x128xf32, #tpu.memory_space<hbm>> -> memref<16x128xf32, #tpu.memory_space<hbm>>
        %dma_start3A_389 = arith.constant 0 : i32
        %dma_start3A_390 = tpu.memref_slice %arg5[%arg0, %add3A_384, %dma_start3A_389] : memref<2x10000x128xf32, #tpu.memory_space<hbm>> -> memref<1x16x128xf32, #tpu.memory_space<hbm>>
        %dma_start3A_391 = tpu.memref_squeeze %dma_start3A_390 : memref<1x16x128xf32, #tpu.memory_space<hbm>> -> memref<16x128xf32, #tpu.memory_space<hbm>>
        tpu.enqueue_dma source(%arg10 : memref<16x128xf32, #tpu.memory_space<vmem>>) target(%dma_start3A_391 : memref<16x128xf32, #tpu.memory_space<hbm>>) target_semaphore(%run_scoped3A : memref<!tpu.dma_semaphore, #tpu.memory_space<semaphore_mem>>)
        %dma_wait3A_392 = arith.constant 0 : i32
        %dma_wait3A_393 = tpu.memref_slice %arg5[%arg0, %add3A_384, %dma_wait3A_392] : memref<2x10000x128xf32, #tpu.memory_space<hbm>> -> memref<1x16x128xf32, #tpu.memory_space<hbm>>
        %dma_wait3A_394 = tpu.memref_squeeze %dma_wait3A_393 : memref<1x16x128xf32, #tpu.memory_space<hbm>> -> memref<16x128xf32, #tpu.memory_space<hbm>>
        %dma_wait3A_395 = arith.constant 0 : i32
        %dma_wait3A_396 = tpu.memref_slice %arg5[%arg0, %add3A_384, %dma_wait3A_395] : memref<2x10000x128xf32, #tpu.memory_space<hbm>> -> memref<1x16x128xf32, #tpu.memory_space<hbm>>
        %dma_wait3A_397 = tpu.memref_squeeze %dma_wait3A_396 : memref<1x16x128xf32, #tpu.memory_space<hbm>> -> memref<16x128xf32, #tpu.memory_space<hbm>>
        tpu.wait_dma2 semaphore(%run_scoped3A : memref<!tpu.dma_semaphore, #tpu.memory_space<semaphore_mem>>) src(%arg10 : memref<16x128xf32, #tpu.memory_space<vmem>>) dst(%dma_wait3A_397 : memref<16x128xf32, #tpu.memory_space<hbm>>)
        tpu.yield
      }) : () -> ()
      %while3A_385 = arith.constant 0 : i32
      scf.yield %while3A_385 : i32
    }
    %while3A_378 = arith.constant 1 : i32
    %while3A_379 = scf.for %while3A_380 = %while3A_375 to %while3A_371 step %while3A_378 iter_args(%while3A_381 = %while3A_377) -> (i32)  : i32 {
      %mul3A_382 = arith.constant 16 : i32
      %mul3A_383 = arith.muli %while3A_380, %mul3A_382 : i32
      %add3A_384 = arith.addi %mul3A_362, %mul3A_383 : i32
      "tpu.region"() ({
        %run_scoped3A = tpu.sem_alloc : memref<!tpu.dma_semaphore, #tpu.memory_space<semaphore_mem>>
        %dma_start3A_386 = arith.constant 0 : i32
        %dma_start3A_387 = tpu.memref_slice %arg11[%add3A_384, %dma_start3A_386] : memref<10000x128xf32, #tpu.memory_space<vmem_shared>> -> memref<16x128xf32, #tpu.memory_space<vmem_shared>>
        %dma_start3A_388 = arith.constant 0 : i32
        %dma_start3A_389 = tpu.memref_slice %arg11[%add3A_384, %dma_start3A_388] : memref<10000x128xf32, #tpu.memory_space<vmem_shared>> -> memref<16x128xf32, #tpu.memory_space<vmem_shared>>
        tpu.enqueue_dma source(%dma_start3A_389 : memref<16x128xf32, #tpu.memory_space<vmem_shared>>) target(%arg10 : memref<16x128xf32, #tpu.memory_space<vmem>>) target_semaphore(%run_scoped3A : memref<!tpu.dma_semaphore, #tpu.memory_space<semaphore_mem>>)
        %dma_wait3A_390 = arith.constant 0 : i32
        %dma_wait3A_391 = tpu.memref_slice %arg11[%add3A_384, %dma_wait3A_390] : memref<10000x128xf32, #tpu.memory_space<vmem_shared>> -> memref<16x128xf32, #tpu.memory_space<vmem_shared>>
        %dma_wait3A_392 = arith.constant 0 : i32
        %dma_wait3A_393 = tpu.memref_slice %arg11[%add3A_384, %dma_wait3A_392] : memref<10000x128xf32, #tpu.memory_space<vmem_shared>> -> memref<16x128xf32, #tpu.memory_space<vmem_shared>>
        tpu.wait_dma2 semaphore(%run_scoped3A : memref<!tpu.dma_semaphore, #tpu.memory_space<semaphore_mem>>) src(%dma_wait3A_393 : memref<16x128xf32, #tpu.memory_space<vmem_shared>>) dst(%arg10 : memref<16x128xf32, #tpu.memory_space<vmem>>)
        tpu.yield
      }) : () -> ()
      "tpu.region"() ({
        %run_scoped3A = tpu.sem_alloc : memref<!tpu.dma_semaphore, #tpu.memory_space<semaphore_mem>>
        %dma_start3A_386 = arith.constant 0 : i32
        %dma_start3A_387 = tpu.memref_slice %arg5[%arg0, %add3A_384, %dma_start3A_386] : memref<2x10000x128xf32, #tpu.memory_space<hbm>> -> memref<1x16x128xf32, #tpu.memory_space<hbm>>
        %dma_start3A_388 = tpu.memref_squeeze %dma_start3A_387 : memref<1x16x128xf32, #tpu.memory_space<hbm>> -> memref<16x128xf32, #tpu.memory_space<hbm>>
        %dma_start3A_389 = arith.constant 0 : i32
        %dma_start3A_390 = tpu.memref_slice %arg5[%arg0, %add3A_384, %dma_start3A_389] : memref<2x10000x128xf32, #tpu.memory_space<hbm>> -> memref<1x16x128xf32, #tpu.memory_space<hbm>>
        %dma_start3A_391 = tpu.memref_squeeze %dma_start3A_390 : memref<1x16x128xf32, #tpu.memory_space<hbm>> -> memref<16x128xf32, #tpu.memory_space<hbm>>
        tpu.enqueue_dma source(%arg10 : memref<16x128xf32, #tpu.memory_space<vmem>>) target(%dma_start3A_391 : memref<16x128xf32, #tpu.memory_space<hbm>>) target_semaphore(%run_scoped3A : memref<!tpu.dma_semaphore, #tpu.memory_space<semaphore_mem>>)
        %dma_wait3A_392 = arith.constant 0 : i32
        %dma_wait3A_393 = tpu.memref_slice %arg5[%arg0, %add3A_384, %dma_wait3A_392] : memref<2x10000x128xf32, #tpu.memory_space<hbm>> -> memref<1x16x128xf32, #tpu.memory_space<hbm>>
        %dma_wait3A_394 = tpu.memref_squeeze %dma_wait3A_393 : memref<1x16x128xf32, #tpu.memory_space<hbm>> -> memref<16x128xf32, #tpu.memory_space<hbm>>
        %dma_wait3A_395 = arith.constant 0 : i32
        %dma_wait3A_396 = tpu.memref_slice %arg5[%arg0, %add3A_384, %dma_wait3A_395] : memref<2x10000x128xf32, #tpu.memory_space<hbm>> -> memref<1x16x128xf32, #tpu.memory_space<hbm>>
        %dma_wait3A_397 = tpu.memref_squeeze %dma_wait3A_396 : memref<1x16x128xf32, #tpu.memory_space<hbm>> -> memref<16x128xf32, #tpu.memory_space<hbm>>
        tpu.wait_dma2 semaphore(%run_scoped3A : memref<!tpu.dma_semaphore, #tpu.memory_space<semaphore_mem>>) src(%arg10 : memref<16x128xf32, #tpu.memory_space<vmem>>) dst(%dma_wait3A_397 : memref<16x128xf32, #tpu.memory_space<hbm>>)
        tpu.yield
      }) : () -> ()
      %while3A_385 = arith.constant 0 : i32
      scf.yield %while3A_385 : i32
    }
    return
  }
}

#map = affine_map<(d0, d1) -> (0)>
#map1 = affine_map<(d0, d1) -> (0, 0, 0)>
module attributes {stable_mosaic.version = 14 : i64} {
  func.func @_sc_degree_body(%arg0: i32, %arg1: i32, %arg2: memref<320000xi32, #tpu.memory_space<hbm>>, %arg3: memref<2x10000x128xf32, #tpu.memory_space<hbm>>, %arg4: memref<80xi32, #tpu.memory_space<vmem>>, %arg5: memref<80xi32, #tpu.memory_space<vmem>>, %arg6: memref<80x128xf32, #tpu.memory_space<vmem>>, %arg7: memref<16x128xf32, #tpu.memory_space<vmem>>, %arg8: memref<10000x128xf32, #tpu.memory_space<vmem_shared>>, %arg9: memref<!tpu.dma_semaphore, #tpu.memory_space<semaphore_mem>>, %arg10: memref<!tpu.dma_semaphore, #tpu.memory_space<semaphore_mem>>) attributes {dimension_semantics = [#tpu.dimension_semantics<core_parallel>, #tpu.dimension_semantics<subcore_parallel>], iteration_bounds = array<i64: 2, 16>, scalar_prefetch = 0 : i64, scratch_operands = 7 : i64, tpu.core_type = #tpu.core_type<sc_vector_subcore>, window_params = [{transform_indices = #map}, {transform_indices = #map1}]} {
    %mul3A = arith.constant 2 : i32
    %mul3A_0 = arith.muli %arg1, %mul3A : i32
    %add3A = arith.addi %mul3A_0, %arg0 : i32
    %broadcast_in_dim3A = arith.constant 1.000000e+00 : f32
    %broadcast_in_dim3A_1 = vector.broadcast %broadcast_in_dim3A : f32 to vector<16xf32>
    %scan3A = arith.constant 0 : i32
    %scan3A_2 = arith.constant 0 : i32
    %scan3A_3 = arith.constant 640 : i32
    %scan3A_4 = arith.addi %scan3A_2, %scan3A_3 : i32
    %scan3A_5 = arith.constant 1 : i32
    %scan3A_6 = scf.for %scan3A_67 = %scan3A_2 to %scan3A_4 step %scan3A_5 iter_args(%scan3A_68 = %scan3A) -> (i32)  : i32 {
      %jit3A_69 = arith.constant 8 : i32
      %div3A = arith.divsi %scan3A_67, %jit3A_69 : i32
      %sign3A = arith.constant 0 : i32
      %sign3A_70 = arith.cmpi sgt, %scan3A_67, %sign3A : i32
      %sign3A_71 = arith.extui %sign3A_70 : i1 to i32
      %sign3A_72 = arith.constant 0 : i32
      %sign3A_73 = arith.cmpi slt, %scan3A_67, %sign3A_72 : i32
      %sign3A_74 = arith.extui %sign3A_73 : i1 to i32
      %sign3A_75 = arith.subi %sign3A_71, %sign3A_74 : i32
      %sign3A_76 = arith.constant 0 : i32
      %sign3A_77 = arith.cmpi sgt, %jit3A_69, %sign3A_76 : i32
      %sign3A_78 = arith.extui %sign3A_77 : i1 to i32
      %sign3A_79 = arith.constant 0 : i32
      %sign3A_80 = arith.cmpi slt, %jit3A_69, %sign3A_79 : i32
      %sign3A_81 = arith.extui %sign3A_80 : i1 to i32
      %sign3A_82 = arith.subi %sign3A_78, %sign3A_81 : i32
      %ne3A = arith.cmpi ne, %sign3A_75, %sign3A_82 : i32
      %rem3A = arith.remsi %scan3A_67, %jit3A_69 : i32
      %ne3A_83 = arith.constant 0 : i32
      %ne3A_84 = arith.cmpi ne, %rem3A, %ne3A_83 : i32
      %and3A = arith.andi %ne3A, %ne3A_84 : i1
      %sub3A = arith.constant 1 : i32
      %sub3A_85 = arith.subi %div3A, %sub3A : i32
      %select_n3A_86 = arith.select %and3A, %sub3A_85, %div3A : i32
      %jit3A_87 = arith.constant 8 : i32
      %eq3A_88 = arith.constant 0 : i32
      %eq3A_89 = arith.cmpi eq, %jit3A_87, %eq3A_88 : i32
      %jit3A_90 = arith.constant 1 : i32
      %select_n3A_91 = arith.select %eq3A_89, %jit3A_90, %jit3A_87 : i32
      %rem3A_92 = arith.remsi %scan3A_67, %select_n3A_91 : i32
      %ne3A_93 = arith.constant 0 : i32
      %ne3A_94 = arith.cmpi ne, %rem3A_92, %ne3A_93 : i32
      %lt3A = arith.constant 0 : i32
      %lt3A_95 = arith.cmpi slt, %rem3A_92, %lt3A : i32
      %lt3A_96 = arith.constant 0 : i32
      %lt3A_97 = arith.cmpi slt, %select_n3A_91, %lt3A_96 : i32
      %ne3A_98 = arith.xori %lt3A_95, %lt3A_97 : i1
      %and3A_99 = arith.andi %ne3A_98, %ne3A_94 : i1
      %add3A_100 = arith.addi %rem3A_92, %select_n3A_91 : i32
      %select_n3A_101 = arith.select %and3A_99, %add3A_100, %rem3A_92 : i32
      %mul3A_102 = arith.constant 16 : i32
      %mul3A_103 = arith.muli %select_n3A_101, %mul3A_102 : i32
      %swap3A = arith.index_cast %select_n3A_86 : i32 to index
      %swap3A_104 = arith.index_cast %mul3A_103 : i32 to index
      %swap3A_105 = tpu.vector_load %arg6[%swap3A, %swap3A_104] {strides = array<i32>} : memref<80x128xf32, #tpu.memory_space<vmem>>, vector<1x16xf32>,
      %swap3A_106 = vector.shape_cast %swap3A_105 : vector<1x16xf32> to vector<16xf32>
      %swap3A_107 = vector.shape_cast %broadcast_in_dim3A_1 : vector<16xf32> to vector<1x16xf32>
      tpu.vector_store %arg6[%swap3A, %swap3A_104], %swap3A_107 {strides = array<i32>} : memref<80x128xf32, #tpu.memory_space<vmem>>, vector<1x16xf32>,
      %scan3A_108 = arith.constant 0 : i32
      scf.yield %scan3A_108 : i32
    }
    %scan3A_7 = arith.constant 640 : i32
    %broadcast_in_dim3A_8 = arith.constant 0.000000e+00 : f32
    %broadcast_in_dim3A_9 = vector.broadcast %broadcast_in_dim3A_8 : f32 to vector<16xf32>
    %scan3A_10 = arith.constant 0 : i32
    %scan3A_11 = arith.constant 0 : i32
    %scan3A_12 = arith.constant 128 : i32
    %scan3A_13 = arith.addi %scan3A_11, %scan3A_12 : i32
    %scan3A_14 = arith.constant 1 : i32
    %scan3A_15 = scf.for %scan3A_67 = %scan3A_11 to %scan3A_13 step %scan3A_14 iter_args(%scan3A_68 = %scan3A_10) -> (i32)  : i32 {
      %jit3A_69 = arith.constant 8 : i32
      %div3A = arith.divsi %scan3A_67, %jit3A_69 : i32
      %sign3A = arith.constant 0 : i32
      %sign3A_70 = arith.cmpi sgt, %scan3A_67, %sign3A : i32
      %sign3A_71 = arith.extui %sign3A_70 : i1 to i32
      %sign3A_72 = arith.constant 0 : i32
      %sign3A_73 = arith.cmpi slt, %scan3A_67, %sign3A_72 : i32
      %sign3A_74 = arith.extui %sign3A_73 : i1 to i32
      %sign3A_75 = arith.subi %sign3A_71, %sign3A_74 : i32
      %sign3A_76 = arith.constant 0 : i32
      %sign3A_77 = arith.cmpi sgt, %jit3A_69, %sign3A_76 : i32
      %sign3A_78 = arith.extui %sign3A_77 : i1 to i32
      %sign3A_79 = arith.constant 0 : i32
      %sign3A_80 = arith.cmpi slt, %jit3A_69, %sign3A_79 : i32
      %sign3A_81 = arith.extui %sign3A_80 : i1 to i32
      %sign3A_82 = arith.subi %sign3A_78, %sign3A_81 : i32
      %ne3A = arith.cmpi ne, %sign3A_75, %sign3A_82 : i32
      %rem3A = arith.remsi %scan3A_67, %jit3A_69 : i32
      %ne3A_83 = arith.constant 0 : i32
      %ne3A_84 = arith.cmpi ne, %rem3A, %ne3A_83 : i32
      %and3A = arith.andi %ne3A, %ne3A_84 : i1
      %sub3A = arith.constant 1 : i32
      %sub3A_85 = arith.subi %div3A, %sub3A : i32
      %select_n3A_86 = arith.select %and3A, %sub3A_85, %div3A : i32
      %jit3A_87 = arith.constant 8 : i32
      %eq3A_88 = arith.constant 0 : i32
      %eq3A_89 = arith.cmpi eq, %jit3A_87, %eq3A_88 : i32
      %jit3A_90 = arith.constant 1 : i32
      %select_n3A_91 = arith.select %eq3A_89, %jit3A_90, %jit3A_87 : i32
      %rem3A_92 = arith.remsi %scan3A_67, %select_n3A_91 : i32
      %ne3A_93 = arith.constant 0 : i32
      %ne3A_94 = arith.cmpi ne, %rem3A_92, %ne3A_93 : i32
      %lt3A = arith.constant 0 : i32
      %lt3A_95 = arith.cmpi slt, %rem3A_92, %lt3A : i32
      %lt3A_96 = arith.constant 0 : i32
      %lt3A_97 = arith.cmpi slt, %select_n3A_91, %lt3A_96 : i32
      %ne3A_98 = arith.xori %lt3A_95, %lt3A_97 : i1
      %and3A_99 = arith.andi %ne3A_98, %ne3A_94 : i1
      %add3A_100 = arith.addi %rem3A_92, %select_n3A_91 : i32
      %select_n3A_101 = arith.select %and3A_99, %add3A_100, %rem3A_92 : i32
      %mul3A_102 = arith.constant 16 : i32
      %mul3A_103 = arith.muli %select_n3A_101, %mul3A_102 : i32
      %swap3A = arith.index_cast %select_n3A_86 : i32 to index
      %swap3A_104 = arith.index_cast %mul3A_103 : i32 to index
      %swap3A_105 = tpu.vector_load %arg7[%swap3A, %swap3A_104] {strides = array<i32>} : memref<16x128xf32, #tpu.memory_space<vmem>>, vector<1x16xf32>,
      %swap3A_106 = vector.shape_cast %swap3A_105 : vector<1x16xf32> to vector<16xf32>
      %swap3A_107 = vector.shape_cast %broadcast_in_dim3A_9 : vector<16xf32> to vector<1x16xf32>
      tpu.vector_store %arg7[%swap3A, %swap3A_104], %swap3A_107 {strides = array<i32>} : memref<16x128xf32, #tpu.memory_space<vmem>>, vector<1x16xf32>,
      %scan3A_108 = arith.constant 0 : i32
      scf.yield %scan3A_108 : i32
    }
    %scan3A_16 = arith.constant 128 : i32
    %mul3A_17 = arith.constant 624 : i32
    %mul3A_18 = arith.muli %arg1, %mul3A_17 : i32
    %eq3A = arith.constant 15 : i32
    %eq3A_19 = arith.cmpi eq, %arg1, %eq3A : i32
    %jit3A = arith.constant 40 : i32
    %jit3A_20 = arith.constant 39 : i32
    %select_n3A = arith.select %eq3A_19, %jit3A, %jit3A_20 : i32
    %while3A = arith.constant 0 : i32
    %while3A_21 = arith.constant 0 : i32
    %while3A_22 = arith.subi %select_n3A, %while3A : i32
    %while3A_23 = arith.addi %while3A, %while3A_22 : i32
    %while3A_24 = arith.constant 1 : i32
    %while3A_25 = arith.divsi %while3A_22, %while3A_24 : i32
    %while3A_26 = arith.muli %while3A_25, %while3A_24 : i32
    %while3A_27 = arith.addi %while3A, %while3A_26 : i32
    %while3A_28 = arith.constant 1 : i32
    %while3A_29 = scf.for %while3A_67 = %while3A to %while3A_27 step %while3A_28 iter_args(%while3A_68 = %while3A_21) -> (i32)  : i32 {
      %mul3A_69 = arith.constant 16 : i32
      %mul3A_70 = arith.muli %while3A_67, %mul3A_69 : i32
      %add3A_71 = arith.addi %mul3A_18, %mul3A_70 : i32
      "tpu.region"() ({
        %run_scoped3A = tpu.sem_alloc : memref<!tpu.dma_semaphore, #tpu.memory_space<semaphore_mem>>
        %dma_start3A_73 = arith.constant 0 : i32
        %dma_start3A_74 = tpu.memref_slice %arg8[%add3A_71, %dma_start3A_73] : memref<10000x128xf32, #tpu.memory_space<vmem_shared>> -> memref<16x128xf32, #tpu.memory_space<vmem_shared>>
        %dma_start3A_75 = arith.constant 0 : i32
        %dma_start3A_76 = tpu.memref_slice %arg8[%add3A_71, %dma_start3A_75] : memref<10000x128xf32, #tpu.memory_space<vmem_shared>> -> memref<16x128xf32, #tpu.memory_space<vmem_shared>>
        tpu.enqueue_dma source(%arg7 : memref<16x128xf32, #tpu.memory_space<vmem>>) target(%dma_start3A_76 : memref<16x128xf32, #tpu.memory_space<vmem_shared>>) target_semaphore(%run_scoped3A : memref<!tpu.dma_semaphore, #tpu.memory_space<semaphore_mem>>)
        %dma_wait3A_77 = arith.constant 0 : i32
        %dma_wait3A_78 = tpu.memref_slice %arg8[%add3A_71, %dma_wait3A_77] : memref<10000x128xf32, #tpu.memory_space<vmem_shared>> -> memref<16x128xf32, #tpu.memory_space<vmem_shared>>
        %dma_wait3A_79 = arith.constant 0 : i32
        %dma_wait3A_80 = tpu.memref_slice %arg8[%add3A_71, %dma_wait3A_79] : memref<10000x128xf32, #tpu.memory_space<vmem_shared>> -> memref<16x128xf32, #tpu.memory_space<vmem_shared>>
        tpu.wait_dma2 semaphore(%run_scoped3A : memref<!tpu.dma_semaphore, #tpu.memory_space<semaphore_mem>>) src(%arg7 : memref<16x128xf32, #tpu.memory_space<vmem>>) dst(%dma_wait3A_80 : memref<16x128xf32, #tpu.memory_space<vmem_shared>>)
        tpu.yield
      }) : () -> ()
      %while3A_72 = arith.constant 0 : i32
      scf.yield %while3A_72 : i32
    }
    %while3A_30 = arith.constant 1 : i32
    %while3A_31 = scf.for %while3A_67 = %while3A_27 to %while3A_23 step %while3A_30 iter_args(%while3A_68 = %while3A_29) -> (i32)  : i32 {
      %mul3A_69 = arith.constant 16 : i32
      %mul3A_70 = arith.muli %while3A_67, %mul3A_69 : i32
      %add3A_71 = arith.addi %mul3A_18, %mul3A_70 : i32
      "tpu.region"() ({
        %run_scoped3A = tpu.sem_alloc : memref<!tpu.dma_semaphore, #tpu.memory_space<semaphore_mem>>
        %dma_start3A_73 = arith.constant 0 : i32
        %dma_start3A_74 = tpu.memref_slice %arg8[%add3A_71, %dma_start3A_73] : memref<10000x128xf32, #tpu.memory_space<vmem_shared>> -> memref<16x128xf32, #tpu.memory_space<vmem_shared>>
        %dma_start3A_75 = arith.constant 0 : i32
        %dma_start3A_76 = tpu.memref_slice %arg8[%add3A_71, %dma_start3A_75] : memref<10000x128xf32, #tpu.memory_space<vmem_shared>> -> memref<16x128xf32, #tpu.memory_space<vmem_shared>>
        tpu.enqueue_dma source(%arg7 : memref<16x128xf32, #tpu.memory_space<vmem>>) target(%dma_start3A_76 : memref<16x128xf32, #tpu.memory_space<vmem_shared>>) target_semaphore(%run_scoped3A : memref<!tpu.dma_semaphore, #tpu.memory_space<semaphore_mem>>)
        %dma_wait3A_77 = arith.constant 0 : i32
        %dma_wait3A_78 = tpu.memref_slice %arg8[%add3A_71, %dma_wait3A_77] : memref<10000x128xf32, #tpu.memory_space<vmem_shared>> -> memref<16x128xf32, #tpu.memory_space<vmem_shared>>
        %dma_wait3A_79 = arith.constant 0 : i32
        %dma_wait3A_80 = tpu.memref_slice %arg8[%add3A_71, %dma_wait3A_79] : memref<10000x128xf32, #tpu.memory_space<vmem_shared>> -> memref<16x128xf32, #tpu.memory_space<vmem_shared>>
        tpu.wait_dma2 semaphore(%run_scoped3A : memref<!tpu.dma_semaphore, #tpu.memory_space<semaphore_mem>>) src(%arg7 : memref<16x128xf32, #tpu.memory_space<vmem>>) dst(%dma_wait3A_80 : memref<16x128xf32, #tpu.memory_space<vmem_shared>>)
        tpu.yield
      }) : () -> ()
      %while3A_72 = arith.constant 0 : i32
      scf.yield %while3A_72 : i32
    }
    %barrier3A = arith.constant 0 : index
    tpu.barrier barrier_id(%barrier3A)
    %mul3A_32 = arith.constant 10000 : i32
    %mul3A_33 = arith.muli %add3A, %mul3A_32 : i32
    %add3A_34 = arith.constant 0 : i32
    %add3A_35 = arith.addi %mul3A_33, %add3A_34 : i32
    %dma_start3A = tpu.memref_slice %arg2[%add3A_35] : memref<320000xi32, #tpu.memory_space<hbm>> -> memref<80xi32, #tpu.memory_space<hbm>>
    %dma_start3A_36 = tpu.memref_slice %arg2[%add3A_35] : memref<320000xi32, #tpu.memory_space<hbm>> -> memref<80xi32, #tpu.memory_space<hbm>>
    tpu.enqueue_dma source(%dma_start3A_36 : memref<80xi32, #tpu.memory_space<hbm>>) target(%arg4 : memref<80xi32, #tpu.memory_space<vmem>>) target_semaphore(%arg9 : memref<!tpu.dma_semaphore, #tpu.memory_space<semaphore_mem>>)
    %scan3A_37 = arith.constant 0 : i32
    %scan3A_38 = arith.constant 0 : i32
    %scan3A_39 = arith.constant 62 : i32
    %scan3A_40 = arith.addi %scan3A_38, %scan3A_39 : i32
    %scan3A_41 = arith.constant 1 : i32
    %scan3A_42 = scf.for %scan3A_67 = %scan3A_38 to %scan3A_40 step %scan3A_41 iter_args(%scan3A_68 = %scan3A_37) -> (i32)  : i32 {
      %mul3A_69 = arith.constant 2 : i32
      %mul3A_70 = arith.muli %mul3A_69, %scan3A_67 : i32
      %add3A_71 = arith.constant 1 : i32
      %add3A_72 = arith.addi %mul3A_70, %add3A_71 : i32
      %mul3A_73 = arith.constant 80 : i32
      %mul3A_74 = arith.muli %add3A_72, %mul3A_73 : i32
      %add3A_75 = arith.addi %mul3A_33, %mul3A_74 : i32
      %dma_start3A_76 = tpu.memref_slice %arg2[%add3A_75] : memref<320000xi32, #tpu.memory_space<hbm>> -> memref<80xi32, #tpu.memory_space<hbm>>
      %dma_start3A_77 = tpu.memref_slice %arg2[%add3A_75] : memref<320000xi32, #tpu.memory_space<hbm>> -> memref<80xi32, #tpu.memory_space<hbm>>
      tpu.enqueue_dma source(%dma_start3A_77 : memref<80xi32, #tpu.memory_space<hbm>>) target(%arg5 : memref<80xi32, #tpu.memory_space<vmem>>) target_semaphore(%arg10 : memref<!tpu.dma_semaphore, #tpu.memory_space<semaphore_mem>>)
      %mul3A_78 = arith.constant 2 : i32
      %mul3A_79 = arith.muli %mul3A_78, %scan3A_67 : i32
      %mul3A_80 = arith.constant 80 : i32
      %mul3A_81 = arith.muli %mul3A_79, %mul3A_80 : i32
      %add3A_82 = arith.addi %mul3A_33, %mul3A_81 : i32
      %dma_wait3A_83 = tpu.memref_slice %arg2[%add3A_82] : memref<320000xi32, #tpu.memory_space<hbm>> -> memref<80xi32, #tpu.memory_space<hbm>>
      %dma_wait3A_84 = tpu.memref_slice %arg2[%add3A_82] : memref<320000xi32, #tpu.memory_space<hbm>> -> memref<80xi32, #tpu.memory_space<hbm>>
      tpu.wait_dma2 semaphore(%arg9 : memref<!tpu.dma_semaphore, #tpu.memory_space<semaphore_mem>>) src(%dma_wait3A_84 : memref<80xi32, #tpu.memory_space<hbm>>) dst(%arg4 : memref<80xi32, #tpu.memory_space<vmem>>)
      "tpu.region"() ({
        %run_scoped3A = tpu.sem_alloc : memref<!tpu.dma_semaphore, #tpu.memory_space<semaphore_mem>>
        %dma_start3A_104 = arith.constant 0 : i32
        %dma_start3A_105 = arith.constant 0 : i32
        %dma_start3A_106 = tpu.memref_slice %arg8[%dma_start3A_104, %dma_start3A_105] : memref<10000x128xf32, #tpu.memory_space<vmem_shared>> -> memref<10000x128xf32, #tpu.memory_space<vmem_shared>>
        tpu.enqueue_indirect_dma source(%arg6 : memref<80x128xf32, #tpu.memory_space<vmem>>) target(%dma_start3A_106 : memref<10000x128xf32, #tpu.memory_space<vmem_shared>>) offsets(%arg4 : memref<80xi32, #tpu.memory_space<vmem>>) semaphore(%run_scoped3A : memref<!tpu.dma_semaphore, #tpu.memory_space<semaphore_mem>>) {add = true}
        %dma_wait3A_107 = arith.constant 0 : i32
        %dma_wait3A_108 = arith.constant 0 : i32
        %dma_wait3A_109 = tpu.memref_slice %arg8[%dma_wait3A_107, %dma_wait3A_108] : memref<10000x128xf32, #tpu.memory_space<vmem_shared>> -> memref<10000x128xf32, #tpu.memory_space<vmem_shared>>
        tpu.wait_indirect_dma semaphore(%run_scoped3A : memref<!tpu.dma_semaphore, #tpu.memory_space<semaphore_mem>>) src(%arg6 : memref<80x128xf32, #tpu.memory_space<vmem>>) dst(%dma_wait3A_109 : memref<10000x128xf32, #tpu.memory_space<vmem_shared>>)
        tpu.yield
      }) : () -> ()
      %mul3A_85 = arith.constant 2 : i32
      %mul3A_86 = arith.muli %mul3A_85, %scan3A_67 : i32
      %add3A_87 = arith.constant 2 : i32
      %add3A_88 = arith.addi %mul3A_86, %add3A_87 : i32
      %mul3A_89 = arith.constant 80 : i32
      %mul3A_90 = arith.muli %add3A_88, %mul3A_89 : i32
      %add3A_91 = arith.addi %mul3A_33, %mul3A_90 : i32
      %dma_start3A_92 = tpu.memref_slice %arg2[%add3A_91] : memref<320000xi32, #tpu.memory_space<hbm>> -> memref<80xi32, #tpu.memory_space<hbm>>
      %dma_start3A_93 = tpu.memref_slice %arg2[%add3A_91] : memref<320000xi32, #tpu.memory_space<hbm>> -> memref<80xi32, #tpu.memory_space<hbm>>
      tpu.enqueue_dma source(%dma_start3A_93 : memref<80xi32, #tpu.memory_space<hbm>>) target(%arg4 : memref<80xi32, #tpu.memory_space<vmem>>) target_semaphore(%arg9 : memref<!tpu.dma_semaphore, #tpu.memory_space<semaphore_mem>>)
      %mul3A_94 = arith.constant 2 : i32
      %mul3A_95 = arith.muli %mul3A_94, %scan3A_67 : i32
      %add3A_96 = arith.constant 1 : i32
      %add3A_97 = arith.addi %mul3A_95, %add3A_96 : i32
      %mul3A_98 = arith.constant 80 : i32
      %mul3A_99 = arith.muli %add3A_97, %mul3A_98 : i32
      %add3A_100 = arith.addi %mul3A_33, %mul3A_99 : i32
      %dma_wait3A_101 = tpu.memref_slice %arg2[%add3A_100] : memref<320000xi32, #tpu.memory_space<hbm>> -> memref<80xi32, #tpu.memory_space<hbm>>
      %dma_wait3A_102 = tpu.memref_slice %arg2[%add3A_100] : memref<320000xi32, #tpu.memory_space<hbm>> -> memref<80xi32, #tpu.memory_space<hbm>>
      tpu.wait_dma2 semaphore(%arg10 : memref<!tpu.dma_semaphore, #tpu.memory_space<semaphore_mem>>) src(%dma_wait3A_102 : memref<80xi32, #tpu.memory_space<hbm>>) dst(%arg5 : memref<80xi32, #tpu.memory_space<vmem>>)
      "tpu.region"() ({
        %run_scoped3A = tpu.sem_alloc : memref<!tpu.dma_semaphore, #tpu.memory_space<semaphore_mem>>
        %dma_start3A_104 = arith.constant 0 : i32
        %dma_start3A_105 = arith.constant 0 : i32
        %dma_start3A_106 = tpu.memref_slice %arg8[%dma_start3A_104, %dma_start3A_105] : memref<10000x128xf32, #tpu.memory_space<vmem_shared>> -> memref<10000x128xf32, #tpu.memory_space<vmem_shared>>
        tpu.enqueue_indirect_dma source(%arg6 : memref<80x128xf32, #tpu.memory_space<vmem>>) target(%dma_start3A_106 : memref<10000x128xf32, #tpu.memory_space<vmem_shared>>) offsets(%arg5 : memref<80xi32, #tpu.memory_space<vmem>>) semaphore(%run_scoped3A : memref<!tpu.dma_semaphore, #tpu.memory_space<semaphore_mem>>) {add = true}
        %dma_wait3A_107 = arith.constant 0 : i32
        %dma_wait3A_108 = arith.constant 0 : i32
        %dma_wait3A_109 = tpu.memref_slice %arg8[%dma_wait3A_107, %dma_wait3A_108] : memref<10000x128xf32, #tpu.memory_space<vmem_shared>> -> memref<10000x128xf32, #tpu.memory_space<vmem_shared>>
        tpu.wait_indirect_dma semaphore(%run_scoped3A : memref<!tpu.dma_semaphore, #tpu.memory_space<semaphore_mem>>) src(%arg6 : memref<80x128xf32, #tpu.memory_space<vmem>>) dst(%dma_wait3A_109 : memref<10000x128xf32, #tpu.memory_space<vmem_shared>>)
        tpu.yield
      }) : () -> ()
      %scan3A_103 = arith.constant 0 : i32
      scf.yield %scan3A_103 : i32
    }
    %scan3A_43 = arith.constant 62 : i32
    %add3A_44 = arith.constant 9920 : i32
    %add3A_45 = arith.addi %mul3A_33, %add3A_44 : i32
    %dma_wait3A = tpu.memref_slice %arg2[%add3A_45] : memref<320000xi32, #tpu.memory_space<hbm>> -> memref<80xi32, #tpu.memory_space<hbm>>
    %dma_wait3A_46 = tpu.memref_slice %arg2[%add3A_45] : memref<320000xi32, #tpu.memory_space<hbm>> -> memref<80xi32, #tpu.memory_space<hbm>>
    tpu.wait_dma2 semaphore(%arg9 : memref<!tpu.dma_semaphore, #tpu.memory_space<semaphore_mem>>) src(%dma_wait3A_46 : memref<80xi32, #tpu.memory_space<hbm>>) dst(%arg4 : memref<80xi32, #tpu.memory_space<vmem>>)
    "tpu.region"() ({
      %run_scoped3A = tpu.sem_alloc : memref<!tpu.dma_semaphore, #tpu.memory_space<semaphore_mem>>
      %dma_start3A_67 = arith.constant 0 : i32
      %dma_start3A_68 = arith.constant 0 : i32
      %dma_start3A_69 = tpu.memref_slice %arg8[%dma_start3A_67, %dma_start3A_68] : memref<10000x128xf32, #tpu.memory_space<vmem_shared>> -> memref<10000x128xf32, #tpu.memory_space<vmem_shared>>
      tpu.enqueue_indirect_dma source(%arg6 : memref<80x128xf32, #tpu.memory_space<vmem>>) target(%dma_start3A_69 : memref<10000x128xf32, #tpu.memory_space<vmem_shared>>) offsets(%arg4 : memref<80xi32, #tpu.memory_space<vmem>>) semaphore(%run_scoped3A : memref<!tpu.dma_semaphore, #tpu.memory_space<semaphore_mem>>) {add = true}
      %dma_wait3A_70 = arith.constant 0 : i32
      %dma_wait3A_71 = arith.constant 0 : i32
      %dma_wait3A_72 = tpu.memref_slice %arg8[%dma_wait3A_70, %dma_wait3A_71] : memref<10000x128xf32, #tpu.memory_space<vmem_shared>> -> memref<10000x128xf32, #tpu.memory_space<vmem_shared>>
      tpu.wait_indirect_dma semaphore(%run_scoped3A : memref<!tpu.dma_semaphore, #tpu.memory_space<semaphore_mem>>) src(%arg6 : memref<80x128xf32, #tpu.memory_space<vmem>>) dst(%dma_wait3A_72 : memref<10000x128xf32, #tpu.memory_space<vmem_shared>>)
      tpu.yield
    }) : () -> ()
    %barrier3A_47 = arith.constant 0 : index
    tpu.barrier barrier_id(%barrier3A_47)
    %mul3A_48 = arith.constant 624 : i32
    %mul3A_49 = arith.muli %arg1, %mul3A_48 : i32
    %eq3A_50 = arith.constant 15 : i32
    %eq3A_51 = arith.cmpi eq, %arg1, %eq3A_50 : i32
    %jit3A_52 = arith.constant 40 : i32
    %jit3A_53 = arith.constant 39 : i32
    %select_n3A_54 = arith.select %eq3A_51, %jit3A_52, %jit3A_53 : i32
    %while3A_55 = arith.constant 0 : i32
    %while3A_56 = arith.constant 0 : i32
    %while3A_57 = arith.subi %select_n3A_54, %while3A_55 : i32
    %while3A_58 = arith.addi %while3A_55, %while3A_57 : i32
    %while3A_59 = arith.constant 1 : i32
    %while3A_60 = arith.divsi %while3A_57, %while3A_59 : i32
    %while3A_61 = arith.muli %while3A_60, %while3A_59 : i32
    %while3A_62 = arith.addi %while3A_55, %while3A_61 : i32
    %while3A_63 = arith.constant 1 : i32
    %while3A_64 = scf.for %while3A_67 = %while3A_55 to %while3A_62 step %while3A_63 iter_args(%while3A_68 = %while3A_56) -> (i32)  : i32 {
      %mul3A_69 = arith.constant 16 : i32
      %mul3A_70 = arith.muli %while3A_67, %mul3A_69 : i32
      %add3A_71 = arith.addi %mul3A_49, %mul3A_70 : i32
      "tpu.region"() ({
        %run_scoped3A = tpu.sem_alloc : memref<!tpu.dma_semaphore, #tpu.memory_space<semaphore_mem>>
        %dma_start3A_73 = arith.constant 0 : i32
        %dma_start3A_74 = tpu.memref_slice %arg8[%add3A_71, %dma_start3A_73] : memref<10000x128xf32, #tpu.memory_space<vmem_shared>> -> memref<16x128xf32, #tpu.memory_space<vmem_shared>>
        %dma_start3A_75 = arith.constant 0 : i32
        %dma_start3A_76 = tpu.memref_slice %arg8[%add3A_71, %dma_start3A_75] : memref<10000x128xf32, #tpu.memory_space<vmem_shared>> -> memref<16x128xf32, #tpu.memory_space<vmem_shared>>
        tpu.enqueue_dma source(%dma_start3A_76 : memref<16x128xf32, #tpu.memory_space<vmem_shared>>) target(%arg7 : memref<16x128xf32, #tpu.memory_space<vmem>>) target_semaphore(%run_scoped3A : memref<!tpu.dma_semaphore, #tpu.memory_space<semaphore_mem>>)
        %dma_wait3A_77 = arith.constant 0 : i32
        %dma_wait3A_78 = tpu.memref_slice %arg8[%add3A_71, %dma_wait3A_77] : memref<10000x128xf32, #tpu.memory_space<vmem_shared>> -> memref<16x128xf32, #tpu.memory_space<vmem_shared>>
        %dma_wait3A_79 = arith.constant 0 : i32
        %dma_wait3A_80 = tpu.memref_slice %arg8[%add3A_71, %dma_wait3A_79] : memref<10000x128xf32, #tpu.memory_space<vmem_shared>> -> memref<16x128xf32, #tpu.memory_space<vmem_shared>>
        tpu.wait_dma2 semaphore(%run_scoped3A : memref<!tpu.dma_semaphore, #tpu.memory_space<semaphore_mem>>) src(%dma_wait3A_80 : memref<16x128xf32, #tpu.memory_space<vmem_shared>>) dst(%arg7 : memref<16x128xf32, #tpu.memory_space<vmem>>)
        tpu.yield
      }) : () -> ()
      "tpu.region"() ({
        %run_scoped3A = tpu.sem_alloc : memref<!tpu.dma_semaphore, #tpu.memory_space<semaphore_mem>>
        %dma_start3A_73 = arith.constant 0 : i32
        %dma_start3A_74 = tpu.memref_slice %arg3[%arg0, %add3A_71, %dma_start3A_73] : memref<2x10000x128xf32, #tpu.memory_space<hbm>> -> memref<1x16x128xf32, #tpu.memory_space<hbm>>
        %dma_start3A_75 = tpu.memref_squeeze %dma_start3A_74 : memref<1x16x128xf32, #tpu.memory_space<hbm>> -> memref<16x128xf32, #tpu.memory_space<hbm>>
        %dma_start3A_76 = arith.constant 0 : i32
        %dma_start3A_77 = tpu.memref_slice %arg3[%arg0, %add3A_71, %dma_start3A_76] : memref<2x10000x128xf32, #tpu.memory_space<hbm>> -> memref<1x16x128xf32, #tpu.memory_space<hbm>>
        %dma_start3A_78 = tpu.memref_squeeze %dma_start3A_77 : memref<1x16x128xf32, #tpu.memory_space<hbm>> -> memref<16x128xf32, #tpu.memory_space<hbm>>
        tpu.enqueue_dma source(%arg7 : memref<16x128xf32, #tpu.memory_space<vmem>>) target(%dma_start3A_78 : memref<16x128xf32, #tpu.memory_space<hbm>>) target_semaphore(%run_scoped3A : memref<!tpu.dma_semaphore, #tpu.memory_space<semaphore_mem>>)
        %dma_wait3A_79 = arith.constant 0 : i32
        %dma_wait3A_80 = tpu.memref_slice %arg3[%arg0, %add3A_71, %dma_wait3A_79] : memref<2x10000x128xf32, #tpu.memory_space<hbm>> -> memref<1x16x128xf32, #tpu.memory_space<hbm>>
        %dma_wait3A_81 = tpu.memref_squeeze %dma_wait3A_80 : memref<1x16x128xf32, #tpu.memory_space<hbm>> -> memref<16x128xf32, #tpu.memory_space<hbm>>
        %dma_wait3A_82 = arith.constant 0 : i32
        %dma_wait3A_83 = tpu.memref_slice %arg3[%arg0, %add3A_71, %dma_wait3A_82] : memref<2x10000x128xf32, #tpu.memory_space<hbm>> -> memref<1x16x128xf32, #tpu.memory_space<hbm>>
        %dma_wait3A_84 = tpu.memref_squeeze %dma_wait3A_83 : memref<1x16x128xf32, #tpu.memory_space<hbm>> -> memref<16x128xf32, #tpu.memory_space<hbm>>
        tpu.wait_dma2 semaphore(%run_scoped3A : memref<!tpu.dma_semaphore, #tpu.memory_space<semaphore_mem>>) src(%arg7 : memref<16x128xf32, #tpu.memory_space<vmem>>) dst(%dma_wait3A_84 : memref<16x128xf32, #tpu.memory_space<hbm>>)
        tpu.yield
      }) : () -> ()
      %while3A_72 = arith.constant 0 : i32
      scf.yield %while3A_72 : i32
    }
    %while3A_65 = arith.constant 1 : i32
    %while3A_66 = scf.for %while3A_67 = %while3A_62 to %while3A_58 step %while3A_65 iter_args(%while3A_68 = %while3A_64) -> (i32)  : i32 {
      %mul3A_69 = arith.constant 16 : i32
      %mul3A_70 = arith.muli %while3A_67, %mul3A_69 : i32
      %add3A_71 = arith.addi %mul3A_49, %mul3A_70 : i32
      "tpu.region"() ({
        %run_scoped3A = tpu.sem_alloc : memref<!tpu.dma_semaphore, #tpu.memory_space<semaphore_mem>>
        %dma_start3A_73 = arith.constant 0 : i32
        %dma_start3A_74 = tpu.memref_slice %arg8[%add3A_71, %dma_start3A_73] : memref<10000x128xf32, #tpu.memory_space<vmem_shared>> -> memref<16x128xf32, #tpu.memory_space<vmem_shared>>
        %dma_start3A_75 = arith.constant 0 : i32
        %dma_start3A_76 = tpu.memref_slice %arg8[%add3A_71, %dma_start3A_75] : memref<10000x128xf32, #tpu.memory_space<vmem_shared>> -> memref<16x128xf32, #tpu.memory_space<vmem_shared>>
        tpu.enqueue_dma source(%dma_start3A_76 : memref<16x128xf32, #tpu.memory_space<vmem_shared>>) target(%arg7 : memref<16x128xf32, #tpu.memory_space<vmem>>) target_semaphore(%run_scoped3A : memref<!tpu.dma_semaphore, #tpu.memory_space<semaphore_mem>>)
        %dma_wait3A_77 = arith.constant 0 : i32
        %dma_wait3A_78 = tpu.memref_slice %arg8[%add3A_71, %dma_wait3A_77] : memref<10000x128xf32, #tpu.memory_space<vmem_shared>> -> memref<16x128xf32, #tpu.memory_space<vmem_shared>>
        %dma_wait3A_79 = arith.constant 0 : i32
        %dma_wait3A_80 = tpu.memref_slice %arg8[%add3A_71, %dma_wait3A_79] : memref<10000x128xf32, #tpu.memory_space<vmem_shared>> -> memref<16x128xf32, #tpu.memory_space<vmem_shared>>
        tpu.wait_dma2 semaphore(%run_scoped3A : memref<!tpu.dma_semaphore, #tpu.memory_space<semaphore_mem>>) src(%dma_wait3A_80 : memref<16x128xf32, #tpu.memory_space<vmem_shared>>) dst(%arg7 : memref<16x128xf32, #tpu.memory_space<vmem>>)
        tpu.yield
      }) : () -> ()
      "tpu.region"() ({
        %run_scoped3A = tpu.sem_alloc : memref<!tpu.dma_semaphore, #tpu.memory_space<semaphore_mem>>
        %dma_start3A_73 = arith.constant 0 : i32
        %dma_start3A_74 = tpu.memref_slice %arg3[%arg0, %add3A_71, %dma_start3A_73] : memref<2x10000x128xf32, #tpu.memory_space<hbm>> -> memref<1x16x128xf32, #tpu.memory_space<hbm>>
        %dma_start3A_75 = tpu.memref_squeeze %dma_start3A_74 : memref<1x16x128xf32, #tpu.memory_space<hbm>> -> memref<16x128xf32, #tpu.memory_space<hbm>>
        %dma_start3A_76 = arith.constant 0 : i32
        %dma_start3A_77 = tpu.memref_slice %arg3[%arg0, %add3A_71, %dma_start3A_76] : memref<2x10000x128xf32, #tpu.memory_space<hbm>> -> memref<1x16x128xf32, #tpu.memory_space<hbm>>
        %dma_start3A_78 = tpu.memref_squeeze %dma_start3A_77 : memref<1x16x128xf32, #tpu.memory_space<hbm>> -> memref<16x128xf32, #tpu.memory_space<hbm>>
        tpu.enqueue_dma source(%arg7 : memref<16x128xf32, #tpu.memory_space<vmem>>) target(%dma_start3A_78 : memref<16x128xf32, #tpu.memory_space<hbm>>) target_semaphore(%run_scoped3A : memref<!tpu.dma_semaphore, #tpu.memory_space<semaphore_mem>>)
        %dma_wait3A_79 = arith.constant 0 : i32
        %dma_wait3A_80 = tpu.memref_slice %arg3[%arg0, %add3A_71, %dma_wait3A_79] : memref<2x10000x128xf32, #tpu.memory_space<hbm>> -> memref<1x16x128xf32, #tpu.memory_space<hbm>>
        %dma_wait3A_81 = tpu.memref_squeeze %dma_wait3A_80 : memref<1x16x128xf32, #tpu.memory_space<hbm>> -> memref<16x128xf32, #tpu.memory_space<hbm>>
        %dma_wait3A_82 = arith.constant 0 : i32
        %dma_wait3A_83 = tpu.memref_slice %arg3[%arg0, %add3A_71, %dma_wait3A_82] : memref<2x10000x128xf32, #tpu.memory_space<hbm>> -> memref<1x16x128xf32, #tpu.memory_space<hbm>>
        %dma_wait3A_84 = tpu.memref_squeeze %dma_wait3A_83 : memref<1x16x128xf32, #tpu.memory_space<hbm>> -> memref<16x128xf32, #tpu.memory_space<hbm>>
        tpu.wait_dma2 semaphore(%run_scoped3A : memref<!tpu.dma_semaphore, #tpu.memory_space<semaphore_mem>>) src(%arg7 : memref<16x128xf32, #tpu.memory_space<vmem>>) dst(%dma_wait3A_84 : memref<16x128xf32, #tpu.memory_space<hbm>>)
        tpu.yield
      }) : () -> ()
      %while3A_72 = arith.constant 0 : i32
      scf.yield %while3A_72 : i32
    }
    return
  }
}

#map = affine_map<(d0, d1) -> (0, 0)>
#map1 = affine_map<(d0, d1) -> (0)>
#map2 = affine_map<(d0, d1) -> (0, 0, 0)>
module attributes {stable_mosaic.version = 14 : i64} {
  func.func @_sc_aggregate_body(%arg0: i32, %arg1: i32, %arg2: memref<10000x128xf32, #tpu.memory_space<hbm>>, %arg3: memref<320000xi32, #tpu.memory_space<hbm>>, %arg4: memref<320000xi32, #tpu.memory_space<hbm>>, %arg5: memref<2x10000x128xf32, #tpu.memory_space<hbm>>, %arg6: memref<4x80xi32, #tpu.memory_space<vmem>>, %arg7: memref<4x80xi32, #tpu.memory_space<vmem>>, %arg8: memref<80x128xf32, #tpu.memory_space<vmem>>, %arg9: memref<80x128xf32, #tpu.memory_space<vmem>>, %arg10: memref<16x128xf32, #tpu.memory_space<vmem>>, %arg11: memref<10000x128xf32, #tpu.memory_space<vmem_shared>>, %arg12: memref<!tpu.dma_semaphore, #tpu.memory_space<semaphore_mem>>, %arg13: memref<!tpu.dma_semaphore, #tpu.memory_space<semaphore_mem>>, %arg14: memref<!tpu.dma_semaphore, #tpu.memory_space<semaphore_mem>>, %arg15: memref<!tpu.dma_semaphore, #tpu.memory_space<semaphore_mem>>, %arg16: memref<!tpu.dma_semaphore, #tpu.memory_space<semaphore_mem>>, %arg17: memref<!tpu.dma_semaphore, #tpu.memory_space<semaphore_mem>>, %arg18: memref<!tpu.dma_semaphore, #tpu.memory_space<semaphore_mem>>, %arg19: memref<!tpu.dma_semaphore, #tpu.memory_space<semaphore_mem>>) attributes {dimension_semantics = [#tpu.dimension_semantics<core_parallel>, #tpu.dimension_semantics<subcore_parallel>], iteration_bounds = array<i64: 2, 16>, scalar_prefetch = 0 : i64, scratch_operands = 14 : i64, tpu.core_type = #tpu.core_type<sc_vector_subcore>, window_params = [{transform_indices = #map}, {transform_indices = #map1}, {transform_indices = #map1}, {transform_indices = #map2}]} {
    %mul3A = arith.constant 2 : i32
    %mul3A_0 = arith.muli %arg1, %mul3A : i32
    %add3A = arith.addi %mul3A_0, %arg0 : i32
    %broadcast_in_dim3A = arith.constant 0.000000e+00 : f32
    %broadcast_in_dim3A_1 = vector.broadcast %broadcast_in_dim3A : f32 to vector<16xf32>
    %scan3A = arith.constant 0 : i32
    %scan3A_2 = arith.constant 0 : i32
    %scan3A_3 = arith.constant 128 : i32
    %scan3A_4 = arith.addi %scan3A_2, %scan3A_3 : i32
    %scan3A_5 = arith.constant 1 : i32
    %scan3A_6 = scf.for %scan3A_380 = %scan3A_2 to %scan3A_4 step %scan3A_5 iter_args(%scan3A_381 = %scan3A) -> (i32)  : i32 {
      %jit3A_382 = arith.constant 8 : i32
      %div3A = arith.divsi %scan3A_380, %jit3A_382 : i32
      %sign3A = arith.constant 0 : i32
      %sign3A_383 = arith.cmpi sgt, %scan3A_380, %sign3A : i32
      %sign3A_384 = arith.extui %sign3A_383 : i1 to i32
      %sign3A_385 = arith.constant 0 : i32
      %sign3A_386 = arith.cmpi slt, %scan3A_380, %sign3A_385 : i32
      %sign3A_387 = arith.extui %sign3A_386 : i1 to i32
      %sign3A_388 = arith.subi %sign3A_384, %sign3A_387 : i32
      %sign3A_389 = arith.constant 0 : i32
      %sign3A_390 = arith.cmpi sgt, %jit3A_382, %sign3A_389 : i32
      %sign3A_391 = arith.extui %sign3A_390 : i1 to i32
      %sign3A_392 = arith.constant 0 : i32
      %sign3A_393 = arith.cmpi slt, %jit3A_382, %sign3A_392 : i32
      %sign3A_394 = arith.extui %sign3A_393 : i1 to i32
      %sign3A_395 = arith.subi %sign3A_391, %sign3A_394 : i32
      %ne3A = arith.cmpi ne, %sign3A_388, %sign3A_395 : i32
      %rem3A = arith.remsi %scan3A_380, %jit3A_382 : i32
      %ne3A_396 = arith.constant 0 : i32
      %ne3A_397 = arith.cmpi ne, %rem3A, %ne3A_396 : i32
      %and3A = arith.andi %ne3A, %ne3A_397 : i1
      %sub3A = arith.constant 1 : i32
      %sub3A_398 = arith.subi %div3A, %sub3A : i32
      %select_n3A_399 = arith.select %and3A, %sub3A_398, %div3A : i32
      %jit3A_400 = arith.constant 8 : i32
      %eq3A_401 = arith.constant 0 : i32
      %eq3A_402 = arith.cmpi eq, %jit3A_400, %eq3A_401 : i32
      %jit3A_403 = arith.constant 1 : i32
      %select_n3A_404 = arith.select %eq3A_402, %jit3A_403, %jit3A_400 : i32
      %rem3A_405 = arith.remsi %scan3A_380, %select_n3A_404 : i32
      %ne3A_406 = arith.constant 0 : i32
      %ne3A_407 = arith.cmpi ne, %rem3A_405, %ne3A_406 : i32
      %lt3A = arith.constant 0 : i32
      %lt3A_408 = arith.cmpi slt, %rem3A_405, %lt3A : i32
      %lt3A_409 = arith.constant 0 : i32
      %lt3A_410 = arith.cmpi slt, %select_n3A_404, %lt3A_409 : i32
      %ne3A_411 = arith.xori %lt3A_408, %lt3A_410 : i1
      %and3A_412 = arith.andi %ne3A_411, %ne3A_407 : i1
      %add3A_413 = arith.addi %rem3A_405, %select_n3A_404 : i32
      %select_n3A_414 = arith.select %and3A_412, %add3A_413, %rem3A_405 : i32
      %mul3A_415 = arith.constant 16 : i32
      %mul3A_416 = arith.muli %select_n3A_414, %mul3A_415 : i32
      %swap3A = arith.index_cast %select_n3A_399 : i32 to index
      %swap3A_417 = arith.index_cast %mul3A_416 : i32 to index
      %swap3A_418 = tpu.vector_load %arg10[%swap3A, %swap3A_417] {strides = array<i32>} : memref<16x128xf32, #tpu.memory_space<vmem>>, vector<1x16xf32>,
      %swap3A_419 = vector.shape_cast %swap3A_418 : vector<1x16xf32> to vector<16xf32>
      %swap3A_420 = vector.shape_cast %broadcast_in_dim3A_1 : vector<16xf32> to vector<1x16xf32>
      tpu.vector_store %arg10[%swap3A, %swap3A_417], %swap3A_420 {strides = array<i32>} : memref<16x128xf32, #tpu.memory_space<vmem>>, vector<1x16xf32>,
      %scan3A_421 = arith.constant 0 : i32
      scf.yield %scan3A_421 : i32
    }
    %scan3A_7 = arith.constant 128 : i32
    %mul3A_8 = arith.constant 624 : i32
    %mul3A_9 = arith.muli %arg1, %mul3A_8 : i32
    %eq3A = arith.constant 15 : i32
    %eq3A_10 = arith.cmpi eq, %arg1, %eq3A : i32
    %jit3A = arith.constant 40 : i32
    %jit3A_11 = arith.constant 39 : i32
    %select_n3A = arith.select %eq3A_10, %jit3A, %jit3A_11 : i32
    %while3A = arith.constant 0 : i32
    %while3A_12 = arith.constant 0 : i32
    %while3A_13 = arith.subi %select_n3A, %while3A : i32
    %while3A_14 = arith.addi %while3A, %while3A_13 : i32
    %while3A_15 = arith.constant 1 : i32
    %while3A_16 = arith.divsi %while3A_13, %while3A_15 : i32
    %while3A_17 = arith.muli %while3A_16, %while3A_15 : i32
    %while3A_18 = arith.addi %while3A, %while3A_17 : i32
    %while3A_19 = arith.constant 1 : i32
    %while3A_20 = scf.for %while3A_380 = %while3A to %while3A_18 step %while3A_19 iter_args(%while3A_381 = %while3A_12) -> (i32)  : i32 {
      %mul3A_382 = arith.constant 16 : i32
      %mul3A_383 = arith.muli %while3A_380, %mul3A_382 : i32
      %add3A_384 = arith.addi %mul3A_9, %mul3A_383 : i32
      "tpu.region"() ({
        %run_scoped3A = tpu.sem_alloc : memref<!tpu.dma_semaphore, #tpu.memory_space<semaphore_mem>>
        %dma_start3A_386 = arith.constant 0 : i32
        %dma_start3A_387 = tpu.memref_slice %arg11[%add3A_384, %dma_start3A_386] : memref<10000x128xf32, #tpu.memory_space<vmem_shared>> -> memref<16x128xf32, #tpu.memory_space<vmem_shared>>
        %dma_start3A_388 = arith.constant 0 : i32
        %dma_start3A_389 = tpu.memref_slice %arg11[%add3A_384, %dma_start3A_388] : memref<10000x128xf32, #tpu.memory_space<vmem_shared>> -> memref<16x128xf32, #tpu.memory_space<vmem_shared>>
        tpu.enqueue_dma source(%arg10 : memref<16x128xf32, #tpu.memory_space<vmem>>) target(%dma_start3A_389 : memref<16x128xf32, #tpu.memory_space<vmem_shared>>) target_semaphore(%run_scoped3A : memref<!tpu.dma_semaphore, #tpu.memory_space<semaphore_mem>>)
        %dma_wait3A_390 = arith.constant 0 : i32
        %dma_wait3A_391 = tpu.memref_slice %arg11[%add3A_384, %dma_wait3A_390] : memref<10000x128xf32, #tpu.memory_space<vmem_shared>> -> memref<16x128xf32, #tpu.memory_space<vmem_shared>>
        %dma_wait3A_392 = arith.constant 0 : i32
        %dma_wait3A_393 = tpu.memref_slice %arg11[%add3A_384, %dma_wait3A_392] : memref<10000x128xf32, #tpu.memory_space<vmem_shared>> -> memref<16x128xf32, #tpu.memory_space<vmem_shared>>
        tpu.wait_dma2 semaphore(%run_scoped3A : memref<!tpu.dma_semaphore, #tpu.memory_space<semaphore_mem>>) src(%arg10 : memref<16x128xf32, #tpu.memory_space<vmem>>) dst(%dma_wait3A_393 : memref<16x128xf32, #tpu.memory_space<vmem_shared>>)
        tpu.yield
      }) : () -> ()
      %while3A_385 = arith.constant 0 : i32
      scf.yield %while3A_385 : i32
    }
    %while3A_21 = arith.constant 1 : i32
    %while3A_22 = scf.for %while3A_380 = %while3A_18 to %while3A_14 step %while3A_21 iter_args(%while3A_381 = %while3A_20) -> (i32)  : i32 {
      %mul3A_382 = arith.constant 16 : i32
      %mul3A_383 = arith.muli %while3A_380, %mul3A_382 : i32
      %add3A_384 = arith.addi %mul3A_9, %mul3A_383 : i32
      "tpu.region"() ({
        %run_scoped3A = tpu.sem_alloc : memref<!tpu.dma_semaphore, #tpu.memory_space<semaphore_mem>>
        %dma_start3A_386 = arith.constant 0 : i32
        %dma_start3A_387 = tpu.memref_slice %arg11[%add3A_384, %dma_start3A_386] : memref<10000x128xf32, #tpu.memory_space<vmem_shared>> -> memref<16x128xf32, #tpu.memory_space<vmem_shared>>
        %dma_start3A_388 = arith.constant 0 : i32
        %dma_start3A_389 = tpu.memref_slice %arg11[%add3A_384, %dma_start3A_388] : memref<10000x128xf32, #tpu.memory_space<vmem_shared>> -> memref<16x128xf32, #tpu.memory_space<vmem_shared>>
        tpu.enqueue_dma source(%arg10 : memref<16x128xf32, #tpu.memory_space<vmem>>) target(%dma_start3A_389 : memref<16x128xf32, #tpu.memory_space<vmem_shared>>) target_semaphore(%run_scoped3A : memref<!tpu.dma_semaphore, #tpu.memory_space<semaphore_mem>>)
        %dma_wait3A_390 = arith.constant 0 : i32
        %dma_wait3A_391 = tpu.memref_slice %arg11[%add3A_384, %dma_wait3A_390] : memref<10000x128xf32, #tpu.memory_space<vmem_shared>> -> memref<16x128xf32, #tpu.memory_space<vmem_shared>>
        %dma_wait3A_392 = arith.constant 0 : i32
        %dma_wait3A_393 = tpu.memref_slice %arg11[%add3A_384, %dma_wait3A_392] : memref<10000x128xf32, #tpu.memory_space<vmem_shared>> -> memref<16x128xf32, #tpu.memory_space<vmem_shared>>
        tpu.wait_dma2 semaphore(%run_scoped3A : memref<!tpu.dma_semaphore, #tpu.memory_space<semaphore_mem>>) src(%arg10 : memref<16x128xf32, #tpu.memory_space<vmem>>) dst(%dma_wait3A_393 : memref<16x128xf32, #tpu.memory_space<vmem_shared>>)
        tpu.yield
      }) : () -> ()
      %while3A_385 = arith.constant 0 : i32
      scf.yield %while3A_385 : i32
    }
    %barrier3A = arith.constant 0 : index
    tpu.barrier barrier_id(%barrier3A)
    %mul3A_23 = arith.constant 10000 : i32
    %mul3A_24 = arith.muli %add3A, %mul3A_23 : i32
    %add3A_25 = arith.constant 0 : i32
    %add3A_26 = arith.addi %mul3A_24, %add3A_25 : i32
    %dma_start3A = arith.constant 0 : i32
    %dma_start3A_27 = arith.constant 0 : i32
    %dma_start3A_28 = tpu.memref_slice %arg6[%dma_start3A, %dma_start3A_27] : memref<4x80xi32, #tpu.memory_space<vmem>> -> memref<1x80xi32, #tpu.memory_space<vmem>>
    %dma_start3A_29 = tpu.memref_squeeze %dma_start3A_28 : memref<1x80xi32, #tpu.memory_space<vmem>> -> memref<80xi32, #tpu.memory_space<vmem>>
    %dma_start3A_30 = tpu.memref_slice %arg3[%add3A_26] : memref<320000xi32, #tpu.memory_space<hbm>> -> memref<80xi32, #tpu.memory_space<hbm>>
    %dma_start3A_31 = arith.constant 0 : i32
    %dma_start3A_32 = tpu.memref_slice %arg6[%dma_start3A, %dma_start3A_31] : memref<4x80xi32, #tpu.memory_space<vmem>> -> memref<1x80xi32, #tpu.memory_space<vmem>>
    %dma_start3A_33 = tpu.memref_squeeze %dma_start3A_32 : memref<1x80xi32, #tpu.memory_space<vmem>> -> memref<80xi32, #tpu.memory_space<vmem>>
    %dma_start3A_34 = tpu.memref_slice %arg3[%add3A_26] : memref<320000xi32, #tpu.memory_space<hbm>> -> memref<80xi32, #tpu.memory_space<hbm>>
    tpu.enqueue_dma source(%dma_start3A_34 : memref<80xi32, #tpu.memory_space<hbm>>) target(%dma_start3A_33 : memref<80xi32, #tpu.memory_space<vmem>>) target_semaphore(%arg12 : memref<!tpu.dma_semaphore, #tpu.memory_space<semaphore_mem>>)
    %dma_start3A_35 = arith.constant 0 : i32
    %dma_start3A_36 = arith.constant 0 : i32
    %dma_start3A_37 = tpu.memref_slice %arg7[%dma_start3A_35, %dma_start3A_36] : memref<4x80xi32, #tpu.memory_space<vmem>> -> memref<1x80xi32, #tpu.memory_space<vmem>>
    %dma_start3A_38 = tpu.memref_squeeze %dma_start3A_37 : memref<1x80xi32, #tpu.memory_space<vmem>> -> memref<80xi32, #tpu.memory_space<vmem>>
    %dma_start3A_39 = tpu.memref_slice %arg4[%add3A_26] : memref<320000xi32, #tpu.memory_space<hbm>> -> memref<80xi32, #tpu.memory_space<hbm>>
    %dma_start3A_40 = arith.constant 0 : i32
    %dma_start3A_41 = tpu.memref_slice %arg7[%dma_start3A_35, %dma_start3A_40] : memref<4x80xi32, #tpu.memory_space<vmem>> -> memref<1x80xi32, #tpu.memory_space<vmem>>
    %dma_start3A_42 = tpu.memref_squeeze %dma_start3A_41 : memref<1x80xi32, #tpu.memory_space<vmem>> -> memref<80xi32, #tpu.memory_space<vmem>>
    %dma_start3A_43 = tpu.memref_slice %arg4[%add3A_26] : memref<320000xi32, #tpu.memory_space<hbm>> -> memref<80xi32, #tpu.memory_space<hbm>>
    tpu.enqueue_dma source(%dma_start3A_43 : memref<80xi32, #tpu.memory_space<hbm>>) target(%dma_start3A_42 : memref<80xi32, #tpu.memory_space<vmem>>) target_semaphore(%arg12 : memref<!tpu.dma_semaphore, #tpu.memory_space<semaphore_mem>>)
    %add3A_44 = arith.constant 80 : i32
    %add3A_45 = arith.addi %mul3A_24, %add3A_44 : i32
    %dma_start3A_46 = arith.constant 1 : i32
    %dma_start3A_47 = arith.constant 0 : i32
    %dma_start3A_48 = tpu.memref_slice %arg6[%dma_start3A_46, %dma_start3A_47] : memref<4x80xi32, #tpu.memory_space<vmem>> -> memref<1x80xi32, #tpu.memory_space<vmem>>
    %dma_start3A_49 = tpu.memref_squeeze %dma_start3A_48 : memref<1x80xi32, #tpu.memory_space<vmem>> -> memref<80xi32, #tpu.memory_space<vmem>>
    %dma_start3A_50 = tpu.memref_slice %arg3[%add3A_45] : memref<320000xi32, #tpu.memory_space<hbm>> -> memref<80xi32, #tpu.memory_space<hbm>>
    %dma_start3A_51 = arith.constant 0 : i32
    %dma_start3A_52 = tpu.memref_slice %arg6[%dma_start3A_46, %dma_start3A_51] : memref<4x80xi32, #tpu.memory_space<vmem>> -> memref<1x80xi32, #tpu.memory_space<vmem>>
    %dma_start3A_53 = tpu.memref_squeeze %dma_start3A_52 : memref<1x80xi32, #tpu.memory_space<vmem>> -> memref<80xi32, #tpu.memory_space<vmem>>
    %dma_start3A_54 = tpu.memref_slice %arg3[%add3A_45] : memref<320000xi32, #tpu.memory_space<hbm>> -> memref<80xi32, #tpu.memory_space<hbm>>
    tpu.enqueue_dma source(%dma_start3A_54 : memref<80xi32, #tpu.memory_space<hbm>>) target(%dma_start3A_53 : memref<80xi32, #tpu.memory_space<vmem>>) target_semaphore(%arg13 : memref<!tpu.dma_semaphore, #tpu.memory_space<semaphore_mem>>)
    %dma_start3A_55 = arith.constant 1 : i32
    %dma_start3A_56 = arith.constant 0 : i32
    %dma_start3A_57 = tpu.memref_slice %arg7[%dma_start3A_55, %dma_start3A_56] : memref<4x80xi32, #tpu.memory_space<vmem>> -> memref<1x80xi32, #tpu.memory_space<vmem>>
    %dma_start3A_58 = tpu.memref_squeeze %dma_start3A_57 : memref<1x80xi32, #tpu.memory_space<vmem>> -> memref<80xi32, #tpu.memory_space<vmem>>
    %dma_start3A_59 = tpu.memref_slice %arg4[%add3A_45] : memref<320000xi32, #tpu.memory_space<hbm>> -> memref<80xi32, #tpu.memory_space<hbm>>
    %dma_start3A_60 = arith.constant 0 : i32
    %dma_start3A_61 = tpu.memref_slice %arg7[%dma_start3A_55, %dma_start3A_60] : memref<4x80xi32, #tpu.memory_space<vmem>> -> memref<1x80xi32, #tpu.memory_space<vmem>>
    %dma_start3A_62 = tpu.memref_squeeze %dma_start3A_61 : memref<1x80xi32, #tpu.memory_space<vmem>> -> memref<80xi32, #tpu.memory_space<vmem>>
    %dma_start3A_63 = tpu.memref_slice %arg4[%add3A_45] : memref<320000xi32, #tpu.memory_space<hbm>> -> memref<80xi32, #tpu.memory_space<hbm>>
    tpu.enqueue_dma source(%dma_start3A_63 : memref<80xi32, #tpu.memory_space<hbm>>) target(%dma_start3A_62 : memref<80xi32, #tpu.memory_space<vmem>>) target_semaphore(%arg13 : memref<!tpu.dma_semaphore, #tpu.memory_space<semaphore_mem>>)
    %add3A_64 = arith.constant 160 : i32
    %add3A_65 = arith.addi %mul3A_24, %add3A_64 : i32
    %dma_start3A_66 = arith.constant 2 : i32
    %dma_start3A_67 = arith.constant 0 : i32
    %dma_start3A_68 = tpu.memref_slice %arg6[%dma_start3A_66, %dma_start3A_67] : memref<4x80xi32, #tpu.memory_space<vmem>> -> memref<1x80xi32, #tpu.memory_space<vmem>>
    %dma_start3A_69 = tpu.memref_squeeze %dma_start3A_68 : memref<1x80xi32, #tpu.memory_space<vmem>> -> memref<80xi32, #tpu.memory_space<vmem>>
    %dma_start3A_70 = tpu.memref_slice %arg3[%add3A_65] : memref<320000xi32, #tpu.memory_space<hbm>> -> memref<80xi32, #tpu.memory_space<hbm>>
    %dma_start3A_71 = arith.constant 0 : i32
    %dma_start3A_72 = tpu.memref_slice %arg6[%dma_start3A_66, %dma_start3A_71] : memref<4x80xi32, #tpu.memory_space<vmem>> -> memref<1x80xi32, #tpu.memory_space<vmem>>
    %dma_start3A_73 = tpu.memref_squeeze %dma_start3A_72 : memref<1x80xi32, #tpu.memory_space<vmem>> -> memref<80xi32, #tpu.memory_space<vmem>>
    %dma_start3A_74 = tpu.memref_slice %arg3[%add3A_65] : memref<320000xi32, #tpu.memory_space<hbm>> -> memref<80xi32, #tpu.memory_space<hbm>>
    tpu.enqueue_dma source(%dma_start3A_74 : memref<80xi32, #tpu.memory_space<hbm>>) target(%dma_start3A_73 : memref<80xi32, #tpu.memory_space<vmem>>) target_semaphore(%arg14 : memref<!tpu.dma_semaphore, #tpu.memory_space<semaphore_mem>>)
    %dma_start3A_75 = arith.constant 2 : i32
    %dma_start3A_76 = arith.constant 0 : i32
    %dma_start3A_77 = tpu.memref_slice %arg7[%dma_start3A_75, %dma_start3A_76] : memref<4x80xi32, #tpu.memory_space<vmem>> -> memref<1x80xi32, #tpu.memory_space<vmem>>
    %dma_start3A_78 = tpu.memref_squeeze %dma_start3A_77 : memref<1x80xi32, #tpu.memory_space<vmem>> -> memref<80xi32, #tpu.memory_space<vmem>>
    %dma_start3A_79 = tpu.memref_slice %arg4[%add3A_65] : memref<320000xi32, #tpu.memory_space<hbm>> -> memref<80xi32, #tpu.memory_space<hbm>>
    %dma_start3A_80 = arith.constant 0 : i32
    %dma_start3A_81 = tpu.memref_slice %arg7[%dma_start3A_75, %dma_start3A_80] : memref<4x80xi32, #tpu.memory_space<vmem>> -> memref<1x80xi32, #tpu.memory_space<vmem>>
    %dma_start3A_82 = tpu.memref_squeeze %dma_start3A_81 : memref<1x80xi32, #tpu.memory_space<vmem>> -> memref<80xi32, #tpu.memory_space<vmem>>
    %dma_start3A_83 = tpu.memref_slice %arg4[%add3A_65] : memref<320000xi32, #tpu.memory_space<hbm>> -> memref<80xi32, #tpu.memory_space<hbm>>
    tpu.enqueue_dma source(%dma_start3A_83 : memref<80xi32, #tpu.memory_space<hbm>>) target(%dma_start3A_82 : memref<80xi32, #tpu.memory_space<vmem>>) target_semaphore(%arg14 : memref<!tpu.dma_semaphore, #tpu.memory_space<semaphore_mem>>)
    %add3A_84 = arith.constant 240 : i32
    %add3A_85 = arith.addi %mul3A_24, %add3A_84 : i32
    %dma_start3A_86 = arith.constant 3 : i32
    %dma_start3A_87 = arith.constant 0 : i32
    %dma_start3A_88 = tpu.memref_slice %arg6[%dma_start3A_86, %dma_start3A_87] : memref<4x80xi32, #tpu.memory_space<vmem>> -> memref<1x80xi32, #tpu.memory_space<vmem>>
    %dma_start3A_89 = tpu.memref_squeeze %dma_start3A_88 : memref<1x80xi32, #tpu.memory_space<vmem>> -> memref<80xi32, #tpu.memory_space<vmem>>
    %dma_start3A_90 = tpu.memref_slice %arg3[%add3A_85] : memref<320000xi32, #tpu.memory_space<hbm>> -> memref<80xi32, #tpu.memory_space<hbm>>
    %dma_start3A_91 = arith.constant 0 : i32
    %dma_start3A_92 = tpu.memref_slice %arg6[%dma_start3A_86, %dma_start3A_91] : memref<4x80xi32, #tpu.memory_space<vmem>> -> memref<1x80xi32, #tpu.memory_space<vmem>>
    %dma_start3A_93 = tpu.memref_squeeze %dma_start3A_92 : memref<1x80xi32, #tpu.memory_space<vmem>> -> memref<80xi32, #tpu.memory_space<vmem>>
    %dma_start3A_94 = tpu.memref_slice %arg3[%add3A_85] : memref<320000xi32, #tpu.memory_space<hbm>> -> memref<80xi32, #tpu.memory_space<hbm>>
    tpu.enqueue_dma source(%dma_start3A_94 : memref<80xi32, #tpu.memory_space<hbm>>) target(%dma_start3A_93 : memref<80xi32, #tpu.memory_space<vmem>>) target_semaphore(%arg15 : memref<!tpu.dma_semaphore, #tpu.memory_space<semaphore_mem>>)
    %dma_start3A_95 = arith.constant 3 : i32
    %dma_start3A_96 = arith.constant 0 : i32
    %dma_start3A_97 = tpu.memref_slice %arg7[%dma_start3A_95, %dma_start3A_96] : memref<4x80xi32, #tpu.memory_space<vmem>> -> memref<1x80xi32, #tpu.memory_space<vmem>>
    %dma_start3A_98 = tpu.memref_squeeze %dma_start3A_97 : memref<1x80xi32, #tpu.memory_space<vmem>> -> memref<80xi32, #tpu.memory_space<vmem>>
    %dma_start3A_99 = tpu.memref_slice %arg4[%add3A_85] : memref<320000xi32, #tpu.memory_space<hbm>> -> memref<80xi32, #tpu.memory_space<hbm>>
    %dma_start3A_100 = arith.constant 0 : i32
    %dma_start3A_101 = tpu.memref_slice %arg7[%dma_start3A_95, %dma_start3A_100] : memref<4x80xi32, #tpu.memory_space<vmem>> -> memref<1x80xi32, #tpu.memory_space<vmem>>
    %dma_start3A_102 = tpu.memref_squeeze %dma_start3A_101 : memref<1x80xi32, #tpu.memory_space<vmem>> -> memref<80xi32, #tpu.memory_space<vmem>>
    %dma_start3A_103 = tpu.memref_slice %arg4[%add3A_85] : memref<320000xi32, #tpu.memory_space<hbm>> -> memref<80xi32, #tpu.memory_space<hbm>>
    tpu.enqueue_dma source(%dma_start3A_103 : memref<80xi32, #tpu.memory_space<hbm>>) target(%dma_start3A_102 : memref<80xi32, #tpu.memory_space<vmem>>) target_semaphore(%arg15 : memref<!tpu.dma_semaphore, #tpu.memory_space<semaphore_mem>>)
    %dma_wait3A = arith.constant 0 : i32
    %dma_wait3A_104 = arith.constant 0 : i32
    %dma_wait3A_105 = tpu.memref_slice %arg6[%dma_wait3A, %dma_wait3A_104] : memref<4x80xi32, #tpu.memory_space<vmem>> -> memref<1x80xi32, #tpu.memory_space<vmem>>
    %dma_wait3A_106 = tpu.memref_squeeze %dma_wait3A_105 : memref<1x80xi32, #tpu.memory_space<vmem>> -> memref<80xi32, #tpu.memory_space<vmem>>
    %dma_wait3A_107 = tpu.memref_slice %arg3[%mul3A_24] : memref<320000xi32, #tpu.memory_space<hbm>> -> memref<80xi32, #tpu.memory_space<hbm>>
    %dma_wait3A_108 = arith.constant 0 : i32
    %dma_wait3A_109 = tpu.memref_slice %arg6[%dma_wait3A, %dma_wait3A_108] : memref<4x80xi32, #tpu.memory_space<vmem>> -> memref<1x80xi32, #tpu.memory_space<vmem>>
    %dma_wait3A_110 = tpu.memref_squeeze %dma_wait3A_109 : memref<1x80xi32, #tpu.memory_space<vmem>> -> memref<80xi32, #tpu.memory_space<vmem>>
    %dma_wait3A_111 = tpu.memref_slice %arg3[%mul3A_24] : memref<320000xi32, #tpu.memory_space<hbm>> -> memref<80xi32, #tpu.memory_space<hbm>>
    tpu.wait_dma2 semaphore(%arg12 : memref<!tpu.dma_semaphore, #tpu.memory_space<semaphore_mem>>) src(%dma_wait3A_111 : memref<80xi32, #tpu.memory_space<hbm>>) dst(%dma_wait3A_110 : memref<80xi32, #tpu.memory_space<vmem>>)
    %dma_wait3A_112 = arith.constant 0 : i32
    %dma_wait3A_113 = arith.constant 0 : i32
    %dma_wait3A_114 = tpu.memref_slice %arg7[%dma_wait3A_112, %dma_wait3A_113] : memref<4x80xi32, #tpu.memory_space<vmem>> -> memref<1x80xi32, #tpu.memory_space<vmem>>
    %dma_wait3A_115 = tpu.memref_squeeze %dma_wait3A_114 : memref<1x80xi32, #tpu.memory_space<vmem>> -> memref<80xi32, #tpu.memory_space<vmem>>
    %dma_wait3A_116 = tpu.memref_slice %arg4[%mul3A_24] : memref<320000xi32, #tpu.memory_space<hbm>> -> memref<80xi32, #tpu.memory_space<hbm>>
    %dma_wait3A_117 = arith.constant 0 : i32
    %dma_wait3A_118 = tpu.memref_slice %arg7[%dma_wait3A_112, %dma_wait3A_117] : memref<4x80xi32, #tpu.memory_space<vmem>> -> memref<1x80xi32, #tpu.memory_space<vmem>>
    %dma_wait3A_119 = tpu.memref_squeeze %dma_wait3A_118 : memref<1x80xi32, #tpu.memory_space<vmem>> -> memref<80xi32, #tpu.memory_space<vmem>>
    %dma_wait3A_120 = tpu.memref_slice %arg4[%mul3A_24] : memref<320000xi32, #tpu.memory_space<hbm>> -> memref<80xi32, #tpu.memory_space<hbm>>
    tpu.wait_dma2 semaphore(%arg12 : memref<!tpu.dma_semaphore, #tpu.memory_space<semaphore_mem>>) src(%dma_wait3A_120 : memref<80xi32, #tpu.memory_space<hbm>>) dst(%dma_wait3A_119 : memref<80xi32, #tpu.memory_space<vmem>>)
    %dma_start3A_121 = arith.constant 0 : i32
    %dma_start3A_122 = arith.constant 0 : i32
    %dma_start3A_123 = tpu.memref_slice %arg6[%dma_start3A_121, %dma_start3A_122] : memref<4x80xi32, #tpu.memory_space<vmem>> -> memref<1x80xi32, #tpu.memory_space<vmem>>
    %dma_start3A_124 = tpu.memref_squeeze %dma_start3A_123 : memref<1x80xi32, #tpu.memory_space<vmem>> -> memref<80xi32, #tpu.memory_space<vmem>>
    %dma_start3A_125 = arith.constant 0 : i32
    %dma_start3A_126 = arith.constant 0 : i32
    %dma_start3A_127 = tpu.memref_slice %arg2[%dma_start3A_125, %dma_start3A_126] : memref<10000x128xf32, #tpu.memory_space<hbm>> -> memref<10000x128xf32, #tpu.memory_space<hbm>>
    tpu.enqueue_indirect_dma source(%dma_start3A_127 : memref<10000x128xf32, #tpu.memory_space<hbm>>) target(%arg8 : memref<80x128xf32, #tpu.memory_space<vmem>>) offsets(%dma_start3A_124 : memref<80xi32, #tpu.memory_space<vmem>>) semaphore(%arg16 : memref<!tpu.dma_semaphore, #tpu.memory_space<semaphore_mem>>)
    %dma_wait3A_128 = arith.constant 1 : i32
    %dma_wait3A_129 = arith.constant 0 : i32
    %dma_wait3A_130 = tpu.memref_slice %arg6[%dma_wait3A_128, %dma_wait3A_129] : memref<4x80xi32, #tpu.memory_space<vmem>> -> memref<1x80xi32, #tpu.memory_space<vmem>>
    %dma_wait3A_131 = tpu.memref_squeeze %dma_wait3A_130 : memref<1x80xi32, #tpu.memory_space<vmem>> -> memref<80xi32, #tpu.memory_space<vmem>>
    %dma_wait3A_132 = tpu.memref_slice %arg3[%mul3A_24] : memref<320000xi32, #tpu.memory_space<hbm>> -> memref<80xi32, #tpu.memory_space<hbm>>
    %dma_wait3A_133 = arith.constant 0 : i32
    %dma_wait3A_134 = tpu.memref_slice %arg6[%dma_wait3A_128, %dma_wait3A_133] : memref<4x80xi32, #tpu.memory_space<vmem>> -> memref<1x80xi32, #tpu.memory_space<vmem>>
    %dma_wait3A_135 = tpu.memref_squeeze %dma_wait3A_134 : memref<1x80xi32, #tpu.memory_space<vmem>> -> memref<80xi32, #tpu.memory_space<vmem>>
    %dma_wait3A_136 = tpu.memref_slice %arg3[%mul3A_24] : memref<320000xi32, #tpu.memory_space<hbm>> -> memref<80xi32, #tpu.memory_space<hbm>>
    tpu.wait_dma2 semaphore(%arg13 : memref<!tpu.dma_semaphore, #tpu.memory_space<semaphore_mem>>) src(%dma_wait3A_136 : memref<80xi32, #tpu.memory_space<hbm>>) dst(%dma_wait3A_135 : memref<80xi32, #tpu.memory_space<vmem>>)
    %dma_wait3A_137 = arith.constant 1 : i32
    %dma_wait3A_138 = arith.constant 0 : i32
    %dma_wait3A_139 = tpu.memref_slice %arg7[%dma_wait3A_137, %dma_wait3A_138] : memref<4x80xi32, #tpu.memory_space<vmem>> -> memref<1x80xi32, #tpu.memory_space<vmem>>
    %dma_wait3A_140 = tpu.memref_squeeze %dma_wait3A_139 : memref<1x80xi32, #tpu.memory_space<vmem>> -> memref<80xi32, #tpu.memory_space<vmem>>
    %dma_wait3A_141 = tpu.memref_slice %arg4[%mul3A_24] : memref<320000xi32, #tpu.memory_space<hbm>> -> memref<80xi32, #tpu.memory_space<hbm>>
    %dma_wait3A_142 = arith.constant 0 : i32
    %dma_wait3A_143 = tpu.memref_slice %arg7[%dma_wait3A_137, %dma_wait3A_142] : memref<4x80xi32, #tpu.memory_space<vmem>> -> memref<1x80xi32, #tpu.memory_space<vmem>>
    %dma_wait3A_144 = tpu.memref_squeeze %dma_wait3A_143 : memref<1x80xi32, #tpu.memory_space<vmem>> -> memref<80xi32, #tpu.memory_space<vmem>>
    %dma_wait3A_145 = tpu.memref_slice %arg4[%mul3A_24] : memref<320000xi32, #tpu.memory_space<hbm>> -> memref<80xi32, #tpu.memory_space<hbm>>
    tpu.wait_dma2 semaphore(%arg13 : memref<!tpu.dma_semaphore, #tpu.memory_space<semaphore_mem>>) src(%dma_wait3A_145 : memref<80xi32, #tpu.memory_space<hbm>>) dst(%dma_wait3A_144 : memref<80xi32, #tpu.memory_space<vmem>>)
    %dma_start3A_146 = arith.constant 1 : i32
    %dma_start3A_147 = arith.constant 0 : i32
    %dma_start3A_148 = tpu.memref_slice %arg6[%dma_start3A_146, %dma_start3A_147] : memref<4x80xi32, #tpu.memory_space<vmem>> -> memref<1x80xi32, #tpu.memory_space<vmem>>
    %dma_start3A_149 = tpu.memref_squeeze %dma_start3A_148 : memref<1x80xi32, #tpu.memory_space<vmem>> -> memref<80xi32, #tpu.memory_space<vmem>>
    %dma_start3A_150 = arith.constant 0 : i32
    %dma_start3A_151 = arith.constant 0 : i32
    %dma_start3A_152 = tpu.memref_slice %arg2[%dma_start3A_150, %dma_start3A_151] : memref<10000x128xf32, #tpu.memory_space<hbm>> -> memref<10000x128xf32, #tpu.memory_space<hbm>>
    tpu.enqueue_indirect_dma source(%dma_start3A_152 : memref<10000x128xf32, #tpu.memory_space<hbm>>) target(%arg9 : memref<80x128xf32, #tpu.memory_space<vmem>>) offsets(%dma_start3A_149 : memref<80xi32, #tpu.memory_space<vmem>>) semaphore(%arg17 : memref<!tpu.dma_semaphore, #tpu.memory_space<semaphore_mem>>)
    %dma_wait3A_153 = arith.constant 0 : i32
    %dma_wait3A_154 = arith.constant 0 : i32
    %dma_wait3A_155 = tpu.memref_slice %arg6[%dma_wait3A_153, %dma_wait3A_154] : memref<4x80xi32, #tpu.memory_space<vmem>> -> memref<1x80xi32, #tpu.memory_space<vmem>>
    %dma_wait3A_156 = tpu.memref_squeeze %dma_wait3A_155 : memref<1x80xi32, #tpu.memory_space<vmem>> -> memref<80xi32, #tpu.memory_space<vmem>>
    %dma_wait3A_157 = arith.constant 0 : i32
    %dma_wait3A_158 = arith.constant 0 : i32
    %dma_wait3A_159 = tpu.memref_slice %arg2[%dma_wait3A_157, %dma_wait3A_158] : memref<10000x128xf32, #tpu.memory_space<hbm>> -> memref<10000x128xf32, #tpu.memory_space<hbm>>
    tpu.wait_indirect_dma semaphore(%arg16 : memref<!tpu.dma_semaphore, #tpu.memory_space<semaphore_mem>>) src(%dma_wait3A_159 : memref<10000x128xf32, #tpu.memory_space<hbm>>) dst(%arg8 : memref<80x128xf32, #tpu.memory_space<vmem>>)
    %dma_start3A_160 = arith.constant 0 : i32
    %dma_start3A_161 = arith.constant 0 : i32
    %dma_start3A_162 = tpu.memref_slice %arg7[%dma_start3A_160, %dma_start3A_161] : memref<4x80xi32, #tpu.memory_space<vmem>> -> memref<1x80xi32, #tpu.memory_space<vmem>>
    %dma_start3A_163 = tpu.memref_squeeze %dma_start3A_162 : memref<1x80xi32, #tpu.memory_space<vmem>> -> memref<80xi32, #tpu.memory_space<vmem>>
    %dma_start3A_164 = arith.constant 0 : i32
    %dma_start3A_165 = arith.constant 0 : i32
    %dma_start3A_166 = tpu.memref_slice %arg11[%dma_start3A_164, %dma_start3A_165] : memref<10000x128xf32, #tpu.memory_space<vmem_shared>> -> memref<10000x128xf32, #tpu.memory_space<vmem_shared>>
    tpu.enqueue_indirect_dma source(%arg8 : memref<80x128xf32, #tpu.memory_space<vmem>>) target(%dma_start3A_166 : memref<10000x128xf32, #tpu.memory_space<vmem_shared>>) offsets(%dma_start3A_163 : memref<80xi32, #tpu.memory_space<vmem>>) semaphore(%arg18 : memref<!tpu.dma_semaphore, #tpu.memory_space<semaphore_mem>>) {add = true}
    %scan3A_167 = arith.constant 0 : i32
    %scan3A_168 = arith.constant 0 : i32
    %scan3A_169 = arith.constant 30 : i32
    %scan3A_170 = arith.addi %scan3A_168, %scan3A_169 : i32
    %scan3A_171 = arith.constant 1 : i32
    %scan3A_172 = scf.for %scan3A_380 = %scan3A_168 to %scan3A_170 step %scan3A_171 iter_args(%scan3A_381 = %scan3A_167) -> (i32)  : i32 {
      %mul3A_382 = arith.constant 4 : i32
      %mul3A_383 = arith.muli %mul3A_382, %scan3A_380 : i32
      %add3A_384 = arith.constant 1 : i32
      %add3A_385 = arith.addi %mul3A_383, %add3A_384 : i32
      %dma_wait3A_386 = arith.constant 0 : i32
      %dma_wait3A_387 = arith.constant 0 : i32
      %dma_wait3A_388 = tpu.memref_slice %arg7[%dma_wait3A_386, %dma_wait3A_387] : memref<4x80xi32, #tpu.memory_space<vmem>> -> memref<1x80xi32, #tpu.memory_space<vmem>>
      %dma_wait3A_389 = tpu.memref_squeeze %dma_wait3A_388 : memref<1x80xi32, #tpu.memory_space<vmem>> -> memref<80xi32, #tpu.memory_space<vmem>>
      %dma_wait3A_390 = arith.constant 0 : i32
      %dma_wait3A_391 = arith.constant 0 : i32
      %dma_wait3A_392 = tpu.memref_slice %arg11[%dma_wait3A_390, %dma_wait3A_391] : memref<10000x128xf32, #tpu.memory_space<vmem_shared>> -> memref<10000x128xf32, #tpu.memory_space<vmem_shared>>
      tpu.wait_indirect_dma semaphore(%arg18 : memref<!tpu.dma_semaphore, #tpu.memory_space<semaphore_mem>>) src(%arg8 : memref<80x128xf32, #tpu.memory_space<vmem>>) dst(%dma_wait3A_392 : memref<10000x128xf32, #tpu.memory_space<vmem_shared>>)
      %dma_wait3A_393 = arith.constant 2 : i32
      %dma_wait3A_394 = arith.constant 0 : i32
      %dma_wait3A_395 = tpu.memref_slice %arg6[%dma_wait3A_393, %dma_wait3A_394] : memref<4x80xi32, #tpu.memory_space<vmem>> -> memref<1x80xi32, #tpu.memory_space<vmem>>
      %dma_wait3A_396 = tpu.memref_squeeze %dma_wait3A_395 : memref<1x80xi32, #tpu.memory_space<vmem>> -> memref<80xi32, #tpu.memory_space<vmem>>
      %dma_wait3A_397 = tpu.memref_slice %arg3[%mul3A_24] : memref<320000xi32, #tpu.memory_space<hbm>> -> memref<80xi32, #tpu.memory_space<hbm>>
      %dma_wait3A_398 = arith.constant 0 : i32
      %dma_wait3A_399 = tpu.memref_slice %arg6[%dma_wait3A_393, %dma_wait3A_398] : memref<4x80xi32, #tpu.memory_space<vmem>> -> memref<1x80xi32, #tpu.memory_space<vmem>>
      %dma_wait3A_400 = tpu.memref_squeeze %dma_wait3A_399 : memref<1x80xi32, #tpu.memory_space<vmem>> -> memref<80xi32, #tpu.memory_space<vmem>>
      %dma_wait3A_401 = tpu.memref_slice %arg3[%mul3A_24] : memref<320000xi32, #tpu.memory_space<hbm>> -> memref<80xi32, #tpu.memory_space<hbm>>
      tpu.wait_dma2 semaphore(%arg14 : memref<!tpu.dma_semaphore, #tpu.memory_space<semaphore_mem>>) src(%dma_wait3A_401 : memref<80xi32, #tpu.memory_space<hbm>>) dst(%dma_wait3A_400 : memref<80xi32, #tpu.memory_space<vmem>>)
      %dma_wait3A_402 = arith.constant 2 : i32
      %dma_wait3A_403 = arith.constant 0 : i32
      %dma_wait3A_404 = tpu.memref_slice %arg7[%dma_wait3A_402, %dma_wait3A_403] : memref<4x80xi32, #tpu.memory_space<vmem>> -> memref<1x80xi32, #tpu.memory_space<vmem>>
      %dma_wait3A_405 = tpu.memref_squeeze %dma_wait3A_404 : memref<1x80xi32, #tpu.memory_space<vmem>> -> memref<80xi32, #tpu.memory_space<vmem>>
      %dma_wait3A_406 = tpu.memref_slice %arg4[%mul3A_24] : memref<320000xi32, #tpu.memory_space<hbm>> -> memref<80xi32, #tpu.memory_space<hbm>>
      %dma_wait3A_407 = arith.constant 0 : i32
      %dma_wait3A_408 = tpu.memref_slice %arg7[%dma_wait3A_402, %dma_wait3A_407] : memref<4x80xi32, #tpu.memory_space<vmem>> -> memref<1x80xi32, #tpu.memory_space<vmem>>
      %dma_wait3A_409 = tpu.memref_squeeze %dma_wait3A_408 : memref<1x80xi32, #tpu.memory_space<vmem>> -> memref<80xi32, #tpu.memory_space<vmem>>
      %dma_wait3A_410 = tpu.memref_slice %arg4[%mul3A_24] : memref<320000xi32, #tpu.memory_space<hbm>> -> memref<80xi32, #tpu.memory_space<hbm>>
      tpu.wait_dma2 semaphore(%arg14 : memref<!tpu.dma_semaphore, #tpu.memory_space<semaphore_mem>>) src(%dma_wait3A_410 : memref<80xi32, #tpu.memory_space<hbm>>) dst(%dma_wait3A_409 : memref<80xi32, #tpu.memory_space<vmem>>)
      %dma_start3A_411 = arith.constant 2 : i32
      %dma_start3A_412 = arith.constant 0 : i32
      %dma_start3A_413 = tpu.memref_slice %arg6[%dma_start3A_411, %dma_start3A_412] : memref<4x80xi32, #tpu.memory_space<vmem>> -> memref<1x80xi32, #tpu.memory_space<vmem>>
      %dma_start3A_414 = tpu.memref_squeeze %dma_start3A_413 : memref<1x80xi32, #tpu.memory_space<vmem>> -> memref<80xi32, #tpu.memory_space<vmem>>
      %dma_start3A_415 = arith.constant 0 : i32
      %dma_start3A_416 = arith.constant 0 : i32
      %dma_start3A_417 = tpu.memref_slice %arg2[%dma_start3A_415, %dma_start3A_416] : memref<10000x128xf32, #tpu.memory_space<hbm>> -> memref<10000x128xf32, #tpu.memory_space<hbm>>
      tpu.enqueue_indirect_dma source(%dma_start3A_417 : memref<10000x128xf32, #tpu.memory_space<hbm>>) target(%arg8 : memref<80x128xf32, #tpu.memory_space<vmem>>) offsets(%dma_start3A_414 : memref<80xi32, #tpu.memory_space<vmem>>) semaphore(%arg16 : memref<!tpu.dma_semaphore, #tpu.memory_space<semaphore_mem>>)
      %dma_wait3A_418 = arith.constant 1 : i32
      %dma_wait3A_419 = arith.constant 0 : i32
      %dma_wait3A_420 = tpu.memref_slice %arg6[%dma_wait3A_418, %dma_wait3A_419] : memref<4x80xi32, #tpu.memory_space<vmem>> -> memref<1x80xi32, #tpu.memory_space<vmem>>
      %dma_wait3A_421 = tpu.memref_squeeze %dma_wait3A_420 : memref<1x80xi32, #tpu.memory_space<vmem>> -> memref<80xi32, #tpu.memory_space<vmem>>
      %dma_wait3A_422 = arith.constant 0 : i32
      %dma_wait3A_423 = arith.constant 0 : i32
      %dma_wait3A_424 = tpu.memref_slice %arg2[%dma_wait3A_422, %dma_wait3A_423] : memref<10000x128xf32, #tpu.memory_space<hbm>> -> memref<10000x128xf32, #tpu.memory_space<hbm>>
      tpu.wait_indirect_dma semaphore(%arg17 : memref<!tpu.dma_semaphore, #tpu.memory_space<semaphore_mem>>) src(%dma_wait3A_424 : memref<10000x128xf32, #tpu.memory_space<hbm>>) dst(%arg9 : memref<80x128xf32, #tpu.memory_space<vmem>>)
      %dma_start3A_425 = arith.constant 1 : i32
      %dma_start3A_426 = arith.constant 0 : i32
      %dma_start3A_427 = tpu.memref_slice %arg7[%dma_start3A_425, %dma_start3A_426] : memref<4x80xi32, #tpu.memory_space<vmem>> -> memref<1x80xi32, #tpu.memory_space<vmem>>
      %dma_start3A_428 = tpu.memref_squeeze %dma_start3A_427 : memref<1x80xi32, #tpu.memory_space<vmem>> -> memref<80xi32, #tpu.memory_space<vmem>>
      %dma_start3A_429 = arith.constant 0 : i32
      %dma_start3A_430 = arith.constant 0 : i32
      %dma_start3A_431 = tpu.memref_slice %arg11[%dma_start3A_429, %dma_start3A_430] : memref<10000x128xf32, #tpu.memory_space<vmem_shared>> -> memref<10000x128xf32, #tpu.memory_space<vmem_shared>>
      tpu.enqueue_indirect_dma source(%arg9 : memref<80x128xf32, #tpu.memory_space<vmem>>) target(%dma_start3A_431 : memref<10000x128xf32, #tpu.memory_space<vmem_shared>>) offsets(%dma_start3A_428 : memref<80xi32, #tpu.memory_space<vmem>>) semaphore(%arg19 : memref<!tpu.dma_semaphore, #tpu.memory_space<semaphore_mem>>) {add = true}
      %add3A_432 = arith.constant 3 : i32
      %add3A_433 = arith.addi %add3A_385, %add3A_432 : i32
      %mul3A_434 = arith.constant 80 : i32
      %mul3A_435 = arith.muli %add3A_433, %mul3A_434 : i32
      %add3A_436 = arith.addi %mul3A_24, %mul3A_435 : i32
      %dma_start3A_437 = arith.constant 0 : i32
      %dma_start3A_438 = arith.constant 0 : i32
      %dma_start3A_439 = tpu.memref_slice %arg6[%dma_start3A_437, %dma_start3A_438] : memref<4x80xi32, #tpu.memory_space<vmem>> -> memref<1x80xi32, #tpu.memory_space<vmem>>
      %dma_start3A_440 = tpu.memref_squeeze %dma_start3A_439 : memref<1x80xi32, #tpu.memory_space<vmem>> -> memref<80xi32, #tpu.memory_space<vmem>>
      %dma_start3A_441 = tpu.memref_slice %arg3[%add3A_436] : memref<320000xi32, #tpu.memory_space<hbm>> -> memref<80xi32, #tpu.memory_space<hbm>>
      %dma_start3A_442 = arith.constant 0 : i32
      %dma_start3A_443 = tpu.memref_slice %arg6[%dma_start3A_437, %dma_start3A_442] : memref<4x80xi32, #tpu.memory_space<vmem>> -> memref<1x80xi32, #tpu.memory_space<vmem>>
      %dma_start3A_444 = tpu.memref_squeeze %dma_start3A_443 : memref<1x80xi32, #tpu.memory_space<vmem>> -> memref<80xi32, #tpu.memory_space<vmem>>
      %dma_start3A_445 = tpu.memref_slice %arg3[%add3A_436] : memref<320000xi32, #tpu.memory_space<hbm>> -> memref<80xi32, #tpu.memory_space<hbm>>
      tpu.enqueue_dma source(%dma_start3A_445 : memref<80xi32, #tpu.memory_space<hbm>>) target(%dma_start3A_444 : memref<80xi32, #tpu.memory_space<vmem>>) target_semaphore(%arg12 : memref<!tpu.dma_semaphore, #tpu.memory_space<semaphore_mem>>)
      %dma_start3A_446 = arith.constant 0 : i32
      %dma_start3A_447 = arith.constant 0 : i32
      %dma_start3A_448 = tpu.memref_slice %arg7[%dma_start3A_446, %dma_start3A_447] : memref<4x80xi32, #tpu.memory_space<vmem>> -> memref<1x80xi32, #tpu.memory_space<vmem>>
      %dma_start3A_449 = tpu.memref_squeeze %dma_start3A_448 : memref<1x80xi32, #tpu.memory_space<vmem>> -> memref<80xi32, #tpu.memory_space<vmem>>
      %dma_start3A_450 = tpu.memref_slice %arg4[%add3A_436] : memref<320000xi32, #tpu.memory_space<hbm>> -> memref<80xi32, #tpu.memory_space<hbm>>
      %dma_start3A_451 = arith.constant 0 : i32
      %dma_start3A_452 = tpu.memref_slice %arg7[%dma_start3A_446, %dma_start3A_451] : memref<4x80xi32, #tpu.memory_space<vmem>> -> memref<1x80xi32, #tpu.memory_space<vmem>>
      %dma_start3A_453 = tpu.memref_squeeze %dma_start3A_452 : memref<1x80xi32, #tpu.memory_space<vmem>> -> memref<80xi32, #tpu.memory_space<vmem>>
      %dma_start3A_454 = tpu.memref_slice %arg4[%add3A_436] : memref<320000xi32, #tpu.memory_space<hbm>> -> memref<80xi32, #tpu.memory_space<hbm>>
      tpu.enqueue_dma source(%dma_start3A_454 : memref<80xi32, #tpu.memory_space<hbm>>) target(%dma_start3A_453 : memref<80xi32, #tpu.memory_space<vmem>>) target_semaphore(%arg12 : memref<!tpu.dma_semaphore, #tpu.memory_space<semaphore_mem>>)
      %mul3A_455 = arith.constant 4 : i32
      %mul3A_456 = arith.muli %mul3A_455, %scan3A_380 : i32
      %add3A_457 = arith.constant 2 : i32
      %add3A_458 = arith.addi %mul3A_456, %add3A_457 : i32
      %dma_wait3A_459 = arith.constant 1 : i32
      %dma_wait3A_460 = arith.constant 0 : i32
      %dma_wait3A_461 = tpu.memref_slice %arg7[%dma_wait3A_459, %dma_wait3A_460] : memref<4x80xi32, #tpu.memory_space<vmem>> -> memref<1x80xi32, #tpu.memory_space<vmem>>
      %dma_wait3A_462 = tpu.memref_squeeze %dma_wait3A_461 : memref<1x80xi32, #tpu.memory_space<vmem>> -> memref<80xi32, #tpu.memory_space<vmem>>
      %dma_wait3A_463 = arith.constant 0 : i32
      %dma_wait3A_464 = arith.constant 0 : i32
      %dma_wait3A_465 = tpu.memref_slice %arg11[%dma_wait3A_463, %dma_wait3A_464] : memref<10000x128xf32, #tpu.memory_space<vmem_shared>> -> memref<10000x128xf32, #tpu.memory_space<vmem_shared>>
      tpu.wait_indirect_dma semaphore(%arg19 : memref<!tpu.dma_semaphore, #tpu.memory_space<semaphore_mem>>) src(%arg9 : memref<80x128xf32, #tpu.memory_space<vmem>>) dst(%dma_wait3A_465 : memref<10000x128xf32, #tpu.memory_space<vmem_shared>>)
      %dma_wait3A_466 = arith.constant 3 : i32
      %dma_wait3A_467 = arith.constant 0 : i32
      %dma_wait3A_468 = tpu.memref_slice %arg6[%dma_wait3A_466, %dma_wait3A_467] : memref<4x80xi32, #tpu.memory_space<vmem>> -> memref<1x80xi32, #tpu.memory_space<vmem>>
      %dma_wait3A_469 = tpu.memref_squeeze %dma_wait3A_468 : memref<1x80xi32, #tpu.memory_space<vmem>> -> memref<80xi32, #tpu.memory_space<vmem>>
      %dma_wait3A_470 = tpu.memref_slice %arg3[%mul3A_24] : memref<320000xi32, #tpu.memory_space<hbm>> -> memref<80xi32, #tpu.memory_space<hbm>>
      %dma_wait3A_471 = arith.constant 0 : i32
      %dma_wait3A_472 = tpu.memref_slice %arg6[%dma_wait3A_466, %dma_wait3A_471] : memref<4x80xi32, #tpu.memory_space<vmem>> -> memref<1x80xi32, #tpu.memory_space<vmem>>
      %dma_wait3A_473 = tpu.memref_squeeze %dma_wait3A_472 : memref<1x80xi32, #tpu.memory_space<vmem>> -> memref<80xi32, #tpu.memory_space<vmem>>
      %dma_wait3A_474 = tpu.memref_slice %arg3[%mul3A_24] : memref<320000xi32, #tpu.memory_space<hbm>> -> memref<80xi32, #tpu.memory_space<hbm>>
      tpu.wait_dma2 semaphore(%arg15 : memref<!tpu.dma_semaphore, #tpu.memory_space<semaphore_mem>>) src(%dma_wait3A_474 : memref<80xi32, #tpu.memory_space<hbm>>) dst(%dma_wait3A_473 : memref<80xi32, #tpu.memory_space<vmem>>)
      %dma_wait3A_475 = arith.constant 3 : i32
      %dma_wait3A_476 = arith.constant 0 : i32
      %dma_wait3A_477 = tpu.memref_slice %arg7[%dma_wait3A_475, %dma_wait3A_476] : memref<4x80xi32, #tpu.memory_space<vmem>> -> memref<1x80xi32, #tpu.memory_space<vmem>>
      %dma_wait3A_478 = tpu.memref_squeeze %dma_wait3A_477 : memref<1x80xi32, #tpu.memory_space<vmem>> -> memref<80xi32, #tpu.memory_space<vmem>>
      %dma_wait3A_479 = tpu.memref_slice %arg4[%mul3A_24] : memref<320000xi32, #tpu.memory_space<hbm>> -> memref<80xi32, #tpu.memory_space<hbm>>
      %dma_wait3A_480 = arith.constant 0 : i32
      %dma_wait3A_481 = tpu.memref_slice %arg7[%dma_wait3A_475, %dma_wait3A_480] : memref<4x80xi32, #tpu.memory_space<vmem>> -> memref<1x80xi32, #tpu.memory_space<vmem>>
      %dma_wait3A_482 = tpu.memref_squeeze %dma_wait3A_481 : memref<1x80xi32, #tpu.memory_space<vmem>> -> memref<80xi32, #tpu.memory_space<vmem>>
      %dma_wait3A_483 = tpu.memref_slice %arg4[%mul3A_24] : memref<320000xi32, #tpu.memory_space<hbm>> -> memref<80xi32, #tpu.memory_space<hbm>>
      tpu.wait_dma2 semaphore(%arg15 : memref<!tpu.dma_semaphore, #tpu.memory_space<semaphore_mem>>) src(%dma_wait3A_483 : memref<80xi32, #tpu.memory_space<hbm>>) dst(%dma_wait3A_482 : memref<80xi32, #tpu.memory_space<vmem>>)
      %dma_start3A_484 = arith.constant 3 : i32
      %dma_start3A_485 = arith.constant 0 : i32
      %dma_start3A_486 = tpu.memref_slice %arg6[%dma_start3A_484, %dma_start3A_485] : memref<4x80xi32, #tpu.memory_space<vmem>> -> memref<1x80xi32, #tpu.memory_space<vmem>>
      %dma_start3A_487 = tpu.memref_squeeze %dma_start3A_486 : memref<1x80xi32, #tpu.memory_space<vmem>> -> memref<80xi32, #tpu.memory_space<vmem>>
      %dma_start3A_488 = arith.constant 0 : i32
      %dma_start3A_489 = arith.constant 0 : i32
      %dma_start3A_490 = tpu.memref_slice %arg2[%dma_start3A_488, %dma_start3A_489] : memref<10000x128xf32, #tpu.memory_space<hbm>> -> memref<10000x128xf32, #tpu.memory_space<hbm>>
      tpu.enqueue_indirect_dma source(%dma_start3A_490 : memref<10000x128xf32, #tpu.memory_space<hbm>>) target(%arg9 : memref<80x128xf32, #tpu.memory_space<vmem>>) offsets(%dma_start3A_487 : memref<80xi32, #tpu.memory_space<vmem>>) semaphore(%arg17 : memref<!tpu.dma_semaphore, #tpu.memory_space<semaphore_mem>>)
      %dma_wait3A_491 = arith.constant 2 : i32
      %dma_wait3A_492 = arith.constant 0 : i32
      %dma_wait3A_493 = tpu.memref_slice %arg6[%dma_wait3A_491, %dma_wait3A_492] : memref<4x80xi32, #tpu.memory_space<vmem>> -> memref<1x80xi32, #tpu.memory_space<vmem>>
      %dma_wait3A_494 = tpu.memref_squeeze %dma_wait3A_493 : memref<1x80xi32, #tpu.memory_space<vmem>> -> memref<80xi32, #tpu.memory_space<vmem>>
      %dma_wait3A_495 = arith.constant 0 : i32
      %dma_wait3A_496 = arith.constant 0 : i32
      %dma_wait3A_497 = tpu.memref_slice %arg2[%dma_wait3A_495, %dma_wait3A_496] : memref<10000x128xf32, #tpu.memory_space<hbm>> -> memref<10000x128xf32, #tpu.memory_space<hbm>>
      tpu.wait_indirect_dma semaphore(%arg16 : memref<!tpu.dma_semaphore, #tpu.memory_space<semaphore_mem>>) src(%dma_wait3A_497 : memref<10000x128xf32, #tpu.memory_space<hbm>>) dst(%arg8 : memref<80x128xf32, #tpu.memory_space<vmem>>)
      %dma_start3A_498 = arith.constant 2 : i32
      %dma_start3A_499 = arith.constant 0 : i32
      %dma_start3A_500 = tpu.memref_slice %arg7[%dma_start3A_498, %dma_start3A_499] : memref<4x80xi32, #tpu.memory_space<vmem>> -> memref<1x80xi32, #tpu.memory_space<vmem>>
      %dma_start3A_501 = tpu.memref_squeeze %dma_start3A_500 : memref<1x80xi32, #tpu.memory_space<vmem>> -> memref<80xi32, #tpu.memory_space<vmem>>
      %dma_start3A_502 = arith.constant 0 : i32
      %dma_start3A_503 = arith.constant 0 : i32
      %dma_start3A_504 = tpu.memref_slice %arg11[%dma_start3A_502, %dma_start3A_503] : memref<10000x128xf32, #tpu.memory_space<vmem_shared>> -> memref<10000x128xf32, #tpu.memory_space<vmem_shared>>
      tpu.enqueue_indirect_dma source(%arg8 : memref<80x128xf32, #tpu.memory_space<vmem>>) target(%dma_start3A_504 : memref<10000x128xf32, #tpu.memory_space<vmem_shared>>) offsets(%dma_start3A_501 : memref<80xi32, #tpu.memory_space<vmem>>) semaphore(%arg18 : memref<!tpu.dma_semaphore, #tpu.memory_space<semaphore_mem>>) {add = true}
      %add3A_505 = arith.constant 3 : i32
      %add3A_506 = arith.addi %add3A_458, %add3A_505 : i32
      %mul3A_507 = arith.constant 80 : i32
      %mul3A_508 = arith.muli %add3A_506, %mul3A_507 : i32
      %add3A_509 = arith.addi %mul3A_24, %mul3A_508 : i32
      %dma_start3A_510 = arith.constant 1 : i32
      %dma_start3A_511 = arith.constant 0 : i32
      %dma_start3A_512 = tpu.memref_slice %arg6[%dma_start3A_510, %dma_start3A_511] : memref<4x80xi32, #tpu.memory_space<vmem>> -> memref<1x80xi32, #tpu.memory_space<vmem>>
      %dma_start3A_513 = tpu.memref_squeeze %dma_start3A_512 : memref<1x80xi32, #tpu.memory_space<vmem>> -> memref<80xi32, #tpu.memory_space<vmem>>
      %dma_start3A_514 = tpu.memref_slice %arg3[%add3A_509] : memref<320000xi32, #tpu.memory_space<hbm>> -> memref<80xi32, #tpu.memory_space<hbm>>
      %dma_start3A_515 = arith.constant 0 : i32
      %dma_start3A_516 = tpu.memref_slice %arg6[%dma_start3A_510, %dma_start3A_515] : memref<4x80xi32, #tpu.memory_space<vmem>> -> memref<1x80xi32, #tpu.memory_space<vmem>>
      %dma_start3A_517 = tpu.memref_squeeze %dma_start3A_516 : memref<1x80xi32, #tpu.memory_space<vmem>> -> memref<80xi32, #tpu.memory_space<vmem>>
      %dma_start3A_518 = tpu.memref_slice %arg3[%add3A_509] : memref<320000xi32, #tpu.memory_space<hbm>> -> memref<80xi32, #tpu.memory_space<hbm>>
      tpu.enqueue_dma source(%dma_start3A_518 : memref<80xi32, #tpu.memory_space<hbm>>) target(%dma_start3A_517 : memref<80xi32, #tpu.memory_space<vmem>>) target_semaphore(%arg13 : memref<!tpu.dma_semaphore, #tpu.memory_space<semaphore_mem>>)
      %dma_start3A_519 = arith.constant 1 : i32
      %dma_start3A_520 = arith.constant 0 : i32
      %dma_start3A_521 = tpu.memref_slice %arg7[%dma_start3A_519, %dma_start3A_520] : memref<4x80xi32, #tpu.memory_space<vmem>> -> memref<1x80xi32, #tpu.memory_space<vmem>>
      %dma_start3A_522 = tpu.memref_squeeze %dma_start3A_521 : memref<1x80xi32, #tpu.memory_space<vmem>> -> memref<80xi32, #tpu.memory_space<vmem>>
      %dma_start3A_523 = tpu.memref_slice %arg4[%add3A_509] : memref<320000xi32, #tpu.memory_space<hbm>> -> memref<80xi32, #tpu.memory_space<hbm>>
      %dma_start3A_524 = arith.constant 0 : i32
      %dma_start3A_525 = tpu.memref_slice %arg7[%dma_start3A_519, %dma_start3A_524] : memref<4x80xi32, #tpu.memory_space<vmem>> -> memref<1x80xi32, #tpu.memory_space<vmem>>
      %dma_start3A_526 = tpu.memref_squeeze %dma_start3A_525 : memref<1x80xi32, #tpu.memory_space<vmem>> -> memref<80xi32, #tpu.memory_space<vmem>>
      %dma_start3A_527 = tpu.memref_slice %arg4[%add3A_509] : memref<320000xi32, #tpu.memory_space<hbm>> -> memref<80xi32, #tpu.memory_space<hbm>>
      tpu.enqueue_dma source(%dma_start3A_527 : memref<80xi32, #tpu.memory_space<hbm>>) target(%dma_start3A_526 : memref<80xi32, #tpu.memory_space<vmem>>) target_semaphore(%arg13 : memref<!tpu.dma_semaphore, #tpu.memory_space<semaphore_mem>>)
      %mul3A_528 = arith.constant 4 : i32
      %mul3A_529 = arith.muli %mul3A_528, %scan3A_380 : i32
      %add3A_530 = arith.constant 3 : i32
      %add3A_531 = arith.addi %mul3A_529, %add3A_530 : i32
      %dma_wait3A_532 = arith.constant 2 : i32
      %dma_wait3A_533 = arith.constant 0 : i32
      %dma_wait3A_534 = tpu.memref_slice %arg7[%dma_wait3A_532, %dma_wait3A_533] : memref<4x80xi32, #tpu.memory_space<vmem>> -> memref<1x80xi32, #tpu.memory_space<vmem>>
      %dma_wait3A_535 = tpu.memref_squeeze %dma_wait3A_534 : memref<1x80xi32, #tpu.memory_space<vmem>> -> memref<80xi32, #tpu.memory_space<vmem>>
      %dma_wait3A_536 = arith.constant 0 : i32
      %dma_wait3A_537 = arith.constant 0 : i32
      %dma_wait3A_538 = tpu.memref_slice %arg11[%dma_wait3A_536, %dma_wait3A_537] : memref<10000x128xf32, #tpu.memory_space<vmem_shared>> -> memref<10000x128xf32, #tpu.memory_space<vmem_shared>>
      tpu.wait_indirect_dma semaphore(%arg18 : memref<!tpu.dma_semaphore, #tpu.memory_space<semaphore_mem>>) src(%arg8 : memref<80x128xf32, #tpu.memory_space<vmem>>) dst(%dma_wait3A_538 : memref<10000x128xf32, #tpu.memory_space<vmem_shared>>)
      %dma_wait3A_539 = arith.constant 0 : i32
      %dma_wait3A_540 = arith.constant 0 : i32
      %dma_wait3A_541 = tpu.memref_slice %arg6[%dma_wait3A_539, %dma_wait3A_540] : memref<4x80xi32, #tpu.memory_space<vmem>> -> memref<1x80xi32, #tpu.memory_space<vmem>>
      %dma_wait3A_542 = tpu.memref_squeeze %dma_wait3A_541 : memref<1x80xi32, #tpu.memory_space<vmem>> -> memref<80xi32, #tpu.memory_space<vmem>>
      %dma_wait3A_543 = tpu.memref_slice %arg3[%mul3A_24] : memref<320000xi32, #tpu.memory_space<hbm>> -> memref<80xi32, #tpu.memory_space<hbm>>
      %dma_wait3A_544 = arith.constant 0 : i32
      %dma_wait3A_545 = tpu.memref_slice %arg6[%dma_wait3A_539, %dma_wait3A_544] : memref<4x80xi32, #tpu.memory_space<vmem>> -> memref<1x80xi32, #tpu.memory_space<vmem>>
      %dma_wait3A_546 = tpu.memref_squeeze %dma_wait3A_545 : memref<1x80xi32, #tpu.memory_space<vmem>> -> memref<80xi32, #tpu.memory_space<vmem>>
      %dma_wait3A_547 = tpu.memref_slice %arg3[%mul3A_24] : memref<320000xi32, #tpu.memory_space<hbm>> -> memref<80xi32, #tpu.memory_space<hbm>>
      tpu.wait_dma2 semaphore(%arg12 : memref<!tpu.dma_semaphore, #tpu.memory_space<semaphore_mem>>) src(%dma_wait3A_547 : memref<80xi32, #tpu.memory_space<hbm>>) dst(%dma_wait3A_546 : memref<80xi32, #tpu.memory_space<vmem>>)
      %dma_wait3A_548 = arith.constant 0 : i32
      %dma_wait3A_549 = arith.constant 0 : i32
      %dma_wait3A_550 = tpu.memref_slice %arg7[%dma_wait3A_548, %dma_wait3A_549] : memref<4x80xi32, #tpu.memory_space<vmem>> -> memref<1x80xi32, #tpu.memory_space<vmem>>
      %dma_wait3A_551 = tpu.memref_squeeze %dma_wait3A_550 : memref<1x80xi32, #tpu.memory_space<vmem>> -> memref<80xi32, #tpu.memory_space<vmem>>
      %dma_wait3A_552 = tpu.memref_slice %arg4[%mul3A_24] : memref<320000xi32, #tpu.memory_space<hbm>> -> memref<80xi32, #tpu.memory_space<hbm>>
      %dma_wait3A_553 = arith.constant 0 : i32
      %dma_wait3A_554 = tpu.memref_slice %arg7[%dma_wait3A_548, %dma_wait3A_553] : memref<4x80xi32, #tpu.memory_space<vmem>> -> memref<1x80xi32, #tpu.memory_space<vmem>>
      %dma_wait3A_555 = tpu.memref_squeeze %dma_wait3A_554 : memref<1x80xi32, #tpu.memory_space<vmem>> -> memref<80xi32, #tpu.memory_space<vmem>>
      %dma_wait3A_556 = tpu.memref_slice %arg4[%mul3A_24] : memref<320000xi32, #tpu.memory_space<hbm>> -> memref<80xi32, #tpu.memory_space<hbm>>
      tpu.wait_dma2 semaphore(%arg12 : memref<!tpu.dma_semaphore, #tpu.memory_space<semaphore_mem>>) src(%dma_wait3A_556 : memref<80xi32, #tpu.memory_space<hbm>>) dst(%dma_wait3A_555 : memref<80xi32, #tpu.memory_space<vmem>>)
      %dma_start3A_557 = arith.constant 0 : i32
      %dma_start3A_558 = arith.constant 0 : i32
      %dma_start3A_559 = tpu.memref_slice %arg6[%dma_start3A_557, %dma_start3A_558] : memref<4x80xi32, #tpu.memory_space<vmem>> -> memref<1x80xi32, #tpu.memory_space<vmem>>
      %dma_start3A_560 = tpu.memref_squeeze %dma_start3A_559 : memref<1x80xi32, #tpu.memory_space<vmem>> -> memref<80xi32, #tpu.memory_space<vmem>>
      %dma_start3A_561 = arith.constant 0 : i32
      %dma_start3A_562 = arith.constant 0 : i32
      %dma_start3A_563 = tpu.memref_slice %arg2[%dma_start3A_561, %dma_start3A_562] : memref<10000x128xf32, #tpu.memory_space<hbm>> -> memref<10000x128xf32, #tpu.memory_space<hbm>>
      tpu.enqueue_indirect_dma source(%dma_start3A_563 : memref<10000x128xf32, #tpu.memory_space<hbm>>) target(%arg8 : memref<80x128xf32, #tpu.memory_space<vmem>>) offsets(%dma_start3A_560 : memref<80xi32, #tpu.memory_space<vmem>>) semaphore(%arg16 : memref<!tpu.dma_semaphore, #tpu.memory_space<semaphore_mem>>)
      %dma_wait3A_564 = arith.constant 3 : i32
      %dma_wait3A_565 = arith.constant 0 : i32
      %dma_wait3A_566 = tpu.memref_slice %arg6[%dma_wait3A_564, %dma_wait3A_565] : memref<4x80xi32, #tpu.memory_space<vmem>> -> memref<1x80xi32, #tpu.memory_space<vmem>>
      %dma_wait3A_567 = tpu.memref_squeeze %dma_wait3A_566 : memref<1x80xi32, #tpu.memory_space<vmem>> -> memref<80xi32, #tpu.memory_space<vmem>>
      %dma_wait3A_568 = arith.constant 0 : i32
      %dma_wait3A_569 = arith.constant 0 : i32
      %dma_wait3A_570 = tpu.memref_slice %arg2[%dma_wait3A_568, %dma_wait3A_569] : memref<10000x128xf32, #tpu.memory_space<hbm>> -> memref<10000x128xf32, #tpu.memory_space<hbm>>
      tpu.wait_indirect_dma semaphore(%arg17 : memref<!tpu.dma_semaphore, #tpu.memory_space<semaphore_mem>>) src(%dma_wait3A_570 : memref<10000x128xf32, #tpu.memory_space<hbm>>) dst(%arg9 : memref<80x128xf32, #tpu.memory_space<vmem>>)
      %dma_start3A_571 = arith.constant 3 : i32
      %dma_start3A_572 = arith.constant 0 : i32
      %dma_start3A_573 = tpu.memref_slice %arg7[%dma_start3A_571, %dma_start3A_572] : memref<4x80xi32, #tpu.memory_space<vmem>> -> memref<1x80xi32, #tpu.memory_space<vmem>>
      %dma_start3A_574 = tpu.memref_squeeze %dma_start3A_573 : memref<1x80xi32, #tpu.memory_space<vmem>> -> memref<80xi32, #tpu.memory_space<vmem>>
      %dma_start3A_575 = arith.constant 0 : i32
      %dma_start3A_576 = arith.constant 0 : i32
      %dma_start3A_577 = tpu.memref_slice %arg11[%dma_start3A_575, %dma_start3A_576] : memref<10000x128xf32, #tpu.memory_space<vmem_shared>> -> memref<10000x128xf32, #tpu.memory_space<vmem_shared>>
      tpu.enqueue_indirect_dma source(%arg9 : memref<80x128xf32, #tpu.memory_space<vmem>>) target(%dma_start3A_577 : memref<10000x128xf32, #tpu.memory_space<vmem_shared>>) offsets(%dma_start3A_574 : memref<80xi32, #tpu.memory_space<vmem>>) semaphore(%arg19 : memref<!tpu.dma_semaphore, #tpu.memory_space<semaphore_mem>>) {add = true}
      %add3A_578 = arith.constant 3 : i32
      %add3A_579 = arith.addi %add3A_531, %add3A_578 : i32
      %mul3A_580 = arith.constant 80 : i32
      %mul3A_581 = arith.muli %add3A_579, %mul3A_580 : i32
      %add3A_582 = arith.addi %mul3A_24, %mul3A_581 : i32
      %dma_start3A_583 = arith.constant 2 : i32
      %dma_start3A_584 = arith.constant 0 : i32
      %dma_start3A_585 = tpu.memref_slice %arg6[%dma_start3A_583, %dma_start3A_584] : memref<4x80xi32, #tpu.memory_space<vmem>> -> memref<1x80xi32, #tpu.memory_space<vmem>>
      %dma_start3A_586 = tpu.memref_squeeze %dma_start3A_585 : memref<1x80xi32, #tpu.memory_space<vmem>> -> memref<80xi32, #tpu.memory_space<vmem>>
      %dma_start3A_587 = tpu.memref_slice %arg3[%add3A_582] : memref<320000xi32, #tpu.memory_space<hbm>> -> memref<80xi32, #tpu.memory_space<hbm>>
      %dma_start3A_588 = arith.constant 0 : i32
      %dma_start3A_589 = tpu.memref_slice %arg6[%dma_start3A_583, %dma_start3A_588] : memref<4x80xi32, #tpu.memory_space<vmem>> -> memref<1x80xi32, #tpu.memory_space<vmem>>
      %dma_start3A_590 = tpu.memref_squeeze %dma_start3A_589 : memref<1x80xi32, #tpu.memory_space<vmem>> -> memref<80xi32, #tpu.memory_space<vmem>>
      %dma_start3A_591 = tpu.memref_slice %arg3[%add3A_582] : memref<320000xi32, #tpu.memory_space<hbm>> -> memref<80xi32, #tpu.memory_space<hbm>>
      tpu.enqueue_dma source(%dma_start3A_591 : memref<80xi32, #tpu.memory_space<hbm>>) target(%dma_start3A_590 : memref<80xi32, #tpu.memory_space<vmem>>) target_semaphore(%arg14 : memref<!tpu.dma_semaphore, #tpu.memory_space<semaphore_mem>>)
      %dma_start3A_592 = arith.constant 2 : i32
      %dma_start3A_593 = arith.constant 0 : i32
      %dma_start3A_594 = tpu.memref_slice %arg7[%dma_start3A_592, %dma_start3A_593] : memref<4x80xi32, #tpu.memory_space<vmem>> -> memref<1x80xi32, #tpu.memory_space<vmem>>
      %dma_start3A_595 = tpu.memref_squeeze %dma_start3A_594 : memref<1x80xi32, #tpu.memory_space<vmem>> -> memref<80xi32, #tpu.memory_space<vmem>>
      %dma_start3A_596 = tpu.memref_slice %arg4[%add3A_582] : memref<320000xi32, #tpu.memory_space<hbm>> -> memref<80xi32, #tpu.memory_space<hbm>>
      %dma_start3A_597 = arith.constant 0 : i32
      %dma_start3A_598 = tpu.memref_slice %arg7[%dma_start3A_592, %dma_start3A_597] : memref<4x80xi32, #tpu.memory_space<vmem>> -> memref<1x80xi32, #tpu.memory_space<vmem>>
      %dma_start3A_599 = tpu.memref_squeeze %dma_start3A_598 : memref<1x80xi32, #tpu.memory_space<vmem>> -> memref<80xi32, #tpu.memory_space<vmem>>
      %dma_start3A_600 = tpu.memref_slice %arg4[%add3A_582] : memref<320000xi32, #tpu.memory_space<hbm>> -> memref<80xi32, #tpu.memory_space<hbm>>
      tpu.enqueue_dma source(%dma_start3A_600 : memref<80xi32, #tpu.memory_space<hbm>>) target(%dma_start3A_599 : memref<80xi32, #tpu.memory_space<vmem>>) target_semaphore(%arg14 : memref<!tpu.dma_semaphore, #tpu.memory_space<semaphore_mem>>)
      %mul3A_601 = arith.constant 4 : i32
      %mul3A_602 = arith.muli %mul3A_601, %scan3A_380 : i32
      %add3A_603 = arith.constant 4 : i32
      %add3A_604 = arith.addi %mul3A_602, %add3A_603 : i32
      %dma_wait3A_605 = arith.constant 3 : i32
      %dma_wait3A_606 = arith.constant 0 : i32
      %dma_wait3A_607 = tpu.memref_slice %arg7[%dma_wait3A_605, %dma_wait3A_606] : memref<4x80xi32, #tpu.memory_space<vmem>> -> memref<1x80xi32, #tpu.memory_space<vmem>>
      %dma_wait3A_608 = tpu.memref_squeeze %dma_wait3A_607 : memref<1x80xi32, #tpu.memory_space<vmem>> -> memref<80xi32, #tpu.memory_space<vmem>>
      %dma_wait3A_609 = arith.constant 0 : i32
      %dma_wait3A_610 = arith.constant 0 : i32
      %dma_wait3A_611 = tpu.memref_slice %arg11[%dma_wait3A_609, %dma_wait3A_610] : memref<10000x128xf32, #tpu.memory_space<vmem_shared>> -> memref<10000x128xf32, #tpu.memory_space<vmem_shared>>
      tpu.wait_indirect_dma semaphore(%arg19 : memref<!tpu.dma_semaphore, #tpu.memory_space<semaphore_mem>>) src(%arg9 : memref<80x128xf32, #tpu.memory_space<vmem>>) dst(%dma_wait3A_611 : memref<10000x128xf32, #tpu.memory_space<vmem_shared>>)
      %dma_wait3A_612 = arith.constant 1 : i32
      %dma_wait3A_613 = arith.constant 0 : i32
      %dma_wait3A_614 = tpu.memref_slice %arg6[%dma_wait3A_612, %dma_wait3A_613] : memref<4x80xi32, #tpu.memory_space<vmem>> -> memref<1x80xi32, #tpu.memory_space<vmem>>
      %dma_wait3A_615 = tpu.memref_squeeze %dma_wait3A_614 : memref<1x80xi32, #tpu.memory_space<vmem>> -> memref<80xi32, #tpu.memory_space<vmem>>
      %dma_wait3A_616 = tpu.memref_slice %arg3[%mul3A_24] : memref<320000xi32, #tpu.memory_space<hbm>> -> memref<80xi32, #tpu.memory_space<hbm>>
      %dma_wait3A_617 = arith.constant 0 : i32
      %dma_wait3A_618 = tpu.memref_slice %arg6[%dma_wait3A_612, %dma_wait3A_617] : memref<4x80xi32, #tpu.memory_space<vmem>> -> memref<1x80xi32, #tpu.memory_space<vmem>>
      %dma_wait3A_619 = tpu.memref_squeeze %dma_wait3A_618 : memref<1x80xi32, #tpu.memory_space<vmem>> -> memref<80xi32, #tpu.memory_space<vmem>>
      %dma_wait3A_620 = tpu.memref_slice %arg3[%mul3A_24] : memref<320000xi32, #tpu.memory_space<hbm>> -> memref<80xi32, #tpu.memory_space<hbm>>
      tpu.wait_dma2 semaphore(%arg13 : memref<!tpu.dma_semaphore, #tpu.memory_space<semaphore_mem>>) src(%dma_wait3A_620 : memref<80xi32, #tpu.memory_space<hbm>>) dst(%dma_wait3A_619 : memref<80xi32, #tpu.memory_space<vmem>>)
      %dma_wait3A_621 = arith.constant 1 : i32
      %dma_wait3A_622 = arith.constant 0 : i32
      %dma_wait3A_623 = tpu.memref_slice %arg7[%dma_wait3A_621, %dma_wait3A_622] : memref<4x80xi32, #tpu.memory_space<vmem>> -> memref<1x80xi32, #tpu.memory_space<vmem>>
      %dma_wait3A_624 = tpu.memref_squeeze %dma_wait3A_623 : memref<1x80xi32, #tpu.memory_space<vmem>> -> memref<80xi32, #tpu.memory_space<vmem>>
      %dma_wait3A_625 = tpu.memref_slice %arg4[%mul3A_24] : memref<320000xi32, #tpu.memory_space<hbm>> -> memref<80xi32, #tpu.memory_space<hbm>>
      %dma_wait3A_626 = arith.constant 0 : i32
      %dma_wait3A_627 = tpu.memref_slice %arg7[%dma_wait3A_621, %dma_wait3A_626] : memref<4x80xi32, #tpu.memory_space<vmem>> -> memref<1x80xi32, #tpu.memory_space<vmem>>
      %dma_wait3A_628 = tpu.memref_squeeze %dma_wait3A_627 : memref<1x80xi32, #tpu.memory_space<vmem>> -> memref<80xi32, #tpu.memory_space<vmem>>
      %dma_wait3A_629 = tpu.memref_slice %arg4[%mul3A_24] : memref<320000xi32, #tpu.memory_space<hbm>> -> memref<80xi32, #tpu.memory_space<hbm>>
      tpu.wait_dma2 semaphore(%arg13 : memref<!tpu.dma_semaphore, #tpu.memory_space<semaphore_mem>>) src(%dma_wait3A_629 : memref<80xi32, #tpu.memory_space<hbm>>) dst(%dma_wait3A_628 : memref<80xi32, #tpu.memory_space<vmem>>)
      %dma_start3A_630 = arith.constant 1 : i32
      %dma_start3A_631 = arith.constant 0 : i32
      %dma_start3A_632 = tpu.memref_slice %arg6[%dma_start3A_630, %dma_start3A_631] : memref<4x80xi32, #tpu.memory_space<vmem>> -> memref<1x80xi32, #tpu.memory_space<vmem>>
      %dma_start3A_633 = tpu.memref_squeeze %dma_start3A_632 : memref<1x80xi32, #tpu.memory_space<vmem>> -> memref<80xi32, #tpu.memory_space<vmem>>
      %dma_start3A_634 = arith.constant 0 : i32
      %dma_start3A_635 = arith.constant 0 : i32
      %dma_start3A_636 = tpu.memref_slice %arg2[%dma_start3A_634, %dma_start3A_635] : memref<10000x128xf32, #tpu.memory_space<hbm>> -> memref<10000x128xf32, #tpu.memory_space<hbm>>
      tpu.enqueue_indirect_dma source(%dma_start3A_636 : memref<10000x128xf32, #tpu.memory_space<hbm>>) target(%arg9 : memref<80x128xf32, #tpu.memory_space<vmem>>) offsets(%dma_start3A_633 : memref<80xi32, #tpu.memory_space<vmem>>) semaphore(%arg17 : memref<!tpu.dma_semaphore, #tpu.memory_space<semaphore_mem>>)
      %dma_wait3A_637 = arith.constant 0 : i32
      %dma_wait3A_638 = arith.constant 0 : i32
      %dma_wait3A_639 = tpu.memref_slice %arg6[%dma_wait3A_637, %dma_wait3A_638] : memref<4x80xi32, #tpu.memory_space<vmem>> -> memref<1x80xi32, #tpu.memory_space<vmem>>
      %dma_wait3A_640 = tpu.memref_squeeze %dma_wait3A_639 : memref<1x80xi32, #tpu.memory_space<vmem>> -> memref<80xi32, #tpu.memory_space<vmem>>
      %dma_wait3A_641 = arith.constant 0 : i32
      %dma_wait3A_642 = arith.constant 0 : i32
      %dma_wait3A_643 = tpu.memref_slice %arg2[%dma_wait3A_641, %dma_wait3A_642] : memref<10000x128xf32, #tpu.memory_space<hbm>> -> memref<10000x128xf32, #tpu.memory_space<hbm>>
      tpu.wait_indirect_dma semaphore(%arg16 : memref<!tpu.dma_semaphore, #tpu.memory_space<semaphore_mem>>) src(%dma_wait3A_643 : memref<10000x128xf32, #tpu.memory_space<hbm>>) dst(%arg8 : memref<80x128xf32, #tpu.memory_space<vmem>>)
      %dma_start3A_644 = arith.constant 0 : i32
      %dma_start3A_645 = arith.constant 0 : i32
      %dma_start3A_646 = tpu.memref_slice %arg7[%dma_start3A_644, %dma_start3A_645] : memref<4x80xi32, #tpu.memory_space<vmem>> -> memref<1x80xi32, #tpu.memory_space<vmem>>
      %dma_start3A_647 = tpu.memref_squeeze %dma_start3A_646 : memref<1x80xi32, #tpu.memory_space<vmem>> -> memref<80xi32, #tpu.memory_space<vmem>>
      %dma_start3A_648 = arith.constant 0 : i32
      %dma_start3A_649 = arith.constant 0 : i32
      %dma_start3A_650 = tpu.memref_slice %arg11[%dma_start3A_648, %dma_start3A_649] : memref<10000x128xf32, #tpu.memory_space<vmem_shared>> -> memref<10000x128xf32, #tpu.memory_space<vmem_shared>>
      tpu.enqueue_indirect_dma source(%arg8 : memref<80x128xf32, #tpu.memory_space<vmem>>) target(%dma_start3A_650 : memref<10000x128xf32, #tpu.memory_space<vmem_shared>>) offsets(%dma_start3A_647 : memref<80xi32, #tpu.memory_space<vmem>>) semaphore(%arg18 : memref<!tpu.dma_semaphore, #tpu.memory_space<semaphore_mem>>) {add = true}
      %add3A_651 = arith.constant 3 : i32
      %add3A_652 = arith.addi %add3A_604, %add3A_651 : i32
      %mul3A_653 = arith.constant 80 : i32
      %mul3A_654 = arith.muli %add3A_652, %mul3A_653 : i32
      %add3A_655 = arith.addi %mul3A_24, %mul3A_654 : i32
      %dma_start3A_656 = arith.constant 3 : i32
      %dma_start3A_657 = arith.constant 0 : i32
      %dma_start3A_658 = tpu.memref_slice %arg6[%dma_start3A_656, %dma_start3A_657] : memref<4x80xi32, #tpu.memory_space<vmem>> -> memref<1x80xi32, #tpu.memory_space<vmem>>
      %dma_start3A_659 = tpu.memref_squeeze %dma_start3A_658 : memref<1x80xi32, #tpu.memory_space<vmem>> -> memref<80xi32, #tpu.memory_space<vmem>>
      %dma_start3A_660 = tpu.memref_slice %arg3[%add3A_655] : memref<320000xi32, #tpu.memory_space<hbm>> -> memref<80xi32, #tpu.memory_space<hbm>>
      %dma_start3A_661 = arith.constant 0 : i32
      %dma_start3A_662 = tpu.memref_slice %arg6[%dma_start3A_656, %dma_start3A_661] : memref<4x80xi32, #tpu.memory_space<vmem>> -> memref<1x80xi32, #tpu.memory_space<vmem>>
      %dma_start3A_663 = tpu.memref_squeeze %dma_start3A_662 : memref<1x80xi32, #tpu.memory_space<vmem>> -> memref<80xi32, #tpu.memory_space<vmem>>
      %dma_start3A_664 = tpu.memref_slice %arg3[%add3A_655] : memref<320000xi32, #tpu.memory_space<hbm>> -> memref<80xi32, #tpu.memory_space<hbm>>
      tpu.enqueue_dma source(%dma_start3A_664 : memref<80xi32, #tpu.memory_space<hbm>>) target(%dma_start3A_663 : memref<80xi32, #tpu.memory_space<vmem>>) target_semaphore(%arg15 : memref<!tpu.dma_semaphore, #tpu.memory_space<semaphore_mem>>)
      %dma_start3A_665 = arith.constant 3 : i32
      %dma_start3A_666 = arith.constant 0 : i32
      %dma_start3A_667 = tpu.memref_slice %arg7[%dma_start3A_665, %dma_start3A_666] : memref<4x80xi32, #tpu.memory_space<vmem>> -> memref<1x80xi32, #tpu.memory_space<vmem>>
      %dma_start3A_668 = tpu.memref_squeeze %dma_start3A_667 : memref<1x80xi32, #tpu.memory_space<vmem>> -> memref<80xi32, #tpu.memory_space<vmem>>
      %dma_start3A_669 = tpu.memref_slice %arg4[%add3A_655] : memref<320000xi32, #tpu.memory_space<hbm>> -> memref<80xi32, #tpu.memory_space<hbm>>
      %dma_start3A_670 = arith.constant 0 : i32
      %dma_start3A_671 = tpu.memref_slice %arg7[%dma_start3A_665, %dma_start3A_670] : memref<4x80xi32, #tpu.memory_space<vmem>> -> memref<1x80xi32, #tpu.memory_space<vmem>>
      %dma_start3A_672 = tpu.memref_squeeze %dma_start3A_671 : memref<1x80xi32, #tpu.memory_space<vmem>> -> memref<80xi32, #tpu.memory_space<vmem>>
      %dma_start3A_673 = tpu.memref_slice %arg4[%add3A_655] : memref<320000xi32, #tpu.memory_space<hbm>> -> memref<80xi32, #tpu.memory_space<hbm>>
      tpu.enqueue_dma source(%dma_start3A_673 : memref<80xi32, #tpu.memory_space<hbm>>) target(%dma_start3A_672 : memref<80xi32, #tpu.memory_space<vmem>>) target_semaphore(%arg15 : memref<!tpu.dma_semaphore, #tpu.memory_space<semaphore_mem>>)
      %scan3A_674 = arith.constant 0 : i32
      scf.yield %scan3A_674 : i32
    }
    %scan3A_173 = arith.constant 30 : i32
    %dma_wait3A_174 = arith.constant 0 : i32
    %dma_wait3A_175 = arith.constant 0 : i32
    %dma_wait3A_176 = tpu.memref_slice %arg7[%dma_wait3A_174, %dma_wait3A_175] : memref<4x80xi32, #tpu.memory_space<vmem>> -> memref<1x80xi32, #tpu.memory_space<vmem>>
    %dma_wait3A_177 = tpu.memref_squeeze %dma_wait3A_176 : memref<1x80xi32, #tpu.memory_space<vmem>> -> memref<80xi32, #tpu.memory_space<vmem>>
    %dma_wait3A_178 = arith.constant 0 : i32
    %dma_wait3A_179 = arith.constant 0 : i32
    %dma_wait3A_180 = tpu.memref_slice %arg11[%dma_wait3A_178, %dma_wait3A_179] : memref<10000x128xf32, #tpu.memory_space<vmem_shared>> -> memref<10000x128xf32, #tpu.memory_space<vmem_shared>>
    tpu.wait_indirect_dma semaphore(%arg18 : memref<!tpu.dma_semaphore, #tpu.memory_space<semaphore_mem>>) src(%arg8 : memref<80x128xf32, #tpu.memory_space<vmem>>) dst(%dma_wait3A_180 : memref<10000x128xf32, #tpu.memory_space<vmem_shared>>)
    %dma_wait3A_181 = arith.constant 2 : i32
    %dma_wait3A_182 = arith.constant 0 : i32
    %dma_wait3A_183 = tpu.memref_slice %arg6[%dma_wait3A_181, %dma_wait3A_182] : memref<4x80xi32, #tpu.memory_space<vmem>> -> memref<1x80xi32, #tpu.memory_space<vmem>>
    %dma_wait3A_184 = tpu.memref_squeeze %dma_wait3A_183 : memref<1x80xi32, #tpu.memory_space<vmem>> -> memref<80xi32, #tpu.memory_space<vmem>>
    %dma_wait3A_185 = tpu.memref_slice %arg3[%mul3A_24] : memref<320000xi32, #tpu.memory_space<hbm>> -> memref<80xi32, #tpu.memory_space<hbm>>
    %dma_wait3A_186 = arith.constant 0 : i32
    %dma_wait3A_187 = tpu.memref_slice %arg6[%dma_wait3A_181, %dma_wait3A_186] : memref<4x80xi32, #tpu.memory_space<vmem>> -> memref<1x80xi32, #tpu.memory_space<vmem>>
    %dma_wait3A_188 = tpu.memref_squeeze %dma_wait3A_187 : memref<1x80xi32, #tpu.memory_space<vmem>> -> memref<80xi32, #tpu.memory_space<vmem>>
    %dma_wait3A_189 = tpu.memref_slice %arg3[%mul3A_24] : memref<320000xi32, #tpu.memory_space<hbm>> -> memref<80xi32, #tpu.memory_space<hbm>>
    tpu.wait_dma2 semaphore(%arg14 : memref<!tpu.dma_semaphore, #tpu.memory_space<semaphore_mem>>) src(%dma_wait3A_189 : memref<80xi32, #tpu.memory_space<hbm>>) dst(%dma_wait3A_188 : memref<80xi32, #tpu.memory_space<vmem>>)
    %dma_wait3A_190 = arith.constant 2 : i32
    %dma_wait3A_191 = arith.constant 0 : i32
    %dma_wait3A_192 = tpu.memref_slice %arg7[%dma_wait3A_190, %dma_wait3A_191] : memref<4x80xi32, #tpu.memory_space<vmem>> -> memref<1x80xi32, #tpu.memory_space<vmem>>
    %dma_wait3A_193 = tpu.memref_squeeze %dma_wait3A_192 : memref<1x80xi32, #tpu.memory_space<vmem>> -> memref<80xi32, #tpu.memory_space<vmem>>
    %dma_wait3A_194 = tpu.memref_slice %arg4[%mul3A_24] : memref<320000xi32, #tpu.memory_space<hbm>> -> memref<80xi32, #tpu.memory_space<hbm>>
    %dma_wait3A_195 = arith.constant 0 : i32
    %dma_wait3A_196 = tpu.memref_slice %arg7[%dma_wait3A_190, %dma_wait3A_195] : memref<4x80xi32, #tpu.memory_space<vmem>> -> memref<1x80xi32, #tpu.memory_space<vmem>>
    %dma_wait3A_197 = tpu.memref_squeeze %dma_wait3A_196 : memref<1x80xi32, #tpu.memory_space<vmem>> -> memref<80xi32, #tpu.memory_space<vmem>>
    %dma_wait3A_198 = tpu.memref_slice %arg4[%mul3A_24] : memref<320000xi32, #tpu.memory_space<hbm>> -> memref<80xi32, #tpu.memory_space<hbm>>
    tpu.wait_dma2 semaphore(%arg14 : memref<!tpu.dma_semaphore, #tpu.memory_space<semaphore_mem>>) src(%dma_wait3A_198 : memref<80xi32, #tpu.memory_space<hbm>>) dst(%dma_wait3A_197 : memref<80xi32, #tpu.memory_space<vmem>>)
    %dma_start3A_199 = arith.constant 2 : i32
    %dma_start3A_200 = arith.constant 0 : i32
    %dma_start3A_201 = tpu.memref_slice %arg6[%dma_start3A_199, %dma_start3A_200] : memref<4x80xi32, #tpu.memory_space<vmem>> -> memref<1x80xi32, #tpu.memory_space<vmem>>
    %dma_start3A_202 = tpu.memref_squeeze %dma_start3A_201 : memref<1x80xi32, #tpu.memory_space<vmem>> -> memref<80xi32, #tpu.memory_space<vmem>>
    %dma_start3A_203 = arith.constant 0 : i32
    %dma_start3A_204 = arith.constant 0 : i32
    %dma_start3A_205 = tpu.memref_slice %arg2[%dma_start3A_203, %dma_start3A_204] : memref<10000x128xf32, #tpu.memory_space<hbm>> -> memref<10000x128xf32, #tpu.memory_space<hbm>>
    tpu.enqueue_indirect_dma source(%dma_start3A_205 : memref<10000x128xf32, #tpu.memory_space<hbm>>) target(%arg8 : memref<80x128xf32, #tpu.memory_space<vmem>>) offsets(%dma_start3A_202 : memref<80xi32, #tpu.memory_space<vmem>>) semaphore(%arg16 : memref<!tpu.dma_semaphore, #tpu.memory_space<semaphore_mem>>)
    %dma_wait3A_206 = arith.constant 1 : i32
    %dma_wait3A_207 = arith.constant 0 : i32
    %dma_wait3A_208 = tpu.memref_slice %arg6[%dma_wait3A_206, %dma_wait3A_207] : memref<4x80xi32, #tpu.memory_space<vmem>> -> memref<1x80xi32, #tpu.memory_space<vmem>>
    %dma_wait3A_209 = tpu.memref_squeeze %dma_wait3A_208 : memref<1x80xi32, #tpu.memory_space<vmem>> -> memref<80xi32, #tpu.memory_space<vmem>>
    %dma_wait3A_210 = arith.constant 0 : i32
    %dma_wait3A_211 = arith.constant 0 : i32
    %dma_wait3A_212 = tpu.memref_slice %arg2[%dma_wait3A_210, %dma_wait3A_211] : memref<10000x128xf32, #tpu.memory_space<hbm>> -> memref<10000x128xf32, #tpu.memory_space<hbm>>
    tpu.wait_indirect_dma semaphore(%arg17 : memref<!tpu.dma_semaphore, #tpu.memory_space<semaphore_mem>>) src(%dma_wait3A_212 : memref<10000x128xf32, #tpu.memory_space<hbm>>) dst(%arg9 : memref<80x128xf32, #tpu.memory_space<vmem>>)
    %dma_start3A_213 = arith.constant 1 : i32
    %dma_start3A_214 = arith.constant 0 : i32
    %dma_start3A_215 = tpu.memref_slice %arg7[%dma_start3A_213, %dma_start3A_214] : memref<4x80xi32, #tpu.memory_space<vmem>> -> memref<1x80xi32, #tpu.memory_space<vmem>>
    %dma_start3A_216 = tpu.memref_squeeze %dma_start3A_215 : memref<1x80xi32, #tpu.memory_space<vmem>> -> memref<80xi32, #tpu.memory_space<vmem>>
    %dma_start3A_217 = arith.constant 0 : i32
    %dma_start3A_218 = arith.constant 0 : i32
    %dma_start3A_219 = tpu.memref_slice %arg11[%dma_start3A_217, %dma_start3A_218] : memref<10000x128xf32, #tpu.memory_space<vmem_shared>> -> memref<10000x128xf32, #tpu.memory_space<vmem_shared>>
    tpu.enqueue_indirect_dma source(%arg9 : memref<80x128xf32, #tpu.memory_space<vmem>>) target(%dma_start3A_219 : memref<10000x128xf32, #tpu.memory_space<vmem_shared>>) offsets(%dma_start3A_216 : memref<80xi32, #tpu.memory_space<vmem>>) semaphore(%arg19 : memref<!tpu.dma_semaphore, #tpu.memory_space<semaphore_mem>>) {add = true}
    %add3A_220 = arith.constant 9920 : i32
    %add3A_221 = arith.addi %mul3A_24, %add3A_220 : i32
    %dma_start3A_222 = arith.constant 0 : i32
    %dma_start3A_223 = arith.constant 0 : i32
    %dma_start3A_224 = tpu.memref_slice %arg6[%dma_start3A_222, %dma_start3A_223] : memref<4x80xi32, #tpu.memory_space<vmem>> -> memref<1x80xi32, #tpu.memory_space<vmem>>
    %dma_start3A_225 = tpu.memref_squeeze %dma_start3A_224 : memref<1x80xi32, #tpu.memory_space<vmem>> -> memref<80xi32, #tpu.memory_space<vmem>>
    %dma_start3A_226 = tpu.memref_slice %arg3[%add3A_221] : memref<320000xi32, #tpu.memory_space<hbm>> -> memref<80xi32, #tpu.memory_space<hbm>>
    %dma_start3A_227 = arith.constant 0 : i32
    %dma_start3A_228 = tpu.memref_slice %arg6[%dma_start3A_222, %dma_start3A_227] : memref<4x80xi32, #tpu.memory_space<vmem>> -> memref<1x80xi32, #tpu.memory_space<vmem>>
    %dma_start3A_229 = tpu.memref_squeeze %dma_start3A_228 : memref<1x80xi32, #tpu.memory_space<vmem>> -> memref<80xi32, #tpu.memory_space<vmem>>
    %dma_start3A_230 = tpu.memref_slice %arg3[%add3A_221] : memref<320000xi32, #tpu.memory_space<hbm>> -> memref<80xi32, #tpu.memory_space<hbm>>
    tpu.enqueue_dma source(%dma_start3A_230 : memref<80xi32, #tpu.memory_space<hbm>>) target(%dma_start3A_229 : memref<80xi32, #tpu.memory_space<vmem>>) target_semaphore(%arg12 : memref<!tpu.dma_semaphore, #tpu.memory_space<semaphore_mem>>)
    %dma_start3A_231 = arith.constant 0 : i32
    %dma_start3A_232 = arith.constant 0 : i32
    %dma_start3A_233 = tpu.memref_slice %arg7[%dma_start3A_231, %dma_start3A_232] : memref<4x80xi32, #tpu.memory_space<vmem>> -> memref<1x80xi32, #tpu.memory_space<vmem>>
    %dma_start3A_234 = tpu.memref_squeeze %dma_start3A_233 : memref<1x80xi32, #tpu.memory_space<vmem>> -> memref<80xi32, #tpu.memory_space<vmem>>
    %dma_start3A_235 = tpu.memref_slice %arg4[%add3A_221] : memref<320000xi32, #tpu.memory_space<hbm>> -> memref<80xi32, #tpu.memory_space<hbm>>
    %dma_start3A_236 = arith.constant 0 : i32
    %dma_start3A_237 = tpu.memref_slice %arg7[%dma_start3A_231, %dma_start3A_236] : memref<4x80xi32, #tpu.memory_space<vmem>> -> memref<1x80xi32, #tpu.memory_space<vmem>>
    %dma_start3A_238 = tpu.memref_squeeze %dma_start3A_237 : memref<1x80xi32, #tpu.memory_space<vmem>> -> memref<80xi32, #tpu.memory_space<vmem>>
    %dma_start3A_239 = tpu.memref_slice %arg4[%add3A_221] : memref<320000xi32, #tpu.memory_space<hbm>> -> memref<80xi32, #tpu.memory_space<hbm>>
    tpu.enqueue_dma source(%dma_start3A_239 : memref<80xi32, #tpu.memory_space<hbm>>) target(%dma_start3A_238 : memref<80xi32, #tpu.memory_space<vmem>>) target_semaphore(%arg12 : memref<!tpu.dma_semaphore, #tpu.memory_space<semaphore_mem>>)
    %dma_wait3A_240 = arith.constant 1 : i32
    %dma_wait3A_241 = arith.constant 0 : i32
    %dma_wait3A_242 = tpu.memref_slice %arg7[%dma_wait3A_240, %dma_wait3A_241] : memref<4x80xi32, #tpu.memory_space<vmem>> -> memref<1x80xi32, #tpu.memory_space<vmem>>
    %dma_wait3A_243 = tpu.memref_squeeze %dma_wait3A_242 : memref<1x80xi32, #tpu.memory_space<vmem>> -> memref<80xi32, #tpu.memory_space<vmem>>
    %dma_wait3A_244 = arith.constant 0 : i32
    %dma_wait3A_245 = arith.constant 0 : i32
    %dma_wait3A_246 = tpu.memref_slice %arg11[%dma_wait3A_244, %dma_wait3A_245] : memref<10000x128xf32, #tpu.memory_space<vmem_shared>> -> memref<10000x128xf32, #tpu.memory_space<vmem_shared>>
    tpu.wait_indirect_dma semaphore(%arg19 : memref<!tpu.dma_semaphore, #tpu.memory_space<semaphore_mem>>) src(%arg9 : memref<80x128xf32, #tpu.memory_space<vmem>>) dst(%dma_wait3A_246 : memref<10000x128xf32, #tpu.memory_space<vmem_shared>>)
    %dma_wait3A_247 = arith.constant 3 : i32
    %dma_wait3A_248 = arith.constant 0 : i32
    %dma_wait3A_249 = tpu.memref_slice %arg6[%dma_wait3A_247, %dma_wait3A_248] : memref<4x80xi32, #tpu.memory_space<vmem>> -> memref<1x80xi32, #tpu.memory_space<vmem>>
    %dma_wait3A_250 = tpu.memref_squeeze %dma_wait3A_249 : memref<1x80xi32, #tpu.memory_space<vmem>> -> memref<80xi32, #tpu.memory_space<vmem>>
    %dma_wait3A_251 = tpu.memref_slice %arg3[%mul3A_24] : memref<320000xi32, #tpu.memory_space<hbm>> -> memref<80xi32, #tpu.memory_space<hbm>>
    %dma_wait3A_252 = arith.constant 0 : i32
    %dma_wait3A_253 = tpu.memref_slice %arg6[%dma_wait3A_247, %dma_wait3A_252] : memref<4x80xi32, #tpu.memory_space<vmem>> -> memref<1x80xi32, #tpu.memory_space<vmem>>
    %dma_wait3A_254 = tpu.memref_squeeze %dma_wait3A_253 : memref<1x80xi32, #tpu.memory_space<vmem>> -> memref<80xi32, #tpu.memory_space<vmem>>
    %dma_wait3A_255 = tpu.memref_slice %arg3[%mul3A_24] : memref<320000xi32, #tpu.memory_space<hbm>> -> memref<80xi32, #tpu.memory_space<hbm>>
    tpu.wait_dma2 semaphore(%arg15 : memref<!tpu.dma_semaphore, #tpu.memory_space<semaphore_mem>>) src(%dma_wait3A_255 : memref<80xi32, #tpu.memory_space<hbm>>) dst(%dma_wait3A_254 : memref<80xi32, #tpu.memory_space<vmem>>)
    %dma_wait3A_256 = arith.constant 3 : i32
    %dma_wait3A_257 = arith.constant 0 : i32
    %dma_wait3A_258 = tpu.memref_slice %arg7[%dma_wait3A_256, %dma_wait3A_257] : memref<4x80xi32, #tpu.memory_space<vmem>> -> memref<1x80xi32, #tpu.memory_space<vmem>>
    %dma_wait3A_259 = tpu.memref_squeeze %dma_wait3A_258 : memref<1x80xi32, #tpu.memory_space<vmem>> -> memref<80xi32, #tpu.memory_space<vmem>>
    %dma_wait3A_260 = tpu.memref_slice %arg4[%mul3A_24] : memref<320000xi32, #tpu.memory_space<hbm>> -> memref<80xi32, #tpu.memory_space<hbm>>
    %dma_wait3A_261 = arith.constant 0 : i32
    %dma_wait3A_262 = tpu.memref_slice %arg7[%dma_wait3A_256, %dma_wait3A_261] : memref<4x80xi32, #tpu.memory_space<vmem>> -> memref<1x80xi32, #tpu.memory_space<vmem>>
    %dma_wait3A_263 = tpu.memref_squeeze %dma_wait3A_262 : memref<1x80xi32, #tpu.memory_space<vmem>> -> memref<80xi32, #tpu.memory_space<vmem>>
    %dma_wait3A_264 = tpu.memref_slice %arg4[%mul3A_24] : memref<320000xi32, #tpu.memory_space<hbm>> -> memref<80xi32, #tpu.memory_space<hbm>>
    tpu.wait_dma2 semaphore(%arg15 : memref<!tpu.dma_semaphore, #tpu.memory_space<semaphore_mem>>) src(%dma_wait3A_264 : memref<80xi32, #tpu.memory_space<hbm>>) dst(%dma_wait3A_263 : memref<80xi32, #tpu.memory_space<vmem>>)
    %dma_start3A_265 = arith.constant 3 : i32
    %dma_start3A_266 = arith.constant 0 : i32
    %dma_start3A_267 = tpu.memref_slice %arg6[%dma_start3A_265, %dma_start3A_266] : memref<4x80xi32, #tpu.memory_space<vmem>> -> memref<1x80xi32, #tpu.memory_space<vmem>>
    %dma_start3A_268 = tpu.memref_squeeze %dma_start3A_267 : memref<1x80xi32, #tpu.memory_space<vmem>> -> memref<80xi32, #tpu.memory_space<vmem>>
    %dma_start3A_269 = arith.constant 0 : i32
    %dma_start3A_270 = arith.constant 0 : i32
    %dma_start3A_271 = tpu.memref_slice %arg2[%dma_start3A_269, %dma_start3A_270] : memref<10000x128xf32, #tpu.memory_space<hbm>> -> memref<10000x128xf32, #tpu.memory_space<hbm>>
    tpu.enqueue_indirect_dma source(%dma_start3A_271 : memref<10000x128xf32, #tpu.memory_space<hbm>>) target(%arg9 : memref<80x128xf32, #tpu.memory_space<vmem>>) offsets(%dma_start3A_268 : memref<80xi32, #tpu.memory_space<vmem>>) semaphore(%arg17 : memref<!tpu.dma_semaphore, #tpu.memory_space<semaphore_mem>>)
    %dma_wait3A_272 = arith.constant 2 : i32
    %dma_wait3A_273 = arith.constant 0 : i32
    %dma_wait3A_274 = tpu.memref_slice %arg6[%dma_wait3A_272, %dma_wait3A_273] : memref<4x80xi32, #tpu.memory_space<vmem>> -> memref<1x80xi32, #tpu.memory_space<vmem>>
    %dma_wait3A_275 = tpu.memref_squeeze %dma_wait3A_274 : memref<1x80xi32, #tpu.memory_space<vmem>> -> memref<80xi32, #tpu.memory_space<vmem>>
    %dma_wait3A_276 = arith.constant 0 : i32
    %dma_wait3A_277 = arith.constant 0 : i32
    %dma_wait3A_278 = tpu.memref_slice %arg2[%dma_wait3A_276, %dma_wait3A_277] : memref<10000x128xf32, #tpu.memory_space<hbm>> -> memref<10000x128xf32, #tpu.memory_space<hbm>>
    tpu.wait_indirect_dma semaphore(%arg16 : memref<!tpu.dma_semaphore, #tpu.memory_space<semaphore_mem>>) src(%dma_wait3A_278 : memref<10000x128xf32, #tpu.memory_space<hbm>>) dst(%arg8 : memref<80x128xf32, #tpu.memory_space<vmem>>)
    %dma_start3A_279 = arith.constant 2 : i32
    %dma_start3A_280 = arith.constant 0 : i32
    %dma_start3A_281 = tpu.memref_slice %arg7[%dma_start3A_279, %dma_start3A_280] : memref<4x80xi32, #tpu.memory_space<vmem>> -> memref<1x80xi32, #tpu.memory_space<vmem>>
    %dma_start3A_282 = tpu.memref_squeeze %dma_start3A_281 : memref<1x80xi32, #tpu.memory_space<vmem>> -> memref<80xi32, #tpu.memory_space<vmem>>
    %dma_start3A_283 = arith.constant 0 : i32
    %dma_start3A_284 = arith.constant 0 : i32
    %dma_start3A_285 = tpu.memref_slice %arg11[%dma_start3A_283, %dma_start3A_284] : memref<10000x128xf32, #tpu.memory_space<vmem_shared>> -> memref<10000x128xf32, #tpu.memory_space<vmem_shared>>
    tpu.enqueue_indirect_dma source(%arg8 : memref<80x128xf32, #tpu.memory_space<vmem>>) target(%dma_start3A_285 : memref<10000x128xf32, #tpu.memory_space<vmem_shared>>) offsets(%dma_start3A_282 : memref<80xi32, #tpu.memory_space<vmem>>) semaphore(%arg18 : memref<!tpu.dma_semaphore, #tpu.memory_space<semaphore_mem>>) {add = true}
    %dma_wait3A_286 = arith.constant 2 : i32
    %dma_wait3A_287 = arith.constant 0 : i32
    %dma_wait3A_288 = tpu.memref_slice %arg7[%dma_wait3A_286, %dma_wait3A_287] : memref<4x80xi32, #tpu.memory_space<vmem>> -> memref<1x80xi32, #tpu.memory_space<vmem>>
    %dma_wait3A_289 = tpu.memref_squeeze %dma_wait3A_288 : memref<1x80xi32, #tpu.memory_space<vmem>> -> memref<80xi32, #tpu.memory_space<vmem>>
    %dma_wait3A_290 = arith.constant 0 : i32
    %dma_wait3A_291 = arith.constant 0 : i32
    %dma_wait3A_292 = tpu.memref_slice %arg11[%dma_wait3A_290, %dma_wait3A_291] : memref<10000x128xf32, #tpu.memory_space<vmem_shared>> -> memref<10000x128xf32, #tpu.memory_space<vmem_shared>>
    tpu.wait_indirect_dma semaphore(%arg18 : memref<!tpu.dma_semaphore, #tpu.memory_space<semaphore_mem>>) src(%arg8 : memref<80x128xf32, #tpu.memory_space<vmem>>) dst(%dma_wait3A_292 : memref<10000x128xf32, #tpu.memory_space<vmem_shared>>)
    %dma_wait3A_293 = arith.constant 0 : i32
    %dma_wait3A_294 = arith.constant 0 : i32
    %dma_wait3A_295 = tpu.memref_slice %arg6[%dma_wait3A_293, %dma_wait3A_294] : memref<4x80xi32, #tpu.memory_space<vmem>> -> memref<1x80xi32, #tpu.memory_space<vmem>>
    %dma_wait3A_296 = tpu.memref_squeeze %dma_wait3A_295 : memref<1x80xi32, #tpu.memory_space<vmem>> -> memref<80xi32, #tpu.memory_space<vmem>>
    %dma_wait3A_297 = tpu.memref_slice %arg3[%mul3A_24] : memref<320000xi32, #tpu.memory_space<hbm>> -> memref<80xi32, #tpu.memory_space<hbm>>
    %dma_wait3A_298 = arith.constant 0 : i32
    %dma_wait3A_299 = tpu.memref_slice %arg6[%dma_wait3A_293, %dma_wait3A_298] : memref<4x80xi32, #tpu.memory_space<vmem>> -> memref<1x80xi32, #tpu.memory_space<vmem>>
    %dma_wait3A_300 = tpu.memref_squeeze %dma_wait3A_299 : memref<1x80xi32, #tpu.memory_space<vmem>> -> memref<80xi32, #tpu.memory_space<vmem>>
    %dma_wait3A_301 = tpu.memref_slice %arg3[%mul3A_24] : memref<320000xi32, #tpu.memory_space<hbm>> -> memref<80xi32, #tpu.memory_space<hbm>>
    tpu.wait_dma2 semaphore(%arg12 : memref<!tpu.dma_semaphore, #tpu.memory_space<semaphore_mem>>) src(%dma_wait3A_301 : memref<80xi32, #tpu.memory_space<hbm>>) dst(%dma_wait3A_300 : memref<80xi32, #tpu.memory_space<vmem>>)
    %dma_wait3A_302 = arith.constant 0 : i32
    %dma_wait3A_303 = arith.constant 0 : i32
    %dma_wait3A_304 = tpu.memref_slice %arg7[%dma_wait3A_302, %dma_wait3A_303] : memref<4x80xi32, #tpu.memory_space<vmem>> -> memref<1x80xi32, #tpu.memory_space<vmem>>
    %dma_wait3A_305 = tpu.memref_squeeze %dma_wait3A_304 : memref<1x80xi32, #tpu.memory_space<vmem>> -> memref<80xi32, #tpu.memory_space<vmem>>
    %dma_wait3A_306 = tpu.memref_slice %arg4[%mul3A_24] : memref<320000xi32, #tpu.memory_space<hbm>> -> memref<80xi32, #tpu.memory_space<hbm>>
    %dma_wait3A_307 = arith.constant 0 : i32
    %dma_wait3A_308 = tpu.memref_slice %arg7[%dma_wait3A_302, %dma_wait3A_307] : memref<4x80xi32, #tpu.memory_space<vmem>> -> memref<1x80xi32, #tpu.memory_space<vmem>>
    %dma_wait3A_309 = tpu.memref_squeeze %dma_wait3A_308 : memref<1x80xi32, #tpu.memory_space<vmem>> -> memref<80xi32, #tpu.memory_space<vmem>>
    %dma_wait3A_310 = tpu.memref_slice %arg4[%mul3A_24] : memref<320000xi32, #tpu.memory_space<hbm>> -> memref<80xi32, #tpu.memory_space<hbm>>
    tpu.wait_dma2 semaphore(%arg12 : memref<!tpu.dma_semaphore, #tpu.memory_space<semaphore_mem>>) src(%dma_wait3A_310 : memref<80xi32, #tpu.memory_space<hbm>>) dst(%dma_wait3A_309 : memref<80xi32, #tpu.memory_space<vmem>>)
    %dma_start3A_311 = arith.constant 0 : i32
    %dma_start3A_312 = arith.constant 0 : i32
    %dma_start3A_313 = tpu.memref_slice %arg6[%dma_start3A_311, %dma_start3A_312] : memref<4x80xi32, #tpu.memory_space<vmem>> -> memref<1x80xi32, #tpu.memory_space<vmem>>
    %dma_start3A_314 = tpu.memref_squeeze %dma_start3A_313 : memref<1x80xi32, #tpu.memory_space<vmem>> -> memref<80xi32, #tpu.memory_space<vmem>>
    %dma_start3A_315 = arith.constant 0 : i32
    %dma_start3A_316 = arith.constant 0 : i32
    %dma_start3A_317 = tpu.memref_slice %arg2[%dma_start3A_315, %dma_start3A_316] : memref<10000x128xf32, #tpu.memory_space<hbm>> -> memref<10000x128xf32, #tpu.memory_space<hbm>>
    tpu.enqueue_indirect_dma source(%dma_start3A_317 : memref<10000x128xf32, #tpu.memory_space<hbm>>) target(%arg8 : memref<80x128xf32, #tpu.memory_space<vmem>>) offsets(%dma_start3A_314 : memref<80xi32, #tpu.memory_space<vmem>>) semaphore(%arg16 : memref<!tpu.dma_semaphore, #tpu.memory_space<semaphore_mem>>)
    %dma_wait3A_318 = arith.constant 3 : i32
    %dma_wait3A_319 = arith.constant 0 : i32
    %dma_wait3A_320 = tpu.memref_slice %arg6[%dma_wait3A_318, %dma_wait3A_319] : memref<4x80xi32, #tpu.memory_space<vmem>> -> memref<1x80xi32, #tpu.memory_space<vmem>>
    %dma_wait3A_321 = tpu.memref_squeeze %dma_wait3A_320 : memref<1x80xi32, #tpu.memory_space<vmem>> -> memref<80xi32, #tpu.memory_space<vmem>>
    %dma_wait3A_322 = arith.constant 0 : i32
    %dma_wait3A_323 = arith.constant 0 : i32
    %dma_wait3A_324 = tpu.memref_slice %arg2[%dma_wait3A_322, %dma_wait3A_323] : memref<10000x128xf32, #tpu.memory_space<hbm>> -> memref<10000x128xf32, #tpu.memory_space<hbm>>
    tpu.wait_indirect_dma semaphore(%arg17 : memref<!tpu.dma_semaphore, #tpu.memory_space<semaphore_mem>>) src(%dma_wait3A_324 : memref<10000x128xf32, #tpu.memory_space<hbm>>) dst(%arg9 : memref<80x128xf32, #tpu.memory_space<vmem>>)
    %dma_start3A_325 = arith.constant 3 : i32
    %dma_start3A_326 = arith.constant 0 : i32
    %dma_start3A_327 = tpu.memref_slice %arg7[%dma_start3A_325, %dma_start3A_326] : memref<4x80xi32, #tpu.memory_space<vmem>> -> memref<1x80xi32, #tpu.memory_space<vmem>>
    %dma_start3A_328 = tpu.memref_squeeze %dma_start3A_327 : memref<1x80xi32, #tpu.memory_space<vmem>> -> memref<80xi32, #tpu.memory_space<vmem>>
    %dma_start3A_329 = arith.constant 0 : i32
    %dma_start3A_330 = arith.constant 0 : i32
    %dma_start3A_331 = tpu.memref_slice %arg11[%dma_start3A_329, %dma_start3A_330] : memref<10000x128xf32, #tpu.memory_space<vmem_shared>> -> memref<10000x128xf32, #tpu.memory_space<vmem_shared>>
    tpu.enqueue_indirect_dma source(%arg9 : memref<80x128xf32, #tpu.memory_space<vmem>>) target(%dma_start3A_331 : memref<10000x128xf32, #tpu.memory_space<vmem_shared>>) offsets(%dma_start3A_328 : memref<80xi32, #tpu.memory_space<vmem>>) semaphore(%arg19 : memref<!tpu.dma_semaphore, #tpu.memory_space<semaphore_mem>>) {add = true}
    %dma_wait3A_332 = arith.constant 3 : i32
    %dma_wait3A_333 = arith.constant 0 : i32
    %dma_wait3A_334 = tpu.memref_slice %arg7[%dma_wait3A_332, %dma_wait3A_333] : memref<4x80xi32, #tpu.memory_space<vmem>> -> memref<1x80xi32, #tpu.memory_space<vmem>>
    %dma_wait3A_335 = tpu.memref_squeeze %dma_wait3A_334 : memref<1x80xi32, #tpu.memory_space<vmem>> -> memref<80xi32, #tpu.memory_space<vmem>>
    %dma_wait3A_336 = arith.constant 0 : i32
    %dma_wait3A_337 = arith.constant 0 : i32
    %dma_wait3A_338 = tpu.memref_slice %arg11[%dma_wait3A_336, %dma_wait3A_337] : memref<10000x128xf32, #tpu.memory_space<vmem_shared>> -> memref<10000x128xf32, #tpu.memory_space<vmem_shared>>
    tpu.wait_indirect_dma semaphore(%arg19 : memref<!tpu.dma_semaphore, #tpu.memory_space<semaphore_mem>>) src(%arg9 : memref<80x128xf32, #tpu.memory_space<vmem>>) dst(%dma_wait3A_338 : memref<10000x128xf32, #tpu.memory_space<vmem_shared>>)
    %dma_wait3A_339 = arith.constant 0 : i32
    %dma_wait3A_340 = arith.constant 0 : i32
    %dma_wait3A_341 = tpu.memref_slice %arg6[%dma_wait3A_339, %dma_wait3A_340] : memref<4x80xi32, #tpu.memory_space<vmem>> -> memref<1x80xi32, #tpu.memory_space<vmem>>
    %dma_wait3A_342 = tpu.memref_squeeze %dma_wait3A_341 : memref<1x80xi32, #tpu.memory_space<vmem>> -> memref<80xi32, #tpu.memory_space<vmem>>
    %dma_wait3A_343 = arith.constant 0 : i32
    %dma_wait3A_344 = arith.constant 0 : i32
    %dma_wait3A_345 = tpu.memref_slice %arg2[%dma_wait3A_343, %dma_wait3A_344] : memref<10000x128xf32, #tpu.memory_space<hbm>> -> memref<10000x128xf32, #tpu.memory_space<hbm>>
    tpu.wait_indirect_dma semaphore(%arg16 : memref<!tpu.dma_semaphore, #tpu.memory_space<semaphore_mem>>) src(%dma_wait3A_345 : memref<10000x128xf32, #tpu.memory_space<hbm>>) dst(%arg8 : memref<80x128xf32, #tpu.memory_space<vmem>>)
    %dma_start3A_346 = arith.constant 0 : i32
    %dma_start3A_347 = arith.constant 0 : i32
    %dma_start3A_348 = tpu.memref_slice %arg7[%dma_start3A_346, %dma_start3A_347] : memref<4x80xi32, #tpu.memory_space<vmem>> -> memref<1x80xi32, #tpu.memory_space<vmem>>
    %dma_start3A_349 = tpu.memref_squeeze %dma_start3A_348 : memref<1x80xi32, #tpu.memory_space<vmem>> -> memref<80xi32, #tpu.memory_space<vmem>>
    %dma_start3A_350 = arith.constant 0 : i32
    %dma_start3A_351 = arith.constant 0 : i32
    %dma_start3A_352 = tpu.memref_slice %arg11[%dma_start3A_350, %dma_start3A_351] : memref<10000x128xf32, #tpu.memory_space<vmem_shared>> -> memref<10000x128xf32, #tpu.memory_space<vmem_shared>>
    tpu.enqueue_indirect_dma source(%arg8 : memref<80x128xf32, #tpu.memory_space<vmem>>) target(%dma_start3A_352 : memref<10000x128xf32, #tpu.memory_space<vmem_shared>>) offsets(%dma_start3A_349 : memref<80xi32, #tpu.memory_space<vmem>>) semaphore(%arg18 : memref<!tpu.dma_semaphore, #tpu.memory_space<semaphore_mem>>) {add = true}
    %dma_wait3A_353 = arith.constant 0 : i32
    %dma_wait3A_354 = arith.constant 0 : i32
    %dma_wait3A_355 = tpu.memref_slice %arg7[%dma_wait3A_353, %dma_wait3A_354] : memref<4x80xi32, #tpu.memory_space<vmem>> -> memref<1x80xi32, #tpu.memory_space<vmem>>
    %dma_wait3A_356 = tpu.memref_squeeze %dma_wait3A_355 : memref<1x80xi32, #tpu.memory_space<vmem>> -> memref<80xi32, #tpu.memory_space<vmem>>
    %dma_wait3A_357 = arith.constant 0 : i32
    %dma_wait3A_358 = arith.constant 0 : i32
    %dma_wait3A_359 = tpu.memref_slice %arg11[%dma_wait3A_357, %dma_wait3A_358] : memref<10000x128xf32, #tpu.memory_space<vmem_shared>> -> memref<10000x128xf32, #tpu.memory_space<vmem_shared>>
    tpu.wait_indirect_dma semaphore(%arg18 : memref<!tpu.dma_semaphore, #tpu.memory_space<semaphore_mem>>) src(%arg8 : memref<80x128xf32, #tpu.memory_space<vmem>>) dst(%dma_wait3A_359 : memref<10000x128xf32, #tpu.memory_space<vmem_shared>>)
    %barrier3A_360 = arith.constant 0 : index
    tpu.barrier barrier_id(%barrier3A_360)
    %mul3A_361 = arith.constant 624 : i32
    %mul3A_362 = arith.muli %arg1, %mul3A_361 : i32
    %eq3A_363 = arith.constant 15 : i32
    %eq3A_364 = arith.cmpi eq, %arg1, %eq3A_363 : i32
    %jit3A_365 = arith.constant 40 : i32
    %jit3A_366 = arith.constant 39 : i32
    %select_n3A_367 = arith.select %eq3A_364, %jit3A_365, %jit3A_366 : i32
    %while3A_368 = arith.constant 0 : i32
    %while3A_369 = arith.constant 0 : i32
    %while3A_370 = arith.subi %select_n3A_367, %while3A_368 : i32
    %while3A_371 = arith.addi %while3A_368, %while3A_370 : i32
    %while3A_372 = arith.constant 1 : i32
    %while3A_373 = arith.divsi %while3A_370, %while3A_372 : i32
    %while3A_374 = arith.muli %while3A_373, %while3A_372 : i32
    %while3A_375 = arith.addi %while3A_368, %while3A_374 : i32
    %while3A_376 = arith.constant 1 : i32
    %while3A_377 = scf.for %while3A_380 = %while3A_368 to %while3A_375 step %while3A_376 iter_args(%while3A_381 = %while3A_369) -> (i32)  : i32 {
      %mul3A_382 = arith.constant 16 : i32
      %mul3A_383 = arith.muli %while3A_380, %mul3A_382 : i32
      %add3A_384 = arith.addi %mul3A_362, %mul3A_383 : i32
      "tpu.region"() ({
        %run_scoped3A = tpu.sem_alloc : memref<!tpu.dma_semaphore, #tpu.memory_space<semaphore_mem>>
        %dma_start3A_386 = arith.constant 0 : i32
        %dma_start3A_387 = tpu.memref_slice %arg11[%add3A_384, %dma_start3A_386] : memref<10000x128xf32, #tpu.memory_space<vmem_shared>> -> memref<16x128xf32, #tpu.memory_space<vmem_shared>>
        %dma_start3A_388 = arith.constant 0 : i32
        %dma_start3A_389 = tpu.memref_slice %arg11[%add3A_384, %dma_start3A_388] : memref<10000x128xf32, #tpu.memory_space<vmem_shared>> -> memref<16x128xf32, #tpu.memory_space<vmem_shared>>
        tpu.enqueue_dma source(%dma_start3A_389 : memref<16x128xf32, #tpu.memory_space<vmem_shared>>) target(%arg10 : memref<16x128xf32, #tpu.memory_space<vmem>>) target_semaphore(%run_scoped3A : memref<!tpu.dma_semaphore, #tpu.memory_space<semaphore_mem>>)
        %dma_wait3A_390 = arith.constant 0 : i32
        %dma_wait3A_391 = tpu.memref_slice %arg11[%add3A_384, %dma_wait3A_390] : memref<10000x128xf32, #tpu.memory_space<vmem_shared>> -> memref<16x128xf32, #tpu.memory_space<vmem_shared>>
        %dma_wait3A_392 = arith.constant 0 : i32
        %dma_wait3A_393 = tpu.memref_slice %arg11[%add3A_384, %dma_wait3A_392] : memref<10000x128xf32, #tpu.memory_space<vmem_shared>> -> memref<16x128xf32, #tpu.memory_space<vmem_shared>>
        tpu.wait_dma2 semaphore(%run_scoped3A : memref<!tpu.dma_semaphore, #tpu.memory_space<semaphore_mem>>) src(%dma_wait3A_393 : memref<16x128xf32, #tpu.memory_space<vmem_shared>>) dst(%arg10 : memref<16x128xf32, #tpu.memory_space<vmem>>)
        tpu.yield
      }) : () -> ()
      "tpu.region"() ({
        %run_scoped3A = tpu.sem_alloc : memref<!tpu.dma_semaphore, #tpu.memory_space<semaphore_mem>>
        %dma_start3A_386 = arith.constant 0 : i32
        %dma_start3A_387 = tpu.memref_slice %arg5[%arg0, %add3A_384, %dma_start3A_386] : memref<2x10000x128xf32, #tpu.memory_space<hbm>> -> memref<1x16x128xf32, #tpu.memory_space<hbm>>
        %dma_start3A_388 = tpu.memref_squeeze %dma_start3A_387 : memref<1x16x128xf32, #tpu.memory_space<hbm>> -> memref<16x128xf32, #tpu.memory_space<hbm>>
        %dma_start3A_389 = arith.constant 0 : i32
        %dma_start3A_390 = tpu.memref_slice %arg5[%arg0, %add3A_384, %dma_start3A_389] : memref<2x10000x128xf32, #tpu.memory_space<hbm>> -> memref<1x16x128xf32, #tpu.memory_space<hbm>>
        %dma_start3A_391 = tpu.memref_squeeze %dma_start3A_390 : memref<1x16x128xf32, #tpu.memory_space<hbm>> -> memref<16x128xf32, #tpu.memory_space<hbm>>
        tpu.enqueue_dma source(%arg10 : memref<16x128xf32, #tpu.memory_space<vmem>>) target(%dma_start3A_391 : memref<16x128xf32, #tpu.memory_space<hbm>>) target_semaphore(%run_scoped3A : memref<!tpu.dma_semaphore, #tpu.memory_space<semaphore_mem>>)
        %dma_wait3A_392 = arith.constant 0 : i32
        %dma_wait3A_393 = tpu.memref_slice %arg5[%arg0, %add3A_384, %dma_wait3A_392] : memref<2x10000x128xf32, #tpu.memory_space<hbm>> -> memref<1x16x128xf32, #tpu.memory_space<hbm>>
        %dma_wait3A_394 = tpu.memref_squeeze %dma_wait3A_393 : memref<1x16x128xf32, #tpu.memory_space<hbm>> -> memref<16x128xf32, #tpu.memory_space<hbm>>
        %dma_wait3A_395 = arith.constant 0 : i32
        %dma_wait3A_396 = tpu.memref_slice %arg5[%arg0, %add3A_384, %dma_wait3A_395] : memref<2x10000x128xf32, #tpu.memory_space<hbm>> -> memref<1x16x128xf32, #tpu.memory_space<hbm>>
        %dma_wait3A_397 = tpu.memref_squeeze %dma_wait3A_396 : memref<1x16x128xf32, #tpu.memory_space<hbm>> -> memref<16x128xf32, #tpu.memory_space<hbm>>
        tpu.wait_dma2 semaphore(%run_scoped3A : memref<!tpu.dma_semaphore, #tpu.memory_space<semaphore_mem>>) src(%arg10 : memref<16x128xf32, #tpu.memory_space<vmem>>) dst(%dma_wait3A_397 : memref<16x128xf32, #tpu.memory_space<hbm>>)
        tpu.yield
      }) : () -> ()
      %while3A_385 = arith.constant 0 : i32
      scf.yield %while3A_385 : i32
    }
    %while3A_378 = arith.constant 1 : i32
    %while3A_379 = scf.for %while3A_380 = %while3A_375 to %while3A_371 step %while3A_378 iter_args(%while3A_381 = %while3A_377) -> (i32)  : i32 {
      %mul3A_382 = arith.constant 16 : i32
      %mul3A_383 = arith.muli %while3A_380, %mul3A_382 : i32
      %add3A_384 = arith.addi %mul3A_362, %mul3A_383 : i32
      "tpu.region"() ({
        %run_scoped3A = tpu.sem_alloc : memref<!tpu.dma_semaphore, #tpu.memory_space<semaphore_mem>>
        %dma_start3A_386 = arith.constant 0 : i32
        %dma_start3A_387 = tpu.memref_slice %arg11[%add3A_384, %dma_start3A_386] : memref<10000x128xf32, #tpu.memory_space<vmem_shared>> -> memref<16x128xf32, #tpu.memory_space<vmem_shared>>
        %dma_start3A_388 = arith.constant 0 : i32
        %dma_start3A_389 = tpu.memref_slice %arg11[%add3A_384, %dma_start3A_388] : memref<10000x128xf32, #tpu.memory_space<vmem_shared>> -> memref<16x128xf32, #tpu.memory_space<vmem_shared>>
        tpu.enqueue_dma source(%dma_start3A_389 : memref<16x128xf32, #tpu.memory_space<vmem_shared>>) target(%arg10 : memref<16x128xf32, #tpu.memory_space<vmem>>) target_semaphore(%run_scoped3A : memref<!tpu.dma_semaphore, #tpu.memory_space<semaphore_mem>>)
        %dma_wait3A_390 = arith.constant 0 : i32
        %dma_wait3A_391 = tpu.memref_slice %arg11[%add3A_384, %dma_wait3A_390] : memref<10000x128xf32, #tpu.memory_space<vmem_shared>> -> memref<16x128xf32, #tpu.memory_space<vmem_shared>>
        %dma_wait3A_392 = arith.constant 0 : i32
        %dma_wait3A_393 = tpu.memref_slice %arg11[%add3A_384, %dma_wait3A_392] : memref<10000x128xf32, #tpu.memory_space<vmem_shared>> -> memref<16x128xf32, #tpu.memory_space<vmem_shared>>
        tpu.wait_dma2 semaphore(%run_scoped3A : memref<!tpu.dma_semaphore, #tpu.memory_space<semaphore_mem>>) src(%dma_wait3A_393 : memref<16x128xf32, #tpu.memory_space<vmem_shared>>) dst(%arg10 : memref<16x128xf32, #tpu.memory_space<vmem>>)
        tpu.yield
      }) : () -> ()
      "tpu.region"() ({
        %run_scoped3A = tpu.sem_alloc : memref<!tpu.dma_semaphore, #tpu.memory_space<semaphore_mem>>
        %dma_start3A_386 = arith.constant 0 : i32
        %dma_start3A_387 = tpu.memref_slice %arg5[%arg0, %add3A_384, %dma_start3A_386] : memref<2x10000x128xf32, #tpu.memory_space<hbm>> -> memref<1x16x128xf32, #tpu.memory_space<hbm>>
        %dma_start3A_388 = tpu.memref_squeeze %dma_start3A_387 : memref<1x16x128xf32, #tpu.memory_space<hbm>> -> memref<16x128xf32, #tpu.memory_space<hbm>>
        %dma_start3A_389 = arith.constant 0 : i32
        %dma_start3A_390 = tpu.memref_slice %arg5[%arg0, %add3A_384, %dma_start3A_389] : memref<2x10000x128xf32, #tpu.memory_space<hbm>> -> memref<1x16x128xf32, #tpu.memory_space<hbm>>
        %dma_start3A_391 = tpu.memref_squeeze %dma_start3A_390 : memref<1x16x128xf32, #tpu.memory_space<hbm>> -> memref<16x128xf32, #tpu.memory_space<hbm>>
        tpu.enqueue_dma source(%arg10 : memref<16x128xf32, #tpu.memory_space<vmem>>) target(%dma_start3A_391 : memref<16x128xf32, #tpu.memory_space<hbm>>) target_semaphore(%run_scoped3A : memref<!tpu.dma_semaphore, #tpu.memory_space<semaphore_mem>>)
        %dma_wait3A_392 = arith.constant 0 : i32
        %dma_wait3A_393 = tpu.memref_slice %arg5[%arg0, %add3A_384, %dma_wait3A_392] : memref<2x10000x128xf32, #tpu.memory_space<hbm>> -> memref<1x16x128xf32, #tpu.memory_space<hbm>>
        %dma_wait3A_394 = tpu.memref_squeeze %dma_wait3A_393 : memref<1x16x128xf32, #tpu.memory_space<hbm>> -> memref<16x128xf32, #tpu.memory_space<hbm>>
        %dma_wait3A_395 = arith.constant 0 : i32
        %dma_wait3A_396 = tpu.memref_slice %arg5[%arg0, %add3A_384, %dma_wait3A_395] : memref<2x10000x128xf32, #tpu.memory_space<hbm>> -> memref<1x16x128xf32, #tpu.memory_space<hbm>>
        %dma_wait3A_397 = tpu.memref_squeeze %dma_wait3A_396 : memref<1x16x128xf32, #tpu.memory_space<hbm>> -> memref<16x128xf32, #tpu.memory_space<hbm>>
        tpu.wait_dma2 semaphore(%run_scoped3A : memref<!tpu.dma_semaphore, #tpu.memory_space<semaphore_mem>>) src(%arg10 : memref<16x128xf32, #tpu.memory_space<vmem>>) dst(%dma_wait3A_397 : memref<16x128xf32, #tpu.memory_space<hbm>>)
        tpu.yield
      }) : () -> ()
      %while3A_385 = arith.constant 0 : i32
      scf.yield %while3A_385 : i32
    }
    return
  }
}

module attributes {stable_mosaic.version = 14 : i64} {
  func.func @_t1_body(%arg0: i32, %arg1: memref<1000x128xf32, #tpu.memory_space<vmem>>, %arg2: memref<128x128xf32, #tpu.memory_space<vmem>>, %arg3: memref<2x1000x128xf32, #tpu.memory_space<vmem>>, %arg4: memref<1000x128xf32, #tpu.memory_space<vmem>>) attributes {dimension_semantics = [#tpu.dimension_semantics<arbitrary>], iteration_bounds = array<i64: 10>, scalar_prefetch = 0 : i64, scratch_operands = 0 : i64, tpu.core_type = #tpu.core_type<tc>, window_params = [{transform_indices = @transform_0, window_bounds = array<i64: 1000, 128>}, {pipeline_mode = #tpu.pipeline_mode<synchronous>, transform_indices = @transform_1, window_bounds = array<i64: 128, 128>}, {transform_indices = @transform_2, window_bounds = array<i64: 2, 1000, 128>}, {transform_indices = @transform_3, window_bounds = array<i64: 1000, 128>}]} {
    %get3A = arith.constant 0 : index
    %get3A_0 = arith.constant 0 : index
    %get3A_1 = arith.constant 0 : index
    %get3A_2 = vector.load %arg3[%get3A, %get3A_0, %get3A_1] : memref<2x1000x128xf32, #tpu.memory_space<vmem>>, vector<1x1000x1xf32>
    %get3A_3 = vector.shape_cast %get3A_2 : vector<1x1000x1xf32> to vector<1000x1xf32>
    %add3A = arith.constant 1.000000e+00 : f32
    %add3A_4 = vector.broadcast %add3A : f32 to vector<1000x1xf32>
    %add3A_5 = arith.addf %add3A_4, %get3A_3 : vector<1000x1xf32>
    %get3A_6 = arith.constant 1 : index
    %get3A_7 = arith.constant 0 : index
    %get3A_8 = arith.constant 0 : index
    %get3A_9 = vector.load %arg3[%get3A_6, %get3A_7, %get3A_8] : memref<2x1000x128xf32, #tpu.memory_space<vmem>>, vector<1x1000x1xf32>
    %get3A_10 = vector.shape_cast %get3A_9 : vector<1x1000x1xf32> to vector<1000x1xf32>
    %add3A_11 = arith.addf %add3A_5, %get3A_10 : vector<1000x1xf32>
    %rsqrt3A = math.rsqrt %add3A_11 : vector<1000x1xf32>
    %get3A_12 = arith.constant 0 : index
    %get3A_13 = arith.constant 0 : index
    %get3A_14 = vector.load %arg1[%get3A_12, %get3A_13] : memref<1000x128xf32, #tpu.memory_space<vmem>>, vector<1000x128xf32>
    %get3A_15 = arith.constant 0 : index
    %get3A_16 = arith.constant 0 : index
    %get3A_17 = vector.load %arg2[%get3A_15, %get3A_16] : memref<128x128xf32, #tpu.memory_space<vmem>>, vector<128x128xf32>
    %dot_general3A = arith.constant dense<0.000000e+00> : vector<1000x128xf32>
    %dot_general3A_18 = tpu.matmul %get3A_14, %get3A_17, %dot_general3A {dimension_numbers = #tpu.dot_dimension_numbers<[1], [0], [0], [1], [0, 0, 1, 1], [], []>, transpose_lhs_hint = false} : vector<1000x128xf32>, vector<128x128xf32>, vector<1000x128xf32> -> vector<1000x128xf32>
    %mul3A = vector.broadcast %rsqrt3A : vector<1000x1xf32> to vector<1000x128xf32>
    %mul3A_19 = arith.mulf %mul3A, %dot_general3A_18 : vector<1000x128xf32>
    %swap3A = arith.constant 0 : index
    %swap3A_20 = arith.constant 0 : index
    %swap3A_21 = vector.load %arg4[%swap3A, %swap3A_20] : memref<1000x128xf32, #tpu.memory_space<vmem>>, vector<1000x128xf32>
    tpu.vector_store %arg4[%swap3A, %swap3A_20], %mul3A_19 {strides = array<i32>} : memref<1000x128xf32, #tpu.memory_space<vmem>>, vector<1000x128xf32>,
    return
  }
  func.func @transform_0(%arg0: i32) -> (i32, i32) {
    %c0_i32 = arith.constant 0 : i32
    %c0_i32_0 = arith.constant 0 : i32
    return %arg0, %c0_i32 : i32, i32
  }
  func.func @transform_1(%arg0: i32) -> (i32, i32) {
    %c0_i32 = arith.constant 0 : i32
    %c0_i32_0 = arith.constant 0 : i32
    %c0_i32_1 = arith.constant 0 : i32
    return %c0_i32, %c0_i32_0 : i32, i32
  }
  func.func @transform_2(%arg0: i32) -> (i32, i32, i32) {
    %c0_i32 = arith.constant 0 : i32
    %c0_i32_0 = arith.constant 0 : i32
    %c0_i32_1 = arith.constant 0 : i32
    return %c0_i32, %arg0, %c0_i32_0 : i32, i32, i32
  }
  func.func @transform_3(%arg0: i32) -> (i32, i32) {
    %c0_i32 = arith.constant 0 : i32
    %c0_i32_0 = arith.constant 0 : i32
    return %arg0, %c0_i32 : i32, i32
  }
}

module attributes {stable_mosaic.version = 14 : i64} {
  func.func @_t2_body(%arg0: i32, %arg1: memref<2x1000x128xf32, #tpu.memory_space<vmem>>, %arg2: memref<1000x128xf32, #tpu.memory_space<vmem>>, %arg3: memref<2x1000x128xf32, #tpu.memory_space<vmem>>, %arg4: memref<1x128xf32, #tpu.memory_space<vmem>>, %arg5: memref<128x128xf32, #tpu.memory_space<vmem>>, %arg6: memref<1000x128xf32, #tpu.memory_space<vmem>>) attributes {dimension_semantics = [#tpu.dimension_semantics<arbitrary>], iteration_bounds = array<i64: 10>, scalar_prefetch = 0 : i64, scratch_operands = 0 : i64, tpu.core_type = #tpu.core_type<tc>, window_params = [{transform_indices = @transform_0, window_bounds = array<i64: 2, 1000, 128>}, {transform_indices = @transform_1, window_bounds = array<i64: 1000, 128>}, {transform_indices = @transform_2, window_bounds = array<i64: 2, 1000, 128>}, {pipeline_mode = #tpu.pipeline_mode<synchronous>, transform_indices = @transform_3, window_bounds = array<i64: 1, 128>}, {pipeline_mode = #tpu.pipeline_mode<synchronous>, transform_indices = @transform_4, window_bounds = array<i64: 128, 128>}, {transform_indices = @transform_5, window_bounds = array<i64: 1000, 128>}]} {
    %get3A = arith.constant 0 : index
    %get3A_0 = arith.constant 0 : index
    %get3A_1 = arith.constant 0 : index
    %get3A_2 = vector.load %arg3[%get3A, %get3A_0, %get3A_1] : memref<2x1000x128xf32, #tpu.memory_space<vmem>>, vector<1x1000x1xf32>
    %get3A_3 = vector.shape_cast %get3A_2 : vector<1x1000x1xf32> to vector<1000x1xf32>
    %add3A = arith.constant 1.000000e+00 : f32
    %add3A_4 = vector.broadcast %add3A : f32 to vector<1000x1xf32>
    %add3A_5 = arith.addf %add3A_4, %get3A_3 : vector<1000x1xf32>
    %get3A_6 = arith.constant 1 : index
    %get3A_7 = arith.constant 0 : index
    %get3A_8 = arith.constant 0 : index
    %get3A_9 = vector.load %arg3[%get3A_6, %get3A_7, %get3A_8] : memref<2x1000x128xf32, #tpu.memory_space<vmem>>, vector<1x1000x1xf32>
    %get3A_10 = vector.shape_cast %get3A_9 : vector<1x1000x1xf32> to vector<1000x1xf32>
    %add3A_11 = arith.addf %add3A_5, %get3A_10 : vector<1000x1xf32>
    %rsqrt3A = math.rsqrt %add3A_11 : vector<1000x1xf32>
    %get3A_12 = arith.constant 0 : index
    %get3A_13 = arith.constant 0 : index
    %get3A_14 = arith.constant 0 : index
    %get3A_15 = vector.load %arg1[%get3A_12, %get3A_13, %get3A_14] : memref<2x1000x128xf32, #tpu.memory_space<vmem>>, vector<1x1000x128xf32>
    %get3A_16 = vector.shape_cast %get3A_15 : vector<1x1000x128xf32> to vector<1000x128xf32>
    %get3A_17 = arith.constant 1 : index
    %get3A_18 = arith.constant 0 : index
    %get3A_19 = arith.constant 0 : index
    %get3A_20 = vector.load %arg1[%get3A_17, %get3A_18, %get3A_19] : memref<2x1000x128xf32, #tpu.memory_space<vmem>>, vector<1x1000x128xf32>
    %get3A_21 = vector.shape_cast %get3A_20 : vector<1x1000x128xf32> to vector<1000x128xf32>
    %add3A_22 = arith.addf %get3A_16, %get3A_21 : vector<1000x128xf32>
    %get3A_23 = arith.constant 0 : index
    %get3A_24 = arith.constant 0 : index
    %get3A_25 = vector.load %arg2[%get3A_23, %get3A_24] : memref<1000x128xf32, #tpu.memory_space<vmem>>, vector<1000x128xf32>
    %add3A_26 = arith.addf %add3A_22, %get3A_25 : vector<1000x128xf32>
    %mul3A = vector.broadcast %rsqrt3A : vector<1000x1xf32> to vector<1000x128xf32>
    %mul3A_27 = arith.mulf %mul3A, %add3A_26 : vector<1000x128xf32>
    %get3A_28 = arith.constant 0 : index
    %get3A_29 = arith.constant 0 : index
    %get3A_30 = vector.load %arg4[%get3A_28, %get3A_29] : memref<1x128xf32, #tpu.memory_space<vmem>>, vector<1x128xf32>
    %add3A_31 = vector.broadcast %get3A_30 : vector<1x128xf32> to vector<1000x128xf32>
    %add3A_32 = arith.addf %mul3A_27, %add3A_31 : vector<1000x128xf32>
    %max3A = arith.constant 0.000000e+00 : f32
    %max3A_33 = vector.broadcast %max3A : f32 to vector<1000x128xf32>
    %max3A_34 = arith.maximumf %add3A_32, %max3A_33 : vector<1000x128xf32>
    %get3A_35 = arith.constant 0 : index
    %get3A_36 = arith.constant 0 : index
    %get3A_37 = vector.load %arg5[%get3A_35, %get3A_36] : memref<128x128xf32, #tpu.memory_space<vmem>>, vector<128x128xf32>
    %dot_general3A = arith.constant dense<0.000000e+00> : vector<1000x128xf32>
    %dot_general3A_38 = tpu.matmul %max3A_34, %get3A_37, %dot_general3A {dimension_numbers = #tpu.dot_dimension_numbers<[1], [0], [0], [1], [0, 0, 1, 1], [], []>, transpose_lhs_hint = false} : vector<1000x128xf32>, vector<128x128xf32>, vector<1000x128xf32> -> vector<1000x128xf32>
    %mul3A_39 = vector.broadcast %rsqrt3A : vector<1000x1xf32> to vector<1000x128xf32>
    %mul3A_40 = arith.mulf %mul3A_39, %dot_general3A_38 : vector<1000x128xf32>
    %swap3A = arith.constant 0 : index
    %swap3A_41 = arith.constant 0 : index
    %swap3A_42 = vector.load %arg6[%swap3A, %swap3A_41] : memref<1000x128xf32, #tpu.memory_space<vmem>>, vector<1000x128xf32>
    tpu.vector_store %arg6[%swap3A, %swap3A_41], %mul3A_40 {strides = array<i32>} : memref<1000x128xf32, #tpu.memory_space<vmem>>, vector<1000x128xf32>,
    return
  }
  func.func @transform_0(%arg0: i32) -> (i32, i32, i32) {
    %c0_i32 = arith.constant 0 : i32
    %c0_i32_0 = arith.constant 0 : i32
    %c0_i32_1 = arith.constant 0 : i32
    return %c0_i32, %arg0, %c0_i32_0 : i32, i32, i32
  }
  func.func @transform_1(%arg0: i32) -> (i32, i32) {
    %c0_i32 = arith.constant 0 : i32
    %c0_i32_0 = arith.constant 0 : i32
    return %arg0, %c0_i32 : i32, i32
  }
  func.func @transform_2(%arg0: i32) -> (i32, i32, i32) {
    %c0_i32 = arith.constant 0 : i32
    %c0_i32_0 = arith.constant 0 : i32
    %c0_i32_1 = arith.constant 0 : i32
    return %c0_i32, %arg0, %c0_i32_0 : i32, i32, i32
  }
  func.func @transform_3(%arg0: i32) -> (i32, i32) {
    %c0_i32 = arith.constant 0 : i32
    %c0_i32_0 = arith.constant 0 : i32
    %c0_i32_1 = arith.constant 0 : i32
    return %c0_i32, %c0_i32_0 : i32, i32
  }
  func.func @transform_4(%arg0: i32) -> (i32, i32) {
    %c0_i32 = arith.constant 0 : i32
    %c0_i32_0 = arith.constant 0 : i32
    %c0_i32_1 = arith.constant 0 : i32
    return %c0_i32, %c0_i32_0 : i32, i32
  }
  func.func @transform_5(%arg0: i32) -> (i32, i32) {
    %c0_i32 = arith.constant 0 : i32
    %c0_i32_0 = arith.constant 0 : i32
    return %arg0, %c0_i32 : i32, i32
  }
}

module attributes {stable_mosaic.version = 14 : i64} {
  func.func @_t3_body(%arg0: i32, %arg1: memref<2x1000x128xf32, #tpu.memory_space<vmem>>, %arg2: memref<1000x128xf32, #tpu.memory_space<vmem>>, %arg3: memref<2x1000x128xf32, #tpu.memory_space<vmem>>, %arg4: memref<1x128xf32, #tpu.memory_space<vmem>>, %arg5: memref<128x1xf32, #tpu.memory_space<vmem>>, %arg6: memref<1x1xf32, #tpu.memory_space<vmem>>, %arg7: memref<1000x1xf32, #tpu.memory_space<vmem>>) attributes {dimension_semantics = [#tpu.dimension_semantics<arbitrary>], iteration_bounds = array<i64: 10>, scalar_prefetch = 0 : i64, scratch_operands = 0 : i64, tpu.core_type = #tpu.core_type<tc>, window_params = [{transform_indices = @transform_0, window_bounds = array<i64: 2, 1000, 128>}, {transform_indices = @transform_1, window_bounds = array<i64: 1000, 128>}, {transform_indices = @transform_2, window_bounds = array<i64: 2, 1000, 128>}, {pipeline_mode = #tpu.pipeline_mode<synchronous>, transform_indices = @transform_3, window_bounds = array<i64: 1, 128>}, {pipeline_mode = #tpu.pipeline_mode<synchronous>, transform_indices = @transform_4, window_bounds = array<i64: 128, 1>}, {pipeline_mode = #tpu.pipeline_mode<synchronous>, transform_indices = @transform_5, window_bounds = array<i64: 1, 1>}, {transform_indices = @transform_6, window_bounds = array<i64: 1000, 1>}]} {
    %get3A = arith.constant 0 : index
    %get3A_0 = arith.constant 0 : index
    %get3A_1 = arith.constant 0 : index
    %get3A_2 = vector.load %arg3[%get3A, %get3A_0, %get3A_1] : memref<2x1000x128xf32, #tpu.memory_space<vmem>>, vector<1x1000x1xf32>
    %get3A_3 = vector.shape_cast %get3A_2 : vector<1x1000x1xf32> to vector<1000x1xf32>
    %add3A = arith.constant 1.000000e+00 : f32
    %add3A_4 = vector.broadcast %add3A : f32 to vector<1000x1xf32>
    %add3A_5 = arith.addf %add3A_4, %get3A_3 : vector<1000x1xf32>
    %get3A_6 = arith.constant 1 : index
    %get3A_7 = arith.constant 0 : index
    %get3A_8 = arith.constant 0 : index
    %get3A_9 = vector.load %arg3[%get3A_6, %get3A_7, %get3A_8] : memref<2x1000x128xf32, #tpu.memory_space<vmem>>, vector<1x1000x1xf32>
    %get3A_10 = vector.shape_cast %get3A_9 : vector<1x1000x1xf32> to vector<1000x1xf32>
    %add3A_11 = arith.addf %add3A_5, %get3A_10 : vector<1000x1xf32>
    %rsqrt3A = math.rsqrt %add3A_11 : vector<1000x1xf32>
    %get3A_12 = arith.constant 0 : index
    %get3A_13 = arith.constant 0 : index
    %get3A_14 = arith.constant 0 : index
    %get3A_15 = vector.load %arg1[%get3A_12, %get3A_13, %get3A_14] : memref<2x1000x128xf32, #tpu.memory_space<vmem>>, vector<1x1000x128xf32>
    %get3A_16 = vector.shape_cast %get3A_15 : vector<1x1000x128xf32> to vector<1000x128xf32>
    %get3A_17 = arith.constant 1 : index
    %get3A_18 = arith.constant 0 : index
    %get3A_19 = arith.constant 0 : index
    %get3A_20 = vector.load %arg1[%get3A_17, %get3A_18, %get3A_19] : memref<2x1000x128xf32, #tpu.memory_space<vmem>>, vector<1x1000x128xf32>
    %get3A_21 = vector.shape_cast %get3A_20 : vector<1x1000x128xf32> to vector<1000x128xf32>
    %add3A_22 = arith.addf %get3A_16, %get3A_21 : vector<1000x128xf32>
    %get3A_23 = arith.constant 0 : index
    %get3A_24 = arith.constant 0 : index
    %get3A_25 = vector.load %arg2[%get3A_23, %get3A_24] : memref<1000x128xf32, #tpu.memory_space<vmem>>, vector<1000x128xf32>
    %add3A_26 = arith.addf %add3A_22, %get3A_25 : vector<1000x128xf32>
    %mul3A = vector.broadcast %rsqrt3A : vector<1000x1xf32> to vector<1000x128xf32>
    %mul3A_27 = arith.mulf %mul3A, %add3A_26 : vector<1000x128xf32>
    %get3A_28 = arith.constant 0 : index
    %get3A_29 = arith.constant 0 : index
    %get3A_30 = vector.load %arg4[%get3A_28, %get3A_29] : memref<1x128xf32, #tpu.memory_space<vmem>>, vector<1x128xf32>
    %add3A_31 = vector.broadcast %get3A_30 : vector<1x128xf32> to vector<1000x128xf32>
    %add3A_32 = arith.addf %mul3A_27, %add3A_31 : vector<1000x128xf32>
    %max3A = arith.constant 0.000000e+00 : f32
    %max3A_33 = vector.broadcast %max3A : f32 to vector<1000x128xf32>
    %max3A_34 = arith.maximumf %add3A_32, %max3A_33 : vector<1000x128xf32>
    %get3A_35 = arith.constant 0 : index
    %get3A_36 = arith.constant 0 : index
    %get3A_37 = vector.load %arg5[%get3A_35, %get3A_36] : memref<128x1xf32, #tpu.memory_space<vmem>>, vector<128x1xf32>
    %dot_general3A = arith.constant dense<0.000000e+00> : vector<1000x1xf32>
    %dot_general3A_38 = tpu.matmul %max3A_34, %get3A_37, %dot_general3A {dimension_numbers = #tpu.dot_dimension_numbers<[1], [0], [0], [1], [0, 0, 1, 1], [], []>, transpose_lhs_hint = false} : vector<1000x128xf32>, vector<128x1xf32>, vector<1000x1xf32> -> vector<1000x1xf32>
    %get3A_39 = arith.constant 0 : index
    %get3A_40 = arith.constant 0 : index
    %get3A_41 = vector.load %arg6[%get3A_39, %get3A_40] : memref<1x1xf32, #tpu.memory_space<vmem>>, vector<1x1xf32>
    %add3A_42 = vector.broadcast %get3A_41 : vector<1x1xf32> to vector<1000x1xf32>
    %add3A_43 = arith.addf %dot_general3A_38, %add3A_42 : vector<1000x1xf32>
    %swap3A = arith.constant 0 : index
    %swap3A_44 = arith.constant 0 : index
    %swap3A_45 = vector.load %arg7[%swap3A, %swap3A_44] : memref<1000x1xf32, #tpu.memory_space<vmem>>, vector<1000x1xf32>
    tpu.vector_store %arg7[%swap3A, %swap3A_44], %add3A_43 {strides = array<i32>} : memref<1000x1xf32, #tpu.memory_space<vmem>>, vector<1000x1xf32>,
    return
  }
  func.func @transform_0(%arg0: i32) -> (i32, i32, i32) {
    %c0_i32 = arith.constant 0 : i32
    %c0_i32_0 = arith.constant 0 : i32
    %c0_i32_1 = arith.constant 0 : i32
    return %c0_i32, %arg0, %c0_i32_0 : i32, i32, i32
  }
  func.func @transform_1(%arg0: i32) -> (i32, i32) {
    %c0_i32 = arith.constant 0 : i32
    %c0_i32_0 = arith.constant 0 : i32
    return %arg0, %c0_i32 : i32, i32
  }
  func.func @transform_2(%arg0: i32) -> (i32, i32, i32) {
    %c0_i32 = arith.constant 0 : i32
    %c0_i32_0 = arith.constant 0 : i32
    %c0_i32_1 = arith.constant 0 : i32
    return %c0_i32, %arg0, %c0_i32_0 : i32, i32, i32
  }
  func.func @transform_3(%arg0: i32) -> (i32, i32) {
    %c0_i32 = arith.constant 0 : i32
    %c0_i32_0 = arith.constant 0 : i32
    %c0_i32_1 = arith.constant 0 : i32
    return %c0_i32, %c0_i32_0 : i32, i32
  }
  func.func @transform_4(%arg0: i32) -> (i32, i32) {
    %c0_i32 = arith.constant 0 : i32
    %c0_i32_0 = arith.constant 0 : i32
    %c0_i32_1 = arith.constant 0 : i32
    return %c0_i32, %c0_i32_0 : i32, i32
  }
  func.func @transform_5(%arg0: i32) -> (i32, i32) {
    %c0_i32 = arith.constant 0 : i32
    %c0_i32_0 = arith.constant 0 : i32
    %c0_i32_1 = arith.constant 0 : i32
    return %c0_i32, %c0_i32_0 : i32, i32
  }
  func.func @transform_6(%arg0: i32) -> (i32, i32) {
    %c0_i32 = arith.constant 0 : i32
    %c0_i32_0 = arith.constant 0 : i32
    return %arg0, %c0_i32 : i32, i32
  }
}

</mosaic_0001>

<sc_bundles>
// kernel: kernel.11.cloned.1.call-start
scs
__scs_entry_jumppad:
0x0: {  	(pc) =	sbr.rel $0x88, $3  }
0x1: {  	(tag) =	ssettag $0x0;
	lr =	simm.s32 $0x1  }
0x2: {  	[smem:$0x3F99] =	sst lr;
	_ =	strace $0xD0000000  }
0x3: {  	_ = 	snop  }
0x4: {  	_ = 	snop  }
0x5: {  	_ = 	snop  }
0x6: {  	_ = 	snop  }
0x7: {  	_ = 	snop  }
__scs_overlays_trampoline_lowered:
0x8: {  	[smem:$0x3FA8] =	sst s0  }
0x9: {  	[smem:$0x3FA9] =	sst s1  }
0xa: {  	[smem:$0x3FAA] =	sst s2  }
0xb: {  	[smem:$0x3FAB] =	sst s3  }
0xc: {  	[smem:$0x3FAC] =	sst s4  }
0xd: {  	[smem:$0x3FAD] =	sst s5  }
0xe: {  	[smem:$0x3FAE] =	sst s6  }
0xf: {  	[smem:$0x3FAF] =	sst s7  }
0x10: {  	[smem:$0x3FB0] =	sst s8  }
0x11: {  	[smem:$0x3FB1] =	sst s9;
	s0 =	simm.s32 @!p0 $0x0  }
0x12: {  	s1 =	sld [smem:$0x3F97];
	s0 =	simm.s32 @p0 $0x1  }
0x13: {  	[smem:$0x3FB2] =	sst s0;
	s0 =	simm.s32 @!p1 $0x0  }
0x14: {  	s2 =	sld [smem:$0x3F96];
	s0 =	simm.s32 @p1 $0x1  }
0x15: {  	[smem:$0x3FB3] =	sst s0;
	s0 =	simm.s32 @!p2 $0x0  }
0x16: {  	s3 =	sld [smem:$0x3FDB];
	s0 =	simm.s32 @p2 $0x1  }
0x17: {  	s4 =	simm.s32 $0x1BF5;
	[smem:$0x3FB5] =	sst s0  }
0x18: {  	s0 =	sld [smem:$0x3F98];
	_ =	swait.ge [sflag:s4], $0x0  }
0x19: {  	s7 =	sld [smem:$0x3F99]  }
0x1a: {  	s8 =	sadd.s32 $0xFFFFE003, lr  }
0x1b: {  	s9 =	sadd.s32 $0xFFFFFEF7, lr;
	s5 =	simm.s32 $0xFFFFFFFF;
	p2 =	slt.u32 s8, $0xFFFFF086  }
0x1c: {  	p1 =	slt.u32 s9, $0xF7A;
	s5 =	simm.s32 @!p2 $0x0  }
0x1d: {  	s5 =	simm.s32 @p1 $0x1;
	p0 =	seq.s32 s7, s2  }
0x1e: {  	s7 =	smul.u32 @!p0 $0xF7A, s2;
	p2 =	seq.s32 @!p0 s5, $0x0  }
0x1f: {  	s9 =	smul.u32 $0xF7A, s1;
	s8 =	simm.s32 @!p0 $0x1BF5;
	p2 =	por !p2, p0  }
0x20: {  	[sflag:s8] =	ssyncset.s32 @!p0 $0xFFFFF086;
	s6 =	sadd.s32 @!p0 s3, s7;
	s7 =	simm.s32 @!p0 $0x108  }
0x21: {  	s3 =	sadd.s32 s3, s9;
	s6 =	sadd.s32 @!p0 $0x88, s6;
	s7 =	simm.s32 @p2 $0x1082  }
0x22: {  	[simem:s7], [sflag:s8] =	dma.local @!p0 [hbm:s6], $0xF7A  }
0x23: {  	s9 =	sor.u32 $0xD0000000, s2;
	s6 =	simm.s32 $0x108;
	_ =	swait.ge @!p0 [sflag:s8], $0x0  }
0x24: {  	s3 =	sadd.s32 $0x88, s3;
	s6 =	simm.s32 @!p1 $0x1082;
	[sflag:s4] =	ssyncset.s32 $0xFFFFF086  }
0x25: {  	[simem:s6], [sflag:s4] =	dma.local [hbm:s3], $0xF7A  }
0x26: {  	[smem:$0x3F99] =	sst s1;
	(tag) =	ssettag s2;
	_ =	strace s9  }
0x27: {  	s1 =	sld [smem:$0x3FA9]  }
0x28: {  	s2 =	sld [smem:$0x3FAA]  }
0x29: {  	s4 =	sld [smem:$0x3FAC]  }
0x2a: {  	p0 =	seq.s32 s5, $0x0;
	s5 =	sld [smem:$0x3FAD]  }
0x2b: {  	s6 =	sld [smem:$0x3FAE]  }
0x2c: {  	s7 =	sld [smem:$0x3FAF]  }
0x2d: {  	s3 =	simm.s32 $0x108;
	s8 =	sld [smem:$0x3FB0]  }
0x2e: {  	s3 =	simm.s32 @!p0 $0x1082;
	s9 =	sld [smem:$0x3FB1]  }
0x2f: {  	lr =	sadd.s32 s0, s3;
	s0 =	sld [smem:$0x3FA8]  }
0x30: {  	s3 =	sld [smem:$0x3FAB]  }
0x31: {  	[smem:$0x3FB4] =	sst s10  }
0x32: {  	s10 =	sld [smem:$0x3FB2];
	_ =	sdelay $0x3  }
0x33: {  	p0 =	seq.s32 s10, $0x1;
	s10 =	sld [smem:$0x3FB4];
	_ =	sdelay $0x3  }
0x34: {  	[smem:$0x3FB4] =	sst s10  }
0x35: {  	s10 =	sld [smem:$0x3FB3];
	_ =	sdelay $0x3  }
0x36: {  	p1 =	seq.s32 s10, $0x1;
	s10 =	sld [smem:$0x3FB4];
	_ =	sdelay $0x3  }
0x37: {  	[smem:$0x3FB4] =	sst s10  }
0x38: {  	s10 =	sld [smem:$0x3FB5]  }
0x39: {  	_ = 	snop;
	(pc) =	sbr.ind lr, $3  }
0x3a: {  	_ = 	snop  }
0x3b: {  	_ = 	snop  }
0x3c: {  	p2 =	seq.s32 s10, $0x1;
	s10 =	sld [smem:$0x3FB4]  }
0x3d: {  	_ =	shalt  }
0x3e: {  	_ =	shalt  }
0x3f: {  	_ =	shalt  }
0x40: {  	_ =	shalt  }
0x41: {  	_ =	shalt  }
0x42: {  	_ =	shalt  }
0x43: {  	_ =	shalt  }
0x44: {  	_ =	shalt  }
0x45: {  	_ =	shalt  }
0x46: {  	_ =	shalt  }
0x47: {  	_ =	shalt  }
0x48: {  	_ =	shalt  }
0x49: {  	_ =	shalt  }
0x4a: {  	_ =	shalt  }
0x4b: {  	_ =	shalt  }
0x4c: {  	_ =	shalt  }
0x4d: {  	_ =	shalt  }
0x4e: {  	_ =	shalt  }
0x4f: {  	_ =	shalt  }
0x50: {  	_ =	shalt  }
0x51: {  	_ =	shalt  }
0x52: {  	_ =	shalt  }
0x53: {  	_ =	shalt  }
0x54: {  	_ =	shalt  }
0x55: {  	_ =	shalt  }
0x56: {  	_ =	shalt  }
0x57: {  	_ =	shalt  }
0x58: {  	_ =	shalt  }
0x59: {  	_ =	shalt  }
0x5a: {  	_ =	shalt  }
0x5b: {  	_ =	shalt  }
0x5c: {  	_ =	shalt  }
0x5d: {  	_ =	shalt  }
0x5e: {  	_ =	shalt  }
0x5f: {  	_ =	shalt  }
0x60: {  	_ =	shalt  }
0x61: {  	_ =	shalt  }
0x62: {  	_ =	shalt  }
0x63: {  	_ =	shalt  }
0x64: {  	_ =	shalt  }
0x65: {  	_ =	shalt  }
0x66: {  	_ =	shalt  }
0x67: {  	_ =	shalt  }
0x68: {  	_ =	shalt  }
0x69: {  	_ =	shalt  }
0x6a: {  	_ =	shalt  }
0x6b: {  	_ =	shalt  }
0x6c: {  	_ =	shalt  }
0x6d: {  	_ =	shalt  }
0x6e: {  	_ =	shalt  }
0x6f: {  	_ =	shalt  }
0x70: {  	_ =	shalt  }
0x71: {  	_ =	shalt  }
0x72: {  	_ =	shalt  }
0x73: {  	_ =	shalt  }
0x74: {  	_ =	shalt  }
0x75: {  	_ =	shalt  }
0x76: {  	_ =	shalt  }
0x77: {  	_ =	shalt  }
0x78: {  	_ =	shalt  }
0x79: {  	_ =	shalt  }
0x7a: {  	_ =	shalt  }
0x7b: {  	_ =	shalt  }
0x7c: {  	_ =	shalt  }
0x7d: {  	_ =	shalt  }
0x7e: {  	_ =	shalt  }
0x7f: {  	_ =	shalt  }
0x80: {  	_ =	shalt  }
0x81: {  	_ =	shalt  }
0x82: {  	_ =	shalt  }
0x83: {  	_ =	shalt  }
0x84: {  	_ =	shalt  }
0x85: {  	_ =	shalt  }
0x86: {  	_ =	shalt  }
0x87: {  	_ =	shalt  }
.Lfunc_end0:
.L_simem_size_0:
called_computation.1_lowered:
.L_overlay_start_0:
0x88: {  	s2 =	sld [smem:$0x3FD9]  }
0x89: {  	s3 =	sld [smem:$0x3FFE];
	_ =	sdelay $0x1  }
0x8a: {  	s1 =	srdreg.scid  }
0x8b: {  	s0 =	sand.u32 $0x1, s1  }
0x8c: {  	s16 =	sshll.u32 s0, $0xA;
	s2 =	sadd.s32 s3, s2  }
0x8d: {  	s2 =	sadd.s32 s2, s16  }
0x8e: {  	[smem:$0x3FC0] =	sst s2  }
0x8f: {  	_ = 	snop  }
0x90: {  	(tm) =	ssettm $0x1  }
0x91: {  	s17 =	sld [smem:$0x3FFB];
	_ =	sdelay $0x3  }
0x92: {  	_ =	strace s17  }
0x93: {  	s2 =	sld [smem:$0x3FFC];
	_ =	sdelay $0x3  }
0x94: {  	_ =	strace s2  }
0x95: {  	s2 =	sld [smem:$0x3FFD];
	_ =	sdelay $0x3  }
0x96: {  	_ =	strace s2  }
0x97: {  	_ =	strace $0x8FFFFFFF  }
0x98: {  	s18 =	sld [smem:$0x3FDB];
	_ =	sdelay $0x1  }
0x99: {  	s19 =	simm.s32 $_scs_section_size  }
0x9a: {  	s4 =	simm.s32 $_size__tile_overlayer_lowered;
	s5 =	simm.s32 $_tile_overlayer_lowered  }
0x9b: {  	s22 =	simm.s32 $0x1BFF;
	s21 =	sshll.u32 s5, $0x1;
	s2 =	sadd.s32 s19, s18  }
0x9c: {  	s6 =	simm.s32 $0x0;
	s20 =	sshll.u32 s4, $0x1;
	s4 =	sadd.s32 s21, s2  }
0x9d: {  	[timem:s6], [sflag:s22] =	dma.local [hbm:s4], s20  }
0x9e: {  	_ =	swait.ge [sflag:s22], s20  }
0x9f: {  	s3 =	ssub.s32 $0x0, s20;
	[sflag:s22] =	ssyncset.done $0x0  }
0xa0: {  	[sflag:s22] =	ssyncadd.s32 s3;
	_ =	sdelay $0x1  }
0xa1: {  	s23 =	simm.s32 $0x1B8B  }
0xa2: {  	_ =	swait.ge [sflag:s23], $0x1  }
0xa3: {  	[sflag:s23] =	ssyncset.done $0x0  }
0xa4: {  	s25 =	simm.s32 $0x1B8E;
	s24 =	sld [smem:$0x3FFE];
	[sflag:s23] =	ssyncadd.s32 $0xFFFFFFFF  }
0xa5: {  	s26 =	simm.s32 $execute0_lowered;
	[smem:$0x3FD2] =	sst s25  }
0xa6: {  	s4 =	sshll.u32 s26, $0x1;
	_ =	strace $0x80000049;
	[dreg:$0x1] =	wrdreg $0xFFFFFFFF  }
0xa7: {  	s28 =	simm.s32 $_size_execute0_lowered;
	s2 =	sadd.s32 s2, s4;
	[dreg:$0x0] =	wrdreg $0x0  }
0xa8: {  	s4 =	sshll.u32 s28, $0x1;
	[dreg:$0x2] =	wrdreg s2  }
0xa9: {  	[dreg:$0x3] =	wrdreg s4  }
0xaa: {  	[dreg:$0x4] =	wrdreg $0xC0  }
0xab: {  	_ =	task [dreg:s6], $0x5FFFF  }
0xac: {  	[dreg:$0x1] =	wrdreg $0xFFFFFFFF  }
0xad: {  	[dreg:$0x0] =	wrdreg $0x60  }
0xae: {  	[dreg:$0x2] =	wrdreg s24  }
0xaf: {  	[dreg:$0x3] =	wrdreg $0x5C000  }
0xb0: {  	[dreg:$0x4] =	wrdreg $0x9  }
0xb1: {  	_ =	task.clear_ibuf [dreg:s6], $0x5FFFF;
	_ =	strace $0x90000049  }
0xb2: {  	s29 =	simm.s32 $0x9;
	_ =	strace $0x8000004B  }
0xb3: {  	_ =	swait.ge [sflag:s29], $0x1  }
0xb4: {  	[sflag:s29] =	ssyncadd.s32 $0xFFFFFFFF  }
0xb5: {  	_ =	strace $0x9000004B  }
0xb6: {  	_ =	sfence  }
0xb7: {  	s30 =	sld [smem:$0x0];
	_ =	sdelay $0x2  }
0xb8: {  	s31 =	sshll.u32 s1, $0xD;
	s1 =	sshrl.u32 s1, $0x2  }
0xb9: {  	s3 =	sand.u32 $0x4000, s31;
	s1 =	sadd.s32 s1, s30  }
0xba: {  	s0 =	sor.u32 s3, s0;
	s1 =	sshll.u32 s1, $0x11  }
0xbb: {  	s0 =	sor.u32 s1, s0  }
0xbc: {  	s0 =	sadd.s32 $0x8F2B, s0  }
0xbd: {  	[sflag:s0] =	ssyncadd.remote.s32 $0x1  }
0xbe: {  	_ =	sfence.sel $0xFFFF  }
0xbf: {  	[dreg:$0x0] =	wrdreg $0xFFFFFFFF;
	(pc) =	sbr.abs _section_cstart, $3  }
0xc0: {  	[dreg:$0x1] =	wrdreg $0xFFFFFFFF  }
0xc1: {  	_ =	task.clear_ibuf [dreg:s6], $0x2FFFF;
	_ =	strace $0x9FFFFFFF  }
0xc2: {  	(tm) =	ssettm $0x7FFFFFFF  }
0xc3: {  	_ =	shalt  }
tec
execute0_lowered:
.L_overlay_start_1:
0x0: {  	(tag) =	ssettag $0x1  }
0x1: {  	s0 =	rddreg [dreg:$0x0]  }
0x2: {  	s1 =	rddreg [dreg:$0x1];
	s2 =	srdreg.scid;
	s3 =	simm.s32 $0x0  }
0x3: {  	s12 =	stileid.u32;
	s28 =	simm.s32 $0x100;
	s29 =	simm.s32 $0x300  }
0x4: {  	s30 =	simm.s32 $0x180;
	s31 =	simm.s32 $0x380;
	s7 =	smul.u32 $0x13800, s12  }
0x5: {  	s2 =	sand.u32 $0x1, s2;
	[smem:$0x7FF] =	sst s3;
	s10 =	smul.u32 $0x4E000, s12  }
0x6: {  	s4 =	sadd.s32 $0x64800, s0;
	s5 =	sadd.s32 $0x2A00, s0;
	s20 =	smul.u32 $0x4E20, s12  }
0x7: {  	s8 =	sshll.u32 s12, $0x1;
	p0 =	seq.s32 s12, $0xF;
	s6 =	smul.u32 $0x138800, s2  }
0x8: {  	s9 =	ssub.s32 $0x2, s2;
	s8 =	sor.u32 s2, s8;
	s2 =	smul.u32 $0x2710, s2  }
0x9: {  	_ =	strace $0x8000004A;
	s18 =	sshrl.u32 s9, $0x1;
	s8 =	smul.u32 $0x2710, s8  }
0xa: {  	s10 =	sshrl.u32 s10, $0x2;
	s7 =	sadd.s32 s7, s6;
	s6 =	sadd.s32 $0xC800, s0  }
0xb: {  	s9 =	ssub.s32 s9, s18;
	s2 =	sadd.s32 s2, s20;
	s7 =	sshrl.u32 s7, $0x3  }
0xc: {  	s11 =	sshrl.u32 s8, $0x3;
	s8 =	sadd.s32 s10, s1;
	s17 =	sadd.s32 $0x1E0, s2  }
0xd: {  	s20 =	sadd.s32 $0x190, s2;
	s0 =	sadd.s32 s7, s0;
	s7 =	simm.s32 $0x28  }
0xe: {  	s19 =	sadd.s32 s5, s11;
	s21 =	sadd.s32 s6, s11;
	[dreg:$0xa] =	wrdreg s8  }
0xf: {  	s22 =	sadd.s32 $0xA, s11;
	s25 =	sadd.s32 $0x14, s11;
	[dreg:$0xb] =	wrdreg s19  }
0x10: {  	s13 =	sadd.s32 $0x1E, s11;
	s7 =	simm.s32 @!p0 $0x27;
	[dreg:$0xc] =	wrdreg s21  }
0x11: {  	s11 =	sadd.s32 $0x4D8, s11;
	s23 =	sadd.s32 s5, s22;
	[dreg:$0x9] =	wrdreg s7  }
0x12: {  	s18 =	sshrl.u32 s17, $0x3;
	s24 =	sadd.s32 s6, s22;
	[dreg:$0xd] =	wrdreg s23  }
0x13: {  	s17 =	simm.s32 $0x4;
	s26 =	sadd.s32 s5, s25;
	[dreg:$0xe] =	wrdreg s24  }
0x14: {  	s10 =	sadd.s32 s6, s25;
	s12 =	sadd.s32 s5, s13;
	[dreg:$0xf] =	wrdreg s26  }
0x15: {  	s14 =	sadd.s32 s6, s13;
	s15 =	sadd.s32 s5, s11;
	[dreg:$0x10] =	wrdreg s10  }
0x16: {  	s19 =	sadd.s32 s18, s6;
	s21 =	sadd.s32 s18, s5;
	[dreg:$0x11] =	wrdreg s12  }
0x17: {  	s22 =	sshrl.u32 s20, $0x3;
	s25 =	smax.u32 s9, $0x1;
	[dreg:$0x12] =	wrdreg s14  }
0x18: {  	s0 =	sadd.s32 $0x8BA00, s0;
	s9 =	simm.s32 $0x400;
	[dreg:$0x13] =	wrdreg s15  }
0x19: {  	s13 =	simm.s32 $0x7;
	s18 =	simm.s32 $0x0;
	[dreg:$0x5] =	wrdreg s19  }
0x1a: {  	s10 =	sadd.s32 $0x230, s2;
	s23 =	sadd.s32 s6, s11;
	[dreg:$0x6] =	wrdreg s21  }
0x1b: {  	s24 =	sadd.s32 s22, s6;
	[dreg:$0x15] =	wrdreg s25;
	s26 =	sadd.s32 s22, s5  }
0x1c: {  	s2 =	sadd.s32 $0x140, s2;
	[dreg:$0x17] =	wrdreg s0;
	s22 =	simm.s32 $0x5400  }
0x1d: {  	s25 =	simm.s32 $0x80;
	s0 =	simm.s32 $0x1;
	[dreg:$0x14] =	wrdreg s23  }
0x1e: {  	s11 =	simm.s32 $0x2C00;
	s12 =	simm.s32 $0x5;
	[dreg:$0x7] =	wrdreg s24  }
0x1f: {  	s14 =	simm.s32 $0x3;
	s15 =	simm.s32 $0x6;
	[dreg:$0x8] =	wrdreg s26  }
0x20: {  	s10 =	sshrl.u32 s10, $0x3;
	[dreg:$0x16] =	wrdreg s2;
	s23 =	simm.s32 $0x9  }
0x21: {  	s24 =	simm.s32 $0x200;
	s26 =	simm.s32 $0x280;
	s16 =	sadd.s32 s10, s6  }
0x22: {  	s2 =	simm.s32 $0x50;
	s10 =	sadd.s32 s10, s5;
	[dreg:$0x3] =	wrdreg s16  }
0x23: {  	v0 =	vimm.f32 $0.0e+00;
	[dreg:$0x4] =	wrdreg s10;
	s10 =	simm.s32 $0x2;
	s16 =	simm.s32 $0x8  }
.LBB2_1:
0x24: {  	s19 =	sand.u32 $0x1E00, s3  }
0x25: {  	s20 =	sand.u32 $0x70, s3;
	s21 =	sshrl.u32 s19, $0x2  }
0x26: {  	s19 =	simm.s32 $0x40;
	s21 =	sor.u32 s20, s21;
	s20 =	simm.s32 $0x0  }
.LBB2_2:
0x27: {  	p0 =	sne.s32 s19, $0x1FC0  }
0x28: {  	[tilespmem:s21+$0x5400] =	vst v0;
	s20 =	sadd.s32 $0x10, s20;
	s21 =	smov.u32 s19;
	s19 =	sadd.s32 $0x40, s19  }
.Ltmp0:
0x29: {  	(pc) =	sbr.rel @p0 .LBB2_2-.Ltmp0, $4  }
0x2a: {  	_ = 	snop  }
0x2b: {  	s21 =	sand.u32 $0x1E00, s21  }
0x2c: {  	s7 =	sand.u32 $0x70, s20;
	s21 =	sshrl.u32 s21, $0x2  }
0x2d: {  	s21 =	sor.u32 s7, s21  }
0x2e: {  	s7 =	rddreg [dreg:$0x9]  }
0x2f: {  	p0 =	sne.s32 s7, $0x1  }
.Ltmp1:
0x30: {  	_ = 	snop;
	(pc) =	sbr.rel @!p0 .LBB2_5-.Ltmp1, $4  }
0x31: {  	[tilespmem:s21+$0x5400] =	vst v0  }
0x32: {  	[spmem:s8] =	stream.linear.scatter [tilespmem:s22], [sflag:$0x9], $0x800, $0x38;
	[tilespmem:$0x19480] =	vst v63  }
0x33: {  	_ =	swait.ge [sflag:s23], $0x800  }
0x34: {  	s20 =	smov.u32 s8;
	s19 =	sadd.s32 $0xFFFFFFFF, s7;
	[sflag:s23] =	ssyncset.done $0x0  }
.LBB2_4:
0x35: {  	p1 =	sne.s32 s19, $0x1;
	[sflag:s23] =	ssyncadd.s32 $0xFFFFF800;
	s20 =	sadd.s32 $0x800, s20  }
.Ltmp2:
0x36: {  	s19 =	sadd.s32 $0xFFFFFFFF, s19;
	(pc) =	sbr.rel @p1 .LBB2_4-.Ltmp2, $4  }
0x37: {  	_ = 	snop  }
0x38: {  	[spmem:s20] =	stream.linear.scatter [tilespmem:s22], [sflag:$0x9], $0x800, $0x38;
	[tilespmem:$0x19480] =	vst v63  }
0x39: {  	_ =	swait.ge [sflag:s23], $0x800  }
0x3a: {  	[sflag:s23] =	ssyncset.done $0x0  }
.LBB2_5:
0x3b: {  	[sflag:s23] =	ssyncadd.s32 $0xFFFFF800  }
0x3c: {  	[bflag:$0x0] =	sbarrier.arrive $0xFFFF  }
0x3d: {  	s7 =	simm.s32 $0x0;
	s8 =	rddreg [dreg:$0xb]  }
0x3e: {  	[tilespmem:s7], [sflag:$0x1] =	stream.linear.gather [hbm4b:s8+s7], $0x50, $0x38;
	[tilespmem:$0x19480] =	vst v63  }
0x3f: {  	s20 =	rddreg [dreg:$0xc]  }
0x40: {  	[tilespmem:s24], [sflag:$0x1] =	stream.linear.gather [hbm4b:s20+s7], $0x50, $0x38;
	[tilespmem:$0x19480] =	vst v63  }
0x41: {  	s21 =	rddreg [dreg:$0xd]  }
0x42: {  	[tilespmem:s25], [sflag:$0x2] =	stream.linear.gather [hbm4b:s21+s7], $0x50, $0x38;
	[tilespmem:$0x19480] =	vst v63  }
0x43: {  	s19 =	rddreg [dreg:$0xe]  }
0x44: {  	[tilespmem:s26], [sflag:$0x2] =	stream.linear.gather [hbm4b:s19+s7], $0x50, $0x38;
	[tilespmem:$0x19480] =	vst v63  }
0x45: {  	s20 =	rddreg [dreg:$0xf]  }
0x46: {  	[tilespmem:s28], [sflag:$0x3] =	stream.linear.gather [hbm4b:s20+s7], $0x50, $0x38;
	[tilespmem:$0x19480] =	vst v63  }
0x47: {  	s21 =	rddreg [dreg:$0x10]  }
0x48: {  	[tilespmem:s29], [sflag:$0x3] =	stream.linear.gather [hbm4b:s21+s7], $0x50, $0x38;
	[tilespmem:$0x19480] =	vst v63  }
0x49: {  	s19 =	rddreg [dreg:$0x11]  }
0x4a: {  	[tilespmem:s30], [sflag:$0x4] =	stream.linear.gather [hbm4b:s19+s7], $0x50, $0x38;
	[tilespmem:$0x19480] =	vst v63  }
0x4b: {  	s20 =	rddreg [dreg:$0x12]  }
0x4c: {  	[tilespmem:s31], [sflag:$0x4] =	stream.linear.gather [hbm4b:s20+s7], $0x50, $0x38;
	[tilespmem:$0x19480] =	vst v63  }
0x4d: {  	_ =	swait.ge [sflag:s0], $0x50  }
0x4e: {  	[sflag:s0] =	ssyncset.done $0x0  }
0x4f: {  	[sflag:s0] =	ssyncadd.s32 $0xFFFFFFB0  }
0x50: {  	_ =	swait.ge [sflag:s0], $0x50  }
0x51: {  	[sflag:s0] =	ssyncset.done $0x0  }
0x52: {  	[sflag:s0] =	ssyncadd.s32 $0xFFFFFFB0  }
0x53: {  	[tilespmem:s9], [sflag:$0x5] =	stream.indirect.gather [hbm4b:s4+s2], $0x80, s7, s2, $0xb8;
	[tilespmem:$0x19480] =	vst v63  }
0x54: {  	_ =	swait.ge [sflag:s10], $0x50  }
0x55: {  	[sflag:s10] =	ssyncset.done $0x0  }
0x56: {  	[sflag:s10] =	ssyncadd.s32 $0xFFFFFFB0  }
0x57: {  	_ =	swait.ge [sflag:s10], $0x50  }
0x58: {  	[sflag:s10] =	ssyncset.done $0x0  }
0x59: {  	[sflag:s10] =	ssyncadd.s32 $0xFFFFFFB0  }
0x5a: {  	[tilespmem:s11], [sflag:$0x6] =	stream.indirect.gather [hbm4b:s4+s2], $0x80, s25, s2, $0xb8;
	[tilespmem:$0x19480] =	vst v63  }
0x5b: {  	_ =	swait.ge [sflag:s12], $0x2800  }
0x5c: {  	[sflag:s12] =	ssyncset.done $0x0  }
0x5d: {  	[sflag:s12] =	ssyncadd.s32 $0xFFFFD800  }
0x5e: {  	[spmem:s1] =	stream.indirect.scatter.add.f32 [tilespmem:s9], [sflag:$0x7], $0x80, s24, s2, $0xb8;
	[tilespmem:$0x19480] =	vst v63  }
0x5f: {  	_ =	swait.ge [sflag:s13], $0x2800  }
0x60: {  	[sflag:s13] =	ssyncset.done $0x0  }
0x61: {  	[sflag:s13] =	ssyncadd.s32 $0xFFFFD800  }
0x62: {  	_ =	swait.ge [sflag:s14], $0x50  }
0x63: {  	[sflag:s14] =	ssyncset.done $0x0  }
0x64: {  	[sflag:s14] =	ssyncadd.s32 $0xFFFFFFB0  }
0x65: {  	_ =	swait.ge [sflag:s14], $0x50  }
0x66: {  	[sflag:s14] =	ssyncset.done $0x0  }
0x67: {  	[sflag:s14] =	ssyncadd.s32 $0xFFFFFFB0  }
0x68: {  	[tilespmem:s9], [sflag:$0x5] =	stream.indirect.gather [hbm4b:s4+s2], $0x80, s28, s2, $0xb8;
	[tilespmem:$0x19480] =	vst v63  }
0x69: {  	_ =	swait.ge [sflag:s15], $0x2800  }
0x6a: {  	[sflag:s15] =	ssyncset.done $0x0;
	s8 =	rddreg [dreg:$0x16]  }
0x6b: {  	[sflag:s15] =	ssyncadd.s32 $0xFFFFD800;
	s21 =	sshrl.u32 s8, $0x3  }
0x6c: {  	[spmem:s1] =	stream.indirect.scatter.add.f32 [tilespmem:s11], [sflag:$0x8], $0x80, s26, s2, $0xb8;
	[tilespmem:$0x19480] =	vst v63  }
0x6d: {  	s19 =	sadd.s32 s5, s21  }
0x6e: {  	[tilespmem:s3], [sflag:$0x1] =	stream.linear.gather [hbm4b:s19+s3], $0x50, $0x38;
	[tilespmem:$0x19480] =	vst v63  }
0x6f: {  	s7 =	sadd.s32 s6, s21  }
0x70: {  	[tilespmem:s24], [sflag:$0x1] =	stream.linear.gather [hbm4b:s7+s3], $0x50, $0x38;
	[tilespmem:$0x19480] =	vst v63  }
0x71: {  	_ =	swait.ge [sflag:s16], $0x2800  }
0x72: {  	[sflag:s16] =	ssyncset.done $0x0  }
0x73: {  	[sflag:s16] =	ssyncadd.s32 $0xFFFFD800  }
0x74: {  	_ =	swait.ge [sflag:s17], $0x50  }
0x75: {  	[sflag:s17] =	ssyncset.done $0x0  }
0x76: {  	[sflag:s17] =	ssyncadd.s32 $0xFFFFFFB0  }
0x77: {  	_ =	swait.ge [sflag:s17], $0x50  }
0x78: {  	[sflag:s17] =	ssyncset.done $0x0  }
0x79: {  	[sflag:s17] =	ssyncadd.s32 $0xFFFFFFB0  }
0x7a: {  	[tilespmem:s11], [sflag:$0x6] =	stream.indirect.gather [hbm4b:s4+s2], $0x80, s30, s2, $0xb8;
	[tilespmem:$0x19480] =	vst v63  }
0x7b: {  	_ =	swait.ge [sflag:s12], $0x2800  }
0x7c: {  	[sflag:s12] =	ssyncset.done $0x0  }
0x7d: {  	s20 =	rddreg [dreg:$0x8];
	[sflag:s12] =	ssyncadd.s32 $0xFFFFD800  }
0x7e: {  	[spmem:s1] =	stream.indirect.scatter.add.f32 [tilespmem:s9], [sflag:$0x7], $0x80, s29, s2, $0xb8;
	[tilespmem:$0x19480] =	vst v63  }
0x7f: {  	s21 =	rddreg [dreg:$0x7];
	s7 =	sadd.s32 $0x0, s20  }
0x80: {  	[tilespmem:s25], [sflag:$0x2] =	stream.linear.gather [hbm4b:s7+s3], $0x50, $0x38;
	[tilespmem:$0x19480] =	vst v63  }
0x81: {  	s19 =	sadd.s32 $0x0, s21  }
0x82: {  	[tilespmem:s26], [sflag:$0x2] =	stream.linear.gather [hbm4b:s19+s3], $0x50, $0x38;
	[tilespmem:$0x19480] =	vst v63  }
0x83: {  	_ =	swait.ge [sflag:s13], $0x2800  }
0x84: {  	[sflag:s13] =	ssyncset.done $0x0  }
0x85: {  	[sflag:s13] =	ssyncadd.s32 $0xFFFFD800  }
0x86: {  	_ =	swait.ge [sflag:s0], $0x50  }
0x87: {  	[sflag:s0] =	ssyncset.done $0x0  }
0x88: {  	[sflag:s0] =	ssyncadd.s32 $0xFFFFFFB0  }
0x89: {  	_ =	swait.ge [sflag:s0], $0x50  }
0x8a: {  	[sflag:s0] =	ssyncset.done $0x0  }
0x8b: {  	[sflag:s0] =	ssyncadd.s32 $0xFFFFFFB0  }
0x8c: {  	[tilespmem:s9], [sflag:$0x5] =	stream.indirect.gather [hbm4b:s4+s2], $0x80, s3, s2, $0xb8;
	[tilespmem:$0x19480] =	vst v63  }
0x8d: {  	_ =	swait.ge [sflag:s15], $0x2800  }
0x8e: {  	[sflag:s15] =	ssyncset.done $0x0  }
0x8f: {  	s20 =	rddreg [dreg:$0x6];
	[sflag:s15] =	ssyncadd.s32 $0xFFFFD800  }
0x90: {  	[spmem:s1] =	stream.indirect.scatter.add.f32 [tilespmem:s11], [sflag:$0x8], $0x80, s31, s2, $0xb8;
	[tilespmem:$0x19480] =	vst v63  }
0x91: {  	s21 =	rddreg [dreg:$0x5];
	s7 =	sadd.s32 $0x0, s20  }
0x92: {  	[tilespmem:s28], [sflag:$0x3] =	stream.linear.gather [hbm4b:s7+s3], $0x50, $0x38;
	[tilespmem:$0x19480] =	vst v63  }
0x93: {  	s20 =	sadd.s32 $0x0, s21  }
0x94: {  	[tilespmem:s29], [sflag:$0x3] =	stream.linear.gather [hbm4b:s20+s3], $0x50, $0x38;
	[tilespmem:$0x19480] =	vst v63  }
0x95: {  	_ =	swait.ge [sflag:s16], $0x2800  }
0x96: {  	[sflag:s16] =	ssyncset.done $0x0  }
0x97: {  	[sflag:s16] =	ssyncadd.s32 $0xFFFFD800  }
0x98: {  	_ =	swait.ge [sflag:s10], $0x50  }
0x99: {  	[sflag:s10] =	ssyncset.done $0x0  }
0x9a: {  	[sflag:s10] =	ssyncadd.s32 $0xFFFFFFB0  }
0x9b: {  	_ =	swait.ge [sflag:s10], $0x50  }
0x9c: {  	[sflag:s10] =	ssyncset.done $0x0  }
0x9d: {  	[sflag:s10] =	ssyncadd.s32 $0xFFFFFFB0  }
0x9e: {  	[tilespmem:s11], [sflag:$0x6] =	stream.indirect.gather [hbm4b:s4+s2], $0x80, s25, s2, $0xb8;
	[tilespmem:$0x19480] =	vst v63  }
0x9f: {  	_ =	swait.ge [sflag:s12], $0x2800  }
0xa0: {  	[sflag:s12] =	ssyncset.done $0x0;
	s21 =	rddreg [dreg:$0x4]  }
0xa1: {  	s19 =	simm.s32 $0x28;
	s20 =	rddreg [dreg:$0x3];
	[sflag:s12] =	ssyncadd.s32 $0xFFFFD800  }
0xa2: {  	[spmem:s1] =	stream.indirect.scatter.add.f32 [tilespmem:s9], [sflag:$0x7], $0x80, s24, s2, $0xb8;
	[tilespmem:$0x19480] =	vst v63  }
0xa3: {  	s7 =	sadd.s32 $0x0, s21;
	s21 =	sadd.s32 $0x0, s20;
	s20 =	sadd.s32 $0x140, s8  }
0xa4: {  	[tilespmem:s30], [sflag:$0x4] =	stream.linear.gather [hbm4b:s7+s3], $0x50, $0x38;
	[tilespmem:$0x19480] =	vst v63  }
.LBB2_6:
0xa5: {  	[tilespmem:s31], [sflag:$0x4] =	stream.linear.gather [hbm4b:s21+s3], $0x50, $0x38;
	[tilespmem:$0x19480] =	vst v63  }
0xa6: {  	_ =	swait.ge [sflag:s13], $0x2800  }
0xa7: {  	[sflag:s13] =	ssyncset.done $0x0  }
0xa8: {  	[sflag:s13] =	ssyncadd.s32 $0xFFFFD800  }
0xa9: {  	_ =	swait.ge [sflag:s14], $0x50  }
0xaa: {  	[sflag:s14] =	ssyncset.done $0x0  }
0xab: {  	[sflag:s14] =	ssyncadd.s32 $0xFFFFFFB0  }
0xac: {  	_ =	swait.ge [sflag:s14], $0x50  }
0xad: {  	[sflag:s14] =	ssyncset.done $0x0  }
0xae: {  	[sflag:s14] =	ssyncadd.s32 $0xFFFFFFB0  }
0xaf: {  	[tilespmem:s9], [sflag:$0x5] =	stream.indirect.gather [hbm4b:s4+s2], $0x80, s28, s2, $0xb8;
	[tilespmem:$0x19480] =	vst v63  }
0xb0: {  	_ =	swait.ge [sflag:s15], $0x2800  }
0xb1: {  	[sflag:s15] =	ssyncset.done $0x0  }
0xb2: {  	s7 =	sshrl.u32 s20, $0x3;
	[sflag:s15] =	ssyncadd.s32 $0xFFFFD800  }
0xb3: {  	[spmem:s1] =	stream.indirect.scatter.add.f32 [tilespmem:s11], [sflag:$0x8], $0x80, s26, s2, $0xb8;
	[tilespmem:$0x19480] =	vst v63  }
0xb4: {  	s8 =	sadd.s32 s5, s7  }
0xb5: {  	[tilespmem:s3], [sflag:$0x1] =	stream.linear.gather [hbm4b:s8+s3], $0x50, $0x38;
	[tilespmem:$0x19480] =	vst v63  }
0xb6: {  	s7 =	sadd.s32 s6, s7  }
0xb7: {  	[tilespmem:s24], [sflag:$0x1] =	stream.linear.gather [hbm4b:s7+s3], $0x50, $0x38;
	[tilespmem:$0x19480] =	vst v63  }
0xb8: {  	_ =	swait.ge [sflag:s16], $0x2800  }
0xb9: {  	[sflag:s16] =	ssyncset.done $0x0  }
0xba: {  	[sflag:s16] =	ssyncadd.s32 $0xFFFFD800  }
0xbb: {  	_ =	swait.ge [sflag:s17], $0x50  }
0xbc: {  	[sflag:s17] =	ssyncset.done $0x0  }
0xbd: {  	[sflag:s17] =	ssyncadd.s32 $0xFFFFFFB0  }
0xbe: {  	_ =	swait.ge [sflag:s17], $0x50  }
0xbf: {  	[sflag:s17] =	ssyncset.done $0x0  }
0xc0: {  	[sflag:s17] =	ssyncadd.s32 $0xFFFFFFB0  }
0xc1: {  	[tilespmem:s11], [sflag:$0x6] =	stream.indirect.gather [hbm4b:s4+s2], $0x80, s30, s2, $0xb8;
	[tilespmem:$0x19480] =	vst v63  }
0xc2: {  	_ =	swait.ge [sflag:s12], $0x2800  }
0xc3: {  	[sflag:s12] =	ssyncset.done $0x0  }
0xc4: {  	s21 =	smov.u32 s19;
	s7 =	rddreg [dreg:$0x8];
	[sflag:s12] =	ssyncadd.s32 $0xFFFFD800  }
0xc5: {  	[spmem:s1] =	stream.indirect.scatter.add.f32 [tilespmem:s9], [sflag:$0x7], $0x80, s29, s2, $0xb8;
	[tilespmem:$0x19480] =	vst v63  }
0xc6: {  	s8 =	rddreg [dreg:$0x7];
	s7 =	sadd.s32 s21, s7  }
0xc7: {  	[tilespmem:s25], [sflag:$0x2] =	stream.linear.gather [hbm4b:s7+s3], $0x50, $0x38;
	[tilespmem:$0x19480] =	vst v63  }
0xc8: {  	s8 =	sadd.s32 s21, s8  }
0xc9: {  	[tilespmem:s26], [sflag:$0x2] =	stream.linear.gather [hbm4b:s8+s3], $0x50, $0x38;
	[tilespmem:$0x19480] =	vst v63  }
0xca: {  	_ =	swait.ge [sflag:s13], $0x2800  }
0xcb: {  	[sflag:s13] =	ssyncset.done $0x0  }
0xcc: {  	[sflag:s13] =	ssyncadd.s32 $0xFFFFD800  }
0xcd: {  	_ =	swait.ge [sflag:s0], $0x50  }
0xce: {  	[sflag:s0] =	ssyncset.done $0x0  }
0xcf: {  	[sflag:s0] =	ssyncadd.s32 $0xFFFFFFB0  }
0xd0: {  	_ =	swait.ge [sflag:s0], $0x50  }
0xd1: {  	[sflag:s0] =	ssyncset.done $0x0  }
0xd2: {  	[sflag:s0] =	ssyncadd.s32 $0xFFFFFFB0  }
0xd3: {  	[tilespmem:s9], [sflag:$0x5] =	stream.indirect.gather [hbm4b:s4+s2], $0x80, s3, s2, $0xb8;
	[tilespmem:$0x19480] =	vst v63  }
0xd4: {  	_ =	swait.ge [sflag:s15], $0x2800  }
0xd5: {  	[sflag:s15] =	ssyncset.done $0x0  }
0xd6: {  	s7 =	rddreg [dreg:$0x6];
	[sflag:s15] =	ssyncadd.s32 $0xFFFFD800  }
0xd7: {  	[spmem:s1] =	stream.indirect.scatter.add.f32 [tilespmem:s11], [sflag:$0x8], $0x80, s31, s2, $0xb8;
	[tilespmem:$0x19480] =	vst v63  }
0xd8: {  	s8 =	rddreg [dreg:$0x5];
	s7 =	sadd.s32 s21, s7  }
0xd9: {  	[tilespmem:s28], [sflag:$0x3] =	stream.linear.gather [hbm4b:s7+s3], $0x50, $0x38;
	[tilespmem:$0x19480] =	vst v63  }
0xda: {  	s8 =	sadd.s32 s21, s8  }
0xdb: {  	[tilespmem:s29], [sflag:$0x3] =	stream.linear.gather [hbm4b:s8+s3], $0x50, $0x38;
	[tilespmem:$0x19480] =	vst v63  }
0xdc: {  	_ =	swait.ge [sflag:s16], $0x2800  }
0xdd: {  	[sflag:s16] =	ssyncset.done $0x0  }
0xde: {  	[sflag:s16] =	ssyncadd.s32 $0xFFFFD800  }
0xdf: {  	_ =	swait.ge [sflag:s10], $0x50  }
0xe0: {  	[sflag:s10] =	ssyncset.done $0x0  }
0xe1: {  	[sflag:s10] =	ssyncadd.s32 $0xFFFFFFB0  }
0xe2: {  	_ =	swait.ge [sflag:s10], $0x50  }
0xe3: {  	[sflag:s10] =	ssyncset.done $0x0  }
0xe4: {  	[sflag:s10] =	ssyncadd.s32 $0xFFFFFFB0  }
0xe5: {  	[tilespmem:s11], [sflag:$0x6] =	stream.indirect.gather [hbm4b:s4+s2], $0x80, s25, s2, $0xb8;
	[tilespmem:$0x19480] =	vst v63  }
0xe6: {  	p1 =	sne.s32 s19, $0x488;
	_ =	swait.ge [sflag:s12], $0x2800  }
.Ltmp3:
0xe7: {  	[sflag:s12] =	ssyncset.done $0x0;
	s7 =	rddreg [dreg:$0x4];
	(pc) =	sbr.rel @p1 .LBB2_6-.Ltmp3, $4  }
0xe8: {  	s19 =	sadd.s32 $0x28, s19;
	s8 =	rddreg [dreg:$0x3];
	[sflag:s12] =	ssyncadd.s32 $0xFFFFD800  }
0xe9: {  	[spmem:s1] =	stream.indirect.scatter.add.f32 [tilespmem:s9], [sflag:$0x7], $0x80, s24, s2, $0xb8;
	[tilespmem:$0x19480] =	vst v63  }
0xea: {  	s20 =	sadd.s32 $0x140, s20;
	s7 =	sadd.s32 s21, s7;
	s21 =	sadd.s32 s21, s8  }
0xeb: {  	[tilespmem:s30], [sflag:$0x4] =	stream.linear.gather [hbm4b:s7+s3], $0x50, $0x38;
	[tilespmem:$0x19480] =	vst v63  }
0xec: {  	[tilespmem:s31], [sflag:$0x4] =	stream.linear.gather [hbm4b:s21+s3], $0x50, $0x38;
	[tilespmem:$0x19480] =	vst v63  }
0xed: {  	_ =	swait.ge [sflag:s13], $0x2800  }
0xee: {  	[sflag:s13] =	ssyncset.done $0x0  }
0xef: {  	[sflag:s13] =	ssyncadd.s32 $0xFFFFD800  }
0xf0: {  	_ =	swait.ge [sflag:s14], $0x50  }
0xf1: {  	[sflag:s14] =	ssyncset.done $0x0  }
0xf2: {  	[sflag:s14] =	ssyncadd.s32 $0xFFFFFFB0  }
0xf3: {  	_ =	swait.ge [sflag:s14], $0x50  }
0xf4: {  	[sflag:s14] =	ssyncset.done $0x0  }
0xf5: {  	[sflag:s14] =	ssyncadd.s32 $0xFFFFFFB0  }
0xf6: {  	[tilespmem:s9], [sflag:$0x5] =	stream.indirect.gather [hbm4b:s4+s2], $0x80, s28, s2, $0xb8;
	[tilespmem:$0x19480] =	vst v63  }
0xf7: {  	_ =	swait.ge [sflag:s15], $0x2800  }
0xf8: {  	[sflag:s15] =	ssyncset.done $0x0  }
0xf9: {  	[sflag:s15] =	ssyncadd.s32 $0xFFFFD800  }
0xfa: {  	[spmem:s1] =	stream.indirect.scatter.add.f32 [tilespmem:s11], [sflag:$0x8], $0x80, s26, s2, $0xb8;
	[tilespmem:$0x19480] =	vst v63  }
0xfb: {  	s7 =	rddreg [dreg:$0x13]  }
0xfc: {  	[tilespmem:s3], [sflag:$0x1] =	stream.linear.gather [hbm4b:s7+s3], $0x50, $0x38;
	[tilespmem:$0x19480] =	vst v63  }
0xfd: {  	s20 =	rddreg [dreg:$0x14]  }
0xfe: {  	[tilespmem:s24], [sflag:$0x1] =	stream.linear.gather [hbm4b:s20+s3], $0x50, $0x38;
	[tilespmem:$0x19480] =	vst v63  }
0xff: {  	_ =	swait.ge [sflag:s16], $0x2800  }
0x100: {  	[sflag:s16] =	ssyncset.done $0x0  }
0x101: {  	[sflag:s16] =	ssyncadd.s32 $0xFFFFD800  }
0x102: {  	_ =	swait.ge [sflag:s17], $0x50  }
0x103: {  	[sflag:s17] =	ssyncset.done $0x0  }
0x104: {  	[sflag:s17] =	ssyncadd.s32 $0xFFFFFFB0  }
0x105: {  	_ =	swait.ge [sflag:s17], $0x50  }
0x106: {  	[sflag:s17] =	ssyncset.done $0x0  }
0x107: {  	[sflag:s17] =	ssyncadd.s32 $0xFFFFFFB0  }
0x108: {  	[tilespmem:s11], [sflag:$0x6] =	stream.indirect.gather [hbm4b:s4+s2], $0x80, s30, s2, $0xb8;
	[tilespmem:$0x19480] =	vst v63  }
0x109: {  	_ =	swait.ge [sflag:s12], $0x2800  }
0x10a: {  	[sflag:s12] =	ssyncset.done $0x0  }
0x10b: {  	[sflag:s12] =	ssyncadd.s32 $0xFFFFD800  }
0x10c: {  	[spmem:s1] =	stream.indirect.scatter.add.f32 [tilespmem:s9], [sflag:$0x7], $0x80, s29, s2, $0xb8;
	[tilespmem:$0x19480] =	vst v63  }
0x10d: {  	_ =	swait.ge [sflag:s13], $0x2800  }
0x10e: {  	[sflag:s13] =	ssyncset.done $0x0  }
0x10f: {  	[sflag:s13] =	ssyncadd.s32 $0xFFFFD800  }
0x110: {  	_ =	swait.ge [sflag:s0], $0x50  }
0x111: {  	[sflag:s0] =	ssyncset.done $0x0  }
0x112: {  	[sflag:s0] =	ssyncadd.s32 $0xFFFFFFB0  }
0x113: {  	_ =	swait.ge [sflag:s0], $0x50  }
0x114: {  	[sflag:s0] =	ssyncset.done $0x0  }
0x115: {  	[sflag:s0] =	ssyncadd.s32 $0xFFFFFFB0  }
0x116: {  	[tilespmem:s9], [sflag:$0x5] =	stream.indirect.gather [hbm4b:s4+s2], $0x80, s3, s2, $0xb8;
	[tilespmem:$0x19480] =	vst v63  }
0x117: {  	_ =	swait.ge [sflag:s15], $0x2800  }
0x118: {  	[sflag:s15] =	ssyncset.done $0x0  }
0x119: {  	[sflag:s15] =	ssyncadd.s32 $0xFFFFD800  }
0x11a: {  	[spmem:s1] =	stream.indirect.scatter.add.f32 [tilespmem:s11], [sflag:$0x8], $0x80, s31, s2, $0xb8;
	[tilespmem:$0x19480] =	vst v63  }
0x11b: {  	_ =	swait.ge [sflag:s16], $0x2800  }
0x11c: {  	[sflag:s16] =	ssyncset.done $0x0  }
0x11d: {  	[sflag:s16] =	ssyncadd.s32 $0xFFFFD800  }
0x11e: {  	_ =	swait.ge [sflag:s12], $0x2800  }
0x11f: {  	[sflag:s12] =	ssyncset.done $0x0  }
0x120: {  	[sflag:s12] =	ssyncadd.s32 $0xFFFFD800  }
0x121: {  	[spmem:s1] =	stream.indirect.scatter.add.f32 [tilespmem:s9], [sflag:$0x7], $0x80, s24, s2, $0xb8;
	[tilespmem:$0x19480] =	vst v63  }
0x122: {  	_ =	swait.ge [sflag:s13], $0x2800  }
0x123: {  	[sflag:s13] =	ssyncset.done $0x0  }
0x124: {  	[sflag:s13] =	ssyncadd.s32 $0xFFFFD800  }
0x125: {  	[bflag:$0x0] =	sbarrier.arrive $0xFFFF  }
0x126: {  	s8 =	rddreg [dreg:$0xa]  }
0x127: {  	[tilespmem:s22], [sflag:$0x9] =	stream.linear.gather [spmem:s8], $0x800, $0x38;
	[tilespmem:$0x19480] =	vst v63  }
0x128: {  	_ =	swait.ge [sflag:s23], $0x800  }
0x129: {  	[sflag:s23] =	ssyncset.done $0x0  }
.Ltmp4:
0x12a: {  	s20 =	rddreg [dreg:$0x17];
	[sflag:s23] =	ssyncadd.s32 $0xFFFFF800;
	(pc) =	sbr.rel @!p0 .LBB2_9-.Ltmp4, $4  }
0x12b: {  	[hbm4b:s20+s3] =	stream.linear.scatter [tilespmem:s22], [sflag:$0x9], $0x800, $0x38;
	[tilespmem:$0x19480] =	vst v63  }
0x12c: {  	_ =	swait.ge [sflag:s23], $0x800  }
0x12d: {  	s21 =	rddreg [dreg:$0x9]  }
0x12e: {  	[sflag:s23] =	ssyncset.done $0x0;
	s19 =	sadd.s32 $0xFFFFFFFF, s21;
	s21 =	smov.u32 s8  }
.LBB2_8:
0x12f: {  	[sflag:s23] =	ssyncadd.s32 $0xFFFFF800;
	s20 =	sadd.s32 $0x100, s20;
	s21 =	sadd.s32 $0x800, s21  }
0x130: {  	[tilespmem:s22], [sflag:$0x9] =	stream.linear.gather [spmem:s21], $0x800, $0x38;
	[tilespmem:$0x19480] =	vst v63  }
0x131: {  	p0 =	sne.s32 s19, $0x1;
	s19 =	sadd.s32 $0xFFFFFFFF, s19;
	_ =	swait.ge [sflag:s23], $0x800  }
.Ltmp5:
0x132: {  	[sflag:s23] =	ssyncset.done $0x0;
	(pc) =	sbr.rel @p0 .LBB2_8-.Ltmp5, $4  }
0x133: {  	[sflag:s23] =	ssyncadd.s32 $0xFFFFF800  }
0x134: {  	[hbm4b:s20+s3] =	stream.linear.scatter [tilespmem:s22], [sflag:$0x9], $0x800, $0x38;
	[tilespmem:$0x19480] =	vst v63  }
0x135: {  	_ =	swait.ge [sflag:s23], $0x800  }
0x136: {  	[sflag:s23] =	ssyncset.done $0x0  }
.LBB2_9:
0x137: {  	s18 =	sadd.s32 $0x1, s18;
	s7 =	rddreg [dreg:$0x15]  }
0x138: {  	p0 =	sne.s32 s18, s7  }
.Ltmp6:
0x139: {  	_ = 	snop;
	(pc) =	sbr.rel @p0 .LBB2_1-.Ltmp6, $2  }
0x13a: {  	_ =	sdelay $0x2  }
0x13b: {  	[sflag:s23] =	ssyncadd.s32 $0xFFFFF800  }
0x13c: {  	_ =	sfence.sel $0x180000  }
0x13d: {  	[bflag:$0x0] =	sbarrier.arrive $0xFFFF  }
0x13e: {  	_ =	strace $0x9000004A  }
0x13f: {  	s0 =	stileid.u32;
	[bflag:$0x2] =	sbarrier.arrive $0xFFFF  }
0x140: {  	p0 =	sne.s32 s0, $0x0;
	s0 =	rddreg [dreg:$0x2]  }
0x141: {  	s0 =	sadd.s32 @!p0 $0x100000, s0  }
0x142: {  	[sflag:s0] =	ssyncadd.tile.s32 @!p0 $0x1;
	_ =	shalt  }
.Lfunc_end2:
_tile_overlayer_lowered:
.L_overlay_start_2:
0x143: {  	(tag) =	ssettag $0x2  }
0x144: {  	s0 =	rddreg [dreg:$0x0];
	s2 =	stileid.u32  }
0x145: {  	s1 =	rddreg [dreg:$0x1];
	p0 =	sne.s32 s2, $0x0  }
0x146: {  	s3 =	rddreg [dreg:$0x2];
	[bflag:$0x3] =	sbarrier.arrive $0xFFFF;
	s2 =	simm.s32 @!p0 $0x1C09  }
0x147: {  	[timem:s3], [sflag:s2] =	dma.local @!p0 [hbm:s0], s1  }
0x148: {  	s0 =	simm.s32 @!p0 $0x9  }
0x149: {  	_ =	swait.ge @!p0 [sflag:s0], s1  }
0x14a: {  	s1 =	ssub.s32 @!p0 $0x0, s1;
	[sflag:s0] =	ssyncset.done @!p0 $0x0  }
0x14b: {  	[sflag:s0] =	ssyncadd.s32 @!p0 s1  }
0x14c: {  	[bflag:$0x3] =	sbarrier.arrive $0xFFFF  }
0x14d: {  	_ =	shalt  }

// kernel: kernel.14.cloned.1.call-start
scs
__scs_entry_jumppad:
0x0: {  	(pc) =	sbr.rel $0x88, $3  }
0x1: {  	(tag) =	ssettag $0x0;
	lr =	simm.s32 $0x1  }
0x2: {  	[smem:$0x3F99] =	sst lr;
	_ =	strace $0xD0000000  }
0x3: {  	_ = 	snop  }
0x4: {  	_ = 	snop  }
0x5: {  	_ = 	snop  }
0x6: {  	_ = 	snop  }
0x7: {  	_ = 	snop  }
__scs_overlays_trampoline_lowered:
0x8: {  	[smem:$0x3FA8] =	sst s0  }
0x9: {  	[smem:$0x3FA9] =	sst s1  }
0xa: {  	[smem:$0x3FAA] =	sst s2  }
0xb: {  	[smem:$0x3FAB] =	sst s3  }
0xc: {  	[smem:$0x3FAC] =	sst s4  }
0xd: {  	[smem:$0x3FAD] =	sst s5  }
0xe: {  	[smem:$0x3FAE] =	sst s6  }
0xf: {  	[smem:$0x3FAF] =	sst s7  }
0x10: {  	[smem:$0x3FB0] =	sst s8  }
0x11: {  	[smem:$0x3FB1] =	sst s9;
	s0 =	simm.s32 @!p0 $0x0  }
0x12: {  	s1 =	sld [smem:$0x3F97];
	s0 =	simm.s32 @p0 $0x1  }
0x13: {  	[smem:$0x3FB2] =	sst s0;
	s0 =	simm.s32 @!p1 $0x0  }
0x14: {  	s2 =	sld [smem:$0x3F96];
	s0 =	simm.s32 @p1 $0x1  }
0x15: {  	[smem:$0x3FB3] =	sst s0;
	s0 =	simm.s32 @!p2 $0x0  }
0x16: {  	s3 =	sld [smem:$0x3FDB];
	s0 =	simm.s32 @p2 $0x1  }
0x17: {  	s4 =	simm.s32 $0x1BF5;
	[smem:$0x3FB5] =	sst s0  }
0x18: {  	s0 =	sld [smem:$0x3F98];
	_ =	swait.ge [sflag:s4], $0x0  }
0x19: {  	s7 =	sld [smem:$0x3F99]  }
0x1a: {  	s8 =	sadd.s32 $0xFFFFE003, lr  }
0x1b: {  	s9 =	sadd.s32 $0xFFFFFEF7, lr;
	s5 =	simm.s32 $0xFFFFFFFF;
	p2 =	slt.u32 s8, $0xFFFFF086  }
0x1c: {  	p1 =	slt.u32 s9, $0xF7A;
	s5 =	simm.s32 @!p2 $0x0  }
0x1d: {  	s5 =	simm.s32 @p1 $0x1;
	p0 =	seq.s32 s7, s2  }
0x1e: {  	s7 =	smul.u32 @!p0 $0xF7A, s2;
	p2 =	seq.s32 @!p0 s5, $0x0  }
0x1f: {  	s9 =	smul.u32 $0xF7A, s1;
	s8 =	simm.s32 @!p0 $0x1BF5;
	p2 =	por !p2, p0  }
0x20: {  	[sflag:s8] =	ssyncset.s32 @!p0 $0xFFFFF086;
	s6 =	sadd.s32 @!p0 s3, s7;
	s7 =	simm.s32 @!p0 $0x108  }
0x21: {  	s3 =	sadd.s32 s3, s9;
	s6 =	sadd.s32 @!p0 $0x88, s6;
	s7 =	simm.s32 @p2 $0x1082  }
0x22: {  	[simem:s7], [sflag:s8] =	dma.local @!p0 [hbm:s6], $0xF7A  }
0x23: {  	s9 =	sor.u32 $0xD0000000, s2;
	s6 =	simm.s32 $0x108;
	_ =	swait.ge @!p0 [sflag:s8], $0x0  }
0x24: {  	s3 =	sadd.s32 $0x88, s3;
	s6 =	simm.s32 @!p1 $0x1082;
	[sflag:s4] =	ssyncset.s32 $0xFFFFF086  }
0x25: {  	[simem:s6], [sflag:s4] =	dma.local [hbm:s3], $0xF7A  }
0x26: {  	[smem:$0x3F99] =	sst s1;
	(tag) =	ssettag s2;
	_ =	strace s9  }
0x27: {  	s1 =	sld [smem:$0x3FA9]  }
0x28: {  	s2 =	sld [smem:$0x3FAA]  }
0x29: {  	s4 =	sld [smem:$0x3FAC]  }
0x2a: {  	p0 =	seq.s32 s5, $0x0;
	s5 =	sld [smem:$0x3FAD]  }
0x2b: {  	s6 =	sld [smem:$0x3FAE]  }
0x2c: {  	s7 =	sld [smem:$0x3FAF]  }
0x2d: {  	s3 =	simm.s32 $0x108;
	s8 =	sld [smem:$0x3FB0]  }
0x2e: {  	s3 =	simm.s32 @!p0 $0x1082;
	s9 =	sld [smem:$0x3FB1]  }
0x2f: {  	lr =	sadd.s32 s0, s3;
	s0 =	sld [smem:$0x3FA8]  }
0x30: {  	s3 =	sld [smem:$0x3FAB]  }
0x31: {  	[smem:$0x3FB4] =	sst s10  }
0x32: {  	s10 =	sld [smem:$0x3FB2];
	_ =	sdelay $0x3  }
0x33: {  	p0 =	seq.s32 s10, $0x1;
	s10 =	sld [smem:$0x3FB4];
	_ =	sdelay $0x3  }
0x34: {  	[smem:$0x3FB4] =	sst s10  }
0x35: {  	s10 =	sld [smem:$0x3FB3];
	_ =	sdelay $0x3  }
0x36: {  	p1 =	seq.s32 s10, $0x1;
	s10 =	sld [smem:$0x3FB4];
	_ =	sdelay $0x3  }
0x37: {  	[smem:$0x3FB4] =	sst s10  }
0x38: {  	s10 =	sld [smem:$0x3FB5]  }
0x39: {  	_ = 	snop;
	(pc) =	sbr.ind lr, $3  }
0x3a: {  	_ = 	snop  }
0x3b: {  	_ = 	snop  }
0x3c: {  	p2 =	seq.s32 s10, $0x1;
	s10 =	sld [smem:$0x3FB4]  }
0x3d: {  	_ =	shalt  }
0x3e: {  	_ =	shalt  }
0x3f: {  	_ =	shalt  }
0x40: {  	_ =	shalt  }
0x41: {  	_ =	shalt  }
0x42: {  	_ =	shalt  }
0x43: {  	_ =	shalt  }
0x44: {  	_ =	shalt  }
0x45: {  	_ =	shalt  }
0x46: {  	_ =	shalt  }
0x47: {  	_ =	shalt  }
0x48: {  	_ =	shalt  }
0x49: {  	_ =	shalt  }
0x4a: {  	_ =	shalt  }
0x4b: {  	_ =	shalt  }
0x4c: {  	_ =	shalt  }
0x4d: {  	_ =	shalt  }
0x4e: {  	_ =	shalt  }
0x4f: {  	_ =	shalt  }
0x50: {  	_ =	shalt  }
0x51: {  	_ =	shalt  }
0x52: {  	_ =	shalt  }
0x53: {  	_ =	shalt  }
0x54: {  	_ =	shalt  }
0x55: {  	_ =	shalt  }
0x56: {  	_ =	shalt  }
0x57: {  	_ =	shalt  }
0x58: {  	_ =	shalt  }
0x59: {  	_ =	shalt  }
0x5a: {  	_ =	shalt  }
0x5b: {  	_ =	shalt  }
0x5c: {  	_ =	shalt  }
0x5d: {  	_ =	shalt  }
0x5e: {  	_ =	shalt  }
0x5f: {  	_ =	shalt  }
0x60: {  	_ =	shalt  }
0x61: {  	_ =	shalt  }
0x62: {  	_ =	shalt  }
0x63: {  	_ =	shalt  }
0x64: {  	_ =	shalt  }
0x65: {  	_ =	shalt  }
0x66: {  	_ =	shalt  }
0x67: {  	_ =	shalt  }
0x68: {  	_ =	shalt  }
0x69: {  	_ =	shalt  }
0x6a: {  	_ =	shalt  }
0x6b: {  	_ =	shalt  }
0x6c: {  	_ =	shalt  }
0x6d: {  	_ =	shalt  }
0x6e: {  	_ =	shalt  }
0x6f: {  	_ =	shalt  }
0x70: {  	_ =	shalt  }
0x71: {  	_ =	shalt  }
0x72: {  	_ =	shalt  }
0x73: {  	_ =	shalt  }
0x74: {  	_ =	shalt  }
0x75: {  	_ =	shalt  }
0x76: {  	_ =	shalt  }
0x77: {  	_ =	shalt  }
0x78: {  	_ =	shalt  }
0x79: {  	_ =	shalt  }
0x7a: {  	_ =	shalt  }
0x7b: {  	_ =	shalt  }
0x7c: {  	_ =	shalt  }
0x7d: {  	_ =	shalt  }
0x7e: {  	_ =	shalt  }
0x7f: {  	_ =	shalt  }
0x80: {  	_ =	shalt  }
0x81: {  	_ =	shalt  }
0x82: {  	_ =	shalt  }
0x83: {  	_ =	shalt  }
0x84: {  	_ =	shalt  }
0x85: {  	_ =	shalt  }
0x86: {  	_ =	shalt  }
0x87: {  	_ =	shalt  }
.Lfunc_end0:
.L_simem_size_0:
called_computation.2_lowered:
.L_overlay_start_0:
0x88: {  	s2 =	sld [smem:$0x3FD9]  }
0x89: {  	s3 =	sld [smem:$0x3FFE];
	_ =	sdelay $0x1  }
0x8a: {  	s1 =	srdreg.scid  }
0x8b: {  	s0 =	sand.u32 $0x1, s1  }
0x8c: {  	s16 =	sshll.u32 s0, $0xA;
	s2 =	sadd.s32 s3, s2  }
0x8d: {  	s2 =	sadd.s32 s2, s16  }
0x8e: {  	[smem:$0x3FC0] =	sst s2  }
0x8f: {  	_ = 	snop  }
0x90: {  	(tm) =	ssettm $0x1  }
0x91: {  	s17 =	sld [smem:$0x3FFB];
	_ =	sdelay $0x3  }
0x92: {  	_ =	strace s17  }
0x93: {  	s2 =	sld [smem:$0x3FFC];
	_ =	sdelay $0x3  }
0x94: {  	_ =	strace s2  }
0x95: {  	s2 =	sld [smem:$0x3FFD];
	_ =	sdelay $0x3  }
0x96: {  	_ =	strace s2  }
0x97: {  	_ =	strace $0x8FFFFFFF  }
0x98: {  	s18 =	sld [smem:$0x3FDB];
	_ =	sdelay $0x1  }
0x99: {  	s19 =	simm.s32 $_scs_section_size  }
0x9a: {  	s4 =	simm.s32 $_size__tile_overlayer_lowered;
	s5 =	simm.s32 $_tile_overlayer_lowered  }
0x9b: {  	s22 =	simm.s32 $0x1BFF;
	s21 =	sshll.u32 s5, $0x1;
	s2 =	sadd.s32 s19, s18  }
0x9c: {  	s6 =	simm.s32 $0x0;
	s20 =	sshll.u32 s4, $0x1;
	s4 =	sadd.s32 s21, s2  }
0x9d: {  	[timem:s6], [sflag:s22] =	dma.local [hbm:s4], s20  }
0x9e: {  	_ =	swait.ge [sflag:s22], s20  }
0x9f: {  	s3 =	ssub.s32 $0x0, s20;
	[sflag:s22] =	ssyncset.done $0x0  }
0xa0: {  	[sflag:s22] =	ssyncadd.s32 s3;
	_ =	sdelay $0x1  }
0xa1: {  	s23 =	simm.s32 $0x1B8B  }
0xa2: {  	_ =	swait.ge [sflag:s23], $0x1  }
0xa3: {  	[sflag:s23] =	ssyncset.done $0x0  }
0xa4: {  	s25 =	simm.s32 $0x1B8E;
	s24 =	sld [smem:$0x3FFE];
	[sflag:s23] =	ssyncadd.s32 $0xFFFFFFFF  }
0xa5: {  	s26 =	simm.s32 $execute0_lowered;
	[smem:$0x3FD2] =	sst s25  }
0xa6: {  	s4 =	sshll.u32 s26, $0x1;
	_ =	strace $0x8000004C;
	[dreg:$0x1] =	wrdreg $0xFFFFFFFF  }
0xa7: {  	s28 =	simm.s32 $_size_execute0_lowered;
	s2 =	sadd.s32 s2, s4;
	[dreg:$0x0] =	wrdreg $0x0  }
0xa8: {  	s4 =	sshll.u32 s28, $0x1;
	[dreg:$0x2] =	wrdreg s2  }
0xa9: {  	[dreg:$0x3] =	wrdreg s4  }
0xaa: {  	[dreg:$0x4] =	wrdreg $0xC0  }
0xab: {  	_ =	task [dreg:s6], $0x5FFFF  }
0xac: {  	[dreg:$0x1] =	wrdreg $0xFFFFFFFF  }
0xad: {  	[dreg:$0x0] =	wrdreg $0x60  }
0xae: {  	[dreg:$0x2] =	wrdreg s24  }
0xaf: {  	[dreg:$0x3] =	wrdreg $0x5C000  }
0xb0: {  	[dreg:$0x4] =	wrdreg $0x9  }
0xb1: {  	_ =	task.clear_ibuf [dreg:s6], $0x5FFFF;
	_ =	strace $0x9000004C  }
0xb2: {  	s29 =	simm.s32 $0x9;
	_ =	strace $0x8000004E  }
0xb3: {  	_ =	swait.ge [sflag:s29], $0x1  }
0xb4: {  	[sflag:s29] =	ssyncadd.s32 $0xFFFFFFFF  }
0xb5: {  	_ =	strace $0x9000004E  }
0xb6: {  	_ =	sfence  }
0xb7: {  	s30 =	sld [smem:$0x0];
	_ =	sdelay $0x2  }
0xb8: {  	s31 =	sshll.u32 s1, $0xD;
	s1 =	sshrl.u32 s1, $0x2  }
0xb9: {  	s3 =	sand.u32 $0x4000, s31;
	s1 =	sadd.s32 s1, s30  }
0xba: {  	s0 =	sor.u32 s3, s0;
	s1 =	sshll.u32 s1, $0x11  }
0xbb: {  	s0 =	sor.u32 s1, s0  }
0xbc: {  	s0 =	sadd.s32 $0x8F2B, s0  }
0xbd: {  	[sflag:s0] =	ssyncadd.remote.s32 $0x1  }
0xbe: {  	_ =	sfence.sel $0xFFFF  }
0xbf: {  	[dreg:$0x0] =	wrdreg $0xFFFFFFFF;
	(pc) =	sbr.abs _section_cstart, $3  }
0xc0: {  	[dreg:$0x1] =	wrdreg $0xFFFFFFFF  }
0xc1: {  	_ =	task.clear_ibuf [dreg:s6], $0x2FFFF;
	_ =	strace $0x9FFFFFFF  }
0xc2: {  	(tm) =	ssettm $0x7FFFFFFF  }
0xc3: {  	_ =	shalt  }
tec
execute0_lowered:
.L_overlay_start_1:
0x0: {  	(tag) =	ssettag $0x1  }
0x1: {  	s0 =	rddreg [dreg:$0x0]  }
0x2: {  	s1 =	rddreg [dreg:$0x1];
	s2 =	srdreg.scid;
	s3 =	simm.s32 $0x0  }
0x3: {  	s12 =	stileid.u32;
	s28 =	simm.s32 $0x100;
	s29 =	simm.s32 $0x300  }
0x4: {  	s30 =	simm.s32 $0x180;
	s31 =	simm.s32 $0x380;
	s7 =	smul.u32 $0x13800, s12  }
0x5: {  	s2 =	sand.u32 $0x1, s2;
	[smem:$0x7FF] =	sst s3;
	s10 =	smul.u32 $0x4E000, s12  }
0x6: {  	s4 =	sadd.s32 $0x64800, s0;
	s5 =	sadd.s32 $0x2A00, s0;
	s20 =	smul.u32 $0x4E20, s12  }
0x7: {  	s8 =	sshll.u32 s12, $0x1;
	p0 =	seq.s32 s12, $0xF;
	s6 =	smul.u32 $0x138800, s2  }
0x8: {  	s9 =	ssub.s32 $0x2, s2;
	s8 =	sor.u32 s2, s8;
	s2 =	smul.u32 $0x2710, s2  }
0x9: {  	_ =	strace $0x8000004D;
	s18 =	sshrl.u32 s9, $0x1;
	s8 =	smul.u32 $0x2710, s8  }
0xa: {  	s10 =	sshrl.u32 s10, $0x2;
	s7 =	sadd.s32 s7, s6;
	s6 =	sadd.s32 $0xC800, s0  }
0xb: {  	s9 =	ssub.s32 s9, s18;
	s2 =	sadd.s32 s2, s20;
	s7 =	sshrl.u32 s7, $0x3  }
0xc: {  	s11 =	sshrl.u32 s8, $0x3;
	s8 =	sadd.s32 s10, s1;
	s17 =	sadd.s32 $0x1E0, s2  }
0xd: {  	s20 =	sadd.s32 $0x190, s2;
	s0 =	sadd.s32 s7, s0;
	s7 =	simm.s32 $0x28  }
0xe: {  	s19 =	sadd.s32 s5, s11;
	s21 =	sadd.s32 s6, s11;
	[dreg:$0xa] =	wrdreg s8  }
0xf: {  	s22 =	sadd.s32 $0xA, s11;
	s25 =	sadd.s32 $0x14, s11;
	[dreg:$0xb] =	wrdreg s19  }
0x10: {  	s13 =	sadd.s32 $0x1E, s11;
	s7 =	simm.s32 @!p0 $0x27;
	[dreg:$0xc] =	wrdreg s21  }
0x11: {  	s11 =	sadd.s32 $0x4D8, s11;
	s23 =	sadd.s32 s5, s22;
	[dreg:$0x9] =	wrdreg s7  }
0x12: {  	s18 =	sshrl.u32 s17, $0x3;
	s24 =	sadd.s32 s6, s22;
	[dreg:$0xd] =	wrdreg s23  }
0x13: {  	s17 =	simm.s32 $0x4;
	s26 =	sadd.s32 s5, s25;
	[dreg:$0xe] =	wrdreg s24  }
0x14: {  	s10 =	sadd.s32 s6, s25;
	s12 =	sadd.s32 s5, s13;
	[dreg:$0xf] =	wrdreg s26  }
0x15: {  	s14 =	sadd.s32 s6, s13;
	s15 =	sadd.s32 s5, s11;
	[dreg:$0x10] =	wrdreg s10  }
0x16: {  	s19 =	sadd.s32 s18, s6;
	s21 =	sadd.s32 s18, s5;
	[dreg:$0x11] =	wrdreg s12  }
0x17: {  	s22 =	sshrl.u32 s20, $0x3;
	s25 =	smax.u32 s9, $0x1;
	[dreg:$0x12] =	wrdreg s14  }
0x18: {  	s0 =	sadd.s32 $0x8BA00, s0;
	s9 =	simm.s32 $0x400;
	[dreg:$0x13] =	wrdreg s15  }
0x19: {  	s13 =	simm.s32 $0x7;
	s18 =	simm.s32 $0x0;
	[dreg:$0x5] =	wrdreg s19  }
0x1a: {  	s10 =	sadd.s32 $0x230, s2;
	s23 =	sadd.s32 s6, s11;
	[dreg:$0x6] =	wrdreg s21  }
0x1b: {  	s24 =	sadd.s32 s22, s6;
	[dreg:$0x15] =	wrdreg s25;
	s26 =	sadd.s32 s22, s5  }
0x1c: {  	s2 =	sadd.s32 $0x140, s2;
	[dreg:$0x17] =	wrdreg s0;
	s22 =	simm.s32 $0x5400  }
0x1d: {  	s25 =	simm.s32 $0x80;
	s0 =	simm.s32 $0x1;
	[dreg:$0x14] =	wrdreg s23  }
0x1e: {  	s11 =	simm.s32 $0x2C00;
	s12 =	simm.s32 $0x5;
	[dreg:$0x7] =	wrdreg s24  }
0x1f: {  	s14 =	simm.s32 $0x3;
	s15 =	simm.s32 $0x6;
	[dreg:$0x8] =	wrdreg s26  }
0x20: {  	s10 =	sshrl.u32 s10, $0x3;
	[dreg:$0x16] =	wrdreg s2;
	s23 =	simm.s32 $0x9  }
0x21: {  	s24 =	simm.s32 $0x200;
	s26 =	simm.s32 $0x280;
	s16 =	sadd.s32 s10, s6  }
0x22: {  	s2 =	simm.s32 $0x50;
	s10 =	sadd.s32 s10, s5;
	[dreg:$0x3] =	wrdreg s16  }
0x23: {  	v0 =	vimm.f32 $0.0e+00;
	[dreg:$0x4] =	wrdreg s10;
	s10 =	simm.s32 $0x2;
	s16 =	simm.s32 $0x8  }
.LBB2_1:
0x24: {  	s19 =	sand.u32 $0x1E00, s3  }
0x25: {  	s20 =	sand.u32 $0x70, s3;
	s21 =	sshrl.u32 s19, $0x2  }
0x26: {  	s19 =	simm.s32 $0x40;
	s21 =	sor.u32 s20, s21;
	s20 =	simm.s32 $0x0  }
.LBB2_2:
0x27: {  	p0 =	sne.s32 s19, $0x1FC0  }
0x28: {  	[tilespmem:s21+$0x5400] =	vst v0;
	s20 =	sadd.s32 $0x10, s20;
	s21 =	smov.u32 s19;
	s19 =	sadd.s32 $0x40, s19  }
.Ltmp0:
0x29: {  	(pc) =	sbr.rel @p0 .LBB2_2-.Ltmp0, $4  }
0x2a: {  	_ = 	snop  }
0x2b: {  	s21 =	sand.u32 $0x1E00, s21  }
0x2c: {  	s7 =	sand.u32 $0x70, s20;
	s21 =	sshrl.u32 s21, $0x2  }
0x2d: {  	s21 =	sor.u32 s7, s21  }
0x2e: {  	s7 =	rddreg [dreg:$0x9]  }
0x2f: {  	p0 =	sne.s32 s7, $0x1  }
.Ltmp1:
0x30: {  	_ = 	snop;
	(pc) =	sbr.rel @!p0 .LBB2_5-.Ltmp1, $4  }
0x31: {  	[tilespmem:s21+$0x5400] =	vst v0  }
0x32: {  	[spmem:s8] =	stream.linear.scatter [tilespmem:s22], [sflag:$0x9], $0x800, $0x38;
	[tilespmem:$0x19480] =	vst v63  }
0x33: {  	_ =	swait.ge [sflag:s23], $0x800  }
0x34: {  	s20 =	smov.u32 s8;
	s19 =	sadd.s32 $0xFFFFFFFF, s7;
	[sflag:s23] =	ssyncset.done $0x0  }
.LBB2_4:
0x35: {  	p1 =	sne.s32 s19, $0x1;
	[sflag:s23] =	ssyncadd.s32 $0xFFFFF800;
	s20 =	sadd.s32 $0x800, s20  }
.Ltmp2:
0x36: {  	s19 =	sadd.s32 $0xFFFFFFFF, s19;
	(pc) =	sbr.rel @p1 .LBB2_4-.Ltmp2, $4  }
0x37: {  	_ = 	snop  }
0x38: {  	[spmem:s20] =	stream.linear.scatter [tilespmem:s22], [sflag:$0x9], $0x800, $0x38;
	[tilespmem:$0x19480] =	vst v63  }
0x39: {  	_ =	swait.ge [sflag:s23], $0x800  }
0x3a: {  	[sflag:s23] =	ssyncset.done $0x0  }
.LBB2_5:
0x3b: {  	[sflag:s23] =	ssyncadd.s32 $0xFFFFF800  }
0x3c: {  	[bflag:$0x0] =	sbarrier.arrive $0xFFFF  }
0x3d: {  	s7 =	simm.s32 $0x0;
	s8 =	rddreg [dreg:$0xb]  }
0x3e: {  	[tilespmem:s7], [sflag:$0x1] =	stream.linear.gather [hbm4b:s8+s7], $0x50, $0x38;
	[tilespmem:$0x19480] =	vst v63  }
0x3f: {  	s20 =	rddreg [dreg:$0xc]  }
0x40: {  	[tilespmem:s24], [sflag:$0x1] =	stream.linear.gather [hbm4b:s20+s7], $0x50, $0x38;
	[tilespmem:$0x19480] =	vst v63  }
0x41: {  	s21 =	rddreg [dreg:$0xd]  }
0x42: {  	[tilespmem:s25], [sflag:$0x2] =	stream.linear.gather [hbm4b:s21+s7], $0x50, $0x38;
	[tilespmem:$0x19480] =	vst v63  }
0x43: {  	s19 =	rddreg [dreg:$0xe]  }
0x44: {  	[tilespmem:s26], [sflag:$0x2] =	stream.linear.gather [hbm4b:s19+s7], $0x50, $0x38;
	[tilespmem:$0x19480] =	vst v63  }
0x45: {  	s20 =	rddreg [dreg:$0xf]  }
0x46: {  	[tilespmem:s28], [sflag:$0x3] =	stream.linear.gather [hbm4b:s20+s7], $0x50, $0x38;
	[tilespmem:$0x19480] =	vst v63  }
0x47: {  	s21 =	rddreg [dreg:$0x10]  }
0x48: {  	[tilespmem:s29], [sflag:$0x3] =	stream.linear.gather [hbm4b:s21+s7], $0x50, $0x38;
	[tilespmem:$0x19480] =	vst v63  }
0x49: {  	s19 =	rddreg [dreg:$0x11]  }
0x4a: {  	[tilespmem:s30], [sflag:$0x4] =	stream.linear.gather [hbm4b:s19+s7], $0x50, $0x38;
	[tilespmem:$0x19480] =	vst v63  }
0x4b: {  	s20 =	rddreg [dreg:$0x12]  }
0x4c: {  	[tilespmem:s31], [sflag:$0x4] =	stream.linear.gather [hbm4b:s20+s7], $0x50, $0x38;
	[tilespmem:$0x19480] =	vst v63  }
0x4d: {  	_ =	swait.ge [sflag:s0], $0x50  }
0x4e: {  	[sflag:s0] =	ssyncset.done $0x0  }
0x4f: {  	[sflag:s0] =	ssyncadd.s32 $0xFFFFFFB0  }
0x50: {  	_ =	swait.ge [sflag:s0], $0x50  }
0x51: {  	[sflag:s0] =	ssyncset.done $0x0  }
0x52: {  	[sflag:s0] =	ssyncadd.s32 $0xFFFFFFB0  }
0x53: {  	[tilespmem:s9], [sflag:$0x5] =	stream.indirect.gather [hbm4b:s4+s2], $0x80, s7, s2, $0xb8;
	[tilespmem:$0x19480] =	vst v63  }
0x54: {  	_ =	swait.ge [sflag:s10], $0x50  }
0x55: {  	[sflag:s10] =	ssyncset.done $0x0  }
0x56: {  	[sflag:s10] =	ssyncadd.s32 $0xFFFFFFB0  }
0x57: {  	_ =	swait.ge [sflag:s10], $0x50  }
0x58: {  	[sflag:s10] =	ssyncset.done $0x0  }
0x59: {  	[sflag:s10] =	ssyncadd.s32 $0xFFFFFFB0  }
0x5a: {  	[tilespmem:s11], [sflag:$0x6] =	stream.indirect.gather [hbm4b:s4+s2], $0x80, s25, s2, $0xb8;
	[tilespmem:$0x19480] =	vst v63  }
0x5b: {  	_ =	swait.ge [sflag:s12], $0x2800  }
0x5c: {  	[sflag:s12] =	ssyncset.done $0x0  }
0x5d: {  	[sflag:s12] =	ssyncadd.s32 $0xFFFFD800  }
0x5e: {  	[spmem:s1] =	stream.indirect.scatter.add.f32 [tilespmem:s9], [sflag:$0x7], $0x80, s24, s2, $0xb8;
	[tilespmem:$0x19480] =	vst v63  }
0x5f: {  	_ =	swait.ge [sflag:s13], $0x2800  }
0x60: {  	[sflag:s13] =	ssyncset.done $0x0  }
0x61: {  	[sflag:s13] =	ssyncadd.s32 $0xFFFFD800  }
0x62: {  	_ =	swait.ge [sflag:s14], $0x50  }
0x63: {  	[sflag:s14] =	ssyncset.done $0x0  }
0x64: {  	[sflag:s14] =	ssyncadd.s32 $0xFFFFFFB0  }
0x65: {  	_ =	swait.ge [sflag:s14], $0x50  }
0x66: {  	[sflag:s14] =	ssyncset.done $0x0  }
0x67: {  	[sflag:s14] =	ssyncadd.s32 $0xFFFFFFB0  }
0x68: {  	[tilespmem:s9], [sflag:$0x5] =	stream.indirect.gather [hbm4b:s4+s2], $0x80, s28, s2, $0xb8;
	[tilespmem:$0x19480] =	vst v63  }
0x69: {  	_ =	swait.ge [sflag:s15], $0x2800  }
0x6a: {  	[sflag:s15] =	ssyncset.done $0x0;
	s8 =	rddreg [dreg:$0x16]  }
0x6b: {  	[sflag:s15] =	ssyncadd.s32 $0xFFFFD800;
	s21 =	sshrl.u32 s8, $0x3  }
0x6c: {  	[spmem:s1] =	stream.indirect.scatter.add.f32 [tilespmem:s11], [sflag:$0x8], $0x80, s26, s2, $0xb8;
	[tilespmem:$0x19480] =	vst v63  }
0x6d: {  	s19 =	sadd.s32 s5, s21  }
0x6e: {  	[tilespmem:s3], [sflag:$0x1] =	stream.linear.gather [hbm4b:s19+s3], $0x50, $0x38;
	[tilespmem:$0x19480] =	vst v63  }
0x6f: {  	s7 =	sadd.s32 s6, s21  }
0x70: {  	[tilespmem:s24], [sflag:$0x1] =	stream.linear.gather [hbm4b:s7+s3], $0x50, $0x38;
	[tilespmem:$0x19480] =	vst v63  }
0x71: {  	_ =	swait.ge [sflag:s16], $0x2800  }
0x72: {  	[sflag:s16] =	ssyncset.done $0x0  }
0x73: {  	[sflag:s16] =	ssyncadd.s32 $0xFFFFD800  }
0x74: {  	_ =	swait.ge [sflag:s17], $0x50  }
0x75: {  	[sflag:s17] =	ssyncset.done $0x0  }
0x76: {  	[sflag:s17] =	ssyncadd.s32 $0xFFFFFFB0  }
0x77: {  	_ =	swait.ge [sflag:s17], $0x50  }
0x78: {  	[sflag:s17] =	ssyncset.done $0x0  }
0x79: {  	[sflag:s17] =	ssyncadd.s32 $0xFFFFFFB0  }
0x7a: {  	[tilespmem:s11], [sflag:$0x6] =	stream.indirect.gather [hbm4b:s4+s2], $0x80, s30, s2, $0xb8;
	[tilespmem:$0x19480] =	vst v63  }
0x7b: {  	_ =	swait.ge [sflag:s12], $0x2800  }
0x7c: {  	[sflag:s12] =	ssyncset.done $0x0  }
0x7d: {  	s20 =	rddreg [dreg:$0x8];
	[sflag:s12] =	ssyncadd.s32 $0xFFFFD800  }
0x7e: {  	[spmem:s1] =	stream.indirect.scatter.add.f32 [tilespmem:s9], [sflag:$0x7], $0x80, s29, s2, $0xb8;
	[tilespmem:$0x19480] =	vst v63  }
0x7f: {  	s21 =	rddreg [dreg:$0x7];
	s7 =	sadd.s32 $0x0, s20  }
0x80: {  	[tilespmem:s25], [sflag:$0x2] =	stream.linear.gather [hbm4b:s7+s3], $0x50, $0x38;
	[tilespmem:$0x19480] =	vst v63  }
0x81: {  	s19 =	sadd.s32 $0x0, s21  }
0x82: {  	[tilespmem:s26], [sflag:$0x2] =	stream.linear.gather [hbm4b:s19+s3], $0x50, $0x38;
	[tilespmem:$0x19480] =	vst v63  }
0x83: {  	_ =	swait.ge [sflag:s13], $0x2800  }
0x84: {  	[sflag:s13] =	ssyncset.done $0x0  }
0x85: {  	[sflag:s13] =	ssyncadd.s32 $0xFFFFD800  }
0x86: {  	_ =	swait.ge [sflag:s0], $0x50  }
0x87: {  	[sflag:s0] =	ssyncset.done $0x0  }
0x88: {  	[sflag:s0] =	ssyncadd.s32 $0xFFFFFFB0  }
0x89: {  	_ =	swait.ge [sflag:s0], $0x50  }
0x8a: {  	[sflag:s0] =	ssyncset.done $0x0  }
0x8b: {  	[sflag:s0] =	ssyncadd.s32 $0xFFFFFFB0  }
0x8c: {  	[tilespmem:s9], [sflag:$0x5] =	stream.indirect.gather [hbm4b:s4+s2], $0x80, s3, s2, $0xb8;
	[tilespmem:$0x19480] =	vst v63  }
0x8d: {  	_ =	swait.ge [sflag:s15], $0x2800  }
0x8e: {  	[sflag:s15] =	ssyncset.done $0x0  }
0x8f: {  	s20 =	rddreg [dreg:$0x6];
	[sflag:s15] =	ssyncadd.s32 $0xFFFFD800  }
0x90: {  	[spmem:s1] =	stream.indirect.scatter.add.f32 [tilespmem:s11], [sflag:$0x8], $0x80, s31, s2, $0xb8;
	[tilespmem:$0x19480] =	vst v63  }
0x91: {  	s21 =	rddreg [dreg:$0x5];
	s7 =	sadd.s32 $0x0, s20  }
0x92: {  	[tilespmem:s28], [sflag:$0x3] =	stream.linear.gather [hbm4b:s7+s3], $0x50, $0x38;
	[tilespmem:$0x19480] =	vst v63  }
0x93: {  	s20 =	sadd.s32 $0x0, s21  }
0x94: {  	[tilespmem:s29], [sflag:$0x3] =	stream.linear.gather [hbm4b:s20+s3], $0x50, $0x38;
	[tilespmem:$0x19480] =	vst v63  }
0x95: {  	_ =	swait.ge [sflag:s16], $0x2800  }
0x96: {  	[sflag:s16] =	ssyncset.done $0x0  }
0x97: {  	[sflag:s16] =	ssyncadd.s32 $0xFFFFD800  }
0x98: {  	_ =	swait.ge [sflag:s10], $0x50  }
0x99: {  	[sflag:s10] =	ssyncset.done $0x0  }
0x9a: {  	[sflag:s10] =	ssyncadd.s32 $0xFFFFFFB0  }
0x9b: {  	_ =	swait.ge [sflag:s10], $0x50  }
0x9c: {  	[sflag:s10] =	ssyncset.done $0x0  }
0x9d: {  	[sflag:s10] =	ssyncadd.s32 $0xFFFFFFB0  }
0x9e: {  	[tilespmem:s11], [sflag:$0x6] =	stream.indirect.gather [hbm4b:s4+s2], $0x80, s25, s2, $0xb8;
	[tilespmem:$0x19480] =	vst v63  }
0x9f: {  	_ =	swait.ge [sflag:s12], $0x2800  }
0xa0: {  	[sflag:s12] =	ssyncset.done $0x0;
	s21 =	rddreg [dreg:$0x4]  }
0xa1: {  	s19 =	simm.s32 $0x28;
	s20 =	rddreg [dreg:$0x3];
	[sflag:s12] =	ssyncadd.s32 $0xFFFFD800  }
0xa2: {  	[spmem:s1] =	stream.indirect.scatter.add.f32 [tilespmem:s9], [sflag:$0x7], $0x80, s24, s2, $0xb8;
	[tilespmem:$0x19480] =	vst v63  }
0xa3: {  	s7 =	sadd.s32 $0x0, s21;
	s21 =	sadd.s32 $0x0, s20;
	s20 =	sadd.s32 $0x140, s8  }
0xa4: {  	[tilespmem:s30], [sflag:$0x4] =	stream.linear.gather [hbm4b:s7+s3], $0x50, $0x38;
	[tilespmem:$0x19480] =	vst v63  }
.LBB2_6:
0xa5: {  	[tilespmem:s31], [sflag:$0x4] =	stream.linear.gather [hbm4b:s21+s3], $0x50, $0x38;
	[tilespmem:$0x19480] =	vst v63  }
0xa6: {  	_ =	swait.ge [sflag:s13], $0x2800  }
0xa7: {  	[sflag:s13] =	ssyncset.done $0x0  }
0xa8: {  	[sflag:s13] =	ssyncadd.s32 $0xFFFFD800  }
0xa9: {  	_ =	swait.ge [sflag:s14], $0x50  }
0xaa: {  	[sflag:s14] =	ssyncset.done $0x0  }
0xab: {  	[sflag:s14] =	ssyncadd.s32 $0xFFFFFFB0  }
0xac: {  	_ =	swait.ge [sflag:s14], $0x50  }
0xad: {  	[sflag:s14] =	ssyncset.done $0x0  }
0xae: {  	[sflag:s14] =	ssyncadd.s32 $0xFFFFFFB0  }
0xaf: {  	[tilespmem:s9], [sflag:$0x5] =	stream.indirect.gather [hbm4b:s4+s2], $0x80, s28, s2, $0xb8;
	[tilespmem:$0x19480] =	vst v63  }
0xb0: {  	_ =	swait.ge [sflag:s15], $0x2800  }
0xb1: {  	[sflag:s15] =	ssyncset.done $0x0  }
0xb2: {  	s7 =	sshrl.u32 s20, $0x3;
	[sflag:s15] =	ssyncadd.s32 $0xFFFFD800  }
0xb3: {  	[spmem:s1] =	stream.indirect.scatter.add.f32 [tilespmem:s11], [sflag:$0x8], $0x80, s26, s2, $0xb8;
	[tilespmem:$0x19480] =	vst v63  }
0xb4: {  	s8 =	sadd.s32 s5, s7  }
0xb5: {  	[tilespmem:s3], [sflag:$0x1] =	stream.linear.gather [hbm4b:s8+s3], $0x50, $0x38;
	[tilespmem:$0x19480] =	vst v63  }
0xb6: {  	s7 =	sadd.s32 s6, s7  }
0xb7: {  	[tilespmem:s24], [sflag:$0x1] =	stream.linear.gather [hbm4b:s7+s3], $0x50, $0x38;
	[tilespmem:$0x19480] =	vst v63  }
0xb8: {  	_ =	swait.ge [sflag:s16], $0x2800  }
0xb9: {  	[sflag:s16] =	ssyncset.done $0x0  }
0xba: {  	[sflag:s16] =	ssyncadd.s32 $0xFFFFD800  }
0xbb: {  	_ =	swait.ge [sflag:s17], $0x50  }
0xbc: {  	[sflag:s17] =	ssyncset.done $0x0  }
0xbd: {  	[sflag:s17] =	ssyncadd.s32 $0xFFFFFFB0  }
0xbe: {  	_ =	swait.ge [sflag:s17], $0x50  }
0xbf: {  	[sflag:s17] =	ssyncset.done $0x0  }
0xc0: {  	[sflag:s17] =	ssyncadd.s32 $0xFFFFFFB0  }
0xc1: {  	[tilespmem:s11], [sflag:$0x6] =	stream.indirect.gather [hbm4b:s4+s2], $0x80, s30, s2, $0xb8;
	[tilespmem:$0x19480] =	vst v63  }
0xc2: {  	_ =	swait.ge [sflag:s12], $0x2800  }
0xc3: {  	[sflag:s12] =	ssyncset.done $0x0  }
0xc4: {  	s21 =	smov.u32 s19;
	s7 =	rddreg [dreg:$0x8];
	[sflag:s12] =	ssyncadd.s32 $0xFFFFD800  }
0xc5: {  	[spmem:s1] =	stream.indirect.scatter.add.f32 [tilespmem:s9], [sflag:$0x7], $0x80, s29, s2, $0xb8;
	[tilespmem:$0x19480] =	vst v63  }
0xc6: {  	s8 =	rddreg [dreg:$0x7];
	s7 =	sadd.s32 s21, s7  }
0xc7: {  	[tilespmem:s25], [sflag:$0x2] =	stream.linear.gather [hbm4b:s7+s3], $0x50, $0x38;
	[tilespmem:$0x19480] =	vst v63  }
0xc8: {  	s8 =	sadd.s32 s21, s8  }
0xc9: {  	[tilespmem:s26], [sflag:$0x2] =	stream.linear.gather [hbm4b:s8+s3], $0x50, $0x38;
	[tilespmem:$0x19480] =	vst v63  }
0xca: {  	_ =	swait.ge [sflag:s13], $0x2800  }
0xcb: {  	[sflag:s13] =	ssyncset.done $0x0  }
0xcc: {  	[sflag:s13] =	ssyncadd.s32 $0xFFFFD800  }
0xcd: {  	_ =	swait.ge [sflag:s0], $0x50  }
0xce: {  	[sflag:s0] =	ssyncset.done $0x0  }
0xcf: {  	[sflag:s0] =	ssyncadd.s32 $0xFFFFFFB0  }
0xd0: {  	_ =	swait.ge [sflag:s0], $0x50  }
0xd1: {  	[sflag:s0] =	ssyncset.done $0x0  }
0xd2: {  	[sflag:s0] =	ssyncadd.s32 $0xFFFFFFB0  }
0xd3: {  	[tilespmem:s9], [sflag:$0x5] =	stream.indirect.gather [hbm4b:s4+s2], $0x80, s3, s2, $0xb8;
	[tilespmem:$0x19480] =	vst v63  }
0xd4: {  	_ =	swait.ge [sflag:s15], $0x2800  }
0xd5: {  	[sflag:s15] =	ssyncset.done $0x0  }
0xd6: {  	s7 =	rddreg [dreg:$0x6];
	[sflag:s15] =	ssyncadd.s32 $0xFFFFD800  }
0xd7: {  	[spmem:s1] =	stream.indirect.scatter.add.f32 [tilespmem:s11], [sflag:$0x8], $0x80, s31, s2, $0xb8;
	[tilespmem:$0x19480] =	vst v63  }
0xd8: {  	s8 =	rddreg [dreg:$0x5];
	s7 =	sadd.s32 s21, s7  }
0xd9: {  	[tilespmem:s28], [sflag:$0x3] =	stream.linear.gather [hbm4b:s7+s3], $0x50, $0x38;
	[tilespmem:$0x19480] =	vst v63  }
0xda: {  	s8 =	sadd.s32 s21, s8  }
0xdb: {  	[tilespmem:s29], [sflag:$0x3] =	stream.linear.gather [hbm4b:s8+s3], $0x50, $0x38;
	[tilespmem:$0x19480] =	vst v63  }
0xdc: {  	_ =	swait.ge [sflag:s16], $0x2800  }
0xdd: {  	[sflag:s16] =	ssyncset.done $0x0  }
0xde: {  	[sflag:s16] =	ssyncadd.s32 $0xFFFFD800  }
0xdf: {  	_ =	swait.ge [sflag:s10], $0x50  }
0xe0: {  	[sflag:s10] =	ssyncset.done $0x0  }
0xe1: {  	[sflag:s10] =	ssyncadd.s32 $0xFFFFFFB0  }
0xe2: {  	_ =	swait.ge [sflag:s10], $0x50  }
0xe3: {  	[sflag:s10] =	ssyncset.done $0x0  }
0xe4: {  	[sflag:s10] =	ssyncadd.s32 $0xFFFFFFB0  }
0xe5: {  	[tilespmem:s11], [sflag:$0x6] =	stream.indirect.gather [hbm4b:s4+s2], $0x80, s25, s2, $0xb8;
	[tilespmem:$0x19480] =	vst v63  }
0xe6: {  	p1 =	sne.s32 s19, $0x488;
	_ =	swait.ge [sflag:s12], $0x2800  }
.Ltmp3:
0xe7: {  	[sflag:s12] =	ssyncset.done $0x0;
	s7 =	rddreg [dreg:$0x4];
	(pc) =	sbr.rel @p1 .LBB2_6-.Ltmp3, $4  }
0xe8: {  	s19 =	sadd.s32 $0x28, s19;
	s8 =	rddreg [dreg:$0x3];
	[sflag:s12] =	ssyncadd.s32 $0xFFFFD800  }
0xe9: {  	[spmem:s1] =	stream.indirect.scatter.add.f32 [tilespmem:s9], [sflag:$0x7], $0x80, s24, s2, $0xb8;
	[tilespmem:$0x19480] =	vst v63  }
0xea: {  	s20 =	sadd.s32 $0x140, s20;
	s7 =	sadd.s32 s21, s7;
	s21 =	sadd.s32 s21, s8  }
0xeb: {  	[tilespmem:s30], [sflag:$0x4] =	stream.linear.gather [hbm4b:s7+s3], $0x50, $0x38;
	[tilespmem:$0x19480] =	vst v63  }
0xec: {  	[tilespmem:s31], [sflag:$0x4] =	stream.linear.gather [hbm4b:s21+s3], $0x50, $0x38;
	[tilespmem:$0x19480] =	vst v63  }
0xed: {  	_ =	swait.ge [sflag:s13], $0x2800  }
0xee: {  	[sflag:s13] =	ssyncset.done $0x0  }
0xef: {  	[sflag:s13] =	ssyncadd.s32 $0xFFFFD800  }
0xf0: {  	_ =	swait.ge [sflag:s14], $0x50  }
0xf1: {  	[sflag:s14] =	ssyncset.done $0x0  }
0xf2: {  	[sflag:s14] =	ssyncadd.s32 $0xFFFFFFB0  }
0xf3: {  	_ =	swait.ge [sflag:s14], $0x50  }
0xf4: {  	[sflag:s14] =	ssyncset.done $0x0  }
0xf5: {  	[sflag:s14] =	ssyncadd.s32 $0xFFFFFFB0  }
0xf6: {  	[tilespmem:s9], [sflag:$0x5] =	stream.indirect.gather [hbm4b:s4+s2], $0x80, s28, s2, $0xb8;
	[tilespmem:$0x19480] =	vst v63  }
0xf7: {  	_ =	swait.ge [sflag:s15], $0x2800  }
0xf8: {  	[sflag:s15] =	ssyncset.done $0x0  }
0xf9: {  	[sflag:s15] =	ssyncadd.s32 $0xFFFFD800  }
0xfa: {  	[spmem:s1] =	stream.indirect.scatter.add.f32 [tilespmem:s11], [sflag:$0x8], $0x80, s26, s2, $0xb8;
	[tilespmem:$0x19480] =	vst v63  }
0xfb: {  	s7 =	rddreg [dreg:$0x13]  }
0xfc: {  	[tilespmem:s3], [sflag:$0x1] =	stream.linear.gather [hbm4b:s7+s3], $0x50, $0x38;
	[tilespmem:$0x19480] =	vst v63  }
0xfd: {  	s20 =	rddreg [dreg:$0x14]  }
0xfe: {  	[tilespmem:s24], [sflag:$0x1] =	stream.linear.gather [hbm4b:s20+s3], $0x50, $0x38;
	[tilespmem:$0x19480] =	vst v63  }
0xff: {  	_ =	swait.ge [sflag:s16], $0x2800  }
0x100: {  	[sflag:s16] =	ssyncset.done $0x0  }
0x101: {  	[sflag:s16] =	ssyncadd.s32 $0xFFFFD800  }
0x102: {  	_ =	swait.ge [sflag:s17], $0x50  }
0x103: {  	[sflag:s17] =	ssyncset.done $0x0  }
0x104: {  	[sflag:s17] =	ssyncadd.s32 $0xFFFFFFB0  }
0x105: {  	_ =	swait.ge [sflag:s17], $0x50  }
0x106: {  	[sflag:s17] =	ssyncset.done $0x0  }
0x107: {  	[sflag:s17] =	ssyncadd.s32 $0xFFFFFFB0  }
0x108: {  	[tilespmem:s11], [sflag:$0x6] =	stream.indirect.gather [hbm4b:s4+s2], $0x80, s30, s2, $0xb8;
	[tilespmem:$0x19480] =	vst v63  }
0x109: {  	_ =	swait.ge [sflag:s12], $0x2800  }
0x10a: {  	[sflag:s12] =	ssyncset.done $0x0  }
0x10b: {  	[sflag:s12] =	ssyncadd.s32 $0xFFFFD800  }
0x10c: {  	[spmem:s1] =	stream.indirect.scatter.add.f32 [tilespmem:s9], [sflag:$0x7], $0x80, s29, s2, $0xb8;
	[tilespmem:$0x19480] =	vst v63  }
0x10d: {  	_ =	swait.ge [sflag:s13], $0x2800  }
0x10e: {  	[sflag:s13] =	ssyncset.done $0x0  }
0x10f: {  	[sflag:s13] =	ssyncadd.s32 $0xFFFFD800  }
0x110: {  	_ =	swait.ge [sflag:s0], $0x50  }
0x111: {  	[sflag:s0] =	ssyncset.done $0x0  }
0x112: {  	[sflag:s0] =	ssyncadd.s32 $0xFFFFFFB0  }
0x113: {  	_ =	swait.ge [sflag:s0], $0x50  }
0x114: {  	[sflag:s0] =	ssyncset.done $0x0  }
0x115: {  	[sflag:s0] =	ssyncadd.s32 $0xFFFFFFB0  }
0x116: {  	[tilespmem:s9], [sflag:$0x5] =	stream.indirect.gather [hbm4b:s4+s2], $0x80, s3, s2, $0xb8;
	[tilespmem:$0x19480] =	vst v63  }
0x117: {  	_ =	swait.ge [sflag:s15], $0x2800  }
0x118: {  	[sflag:s15] =	ssyncset.done $0x0  }
0x119: {  	[sflag:s15] =	ssyncadd.s32 $0xFFFFD800  }
0x11a: {  	[spmem:s1] =	stream.indirect.scatter.add.f32 [tilespmem:s11], [sflag:$0x8], $0x80, s31, s2, $0xb8;
	[tilespmem:$0x19480] =	vst v63  }
0x11b: {  	_ =	swait.ge [sflag:s16], $0x2800  }
0x11c: {  	[sflag:s16] =	ssyncset.done $0x0  }
0x11d: {  	[sflag:s16] =	ssyncadd.s32 $0xFFFFD800  }
0x11e: {  	_ =	swait.ge [sflag:s12], $0x2800  }
0x11f: {  	[sflag:s12] =	ssyncset.done $0x0  }
0x120: {  	[sflag:s12] =	ssyncadd.s32 $0xFFFFD800  }
0x121: {  	[spmem:s1] =	stream.indirect.scatter.add.f32 [tilespmem:s9], [sflag:$0x7], $0x80, s24, s2, $0xb8;
	[tilespmem:$0x19480] =	vst v63  }
0x122: {  	_ =	swait.ge [sflag:s13], $0x2800  }
0x123: {  	[sflag:s13] =	ssyncset.done $0x0  }
0x124: {  	[sflag:s13] =	ssyncadd.s32 $0xFFFFD800  }
0x125: {  	[bflag:$0x0] =	sbarrier.arrive $0xFFFF  }
0x126: {  	s8 =	rddreg [dreg:$0xa]  }
0x127: {  	[tilespmem:s22], [sflag:$0x9] =	stream.linear.gather [spmem:s8], $0x800, $0x38;
	[tilespmem:$0x19480] =	vst v63  }
0x128: {  	_ =	swait.ge [sflag:s23], $0x800  }
0x129: {  	[sflag:s23] =	ssyncset.done $0x0  }
.Ltmp4:
0x12a: {  	s20 =	rddreg [dreg:$0x17];
	[sflag:s23] =	ssyncadd.s32 $0xFFFFF800;
	(pc) =	sbr.rel @!p0 .LBB2_9-.Ltmp4, $4  }
0x12b: {  	[hbm4b:s20+s3] =	stream.linear.scatter [tilespmem:s22], [sflag:$0x9], $0x800, $0x38;
	[tilespmem:$0x19480] =	vst v63  }
0x12c: {  	_ =	swait.ge [sflag:s23], $0x800  }
0x12d: {  	s21 =	rddreg [dreg:$0x9]  }
0x12e: {  	[sflag:s23] =	ssyncset.done $0x0;
	s19 =	sadd.s32 $0xFFFFFFFF, s21;
	s21 =	smov.u32 s8  }
.LBB2_8:
0x12f: {  	[sflag:s23] =	ssyncadd.s32 $0xFFFFF800;
	s20 =	sadd.s32 $0x100, s20;
	s21 =	sadd.s32 $0x800, s21  }
0x130: {  	[tilespmem:s22], [sflag:$0x9] =	stream.linear.gather [spmem:s21], $0x800, $0x38;
	[tilespmem:$0x19480] =	vst v63  }
0x131: {  	p0 =	sne.s32 s19, $0x1;
	s19 =	sadd.s32 $0xFFFFFFFF, s19;
	_ =	swait.ge [sflag:s23], $0x800  }
.Ltmp5:
0x132: {  	[sflag:s23] =	ssyncset.done $0x0;
	(pc) =	sbr.rel @p0 .LBB2_8-.Ltmp5, $4  }
0x133: {  	[sflag:s23] =	ssyncadd.s32 $0xFFFFF800  }
0x134: {  	[hbm4b:s20+s3] =	stream.linear.scatter [tilespmem:s22], [sflag:$0x9], $0x800, $0x38;
	[tilespmem:$0x19480] =	vst v63  }
0x135: {  	_ =	swait.ge [sflag:s23], $0x800  }
0x136: {  	[sflag:s23] =	ssyncset.done $0x0  }
.LBB2_9:
0x137: {  	s18 =	sadd.s32 $0x1, s18;
	s7 =	rddreg [dreg:$0x15]  }
0x138: {  	p0 =	sne.s32 s18, s7  }
.Ltmp6:
0x139: {  	_ = 	snop;
	(pc) =	sbr.rel @p0 .LBB2_1-.Ltmp6, $2  }
0x13a: {  	_ =	sdelay $0x2  }
0x13b: {  	[sflag:s23] =	ssyncadd.s32 $0xFFFFF800  }
0x13c: {  	_ =	sfence.sel $0x180000  }
0x13d: {  	[bflag:$0x0] =	sbarrier.arrive $0xFFFF  }
0x13e: {  	_ =	strace $0x9000004D  }
0x13f: {  	s0 =	stileid.u32;
	[bflag:$0x2] =	sbarrier.arrive $0xFFFF  }
0x140: {  	p0 =	sne.s32 s0, $0x0;
	s0 =	rddreg [dreg:$0x2]  }
0x141: {  	s0 =	sadd.s32 @!p0 $0x100000, s0  }
0x142: {  	[sflag:s0] =	ssyncadd.tile.s32 @!p0 $0x1;
	_ =	shalt  }
.Lfunc_end2:
_tile_overlayer_lowered:
.L_overlay_start_2:
0x143: {  	(tag) =	ssettag $0x2  }
0x144: {  	s0 =	rddreg [dreg:$0x0];
	s2 =	stileid.u32  }
0x145: {  	s1 =	rddreg [dreg:$0x1];
	p0 =	sne.s32 s2, $0x0  }
0x146: {  	s3 =	rddreg [dreg:$0x2];
	[bflag:$0x3] =	sbarrier.arrive $0xFFFF;
	s2 =	simm.s32 @!p0 $0x1C09  }
0x147: {  	[timem:s3], [sflag:s2] =	dma.local @!p0 [hbm:s0], s1  }
0x148: {  	s0 =	simm.s32 @!p0 $0x9  }
0x149: {  	_ =	swait.ge @!p0 [sflag:s0], s1  }
0x14a: {  	s1 =	ssub.s32 @!p0 $0x0, s1;
	[sflag:s0] =	ssyncset.done @!p0 $0x0  }
0x14b: {  	[sflag:s0] =	ssyncadd.s32 @!p0 s1  }
0x14c: {  	[bflag:$0x3] =	sbarrier.arrive $0xFFFF  }
0x14d: {  	_ =	shalt  }

// kernel: kernel.8.cloned.1.call-start
scs
__scs_entry_jumppad:
0x0: {  	(pc) =	sbr.rel $0x88, $3  }
0x1: {  	(tag) =	ssettag $0x0;
	lr =	simm.s32 $0x1  }
0x2: {  	[smem:$0x3F99] =	sst lr;
	_ =	strace $0xD0000000  }
0x3: {  	_ = 	snop  }
0x4: {  	_ = 	snop  }
0x5: {  	_ = 	snop  }
0x6: {  	_ = 	snop  }
0x7: {  	_ = 	snop  }
__scs_overlays_trampoline_lowered:
0x8: {  	[smem:$0x3FA8] =	sst s0  }
0x9: {  	[smem:$0x3FA9] =	sst s1  }
0xa: {  	[smem:$0x3FAA] =	sst s2  }
0xb: {  	[smem:$0x3FAB] =	sst s3  }
0xc: {  	[smem:$0x3FAC] =	sst s4  }
0xd: {  	[smem:$0x3FAD] =	sst s5  }
0xe: {  	[smem:$0x3FAE] =	sst s6  }
0xf: {  	[smem:$0x3FAF] =	sst s7  }
0x10: {  	[smem:$0x3FB0] =	sst s8  }
0x11: {  	[smem:$0x3FB1] =	sst s9;
	s0 =	simm.s32 @!p0 $0x0  }
0x12: {  	s1 =	sld [smem:$0x3F97];
	s0 =	simm.s32 @p0 $0x1  }
0x13: {  	[smem:$0x3FB2] =	sst s0;
	s0 =	simm.s32 @!p1 $0x0  }
0x14: {  	s2 =	sld [smem:$0x3F96];
	s0 =	simm.s32 @p1 $0x1  }
0x15: {  	[smem:$0x3FB3] =	sst s0;
	s0 =	simm.s32 @!p2 $0x0  }
0x16: {  	s3 =	sld [smem:$0x3FDB];
	s0 =	simm.s32 @p2 $0x1  }
0x17: {  	s4 =	simm.s32 $0x1BF5;
	[smem:$0x3FB5] =	sst s0  }
0x18: {  	s0 =	sld [smem:$0x3F98];
	_ =	swait.ge [sflag:s4], $0x0  }
0x19: {  	s7 =	sld [smem:$0x3F99]  }
0x1a: {  	s8 =	sadd.s32 $0xFFFFE003, lr  }
0x1b: {  	s9 =	sadd.s32 $0xFFFFFEF7, lr;
	s5 =	simm.s32 $0xFFFFFFFF;
	p2 =	slt.u32 s8, $0xFFFFF086  }
0x1c: {  	p1 =	slt.u32 s9, $0xF7A;
	s5 =	simm.s32 @!p2 $0x0  }
0x1d: {  	s5 =	simm.s32 @p1 $0x1;
	p0 =	seq.s32 s7, s2  }
0x1e: {  	s7 =	smul.u32 @!p0 $0xF7A, s2;
	p2 =	seq.s32 @!p0 s5, $0x0  }
0x1f: {  	s9 =	smul.u32 $0xF7A, s1;
	s8 =	simm.s32 @!p0 $0x1BF5;
	p2 =	por !p2, p0  }
0x20: {  	[sflag:s8] =	ssyncset.s32 @!p0 $0xFFFFF086;
	s6 =	sadd.s32 @!p0 s3, s7;
	s7 =	simm.s32 @!p0 $0x108  }
0x21: {  	s3 =	sadd.s32 s3, s9;
	s6 =	sadd.s32 @!p0 $0x88, s6;
	s7 =	simm.s32 @p2 $0x1082  }
0x22: {  	[simem:s7], [sflag:s8] =	dma.local @!p0 [hbm:s6], $0xF7A  }
0x23: {  	s9 =	sor.u32 $0xD0000000, s2;
	s6 =	simm.s32 $0x108;
	_ =	swait.ge @!p0 [sflag:s8], $0x0  }
0x24: {  	s3 =	sadd.s32 $0x88, s3;
	s6 =	simm.s32 @!p1 $0x1082;
	[sflag:s4] =	ssyncset.s32 $0xFFFFF086  }
0x25: {  	[simem:s6], [sflag:s4] =	dma.local [hbm:s3], $0xF7A  }
0x26: {  	[smem:$0x3F99] =	sst s1;
	(tag) =	ssettag s2;
	_ =	strace s9  }
0x27: {  	s1 =	sld [smem:$0x3FA9]  }
0x28: {  	s2 =	sld [smem:$0x3FAA]  }
0x29: {  	s4 =	sld [smem:$0x3FAC]  }
0x2a: {  	p0 =	seq.s32 s5, $0x0;
	s5 =	sld [smem:$0x3FAD]  }
0x2b: {  	s6 =	sld [smem:$0x3FAE]  }
0x2c: {  	s7 =	sld [smem:$0x3FAF]  }
0x2d: {  	s3 =	simm.s32 $0x108;
	s8 =	sld [smem:$0x3FB0]  }
0x2e: {  	s3 =	simm.s32 @!p0 $0x1082;
	s9 =	sld [smem:$0x3FB1]  }
0x2f: {  	lr =	sadd.s32 s0, s3;
	s0 =	sld [smem:$0x3FA8]  }
0x30: {  	s3 =	sld [smem:$0x3FAB]  }
0x31: {  	[smem:$0x3FB4] =	sst s10  }
0x32: {  	s10 =	sld [smem:$0x3FB2];
	_ =	sdelay $0x3  }
0x33: {  	p0 =	seq.s32 s10, $0x1;
	s10 =	sld [smem:$0x3FB4];
	_ =	sdelay $0x3  }
0x34: {  	[smem:$0x3FB4] =	sst s10  }
0x35: {  	s10 =	sld [smem:$0x3FB3];
	_ =	sdelay $0x3  }
0x36: {  	p1 =	seq.s32 s10, $0x1;
	s10 =	sld [smem:$0x3FB4];
	_ =	sdelay $0x3  }
0x37: {  	[smem:$0x3FB4] =	sst s10  }
0x38: {  	s10 =	sld [smem:$0x3FB5]  }
0x39: {  	_ = 	snop;
	(pc) =	sbr.ind lr, $3  }
0x3a: {  	_ = 	snop  }
0x3b: {  	_ = 	snop  }
0x3c: {  	p2 =	seq.s32 s10, $0x1;
	s10 =	sld [smem:$0x3FB4]  }
0x3d: {  	_ =	shalt  }
0x3e: {  	_ =	shalt  }
0x3f: {  	_ =	shalt  }
0x40: {  	_ =	shalt  }
0x41: {  	_ =	shalt  }
0x42: {  	_ =	shalt  }
0x43: {  	_ =	shalt  }
0x44: {  	_ =	shalt  }
0x45: {  	_ =	shalt  }
0x46: {  	_ =	shalt  }
0x47: {  	_ =	shalt  }
0x48: {  	_ =	shalt  }
0x49: {  	_ =	shalt  }
0x4a: {  	_ =	shalt  }
0x4b: {  	_ =	shalt  }
0x4c: {  	_ =	shalt  }
0x4d: {  	_ =	shalt  }
0x4e: {  	_ =	shalt  }
0x4f: {  	_ =	shalt  }
0x50: {  	_ =	shalt  }
0x51: {  	_ =	shalt  }
0x52: {  	_ =	shalt  }
0x53: {  	_ =	shalt  }
0x54: {  	_ =	shalt  }
0x55: {  	_ =	shalt  }
0x56: {  	_ =	shalt  }
0x57: {  	_ =	shalt  }
0x58: {  	_ =	shalt  }
0x59: {  	_ =	shalt  }
0x5a: {  	_ =	shalt  }
0x5b: {  	_ =	shalt  }
0x5c: {  	_ =	shalt  }
0x5d: {  	_ =	shalt  }
0x5e: {  	_ =	shalt  }
0x5f: {  	_ =	shalt  }
0x60: {  	_ =	shalt  }
0x61: {  	_ =	shalt  }
0x62: {  	_ =	shalt  }
0x63: {  	_ =	shalt  }
0x64: {  	_ =	shalt  }
0x65: {  	_ =	shalt  }
0x66: {  	_ =	shalt  }
0x67: {  	_ =	shalt  }
0x68: {  	_ =	shalt  }
0x69: {  	_ =	shalt  }
0x6a: {  	_ =	shalt  }
0x6b: {  	_ =	shalt  }
0x6c: {  	_ =	shalt  }
0x6d: {  	_ =	shalt  }
0x6e: {  	_ =	shalt  }
0x6f: {  	_ =	shalt  }
0x70: {  	_ =	shalt  }
0x71: {  	_ =	shalt  }
0x72: {  	_ =	shalt  }
0x73: {  	_ =	shalt  }
0x74: {  	_ =	shalt  }
0x75: {  	_ =	shalt  }
0x76: {  	_ =	shalt  }
0x77: {  	_ =	shalt  }
0x78: {  	_ =	shalt  }
0x79: {  	_ =	shalt  }
0x7a: {  	_ =	shalt  }
0x7b: {  	_ =	shalt  }
0x7c: {  	_ =	shalt  }
0x7d: {  	_ =	shalt  }
0x7e: {  	_ =	shalt  }
0x7f: {  	_ =	shalt  }
0x80: {  	_ =	shalt  }
0x81: {  	_ =	shalt  }
0x82: {  	_ =	shalt  }
0x83: {  	_ =	shalt  }
0x84: {  	_ =	shalt  }
0x85: {  	_ =	shalt  }
0x86: {  	_ =	shalt  }
0x87: {  	_ =	shalt  }
.Lfunc_end0:
.L_simem_size_0:
called_computation_lowered:
.L_overlay_start_0:
0x88: {  	s2 =	sld [smem:$0x3FD9]  }
0x89: {  	s3 =	sld [smem:$0x3FFE];
	_ =	sdelay $0x1  }
0x8a: {  	s1 =	srdreg.scid  }
0x8b: {  	s0 =	sand.u32 $0x1, s1  }
0x8c: {  	s16 =	sshll.u32 s0, $0xA;
	s2 =	sadd.s32 s3, s2  }
0x8d: {  	s2 =	sadd.s32 s2, s16  }
0x8e: {  	[smem:$0x3FC0] =	sst s2  }
0x8f: {  	_ = 	snop  }
0x90: {  	(tm) =	ssettm $0x1  }
0x91: {  	s17 =	sld [smem:$0x3FFB];
	_ =	sdelay $0x3  }
0x92: {  	_ =	strace s17  }
0x93: {  	s2 =	sld [smem:$0x3FFC];
	_ =	sdelay $0x3  }
0x94: {  	_ =	strace s2  }
0x95: {  	s2 =	sld [smem:$0x3FFD];
	_ =	sdelay $0x3  }
0x96: {  	_ =	strace s2  }
0x97: {  	_ =	strace $0x8FFFFFFF  }
0x98: {  	s18 =	sld [smem:$0x3FDB];
	_ =	sdelay $0x1  }
0x99: {  	s19 =	simm.s32 $_scs_section_size  }
0x9a: {  	s4 =	simm.s32 $_size__tile_overlayer_lowered;
	s5 =	simm.s32 $_tile_overlayer_lowered  }
0x9b: {  	s22 =	simm.s32 $0x1BFF;
	s21 =	sshll.u32 s5, $0x1;
	s2 =	sadd.s32 s19, s18  }
0x9c: {  	s6 =	simm.s32 $0x0;
	s20 =	sshll.u32 s4, $0x1;
	s4 =	sadd.s32 s21, s2  }
0x9d: {  	[timem:s6], [sflag:s22] =	dma.local [hbm:s4], s20  }
0x9e: {  	_ =	swait.ge [sflag:s22], s20  }
0x9f: {  	s3 =	ssub.s32 $0x0, s20;
	[sflag:s22] =	ssyncset.done $0x0  }
0xa0: {  	[sflag:s22] =	ssyncadd.s32 s3;
	_ =	sdelay $0x1  }
0xa1: {  	s23 =	simm.s32 $0x1B8B  }
0xa2: {  	_ =	swait.ge [sflag:s23], $0x1  }
0xa3: {  	[sflag:s23] =	ssyncset.done $0x0  }
0xa4: {  	s25 =	simm.s32 $0x1B8E;
	s24 =	sld [smem:$0x3FFE];
	[sflag:s23] =	ssyncadd.s32 $0xFFFFFFFF  }
0xa5: {  	s26 =	simm.s32 $execute0_lowered;
	[smem:$0x3FD2] =	sst s25  }
0xa6: {  	s4 =	sshll.u32 s26, $0x1;
	_ =	strace $0x80000046;
	[dreg:$0x1] =	wrdreg $0xFFFFFFFF  }
0xa7: {  	s28 =	simm.s32 $_size_execute0_lowered;
	s2 =	sadd.s32 s2, s4;
	[dreg:$0x0] =	wrdreg $0x0  }
0xa8: {  	s4 =	sshll.u32 s28, $0x1;
	[dreg:$0x2] =	wrdreg s2  }
0xa9: {  	[dreg:$0x3] =	wrdreg s4  }
0xaa: {  	[dreg:$0x4] =	wrdreg $0xC0  }
0xab: {  	_ =	task [dreg:s6], $0x5FFFF  }
0xac: {  	[dreg:$0x1] =	wrdreg $0xFFFFFFFF  }
0xad: {  	[dreg:$0x0] =	wrdreg $0x60  }
0xae: {  	[dreg:$0x2] =	wrdreg s24  }
0xaf: {  	[dreg:$0x3] =	wrdreg $0x31000  }
0xb0: {  	[dreg:$0x4] =	wrdreg $0x9  }
0xb1: {  	_ =	task.clear_ibuf [dreg:s6], $0x5FFFF;
	_ =	strace $0x90000046  }
0xb2: {  	s29 =	simm.s32 $0x9;
	_ =	strace $0x80000048  }
0xb3: {  	_ =	swait.ge [sflag:s29], $0x1  }
0xb4: {  	[sflag:s29] =	ssyncadd.s32 $0xFFFFFFFF  }
0xb5: {  	_ =	strace $0x90000048  }
0xb6: {  	_ =	sfence  }
0xb7: {  	s30 =	sld [smem:$0x0];
	_ =	sdelay $0x2  }
0xb8: {  	s31 =	sshll.u32 s1, $0xD;
	s1 =	sshrl.u32 s1, $0x2  }
0xb9: {  	s3 =	sand.u32 $0x4000, s31;
	s1 =	sadd.s32 s1, s30  }
0xba: {  	s0 =	sor.u32 s3, s0;
	s1 =	sshll.u32 s1, $0x11  }
0xbb: {  	s0 =	sor.u32 s1, s0  }
0xbc: {  	s0 =	sadd.s32 $0x8F2B, s0  }
0xbd: {  	[sflag:s0] =	ssyncadd.remote.s32 $0x1  }
0xbe: {  	_ =	sfence.sel $0xFFFF  }
0xbf: {  	[dreg:$0x0] =	wrdreg $0xFFFFFFFF;
	(pc) =	sbr.abs _section_cstart, $3  }
0xc0: {  	[dreg:$0x1] =	wrdreg $0xFFFFFFFF  }
0xc1: {  	_ =	task.clear_ibuf [dreg:s6], $0x2FFFF;
	_ =	strace $0x9FFFFFFF  }
0xc2: {  	(tm) =	ssettm $0x7FFFFFFF  }
0xc3: {  	_ =	shalt  }
tec
execute0_lowered:
.L_overlay_start_1:
0x0: {  	(tag) =	ssettag $0x1  }
0x1: {  	s5 =	rddreg [dreg:$0x0]  }
0x2: {  	s2 =	rddreg [dreg:$0x1]  }
0x3: {  	s0 =	srdreg.scid;
	s1 =	rddreg [dreg:$0x2]  }
0x4: {  	s3 =	simm.s32 $0x0;
	s13 =	simm.s32 $0x3;
	s14 =	simm.s32 $0x80  }
0x5: {  	s15 =	simm.s32 $0x1;
	s16 =	simm.s32 $0x50;
	s6 =	sand.u32 $0x1, s0  }
0x6: {  	s17 =	simm.s32 $0x100;
	s0 =	stileid.u32;
	s4 =	smul.u32 $0x138800, s6  }
0x7: {  	s18 =	simm.s32 $0x2;
	[smem:$0x7FF] =	sst s3;
	s7 =	smul.u32 $0x13800, s0  }
0x8: {  	s19 =	simm.s32 $0x0;
	_ =	strace $0x80000047;
	s26 =	smul.u32 $0x4E000, s0  }
0x9: {  	s8 =	ssub.s32 $0x2, s6;
	s28 =	sshll.u32 s0, $0x1;
	s9 =	smul.u32 $0x4E20, s0  }
0xa: {  	p0 =	seq.s32 s0, $0xF;
	s12 =	sor.u32 s6, s28;
	s6 =	smul.u32 $0x2710, s6  }
0xb: {  	s10 =	sshrl.u32 s8, $0x1;
	s4 =	sadd.s32 s7, s4;
	s12 =	smul.u32 $0x2710, s12  }
0xc: {  	s8 =	ssub.s32 s8, s10;
	s29 =	sshrl.u32 s26, $0x2;
	s7 =	sshrl.u32 s4, $0x3  }
0xd: {  	s4 =	sadd.s32 $0xC800, s5;
	s9 =	sadd.s32 s6, s9;
	s6 =	sadd.s32 s29, s2  }
0xe: {  	s8 =	smax.u32 s8, $0x1;
	s11 =	sadd.s32 s7, s5;
	s5 =	simm.s32 $0x28  }
0xf: {  	s30 =	sshrl.u32 s12, $0x3;
	s31 =	sadd.s32 $0x50, s9;
	s9 =	sadd.s32 $0xA0, s9  }
0x10: {  	s12 =	simm.s32 $0x2900;
	s5 =	simm.s32 @!p0 $0x27;
	s10 =	sshrl.u32 s31, $0x3  }
0x11: {  	v0 =	vimm.f32 $1.000000000e+00;
	v1 =	vimm.f32 $0.0e+00;
	s7 =	sadd.s32 s4, s30;
	s11 =	sadd.s32 $0x16600, s11;
	s10 =	sadd.s32 s10, s4  }
.LBB2_1:
0x12: {  	s20 =	simm.s32 $0x0;
	s21 =	simm.s32 $0x0  }
.LBB2_2:
0x13: {  	p0 =	sne.s32 s21, $0x9FC0  }
.Ltmp0:
0x14: {  	_ = 	snop;
	(pc) =	sbr.rel @p0 .LBB2_2-.Ltmp0, $4  }
0x15: {  	s22 =	sand.u32 $0xFE00, s21  }
0x16: {  	s23 =	sand.u32 $0x70, s20;
	s22 =	sshrl.u32 s22, $0x2  }
0x17: {  	s22 =	sor.u32 s23, s22  }
0x18: {  	s20 =	sadd.s32 $0x10, s20;
	s21 =	sadd.s32 $0x40, s21;
	[tilespmem:s22+$0x100] =	vst v0  }
0x19: {  	s20 =	simm.s32 $0x0  }
0x1a: {  	s21 =	sand.u32 $0x1E00, s20  }
0x1b: {  	s22 =	sand.u32 $0x70, s20;
	s23 =	sshrl.u32 s21, $0x2  }
0x1c: {  	s21 =	simm.s32 $0x40;
	s22 =	sor.u32 s22, s23  }
.LBB2_4:
0x1d: {  	p0 =	sne.s32 s21, $0x1FC0  }
0x1e: {  	[tilespmem:s22+$0x2900] =	vst v1;
	s20 =	sadd.s32 $0x10, s20;
	s22 =	smov.u32 s21;
	s21 =	sadd.s32 $0x40, s21  }
.Ltmp1:
0x1f: {  	(pc) =	sbr.rel @p0 .LBB2_4-.Ltmp1, $4  }
0x20: {  	_ = 	snop  }
0x21: {  	s22 =	sand.u32 $0x1E00, s22  }
0x22: {  	s23 =	sand.u32 $0x70, s20;
	s22 =	sshrl.u32 s22, $0x2  }
0x23: {  	s22 =	sor.u32 s23, s22  }
0x24: {  	p0 =	sne.s32 s5, $0x1  }
.Ltmp2:
0x25: {  	_ = 	snop;
	(pc) =	sbr.rel @!p0 .LBB2_7-.Ltmp2, $4  }
0x26: {  	[tilespmem:s22+$0x2900] =	vst v1  }
0x27: {  	[spmem:s6] =	stream.linear.scatter [tilespmem:s12], [sflag:$0x3], $0x800, $0x38;
	[tilespmem:$0x16980] =	vst v63  }
0x28: {  	_ =	swait.ge [sflag:s13], $0x800  }
0x29: {  	s20 =	sadd.s32 $0xFFFFFFFF, s5;
	s21 =	smov.u32 s6;
	[sflag:s13] =	ssyncset.done $0x0  }
.LBB2_6:
0x2a: {  	p1 =	sne.s32 s20, $0x1;
	[sflag:s13] =	ssyncadd.s32 $0xFFFFF800;
	s21 =	sadd.s32 $0x800, s21  }
.Ltmp3:
0x2b: {  	s20 =	sadd.s32 $0xFFFFFFFF, s20;
	(pc) =	sbr.rel @p1 .LBB2_6-.Ltmp3, $4  }
0x2c: {  	_ = 	snop  }
0x2d: {  	[spmem:s21] =	stream.linear.scatter [tilespmem:s12], [sflag:$0x3], $0x800, $0x38;
	[tilespmem:$0x16980] =	vst v63  }
0x2e: {  	_ =	swait.ge [sflag:s13], $0x800  }
0x2f: {  	[sflag:s13] =	ssyncset.done $0x0  }
.LBB2_7:
0x30: {  	[sflag:s13] =	ssyncadd.s32 $0xFFFFF800  }
0x31: {  	s20 =	simm.s32 $0x0;
	[bflag:$0x0] =	sbarrier.arrive $0xFFFF  }
0x32: {  	[tilespmem:s20], [sflag:$0x1] =	stream.linear.gather [hbm4b:s7+s20], $0x50, $0x38;
	[tilespmem:$0x16980] =	vst v63  }
0x33: {  	s30 =	sadd.s32 $0x0, s10  }
0x34: {  	[tilespmem:s14], [sflag:$0x2] =	stream.linear.gather [hbm4b:s30+s3], $0x50, $0x38;
	[tilespmem:$0x16980] =	vst v63  }
0x35: {  	_ =	swait.ge [sflag:s15], $0x50  }
0x36: {  	[sflag:s15] =	ssyncset.done $0x0  }
0x37: {  	[sflag:s15] =	ssyncadd.s32 $0xFFFFFFB0  }
0x38: {  	[spmem:s2] =	stream.indirect.scatter.add.f32 [tilespmem:s17], [sflag:$0x3], $0x80, s3, s16, $0xb8;
	[tilespmem:$0x16980] =	vst v63  }
0x39: {  	_ =	swait.ge [sflag:s13], $0x2800  }
0x3a: {  	s31 =	sshrl.u32 s9, $0x3;
	[sflag:s13] =	ssyncset.done $0x0  }
0x3b: {  	s20 =	sadd.s32 s4, s31;
	[sflag:s13] =	ssyncadd.s32 $0xFFFFD800  }
0x3c: {  	[tilespmem:s3], [sflag:$0x1] =	stream.linear.gather [hbm4b:s20+s3], $0x50, $0x38;
	[tilespmem:$0x16980] =	vst v63  }
0x3d: {  	_ =	swait.ge [sflag:s18], $0x50  }
0x3e: {  	[sflag:s18] =	ssyncset.done $0x0  }
0x3f: {  	[sflag:s18] =	ssyncadd.s32 $0xFFFFFFB0  }
0x40: {  	[spmem:s2] =	stream.indirect.scatter.add.f32 [tilespmem:s17], [sflag:$0x3], $0x80, s14, s16, $0xb8;
	[tilespmem:$0x16980] =	vst v63  }
0x41: {  	s21 =	simm.s32 $0x14;
	_ =	swait.ge [sflag:s13], $0x2800  }
0x42: {  	s22 =	simm.s32 $0x28;
	s20 =	sadd.s32 $0xA0, s9;
	[sflag:s13] =	ssyncset.done $0x0  }
.LBB2_8:
0x43: {  	s23 =	sadd.s32 s21, s10  }
0x44: {  	[sflag:s13] =	ssyncadd.s32 $0xFFFFD800;
	s21 =	smov.u32 s22;
	s24 =	sadd.s32 $0x14, s22  }
0x45: {  	[tilespmem:s14], [sflag:$0x2] =	stream.linear.gather [hbm4b:s23+s3], $0x50, $0x38;
	[tilespmem:$0x16980] =	vst v63  }
0x46: {  	p1 =	sne.s32 s22, $0x4C4;
	_ =	swait.ge [sflag:s15], $0x50  }
0x47: {  	[sflag:s15] =	ssyncset.done $0x0  }
0x48: {  	[sflag:s15] =	ssyncadd.s32 $0xFFFFFFB0  }
0x49: {  	[spmem:s2] =	stream.indirect.scatter.add.f32 [tilespmem:s17], [sflag:$0x3], $0x80, s3, s16, $0xb8;
	[tilespmem:$0x16980] =	vst v63  }
0x4a: {  	_ =	swait.ge [sflag:s13], $0x2800  }
0x4b: {  	s22 =	sshrl.u32 s20, $0x3;
	[sflag:s13] =	ssyncset.done $0x0  }
0x4c: {  	s22 =	sadd.s32 s4, s22;
	[sflag:s13] =	ssyncadd.s32 $0xFFFFD800  }
0x4d: {  	[tilespmem:s3], [sflag:$0x1] =	stream.linear.gather [hbm4b:s22+s3], $0x50, $0x38;
	[tilespmem:$0x16980] =	vst v63  }
0x4e: {  	_ =	swait.ge [sflag:s18], $0x50  }
.Ltmp4:
0x4f: {  	[sflag:s18] =	ssyncset.done $0x0;
	(pc) =	sbr.rel @p1 .LBB2_8-.Ltmp4, $4  }
0x50: {  	[sflag:s18] =	ssyncadd.s32 $0xFFFFFFB0  }
0x51: {  	[spmem:s2] =	stream.indirect.scatter.add.f32 [tilespmem:s17], [sflag:$0x3], $0x80, s14, s16, $0xb8;
	[tilespmem:$0x16980] =	vst v63  }
0x52: {  	_ =	swait.ge [sflag:s13], $0x2800  }
0x53: {  	s20 =	sadd.s32 $0xA0, s20;
	s22 =	smov.u32 s24;
	[sflag:s13] =	ssyncset.done $0x0  }
0x54: {  	s21 =	sadd.s32 s21, s10;
	[sflag:s13] =	ssyncadd.s32 $0xFFFFD800  }
0x55: {  	[tilespmem:s14], [sflag:$0x2] =	stream.linear.gather [hbm4b:s21+s3], $0x50, $0x38;
	[tilespmem:$0x16980] =	vst v63  }
0x56: {  	_ =	swait.ge [sflag:s15], $0x50  }
0x57: {  	[sflag:s15] =	ssyncset.done $0x0  }
0x58: {  	[sflag:s15] =	ssyncadd.s32 $0xFFFFFFB0  }
0x59: {  	[spmem:s2] =	stream.indirect.scatter.add.f32 [tilespmem:s17], [sflag:$0x3], $0x80, s3, s16, $0xb8;
	[tilespmem:$0x16980] =	vst v63  }
0x5a: {  	_ =	swait.ge [sflag:s13], $0x2800  }
0x5b: {  	s20 =	sshrl.u32 s20, $0x3;
	[sflag:s13] =	ssyncset.done $0x0  }
0x5c: {  	s20 =	sadd.s32 s4, s20;
	[sflag:s13] =	ssyncadd.s32 $0xFFFFD800  }
0x5d: {  	[tilespmem:s3], [sflag:$0x1] =	stream.linear.gather [hbm4b:s20+s3], $0x50, $0x38;
	[tilespmem:$0x16980] =	vst v63  }
0x5e: {  	_ =	swait.ge [sflag:s18], $0x50  }
0x5f: {  	[sflag:s18] =	ssyncset.done $0x0  }
0x60: {  	[sflag:s18] =	ssyncadd.s32 $0xFFFFFFB0  }
0x61: {  	[spmem:s2] =	stream.indirect.scatter.add.f32 [tilespmem:s17], [sflag:$0x3], $0x80, s14, s16, $0xb8;
	[tilespmem:$0x16980] =	vst v63  }
0x62: {  	_ =	swait.ge [sflag:s13], $0x2800  }
0x63: {  	[sflag:s13] =	ssyncset.done $0x0  }
0x64: {  	[sflag:s13] =	ssyncadd.s32 $0xFFFFD800  }
0x65: {  	_ =	swait.ge [sflag:s15], $0x50  }
0x66: {  	[sflag:s15] =	ssyncset.done $0x0  }
0x67: {  	[sflag:s15] =	ssyncadd.s32 $0xFFFFFFB0  }
0x68: {  	[spmem:s2] =	stream.indirect.scatter.add.f32 [tilespmem:s17], [sflag:$0x3], $0x80, s3, s16, $0xb8;
	[tilespmem:$0x16980] =	vst v63  }
0x69: {  	_ =	swait.ge [sflag:s13], $0x2800  }
0x6a: {  	[sflag:s13] =	ssyncset.done $0x0  }
0x6b: {  	[sflag:s13] =	ssyncadd.s32 $0xFFFFD800  }
0x6c: {  	[bflag:$0x0] =	sbarrier.arrive $0xFFFF  }
0x6d: {  	[tilespmem:s12], [sflag:$0x3] =	stream.linear.gather [spmem:s6], $0x800, $0x38;
	[tilespmem:$0x16980] =	vst v63  }
0x6e: {  	_ =	swait.ge [sflag:s13], $0x800  }
.Ltmp5:
0x6f: {  	[sflag:s13] =	ssyncset.done $0x0;
	(pc) =	sbr.rel @!p0 .LBB2_11-.Ltmp5, $4  }
0x70: {  	[sflag:s13] =	ssyncadd.s32 $0xFFFFF800  }
0x71: {  	[hbm4b:s11+s3] =	stream.linear.scatter [tilespmem:s12], [sflag:$0x3], $0x800, $0x38;
	[tilespmem:$0x16980] =	vst v63  }
0x72: {  	s22 =	smov.u32 s6;
	_ =	swait.ge [sflag:s13], $0x800  }
0x73: {  	s21 =	smov.u32 s11;
	s20 =	sadd.s32 $0xFFFFFFFF, s5;
	[sflag:s13] =	ssyncset.done $0x0  }
.LBB2_10:
0x74: {  	[sflag:s13] =	ssyncadd.s32 $0xFFFFF800;
	s21 =	sadd.s32 $0x100, s21;
	s22 =	sadd.s32 $0x800, s22  }
0x75: {  	[tilespmem:s12], [sflag:$0x3] =	stream.linear.gather [spmem:s22], $0x800, $0x38;
	[tilespmem:$0x16980] =	vst v63  }
0x76: {  	p0 =	sne.s32 s20, $0x1;
	s20 =	sadd.s32 $0xFFFFFFFF, s20;
	_ =	swait.ge [sflag:s13], $0x800  }
.Ltmp6:
0x77: {  	[sflag:s13] =	ssyncset.done $0x0;
	(pc) =	sbr.rel @p0 .LBB2_10-.Ltmp6, $4  }
0x78: {  	[sflag:s13] =	ssyncadd.s32 $0xFFFFF800  }
0x79: {  	[hbm4b:s21+s3] =	stream.linear.scatter [tilespmem:s12], [sflag:$0x3], $0x800, $0x38;
	[tilespmem:$0x16980] =	vst v63  }
0x7a: {  	_ =	swait.ge [sflag:s13], $0x800  }
0x7b: {  	[sflag:s13] =	ssyncset.done $0x0  }
.LBB2_11:
0x7c: {  	s19 =	sadd.s32 $0x1, s19  }
0x7d: {  	p0 =	sne.s32 s19, s8  }
.Ltmp7:
0x7e: {  	_ = 	snop;
	(pc) =	sbr.rel @p0 .LBB2_1-.Ltmp7, $2  }
0x7f: {  	_ =	sdelay $0x2  }
0x80: {  	[sflag:s13] =	ssyncadd.s32 $0xFFFFF800  }
0x81: {  	_ =	sfence.sel $0x180000  }
0x82: {  	[bflag:$0x0] =	sbarrier.arrive $0xFFFF  }
0x83: {  	p0 =	sne.s32 s0, $0x0;
	_ =	strace $0x90000047  }
0x84: {  	s0 =	sadd.s32 @!p0 $0x100000, s1;
	[bflag:$0x2] =	sbarrier.arrive $0xFFFF  }
0x85: {  	[sflag:s0] =	ssyncadd.tile.s32 @!p0 $0x1;
	_ =	shalt  }
.Lfunc_end2:
_tile_overlayer_lowered:
.L_overlay_start_2:
0x86: {  	(tag) =	ssettag $0x2  }
0x87: {  	s0 =	rddreg [dreg:$0x0];
	s2 =	stileid.u32  }
0x88: {  	s1 =	rddreg [dreg:$0x1];
	p0 =	sne.s32 s2, $0x0  }
0x89: {  	s3 =	rddreg [dreg:$0x2];
	[bflag:$0x3] =	sbarrier.arrive $0xFFFF;
	s2 =	simm.s32 @!p0 $0x1C03  }
0x8a: {  	[timem:s3], [sflag:s2] =	dma.local @!p0 [hbm:s0], s1  }
0x8b: {  	s0 =	simm.s32 @!p0 $0x3  }
0x8c: {  	_ =	swait.ge @!p0 [sflag:s0], s1  }
0x8d: {  	s1 =	ssub.s32 @!p0 $0x0, s1;
	[sflag:s0] =	ssyncset.done @!p0 $0x0  }
0x8e: {  	[sflag:s0] =	ssyncadd.s32 @!p0 s1  }
0x8f: {  	[bflag:$0x3] =	sbarrier.arrive $0xFFFF  }
0x90: {  	_ =	shalt  }

</sc_bundles>
